<compile_context>
chip_gen: v7x
topology: tpu7x:2x2x1
jax: 0.10.2.dev20260603
libtpu: 0.0.44.dev20260713+nightly
codegen_flags: <defaults>
</compile_context>

<pallas_src>
import functools

import jax
import jax.numpy as jnp
from jax import lax
from jax.experimental import pallas as pl
from jax.experimental.pallas import tpu as pltpu
import jax.experimental.pallas.tpu_sc as plsc

_N = 10000
_NP = 10240
_E = 320000
_K = 80
_R = _E // _K
_RP = 4096
_C1 = _RP // 32
_C2 = _RP // 16
_B = 32
_NS = 16
_RT = _NP // _NS
_D = 128

_mesh = plsc.VectorSubcoreMesh(core_axis_name="c", subcore_axis_name="s")
_params = pltpu.CompilerParams(needs_layout_passes=False)
_f32 = jnp.float32
_i32 = jnp.int32


def _sp(v):
    return jnp.zeros((16,), _i32) + v


def _zero_my_slice(s, rows, zsh):

    def bz(i, _):
        for w in range(8):
            rows[i, pl.ds(w * 16, 16)] = jnp.zeros((16,), _f32)
        return None

    lax.fori_loop(0, _K, bz, None)
    for t in range(8):
        pltpu.sync_copy(rows, zsh.at[pl.ds(s * _RT + t * _K, _K)])


def _scale(j, ewv, rows):
    jv = _sp(j)

    @plsc.parallel_loop(0, _K, unroll=8, carry=_sp(0))
    def bi(i, iv):
        nb = plsc.load_gather(ewv, [jv, iv])
        for w in range(8):
            dsl = pl.ds(w * 16, 16)
            rows[i, dsl] = rows[i, dsl] * nb
        return iv + 1


def _agg_batches(nbatch, ebase, table, src_hbm, dst_hbm, ew_hbm,
                 srcv, dstv, ewv, rows_a, rows_b, zsh, sem_a, sem_b,
                 sem_sa, sem_sb, dinvv=None):

    def bb(b, _):
        cb = ebase + b * _B
        pltpu.sync_copy(src_hbm.at[pl.ds(cb, _B)], srcv)
        pltpu.sync_copy(dst_hbm.at[pl.ds(cb, _B)], dstv)
        pltpu.sync_copy(ew_hbm.at[pl.ds(cb, _B)], ewv)

        if dinvv is not None:
            @plsc.parallel_loop(0, _B, unroll=2)
            def bn(j):
                for i in range(_K // 16):
                    dsl = pl.ds(i * 16, 16)
                    ns = plsc.load_gather(dinvv, [srcv[j, dsl]])
                    ewv[j, dsl] = ewv[j, dsl] * ns

        pltpu.async_copy(table.at[srcv.at[0]], rows_a, sem_a)
        pltpu.async_copy(table.at[srcv.at[1]], rows_b, sem_b)

        def bj(j2, _):
            ja = 2 * j2
            jb = ja + 1
            last = j2 == _B // 2 - 1
            pltpu.make_async_copy(table.at[srcv.at[ja]], rows_a, sem_a).wait()
            _scale(ja, ewv, rows_a)
            pltpu.async_copy(rows_a, zsh.at[dstv.at[ja]], sem_sa, add=True)
            pltpu.make_async_copy(table.at[srcv.at[jb]], rows_b, sem_b).wait()
            _scale(jb, ewv, rows_b)

            @pl.when(jnp.logical_not(last))
            def _():
                pltpu.make_async_copy(
                    rows_a, zsh.at[dstv.at[ja]], sem_sa).wait()
                pltpu.async_copy(table.at[srcv.at[ja + 2]], rows_a, sem_a)

            pltpu.async_copy(rows_b, zsh.at[dstv.at[jb]], sem_sb, add=True)

            @pl.when(jnp.logical_not(last))
            def _():
                pltpu.make_async_copy(
                    rows_b, zsh.at[dstv.at[jb]], sem_sb).wait()
                pltpu.async_copy(table.at[srcv.at[jb + 2]], rows_b, sem_b)

            return None

        lax.fori_loop(0, _B // 2, bj, None)
        pltpu.make_async_copy(rows_a, zsh.at[dstv.at[_B - 2]], sem_sa).wait()
        pltpu.make_async_copy(rows_b, zsh.at[dstv.at[_B - 1]], sem_sb).wait()
        return None

    lax.fori_loop(0, nbatch, bb, None)


@functools.partial(
    pl.kernel,
    out_type=jax.ShapeDtypeStruct((2, _NP), _f32),
    mesh=_mesh,
    compiler_params=_params,
    scratch_types=[
        pltpu.VMEM((_C1, _K), _i32),
        pltpu.VMEM((_C1, _K), _f32),
        pltpu.VMEM((_RT,), _f32),
        pltpu.VMEM_SHARED((_NP,), _f32),
    ],
)
def _deg(dst_hbm, ew_hbm, out_hbm, dstv, ewv, zv, dsh):
    c = lax.axis_index("c")
    s = lax.axis_index("s")

    def zz(i, _):
        zv[pl.ds(i * 16, 16)] = jnp.zeros((16,), _f32)
        return None

    lax.fori_loop(0, _RT // 16, zz, None)
    pltpu.sync_copy(zv, dsh.at[pl.ds(s * _RT, _RT)])
    plsc.subcore_barrier()

    base = (c * _NS + s) * _C1
    pltpu.sync_copy(dst_hbm.at[pl.ds(base, _C1)], dstv)
    pltpu.sync_copy(ew_hbm.at[pl.ds(base, _C1)], ewv)

    def bj(j, _):
        pltpu.sync_copy(ewv.at[j], dsh.at[dstv.at[j]], add=True)
        return None

    lax.fori_loop(0, _C1, bj, None)
    plsc.subcore_barrier()
    pltpu.sync_copy(dsh.at[pl.ds(s * _RT, _RT)], out_hbm.at[c, pl.ds(s * _RT, _RT)])


_sc_scratch = [
    pltpu.VMEM((_B, _K), _i32),
    pltpu.VMEM((_B, _K), _i32),
    pltpu.VMEM((_B, _K), _f32),
    pltpu.VMEM((_K, _D), _f32),
    pltpu.VMEM((_K, _D), _f32),
    pltpu.VMEM_SHARED((_NP, _D), _f32),
    pltpu.SemaphoreType.DMA,
    pltpu.SemaphoreType.DMA,
    pltpu.SemaphoreType.DMA,
    pltpu.SemaphoreType.DMA,
]


@functools.partial(
    pl.kernel,
    out_type=jax.ShapeDtypeStruct((2, _NP, _D), _f32),
    mesh=_mesh,
    compiler_params=_params,
    scratch_types=[pltpu.VMEM((_NP,), _f32)] + _sc_scratch,
)
def _agg1(x_hbm, src_hbm, dst_hbm, ew_hbm, dinv_hbm, out_hbm,
          dinvv, srcv, dstv, ewv, rows_a, rows_b, zsh, sem_a, sem_b,
          sem_sa, sem_sb):
    c = lax.axis_index("c")
    s = lax.axis_index("s")
    _zero_my_slice(s, rows_a, zsh)
    pltpu.sync_copy(dinv_hbm, dinvv)
    plsc.subcore_barrier()

    ebase = (c * _NS + s) * _C1
    _agg_batches(_C1 // _B, ebase, x_hbm, src_hbm, dst_hbm, ew_hbm,
                 srcv, dstv, ewv, rows_a, rows_b, zsh, sem_a, sem_b,
                 sem_sa, sem_sb, dinvv=dinvv)
    plsc.subcore_barrier()
    pltpu.sync_copy(zsh.at[pl.ds(s * _RT, _RT)],
                    out_hbm.at[c, pl.ds(s * _RT, _RT)])


@functools.partial(
    pl.kernel,
    out_type=jax.ShapeDtypeStruct((2, _NP, _D), _f32),
    mesh=_mesh,
    compiler_params=_params,
    scratch_types=_sc_scratch,
)
def _agg2(h0_hbm, h1_hbm, src_hbm, dst_hbm, ew_hbm, out_hbm,
          srcv, dstv, ewv, rows_a, rows_b, zsh, sem_a, sem_b,
          sem_sa, sem_sb):
    c = lax.axis_index("c")
    s = lax.axis_index("s")
    _zero_my_slice(s, rows_a, zsh)
    plsc.subcore_barrier()

    ebase = s * _C2

    @pl.when(c == 0)
    def _():
        _agg_batches(_C2 // _B, ebase, h0_hbm, src_hbm, dst_hbm, ew_hbm,
                     srcv, dstv, ewv, rows_a, rows_b, zsh, sem_a, sem_b,
                     sem_sa, sem_sb)

    @pl.when(c == 1)
    def _():
        _agg_batches(_C2 // _B, ebase, h1_hbm, src_hbm, dst_hbm, ew_hbm,
                     srcv, dstv, ewv, rows_a, rows_b, zsh, sem_a, sem_b,
                     sem_sa, sem_sb)

    plsc.subcore_barrier()
    pltpu.sync_copy(zsh.at[pl.ds(s * _RT, _RT)],
                    out_hbm.at[c, pl.ds(s * _RT, _RT)])


def _dinv_body(d_ref, o1_ref, o2_ref):
    d = d_ref[0] + d_ref[1] + 1.0
    o1_ref[...] = lax.rsqrt(d)
    o2_ref[...] = 1.0 / d


def _dinv(deg):
    shp = jax.ShapeDtypeStruct((_NP // 128, 128), _f32)
    o1, o2 = pl.pallas_call(
        _dinv_body,
        out_shape=(shp, shp),
    )(deg.reshape(2, _NP // 128, 128))
    return o1.reshape(_NP), o1.reshape(_NP, 1), o2.reshape(_NP, 1)


def _l1_body(z_ref, x_ref, d1_ref, d2_ref, w_ref, b_ref, o_ref, os_ref):
    z = d1_ref[...] * (z_ref[0] + z_ref[1]) + d2_ref[...] * x_ref[...]
    h = jnp.dot(z, w_ref[...], preferred_element_type=_f32) + b_ref[0]
    h = jnp.maximum(h, 0.0)
    o_ref[0] = h
    os_ref[0] = d1_ref[...] * h


def _l1(z1, xp, dinvc, dinv2c, W1, b1r):
    shp = jax.ShapeDtypeStruct((2, _NP, _D), _f32)
    return pl.pallas_call(
        _l1_body,
        grid=(_NP // 512, 2),
        in_specs=[
            pl.BlockSpec((2, 512, _D), lambda i, c: (0, i, 0)),
            pl.BlockSpec((512, _D), lambda i, c: (i, 0)),
            pl.BlockSpec((512, 1), lambda i, c: (i, 0)),
            pl.BlockSpec((512, 1), lambda i, c: (i, 0)),
            pl.BlockSpec((_D, _D), lambda i, c: (0, c)),
            pl.BlockSpec((1, 1, _D), lambda i, c: (c, 0, 0)),
        ],
        out_specs=(pl.BlockSpec((1, 512, _D), lambda i, c: (c, i, 0)),
                   pl.BlockSpec((1, 512, _D), lambda i, c: (c, i, 0))),
        out_shape=(shp, shp),
    )(z1, xp, dinvc, dinv2c, W1, b1r)


def _head_body(z_ref, h_ref, d1_ref, d2_ref, w2_ref, b2_ref, fw1_ref,
               fb1_ref, fw2_ref, fb2_ref, o_ref):
    d1 = d1_ref[...]
    d2 = d2_ref[...]
    a = jnp.concatenate(
        [d1 * z_ref[0] + d2 * h_ref[0], d1 * z_ref[1] + d2 * h_ref[1]],
        axis=1).astype(jnp.bfloat16)
    h = jnp.maximum(
        jnp.dot(a, w2_ref[...], preferred_element_type=_f32) + b2_ref[...], 0.0)
    h = jnp.maximum(
        jnp.dot(h.astype(jnp.bfloat16), fw1_ref[...],
                preferred_element_type=_f32) + fb1_ref[...],
        0.0)
    o = jnp.dot(h.astype(jnp.bfloat16), fw2_ref[...],
                preferred_element_type=_f32) + fb2_ref[...]
    m = jnp.max(o, axis=1, keepdims=True)
    e = jnp.exp(o - m)
    ssum = jnp.sum(e, axis=1, keepdims=True)
    o_ref[...] = o - m - jnp.log(ssum)


def _head(z2, h1h, dinvc, dinv2c, W2, b2r, FW1, Fb1r, FW2, Fb2r):
    nco = 40
    return pl.pallas_call(
        _head_body,
        grid=(_NP // 512,),
        in_specs=[
            pl.BlockSpec((2, 512, _D), lambda i: (0, i, 0)),
            pl.BlockSpec((2, 512, _D), lambda i: (0, i, 0)),
            pl.BlockSpec((512, 1), lambda i: (i, 0)),
            pl.BlockSpec((512, 1), lambda i: (i, 0)),
            pl.BlockSpec((256, 512), lambda i: (0, 0)),
            pl.BlockSpec((1, 512), lambda i: (0, 0)),
            pl.BlockSpec((512, 1024), lambda i: (0, 0)),
            pl.BlockSpec((1, 1024), lambda i: (0, 0)),
            pl.BlockSpec((1024, nco), lambda i: (0, 0)),
            pl.BlockSpec((1, nco), lambda i: (0, 0)),
        ],
        out_specs=pl.BlockSpec((512, nco), lambda i: (i, 0)),
        out_shape=jax.ShapeDtypeStruct((_NP, nco), _f32),
    )(z2, h1h, dinvc, dinv2c, W2, b2r, FW1, Fb1r, FW2, Fb2r)


def kernel(x, edge_index, edge_attr, W1, b1, W2, b2, FW1, Fb1, FW2, Fb2):
    pad_r = ((0, _RP - _R), (0, 0))
    pidx = (jnp.arange((_RP - _R) * _K, dtype=jnp.int32) % _NP).reshape(
        _RP - _R, _K)
    src2 = jnp.concatenate([edge_index[0].reshape(_R, _K), pidx])
    dst2 = jnp.concatenate([edge_index[1].reshape(_R, _K), pidx])
    ew2 = jnp.pad(edge_attr.reshape(_R, _K), pad_r)
    xp = jnp.pad(x, ((0, _NP - _N), (0, 0)))

    deg = _deg(dst2, ew2)
    dinvf, dinvc, dinv2c = _dinv(deg)
    z1 = _agg1(xp, src2, dst2, ew2, dinvf)
    h1h, h1s = _l1(z1, xp, dinvc, dinv2c, W1, b1.reshape(2, 1, _D))
    z2 = _agg2(h1s[0], h1s[1], src2, dst2, ew2)
    outp = _head(z2, h1h, dinvc, dinv2c, W2.astype(jnp.bfloat16),
                 b2.reshape(1, 512), FW1.astype(jnp.bfloat16),
                 Fb1.reshape(1, 1024), FW2.astype(jnp.bfloat16),
                 Fb2.reshape(1, 40))
    return outp[:_N]

# --- scband reference (transcript-rebuilt; emitter-appended) ---
"""Pipeline reference for scband-gcnnet-88553635709224 (READ-ONLY COPY).

The authoritative reference and input builder live on the scoring server;
editing this copy changes nothing except your own understanding.
"""

import jax, jax.numpy as jnp
import numpy as np

N = 10000
E = 320000
D_IN = 128
NUM_CLASSES = 40


def gcn_conv(x, src, dst, ew, W, b):
    # PyG GCNConv with edge_weight: add self-loops (weight 1), symmetric norm
    n = x.shape[0]
    loop = jnp.arange(n, dtype=src.dtype)
    s = jnp.concatenate([src, loop])
    d = jnp.concatenate([dst, loop])
    w = jnp.concatenate([ew, jnp.ones((n,), dtype=x.dtype)])
    deg = jnp.zeros((n,), dtype=x.dtype).at[d].add(w)
    dinv = jnp.where(deg > 0, 1.0 / jnp.sqrt(deg), 0.0)
    norm = dinv[s] * w * dinv[d]
    h = x @ W
    out = jnp.zeros((n, W.shape[1]), dtype=x.dtype).at[d].add(norm[:, None] * h[s])
    return out + b


def setup_inputs(seed: int = 0) -> dict:
    key = jax.random.key(seed)
    ks = jax.random.split(key, 12)
    x = jax.random.normal(ks[0], (N, D_IN), dtype=jnp.float32)
    edge_index = jax.random.randint(ks[1], (2, E), 0, N, dtype=jnp.int32)
    edge_attr = jax.random.uniform(ks[2], (E, 1), dtype=jnp.float32)
    W1 = jax.random.normal(ks[3], (D_IN, D_IN * 2), dtype=jnp.float32) * 0.05
    b1 = jnp.zeros((D_IN * 2,), dtype=jnp.float32)
    W2 = jax.random.normal(ks[4], (D_IN * 2, D_IN * 4), dtype=jnp.float32) * 0.05
    b2 = jnp.zeros((D_IN * 4,), dtype=jnp.float32)
    FW1 = jax.random.normal(ks[5], (D_IN * 4, D_IN * 8), dtype=jnp.float32) * 0.05
    Fb1 = jnp.zeros((D_IN * 8,), dtype=jnp.float32)
    FW2 = jax.random.normal(ks[6], (D_IN * 8, NUM_CLASSES), dtype=jnp.float32) * 0.05
    Fb2 = jnp.zeros((NUM_CLASSES,), dtype=jnp.float32)
    return {"x": x, "edge_index": edge_index, "edge_attr": edge_attr,
            "W1": W1, "b1": b1, "W2": W2, "b2": b2,
            "FW1": FW1, "Fb1": Fb1, "FW2": FW2, "Fb2": Fb2}


def reference(x, edge_index, edge_attr, W1, b1, W2, b2, FW1, Fb1, FW2, Fb2):
    src = edge_index[0]
    dst = edge_index[1]
    ew = jnp.squeeze(edge_attr)
    h = jax.nn.relu(gcn_conv(x, src, dst, ew, W1, b1))
    h = jax.nn.relu(gcn_conv(h, src, dst, ew, W2, b2))
    h = jax.nn.relu(h @ FW1 + Fb1)
    h = h @ FW2 + Fb2
    return jax.nn.log_softmax(h, axis=1)

if __name__ == "__main__":
    import jax
    _d = setup_inputs()
    print(jax.jit(kernel)(*tuple(_d.values())))

</pallas_src>

<mosaic_0001>
#map = affine_map<(d0, d1) -> (0, 0)>
module attributes {stable_mosaic.version = 14 : i64} {
  func.func @_deg(%arg0: i32, %arg1: i32, %arg2: memref<4096x80xi32, #tpu.memory_space<hbm>>, %arg3: memref<4096x80xf32, #tpu.memory_space<hbm>>, %arg4: memref<2x10240xf32, #tpu.memory_space<hbm>>, %arg5: memref<128x80xi32, #tpu.memory_space<vmem>>, %arg6: memref<128x80xf32, #tpu.memory_space<vmem>>, %arg7: memref<640xf32, #tpu.memory_space<vmem>>, %arg8: memref<10240xf32, #tpu.memory_space<vmem_shared>>) attributes {dimension_semantics = [#tpu.dimension_semantics<core_parallel>, #tpu.dimension_semantics<subcore_parallel>], iteration_bounds = array<i64: 2, 16>, scalar_prefetch = 0 : i64, scratch_operands = 4 : i64, tpu.core_type = #tpu.core_type<sc_vector_subcore>, window_params = [{transform_indices = #map}, {transform_indices = #map}, {transform_indices = #map}]} {
    %scan3A = arith.constant 0 : i32
    %scan3A_0 = arith.constant 40 : i32
    %scan3A_1 = arith.addi %scan3A, %scan3A_0 : i32
    %scan3A_2 = arith.constant 1 : i32
    scf.for %scan3A_19 = %scan3A to %scan3A_1 step %scan3A_2  : i32 {
      %broadcast_in_dim3A = arith.constant 0.000000e+00 : f32
      %broadcast_in_dim3A_20 = vector.broadcast %broadcast_in_dim3A : f32 to vector<16xf32>
      %mul3A_21 = arith.constant 16 : i32
      %mul3A_22 = arith.muli %scan3A_19, %mul3A_21 : i32
      %swap3A = arith.index_cast %mul3A_22 : i32 to index
      %swap3A_23 = tpu.vector_load %arg7[%swap3A] {strides = array<i32>} : memref<640xf32, #tpu.memory_space<vmem>>, vector<16xf32>,
      tpu.vector_store %arg7[%swap3A], %broadcast_in_dim3A_20 {strides = array<i32>} : memref<640xf32, #tpu.memory_space<vmem>>, vector<16xf32>,
    }
    %scan3A_3 = arith.constant 40 : i32
    %mul3A = arith.constant 640 : i32
    %mul3A_4 = arith.muli %arg1, %mul3A : i32
    "tpu.region"() ({
      %run_scoped3A = tpu.sem_alloc : memref<!tpu.dma_semaphore, #tpu.memory_space<semaphore_mem>>
      %dma_start3A = tpu.memref_slice %arg8[%mul3A_4] : memref<10240xf32, #tpu.memory_space<vmem_shared>> -> memref<640xf32, #tpu.memory_space<vmem_shared>>
      %dma_start3A_19 = tpu.memref_slice %arg8[%mul3A_4] : memref<10240xf32, #tpu.memory_space<vmem_shared>> -> memref<640xf32, #tpu.memory_space<vmem_shared>>
      tpu.enqueue_dma source(%arg7 : memref<640xf32, #tpu.memory_space<vmem>>) target(%dma_start3A_19 : memref<640xf32, #tpu.memory_space<vmem_shared>>) target_semaphore(%run_scoped3A : memref<!tpu.dma_semaphore, #tpu.memory_space<semaphore_mem>>)
      %dma_wait3A = tpu.memref_slice %arg8[%mul3A_4] : memref<10240xf32, #tpu.memory_space<vmem_shared>> -> memref<640xf32, #tpu.memory_space<vmem_shared>>
      %dma_wait3A_20 = tpu.memref_slice %arg8[%mul3A_4] : memref<10240xf32, #tpu.memory_space<vmem_shared>> -> memref<640xf32, #tpu.memory_space<vmem_shared>>
      tpu.wait_dma2 semaphore(%run_scoped3A : memref<!tpu.dma_semaphore, #tpu.memory_space<semaphore_mem>>) src(%arg7 : memref<640xf32, #tpu.memory_space<vmem>>) dst(%dma_wait3A_20 : memref<640xf32, #tpu.memory_space<vmem_shared>>)
      tpu.yield
    }) : () -> ()
    %barrier3A = arith.constant 0 : index
    tpu.barrier barrier_id(%barrier3A)
    %mul3A_5 = arith.constant 16 : i32
    %mul3A_6 = arith.muli %arg0, %mul3A_5 : i32
    %add3A = arith.addi %mul3A_6, %arg1 : i32
    %mul3A_7 = arith.constant 128 : i32
    %mul3A_8 = arith.muli %add3A, %mul3A_7 : i32
    "tpu.region"() ({
      %run_scoped3A = tpu.sem_alloc : memref<!tpu.dma_semaphore, #tpu.memory_space<semaphore_mem>>
      %dma_start3A = arith.constant 0 : i32
      %dma_start3A_19 = tpu.memref_slice %arg2[%mul3A_8, %dma_start3A] : memref<4096x80xi32, #tpu.memory_space<hbm>> -> memref<128x80xi32, #tpu.memory_space<hbm>>
      %dma_start3A_20 = arith.constant 0 : i32
      %dma_start3A_21 = tpu.memref_slice %arg2[%mul3A_8, %dma_start3A_20] : memref<4096x80xi32, #tpu.memory_space<hbm>> -> memref<128x80xi32, #tpu.memory_space<hbm>>
      tpu.enqueue_dma source(%dma_start3A_21 : memref<128x80xi32, #tpu.memory_space<hbm>>) target(%arg5 : memref<128x80xi32, #tpu.memory_space<vmem>>) target_semaphore(%run_scoped3A : memref<!tpu.dma_semaphore, #tpu.memory_space<semaphore_mem>>)
      %dma_wait3A = arith.constant 0 : i32
      %dma_wait3A_22 = tpu.memref_slice %arg2[%mul3A_8, %dma_wait3A] : memref<4096x80xi32, #tpu.memory_space<hbm>> -> memref<128x80xi32, #tpu.memory_space<hbm>>
      %dma_wait3A_23 = arith.constant 0 : i32
      %dma_wait3A_24 = tpu.memref_slice %arg2[%mul3A_8, %dma_wait3A_23] : memref<4096x80xi32, #tpu.memory_space<hbm>> -> memref<128x80xi32, #tpu.memory_space<hbm>>
      tpu.wait_dma2 semaphore(%run_scoped3A : memref<!tpu.dma_semaphore, #tpu.memory_space<semaphore_mem>>) src(%dma_wait3A_24 : memref<128x80xi32, #tpu.memory_space<hbm>>) dst(%arg5 : memref<128x80xi32, #tpu.memory_space<vmem>>)
      tpu.yield
    }) : () -> ()
    "tpu.region"() ({
      %run_scoped3A = tpu.sem_alloc : memref<!tpu.dma_semaphore, #tpu.memory_space<semaphore_mem>>
      %dma_start3A = arith.constant 0 : i32
      %dma_start3A_19 = tpu.memref_slice %arg3[%mul3A_8, %dma_start3A] : memref<4096x80xf32, #tpu.memory_space<hbm>> -> memref<128x80xf32, #tpu.memory_space<hbm>>
      %dma_start3A_20 = arith.constant 0 : i32
      %dma_start3A_21 = tpu.memref_slice %arg3[%mul3A_8, %dma_start3A_20] : memref<4096x80xf32, #tpu.memory_space<hbm>> -> memref<128x80xf32, #tpu.memory_space<hbm>>
      tpu.enqueue_dma source(%dma_start3A_21 : memref<128x80xf32, #tpu.memory_space<hbm>>) target(%arg6 : memref<128x80xf32, #tpu.memory_space<vmem>>) target_semaphore(%run_scoped3A : memref<!tpu.dma_semaphore, #tpu.memory_space<semaphore_mem>>)
      %dma_wait3A = arith.constant 0 : i32
      %dma_wait3A_22 = tpu.memref_slice %arg3[%mul3A_8, %dma_wait3A] : memref<4096x80xf32, #tpu.memory_space<hbm>> -> memref<128x80xf32, #tpu.memory_space<hbm>>
      %dma_wait3A_23 = arith.constant 0 : i32
      %dma_wait3A_24 = tpu.memref_slice %arg3[%mul3A_8, %dma_wait3A_23] : memref<4096x80xf32, #tpu.memory_space<hbm>> -> memref<128x80xf32, #tpu.memory_space<hbm>>
      tpu.wait_dma2 semaphore(%run_scoped3A : memref<!tpu.dma_semaphore, #tpu.memory_space<semaphore_mem>>) src(%dma_wait3A_24 : memref<128x80xf32, #tpu.memory_space<hbm>>) dst(%arg6 : memref<128x80xf32, #tpu.memory_space<vmem>>)
      tpu.yield
    }) : () -> ()
    %scan3A_9 = arith.constant 0 : i32
    %scan3A_10 = arith.constant 128 : i32
    %scan3A_11 = arith.addi %scan3A_9, %scan3A_10 : i32
    %scan3A_12 = arith.constant 1 : i32
    scf.for %scan3A_19 = %scan3A_9 to %scan3A_11 step %scan3A_12  : i32 {
      "tpu.region"() ({
        %run_scoped3A = tpu.sem_alloc : memref<!tpu.dma_semaphore, #tpu.memory_space<semaphore_mem>>
        %dma_start3A = arith.constant 0 : i32
        %dma_start3A_20 = tpu.memref_slice %arg6[%scan3A_19, %dma_start3A] : memref<128x80xf32, #tpu.memory_space<vmem>> -> memref<1x80xf32, #tpu.memory_space<vmem>>
        %dma_start3A_21 = tpu.memref_squeeze %dma_start3A_20 : memref<1x80xf32, #tpu.memory_space<vmem>> -> memref<80xf32, #tpu.memory_space<vmem>>
        %dma_start3A_22 = arith.constant 0 : i32
        %dma_start3A_23 = tpu.memref_slice %arg5[%scan3A_19, %dma_start3A_22] : memref<128x80xi32, #tpu.memory_space<vmem>> -> memref<1x80xi32, #tpu.memory_space<vmem>>
        %dma_start3A_24 = tpu.memref_squeeze %dma_start3A_23 : memref<1x80xi32, #tpu.memory_space<vmem>> -> memref<80xi32, #tpu.memory_space<vmem>>
        %dma_start3A_25 = arith.constant 0 : i32
        %dma_start3A_26 = tpu.memref_slice %arg8[%dma_start3A_25] : memref<10240xf32, #tpu.memory_space<vmem_shared>> -> memref<10240xf32, #tpu.memory_space<vmem_shared>>
        tpu.enqueue_indirect_dma source(%dma_start3A_21 : memref<80xf32, #tpu.memory_space<vmem>>) target(%dma_start3A_26 : memref<10240xf32, #tpu.memory_space<vmem_shared>>) offsets(%dma_start3A_24 : memref<80xi32, #tpu.memory_space<vmem>>) semaphore(%run_scoped3A : memref<!tpu.dma_semaphore, #tpu.memory_space<semaphore_mem>>) {add = true}
        %dma_wait3A = arith.constant 0 : i32
        %dma_wait3A_27 = tpu.memref_slice %arg6[%scan3A_19, %dma_wait3A] : memref<128x80xf32, #tpu.memory_space<vmem>> -> memref<1x80xf32, #tpu.memory_space<vmem>>
        %dma_wait3A_28 = tpu.memref_squeeze %dma_wait3A_27 : memref<1x80xf32, #tpu.memory_space<vmem>> -> memref<80xf32, #tpu.memory_space<vmem>>
        %dma_wait3A_29 = arith.constant 0 : i32
        %dma_wait3A_30 = tpu.memref_slice %arg5[%scan3A_19, %dma_wait3A_29] : memref<128x80xi32, #tpu.memory_space<vmem>> -> memref<1x80xi32, #tpu.memory_space<vmem>>
        %dma_wait3A_31 = tpu.memref_squeeze %dma_wait3A_30 : memref<1x80xi32, #tpu.memory_space<vmem>> -> memref<80xi32, #tpu.memory_space<vmem>>
        %dma_wait3A_32 = arith.constant 0 : i32
        %dma_wait3A_33 = tpu.memref_slice %arg8[%dma_wait3A_32] : memref<10240xf32, #tpu.memory_space<vmem_shared>> -> memref<10240xf32, #tpu.memory_space<vmem_shared>>
        tpu.wait_indirect_dma semaphore(%run_scoped3A : memref<!tpu.dma_semaphore, #tpu.memory_space<semaphore_mem>>) src(%dma_wait3A_28 : memref<80xf32, #tpu.memory_space<vmem>>) dst(%dma_wait3A_33 : memref<10240xf32, #tpu.memory_space<vmem_shared>>)
        tpu.yield
      }) : () -> ()
    }
    %scan3A_13 = arith.constant 128 : i32
    %barrier3A_14 = arith.constant 0 : index
    tpu.barrier barrier_id(%barrier3A_14)
    %mul3A_15 = arith.constant 640 : i32
    %mul3A_16 = arith.muli %arg1, %mul3A_15 : i32
    %mul3A_17 = arith.constant 640 : i32
    %mul3A_18 = arith.muli %arg1, %mul3A_17 : i32
    "tpu.region"() ({
      %run_scoped3A = tpu.sem_alloc : memref<!tpu.dma_semaphore, #tpu.memory_space<semaphore_mem>>
      %dma_start3A = tpu.memref_slice %arg4[%arg0, %mul3A_18] : memref<2x10240xf32, #tpu.memory_space<hbm>> -> memref<1x640xf32, #tpu.memory_space<hbm>>
      %dma_start3A_19 = tpu.memref_squeeze %dma_start3A : memref<1x640xf32, #tpu.memory_space<hbm>> -> memref<640xf32, #tpu.memory_space<hbm>>
      %dma_start3A_20 = tpu.memref_slice %arg8[%mul3A_16] : memref<10240xf32, #tpu.memory_space<vmem_shared>> -> memref<640xf32, #tpu.memory_space<vmem_shared>>
      tpu.enqueue_dma source(%dma_start3A_20 : memref<640xf32, #tpu.memory_space<vmem_shared>>) target(%dma_start3A_19 : memref<640xf32, #tpu.memory_space<hbm>>) target_semaphore(%run_scoped3A : memref<!tpu.dma_semaphore, #tpu.memory_space<semaphore_mem>>)
      %dma_wait3A = tpu.memref_slice %arg4[%arg0, %mul3A_18] : memref<2x10240xf32, #tpu.memory_space<hbm>> -> memref<1x640xf32, #tpu.memory_space<hbm>>
      %dma_wait3A_21 = tpu.memref_squeeze %dma_wait3A : memref<1x640xf32, #tpu.memory_space<hbm>> -> memref<640xf32, #tpu.memory_space<hbm>>
      %dma_wait3A_22 = tpu.memref_slice %arg8[%mul3A_16] : memref<10240xf32, #tpu.memory_space<vmem_shared>> -> memref<640xf32, #tpu.memory_space<vmem_shared>>
      tpu.wait_dma2 semaphore(%run_scoped3A : memref<!tpu.dma_semaphore, #tpu.memory_space<semaphore_mem>>) src(%dma_wait3A_22 : memref<640xf32, #tpu.memory_space<vmem_shared>>) dst(%dma_wait3A_21 : memref<640xf32, #tpu.memory_space<hbm>>)
      tpu.yield
    }) : () -> ()
    return
  }
}

#map = affine_map<(d0, d1) -> (0, 0)>
#map1 = affine_map<(d0, d1) -> (0)>
#map2 = affine_map<(d0, d1) -> (0, 0, 0)>
module attributes {stable_mosaic.version = 14 : i64} {
  func.func @_agg1(%arg0: i32, %arg1: i32, %arg2: memref<10240x128xf32, #tpu.memory_space<hbm>>, %arg3: memref<4096x80xi32, #tpu.memory_space<hbm>>, %arg4: memref<4096x80xi32, #tpu.memory_space<hbm>>, %arg5: memref<4096x80xf32, #tpu.memory_space<hbm>>, %arg6: memref<10240xf32, #tpu.memory_space<hbm>>, %arg7: memref<2x10240x128xf32, #tpu.memory_space<hbm>>, %arg8: memref<10240xf32, #tpu.memory_space<vmem>>, %arg9: memref<32x80xi32, #tpu.memory_space<vmem>>, %arg10: memref<32x80xi32, #tpu.memory_space<vmem>>, %arg11: memref<32x80xf32, #tpu.memory_space<vmem>>, %arg12: memref<80x128xf32, #tpu.memory_space<vmem>>, %arg13: memref<80x128xf32, #tpu.memory_space<vmem>>, %arg14: memref<10240x128xf32, #tpu.memory_space<vmem_shared>>, %arg15: memref<!tpu.dma_semaphore, #tpu.memory_space<semaphore_mem>>, %arg16: memref<!tpu.dma_semaphore, #tpu.memory_space<semaphore_mem>>, %arg17: memref<!tpu.dma_semaphore, #tpu.memory_space<semaphore_mem>>, %arg18: memref<!tpu.dma_semaphore, #tpu.memory_space<semaphore_mem>>) attributes {dimension_semantics = [#tpu.dimension_semantics<core_parallel>, #tpu.dimension_semantics<subcore_parallel>], iteration_bounds = array<i64: 2, 16>, scalar_prefetch = 0 : i64, scratch_operands = 11 : i64, tpu.core_type = #tpu.core_type<sc_vector_subcore>, window_params = [{transform_indices = #map}, {transform_indices = #map}, {transform_indices = #map}, {transform_indices = #map}, {transform_indices = #map1}, {transform_indices = #map2}]} {
    %scan3A = arith.constant 0 : i32
    %scan3A_0 = arith.constant 80 : i32
    %scan3A_1 = arith.addi %scan3A, %scan3A_0 : i32
    %scan3A_2 = arith.constant 1 : i32
    scf.for %scan3A_49 = %scan3A to %scan3A_1 step %scan3A_2  : i32 {
      %broadcast_in_dim3A = arith.constant 0.000000e+00 : f32
      %broadcast_in_dim3A_50 = vector.broadcast %broadcast_in_dim3A : f32 to vector<16xf32>
      %swap3A = arith.index_cast %scan3A_49 : i32 to index
      %swap3A_51 = arith.constant 0 : index
      %swap3A_52 = tpu.vector_load %arg12[%swap3A, %swap3A_51] {strides = array<i32>} : memref<80x128xf32, #tpu.memory_space<vmem>>, vector<16xf32>,
      tpu.vector_store %arg12[%swap3A, %swap3A_51], %broadcast_in_dim3A_50 {strides = array<i32>} : memref<80x128xf32, #tpu.memory_space<vmem>>, vector<16xf32>,
      %broadcast_in_dim3A_53 = arith.constant 0.000000e+00 : f32
      %broadcast_in_dim3A_54 = vector.broadcast %broadcast_in_dim3A_53 : f32 to vector<16xf32>
      %swap3A_55 = arith.index_cast %scan3A_49 : i32 to index
      %swap3A_56 = arith.constant 16 : index
      %swap3A_57 = tpu.vector_load %arg12[%swap3A_55, %swap3A_56] {strides = array<i32>} : memref<80x128xf32, #tpu.memory_space<vmem>>, vector<16xf32>,
      tpu.vector_store %arg12[%swap3A_55, %swap3A_56], %broadcast_in_dim3A_54 {strides = array<i32>} : memref<80x128xf32, #tpu.memory_space<vmem>>, vector<16xf32>,
      %broadcast_in_dim3A_58 = arith.constant 0.000000e+00 : f32
      %broadcast_in_dim3A_59 = vector.broadcast %broadcast_in_dim3A_58 : f32 to vector<16xf32>
      %swap3A_60 = arith.index_cast %scan3A_49 : i32 to index
      %swap3A_61 = arith.constant 32 : index
      %swap3A_62 = tpu.vector_load %arg12[%swap3A_60, %swap3A_61] {strides = array<i32>} : memref<80x128xf32, #tpu.memory_space<vmem>>, vector<16xf32>,
      tpu.vector_store %arg12[%swap3A_60, %swap3A_61], %broadcast_in_dim3A_59 {strides = array<i32>} : memref<80x128xf32, #tpu.memory_space<vmem>>, vector<16xf32>,
      %broadcast_in_dim3A_63 = arith.constant 0.000000e+00 : f32
      %broadcast_in_dim3A_64 = vector.broadcast %broadcast_in_dim3A_63 : f32 to vector<16xf32>
      %swap3A_65 = arith.index_cast %scan3A_49 : i32 to index
      %swap3A_66 = arith.constant 48 : index
      %swap3A_67 = tpu.vector_load %arg12[%swap3A_65, %swap3A_66] {strides = array<i32>} : memref<80x128xf32, #tpu.memory_space<vmem>>, vector<16xf32>,
      tpu.vector_store %arg12[%swap3A_65, %swap3A_66], %broadcast_in_dim3A_64 {strides = array<i32>} : memref<80x128xf32, #tpu.memory_space<vmem>>, vector<16xf32>,
      %broadcast_in_dim3A_68 = arith.constant 0.000000e+00 : f32
      %broadcast_in_dim3A_69 = vector.broadcast %broadcast_in_dim3A_68 : f32 to vector<16xf32>
      %swap3A_70 = arith.index_cast %scan3A_49 : i32 to index
      %swap3A_71 = arith.constant 64 : index
      %swap3A_72 = tpu.vector_load %arg12[%swap3A_70, %swap3A_71] {strides = array<i32>} : memref<80x128xf32, #tpu.memory_space<vmem>>, vector<16xf32>,
      tpu.vector_store %arg12[%swap3A_70, %swap3A_71], %broadcast_in_dim3A_69 {strides = array<i32>} : memref<80x128xf32, #tpu.memory_space<vmem>>, vector<16xf32>,
      %broadcast_in_dim3A_73 = arith.constant 0.000000e+00 : f32
      %broadcast_in_dim3A_74 = vector.broadcast %broadcast_in_dim3A_73 : f32 to vector<16xf32>
      %swap3A_75 = arith.index_cast %scan3A_49 : i32 to index
      %swap3A_76 = arith.constant 80 : index
      %swap3A_77 = tpu.vector_load %arg12[%swap3A_75, %swap3A_76] {strides = array<i32>} : memref<80x128xf32, #tpu.memory_space<vmem>>, vector<16xf32>,
      tpu.vector_store %arg12[%swap3A_75, %swap3A_76], %broadcast_in_dim3A_74 {strides = array<i32>} : memref<80x128xf32, #tpu.memory_space<vmem>>, vector<16xf32>,
      %broadcast_in_dim3A_78 = arith.constant 0.000000e+00 : f32
      %broadcast_in_dim3A_79 = vector.broadcast %broadcast_in_dim3A_78 : f32 to vector<16xf32>
      %swap3A_80 = arith.index_cast %scan3A_49 : i32 to index
      %swap3A_81 = arith.constant 96 : index
      %swap3A_82 = tpu.vector_load %arg12[%swap3A_80, %swap3A_81] {strides = array<i32>} : memref<80x128xf32, #tpu.memory_space<vmem>>, vector<16xf32>,
      tpu.vector_store %arg12[%swap3A_80, %swap3A_81], %broadcast_in_dim3A_79 {strides = array<i32>} : memref<80x128xf32, #tpu.memory_space<vmem>>, vector<16xf32>,
      %broadcast_in_dim3A_83 = arith.constant 0.000000e+00 : f32
      %broadcast_in_dim3A_84 = vector.broadcast %broadcast_in_dim3A_83 : f32 to vector<16xf32>
      %swap3A_85 = arith.index_cast %scan3A_49 : i32 to index
      %swap3A_86 = arith.constant 112 : index
      %swap3A_87 = tpu.vector_load %arg12[%swap3A_85, %swap3A_86] {strides = array<i32>} : memref<80x128xf32, #tpu.memory_space<vmem>>, vector<16xf32>,
      tpu.vector_store %arg12[%swap3A_85, %swap3A_86], %broadcast_in_dim3A_84 {strides = array<i32>} : memref<80x128xf32, #tpu.memory_space<vmem>>, vector<16xf32>,
    }
    %scan3A_3 = arith.constant 80 : i32
    %mul3A = arith.constant 640 : i32
    %mul3A_4 = arith.muli %arg1, %mul3A : i32
    %add3A = arith.constant 0 : i32
    %add3A_5 = arith.addi %mul3A_4, %add3A : i32
    "tpu.region"() ({
      %run_scoped3A = tpu.sem_alloc : memref<!tpu.dma_semaphore, #tpu.memory_space<semaphore_mem>>
      %dma_start3A = arith.constant 0 : i32
      %dma_start3A_49 = tpu.memref_slice %arg14[%add3A_5, %dma_start3A] : memref<10240x128xf32, #tpu.memory_space<vmem_shared>> -> memref<80x128xf32, #tpu.memory_space<vmem_shared>>
      %dma_start3A_50 = arith.constant 0 : i32
      %dma_start3A_51 = tpu.memref_slice %arg14[%add3A_5, %dma_start3A_50] : memref<10240x128xf32, #tpu.memory_space<vmem_shared>> -> memref<80x128xf32, #tpu.memory_space<vmem_shared>>
      tpu.enqueue_dma source(%arg12 : memref<80x128xf32, #tpu.memory_space<vmem>>) target(%dma_start3A_51 : memref<80x128xf32, #tpu.memory_space<vmem_shared>>) target_semaphore(%run_scoped3A : memref<!tpu.dma_semaphore, #tpu.memory_space<semaphore_mem>>)
      %dma_wait3A = arith.constant 0 : i32
      %dma_wait3A_52 = tpu.memref_slice %arg14[%add3A_5, %dma_wait3A] : memref<10240x128xf32, #tpu.memory_space<vmem_shared>> -> memref<80x128xf32, #tpu.memory_space<vmem_shared>>
      %dma_wait3A_53 = arith.constant 0 : i32
      %dma_wait3A_54 = tpu.memref_slice %arg14[%add3A_5, %dma_wait3A_53] : memref<10240x128xf32, #tpu.memory_space<vmem_shared>> -> memref<80x128xf32, #tpu.memory_space<vmem_shared>>
      tpu.wait_dma2 semaphore(%run_scoped3A : memref<!tpu.dma_semaphore, #tpu.memory_space<semaphore_mem>>) src(%arg12 : memref<80x128xf32, #tpu.memory_space<vmem>>) dst(%dma_wait3A_54 : memref<80x128xf32, #tpu.memory_space<vmem_shared>>)
      tpu.yield
    }) : () -> ()
    %mul3A_6 = arith.constant 640 : i32
    %mul3A_7 = arith.muli %arg1, %mul3A_6 : i32
    %add3A_8 = arith.constant 80 : i32
    %add3A_9 = arith.addi %mul3A_7, %add3A_8 : i32
    "tpu.region"() ({
      %run_scoped3A = tpu.sem_alloc : memref<!tpu.dma_semaphore, #tpu.memory_space<semaphore_mem>>
      %dma_start3A = arith.constant 0 : i32
      %dma_start3A_49 = tpu.memref_slice %arg14[%add3A_9, %dma_start3A] : memref<10240x128xf32, #tpu.memory_space<vmem_shared>> -> memref<80x128xf32, #tpu.memory_space<vmem_shared>>
      %dma_start3A_50 = arith.constant 0 : i32
      %dma_start3A_51 = tpu.memref_slice %arg14[%add3A_9, %dma_start3A_50] : memref<10240x128xf32, #tpu.memory_space<vmem_shared>> -> memref<80x128xf32, #tpu.memory_space<vmem_shared>>
      tpu.enqueue_dma source(%arg12 : memref<80x128xf32, #tpu.memory_space<vmem>>) target(%dma_start3A_51 : memref<80x128xf32, #tpu.memory_space<vmem_shared>>) target_semaphore(%run_scoped3A : memref<!tpu.dma_semaphore, #tpu.memory_space<semaphore_mem>>)
      %dma_wait3A = arith.constant 0 : i32
      %dma_wait3A_52 = tpu.memref_slice %arg14[%add3A_9, %dma_wait3A] : memref<10240x128xf32, #tpu.memory_space<vmem_shared>> -> memref<80x128xf32, #tpu.memory_space<vmem_shared>>
      %dma_wait3A_53 = arith.constant 0 : i32
      %dma_wait3A_54 = tpu.memref_slice %arg14[%add3A_9, %dma_wait3A_53] : memref<10240x128xf32, #tpu.memory_space<vmem_shared>> -> memref<80x128xf32, #tpu.memory_space<vmem_shared>>
      tpu.wait_dma2 semaphore(%run_scoped3A : memref<!tpu.dma_semaphore, #tpu.memory_space<semaphore_mem>>) src(%arg12 : memref<80x128xf32, #tpu.memory_space<vmem>>) dst(%dma_wait3A_54 : memref<80x128xf32, #tpu.memory_space<vmem_shared>>)
      tpu.yield
    }) : () -> ()
    %mul3A_10 = arith.constant 640 : i32
    %mul3A_11 = arith.muli %arg1, %mul3A_10 : i32
    %add3A_12 = arith.constant 160 : i32
    %add3A_13 = arith.addi %mul3A_11, %add3A_12 : i32
    "tpu.region"() ({
      %run_scoped3A = tpu.sem_alloc : memref<!tpu.dma_semaphore, #tpu.memory_space<semaphore_mem>>
      %dma_start3A = arith.constant 0 : i32
      %dma_start3A_49 = tpu.memref_slice %arg14[%add3A_13, %dma_start3A] : memref<10240x128xf32, #tpu.memory_space<vmem_shared>> -> memref<80x128xf32, #tpu.memory_space<vmem_shared>>
      %dma_start3A_50 = arith.constant 0 : i32
      %dma_start3A_51 = tpu.memref_slice %arg14[%add3A_13, %dma_start3A_50] : memref<10240x128xf32, #tpu.memory_space<vmem_shared>> -> memref<80x128xf32, #tpu.memory_space<vmem_shared>>
      tpu.enqueue_dma source(%arg12 : memref<80x128xf32, #tpu.memory_space<vmem>>) target(%dma_start3A_51 : memref<80x128xf32, #tpu.memory_space<vmem_shared>>) target_semaphore(%run_scoped3A : memref<!tpu.dma_semaphore, #tpu.memory_space<semaphore_mem>>)
      %dma_wait3A = arith.constant 0 : i32
      %dma_wait3A_52 = tpu.memref_slice %arg14[%add3A_13, %dma_wait3A] : memref<10240x128xf32, #tpu.memory_space<vmem_shared>> -> memref<80x128xf32, #tpu.memory_space<vmem_shared>>
      %dma_wait3A_53 = arith.constant 0 : i32
      %dma_wait3A_54 = tpu.memref_slice %arg14[%add3A_13, %dma_wait3A_53] : memref<10240x128xf32, #tpu.memory_space<vmem_shared>> -> memref<80x128xf32, #tpu.memory_space<vmem_shared>>
      tpu.wait_dma2 semaphore(%run_scoped3A : memref<!tpu.dma_semaphore, #tpu.memory_space<semaphore_mem>>) src(%arg12 : memref<80x128xf32, #tpu.memory_space<vmem>>) dst(%dma_wait3A_54 : memref<80x128xf32, #tpu.memory_space<vmem_shared>>)
      tpu.yield
    }) : () -> ()
    %mul3A_14 = arith.constant 640 : i32
    %mul3A_15 = arith.muli %arg1, %mul3A_14 : i32
    %add3A_16 = arith.constant 240 : i32
    %add3A_17 = arith.addi %mul3A_15, %add3A_16 : i32
    "tpu.region"() ({
      %run_scoped3A = tpu.sem_alloc : memref<!tpu.dma_semaphore, #tpu.memory_space<semaphore_mem>>
      %dma_start3A = arith.constant 0 : i32
      %dma_start3A_49 = tpu.memref_slice %arg14[%add3A_17, %dma_start3A] : memref<10240x128xf32, #tpu.memory_space<vmem_shared>> -> memref<80x128xf32, #tpu.memory_space<vmem_shared>>
      %dma_start3A_50 = arith.constant 0 : i32
      %dma_start3A_51 = tpu.memref_slice %arg14[%add3A_17, %dma_start3A_50] : memref<10240x128xf32, #tpu.memory_space<vmem_shared>> -> memref<80x128xf32, #tpu.memory_space<vmem_shared>>
      tpu.enqueue_dma source(%arg12 : memref<80x128xf32, #tpu.memory_space<vmem>>) target(%dma_start3A_51 : memref<80x128xf32, #tpu.memory_space<vmem_shared>>) target_semaphore(%run_scoped3A : memref<!tpu.dma_semaphore, #tpu.memory_space<semaphore_mem>>)
      %dma_wait3A = arith.constant 0 : i32
      %dma_wait3A_52 = tpu.memref_slice %arg14[%add3A_17, %dma_wait3A] : memref<10240x128xf32, #tpu.memory_space<vmem_shared>> -> memref<80x128xf32, #tpu.memory_space<vmem_shared>>
      %dma_wait3A_53 = arith.constant 0 : i32
      %dma_wait3A_54 = tpu.memref_slice %arg14[%add3A_17, %dma_wait3A_53] : memref<10240x128xf32, #tpu.memory_space<vmem_shared>> -> memref<80x128xf32, #tpu.memory_space<vmem_shared>>
      tpu.wait_dma2 semaphore(%run_scoped3A : memref<!tpu.dma_semaphore, #tpu.memory_space<semaphore_mem>>) src(%arg12 : memref<80x128xf32, #tpu.memory_space<vmem>>) dst(%dma_wait3A_54 : memref<80x128xf32, #tpu.memory_space<vmem_shared>>)
      tpu.yield
    }) : () -> ()
    %mul3A_18 = arith.constant 640 : i32
    %mul3A_19 = arith.muli %arg1, %mul3A_18 : i32
    %add3A_20 = arith.constant 320 : i32
    %add3A_21 = arith.addi %mul3A_19, %add3A_20 : i32
    "tpu.region"() ({
      %run_scoped3A = tpu.sem_alloc : memref<!tpu.dma_semaphore, #tpu.memory_space<semaphore_mem>>
      %dma_start3A = arith.constant 0 : i32
      %dma_start3A_49 = tpu.memref_slice %arg14[%add3A_21, %dma_start3A] : memref<10240x128xf32, #tpu.memory_space<vmem_shared>> -> memref<80x128xf32, #tpu.memory_space<vmem_shared>>
      %dma_start3A_50 = arith.constant 0 : i32
      %dma_start3A_51 = tpu.memref_slice %arg14[%add3A_21, %dma_start3A_50] : memref<10240x128xf32, #tpu.memory_space<vmem_shared>> -> memref<80x128xf32, #tpu.memory_space<vmem_shared>>
      tpu.enqueue_dma source(%arg12 : memref<80x128xf32, #tpu.memory_space<vmem>>) target(%dma_start3A_51 : memref<80x128xf32, #tpu.memory_space<vmem_shared>>) target_semaphore(%run_scoped3A : memref<!tpu.dma_semaphore, #tpu.memory_space<semaphore_mem>>)
      %dma_wait3A = arith.constant 0 : i32
      %dma_wait3A_52 = tpu.memref_slice %arg14[%add3A_21, %dma_wait3A] : memref<10240x128xf32, #tpu.memory_space<vmem_shared>> -> memref<80x128xf32, #tpu.memory_space<vmem_shared>>
      %dma_wait3A_53 = arith.constant 0 : i32
      %dma_wait3A_54 = tpu.memref_slice %arg14[%add3A_21, %dma_wait3A_53] : memref<10240x128xf32, #tpu.memory_space<vmem_shared>> -> memref<80x128xf32, #tpu.memory_space<vmem_shared>>
      tpu.wait_dma2 semaphore(%run_scoped3A : memref<!tpu.dma_semaphore, #tpu.memory_space<semaphore_mem>>) src(%arg12 : memref<80x128xf32, #tpu.memory_space<vmem>>) dst(%dma_wait3A_54 : memref<80x128xf32, #tpu.memory_space<vmem_shared>>)
      tpu.yield
    }) : () -> ()
    %mul3A_22 = arith.constant 640 : i32
    %mul3A_23 = arith.muli %arg1, %mul3A_22 : i32
    %add3A_24 = arith.constant 400 : i32
    %add3A_25 = arith.addi %mul3A_23, %add3A_24 : i32
    "tpu.region"() ({
      %run_scoped3A = tpu.sem_alloc : memref<!tpu.dma_semaphore, #tpu.memory_space<semaphore_mem>>
      %dma_start3A = arith.constant 0 : i32
      %dma_start3A_49 = tpu.memref_slice %arg14[%add3A_25, %dma_start3A] : memref<10240x128xf32, #tpu.memory_space<vmem_shared>> -> memref<80x128xf32, #tpu.memory_space<vmem_shared>>
      %dma_start3A_50 = arith.constant 0 : i32
      %dma_start3A_51 = tpu.memref_slice %arg14[%add3A_25, %dma_start3A_50] : memref<10240x128xf32, #tpu.memory_space<vmem_shared>> -> memref<80x128xf32, #tpu.memory_space<vmem_shared>>
      tpu.enqueue_dma source(%arg12 : memref<80x128xf32, #tpu.memory_space<vmem>>) target(%dma_start3A_51 : memref<80x128xf32, #tpu.memory_space<vmem_shared>>) target_semaphore(%run_scoped3A : memref<!tpu.dma_semaphore, #tpu.memory_space<semaphore_mem>>)
      %dma_wait3A = arith.constant 0 : i32
      %dma_wait3A_52 = tpu.memref_slice %arg14[%add3A_25, %dma_wait3A] : memref<10240x128xf32, #tpu.memory_space<vmem_shared>> -> memref<80x128xf32, #tpu.memory_space<vmem_shared>>
      %dma_wait3A_53 = arith.constant 0 : i32
      %dma_wait3A_54 = tpu.memref_slice %arg14[%add3A_25, %dma_wait3A_53] : memref<10240x128xf32, #tpu.memory_space<vmem_shared>> -> memref<80x128xf32, #tpu.memory_space<vmem_shared>>
      tpu.wait_dma2 semaphore(%run_scoped3A : memref<!tpu.dma_semaphore, #tpu.memory_space<semaphore_mem>>) src(%arg12 : memref<80x128xf32, #tpu.memory_space<vmem>>) dst(%dma_wait3A_54 : memref<80x128xf32, #tpu.memory_space<vmem_shared>>)
      tpu.yield
    }) : () -> ()
    %mul3A_26 = arith.constant 640 : i32
    %mul3A_27 = arith.muli %arg1, %mul3A_26 : i32
    %add3A_28 = arith.constant 480 : i32
    %add3A_29 = arith.addi %mul3A_27, %add3A_28 : i32
    "tpu.region"() ({
      %run_scoped3A = tpu.sem_alloc : memref<!tpu.dma_semaphore, #tpu.memory_space<semaphore_mem>>
      %dma_start3A = arith.constant 0 : i32
      %dma_start3A_49 = tpu.memref_slice %arg14[%add3A_29, %dma_start3A] : memref<10240x128xf32, #tpu.memory_space<vmem_shared>> -> memref<80x128xf32, #tpu.memory_space<vmem_shared>>
      %dma_start3A_50 = arith.constant 0 : i32
      %dma_start3A_51 = tpu.memref_slice %arg14[%add3A_29, %dma_start3A_50] : memref<10240x128xf32, #tpu.memory_space<vmem_shared>> -> memref<80x128xf32, #tpu.memory_space<vmem_shared>>
      tpu.enqueue_dma source(%arg12 : memref<80x128xf32, #tpu.memory_space<vmem>>) target(%dma_start3A_51 : memref<80x128xf32, #tpu.memory_space<vmem_shared>>) target_semaphore(%run_scoped3A : memref<!tpu.dma_semaphore, #tpu.memory_space<semaphore_mem>>)
      %dma_wait3A = arith.constant 0 : i32
      %dma_wait3A_52 = tpu.memref_slice %arg14[%add3A_29, %dma_wait3A] : memref<10240x128xf32, #tpu.memory_space<vmem_shared>> -> memref<80x128xf32, #tpu.memory_space<vmem_shared>>
      %dma_wait3A_53 = arith.constant 0 : i32
      %dma_wait3A_54 = tpu.memref_slice %arg14[%add3A_29, %dma_wait3A_53] : memref<10240x128xf32, #tpu.memory_space<vmem_shared>> -> memref<80x128xf32, #tpu.memory_space<vmem_shared>>
      tpu.wait_dma2 semaphore(%run_scoped3A : memref<!tpu.dma_semaphore, #tpu.memory_space<semaphore_mem>>) src(%arg12 : memref<80x128xf32, #tpu.memory_space<vmem>>) dst(%dma_wait3A_54 : memref<80x128xf32, #tpu.memory_space<vmem_shared>>)
      tpu.yield
    }) : () -> ()
    %mul3A_30 = arith.constant 640 : i32
    %mul3A_31 = arith.muli %arg1, %mul3A_30 : i32
    %add3A_32 = arith.constant 560 : i32
    %add3A_33 = arith.addi %mul3A_31, %add3A_32 : i32
    "tpu.region"() ({
      %run_scoped3A = tpu.sem_alloc : memref<!tpu.dma_semaphore, #tpu.memory_space<semaphore_mem>>
      %dma_start3A = arith.constant 0 : i32
      %dma_start3A_49 = tpu.memref_slice %arg14[%add3A_33, %dma_start3A] : memref<10240x128xf32, #tpu.memory_space<vmem_shared>> -> memref<80x128xf32, #tpu.memory_space<vmem_shared>>
      %dma_start3A_50 = arith.constant 0 : i32
      %dma_start3A_51 = tpu.memref_slice %arg14[%add3A_33, %dma_start3A_50] : memref<10240x128xf32, #tpu.memory_space<vmem_shared>> -> memref<80x128xf32, #tpu.memory_space<vmem_shared>>
      tpu.enqueue_dma source(%arg12 : memref<80x128xf32, #tpu.memory_space<vmem>>) target(%dma_start3A_51 : memref<80x128xf32, #tpu.memory_space<vmem_shared>>) target_semaphore(%run_scoped3A : memref<!tpu.dma_semaphore, #tpu.memory_space<semaphore_mem>>)
      %dma_wait3A = arith.constant 0 : i32
      %dma_wait3A_52 = tpu.memref_slice %arg14[%add3A_33, %dma_wait3A] : memref<10240x128xf32, #tpu.memory_space<vmem_shared>> -> memref<80x128xf32, #tpu.memory_space<vmem_shared>>
      %dma_wait3A_53 = arith.constant 0 : i32
      %dma_wait3A_54 = tpu.memref_slice %arg14[%add3A_33, %dma_wait3A_53] : memref<10240x128xf32, #tpu.memory_space<vmem_shared>> -> memref<80x128xf32, #tpu.memory_space<vmem_shared>>
      tpu.wait_dma2 semaphore(%run_scoped3A : memref<!tpu.dma_semaphore, #tpu.memory_space<semaphore_mem>>) src(%arg12 : memref<80x128xf32, #tpu.memory_space<vmem>>) dst(%dma_wait3A_54 : memref<80x128xf32, #tpu.memory_space<vmem_shared>>)
      tpu.yield
    }) : () -> ()
    "tpu.region"() ({
      %run_scoped3A = tpu.sem_alloc : memref<!tpu.dma_semaphore, #tpu.memory_space<semaphore_mem>>
      tpu.enqueue_dma source(%arg6 : memref<10240xf32, #tpu.memory_space<hbm>>) target(%arg8 : memref<10240xf32, #tpu.memory_space<vmem>>) target_semaphore(%run_scoped3A : memref<!tpu.dma_semaphore, #tpu.memory_space<semaphore_mem>>)
      tpu.wait_dma2 semaphore(%run_scoped3A : memref<!tpu.dma_semaphore, #tpu.memory_space<semaphore_mem>>) src(%arg6 : memref<10240xf32, #tpu.memory_space<hbm>>) dst(%arg8 : memref<10240xf32, #tpu.memory_space<vmem>>)
      tpu.yield
    }) : () -> ()
    %barrier3A = arith.constant 0 : index
    tpu.barrier barrier_id(%barrier3A)
    %mul3A_34 = arith.constant 16 : i32
    %mul3A_35 = arith.muli %arg0, %mul3A_34 : i32
    %add3A_36 = arith.addi %mul3A_35, %arg1 : i32
    %mul3A_37 = arith.constant 128 : i32
    %mul3A_38 = arith.muli %add3A_36, %mul3A_37 : i32
    %scan3A_39 = arith.constant 0 : i32
    %scan3A_40 = arith.constant 4 : i32
    %scan3A_41 = arith.addi %scan3A_39, %scan3A_40 : i32
    %scan3A_42 = arith.constant 1 : i32
    scf.for %scan3A_49 = %scan3A_39 to %scan3A_41 step %scan3A_42  : i32 {
      %mul3A_50 = arith.constant 32 : i32
      %mul3A_51 = arith.muli %scan3A_49, %mul3A_50 : i32
      %add3A_52 = arith.addi %mul3A_38, %mul3A_51 : i32
      "tpu.region"() ({
        %run_scoped3A = tpu.sem_alloc : memref<!tpu.dma_semaphore, #tpu.memory_space<semaphore_mem>>
        %dma_start3A_86 = arith.constant 0 : i32
        %dma_start3A_87 = tpu.memref_slice %arg3[%add3A_52, %dma_start3A_86] : memref<4096x80xi32, #tpu.memory_space<hbm>> -> memref<32x80xi32, #tpu.memory_space<hbm>>
        %dma_start3A_88 = arith.constant 0 : i32
        %dma_start3A_89 = tpu.memref_slice %arg3[%add3A_52, %dma_start3A_88] : memref<4096x80xi32, #tpu.memory_space<hbm>> -> memref<32x80xi32, #tpu.memory_space<hbm>>
        tpu.enqueue_dma source(%dma_start3A_89 : memref<32x80xi32, #tpu.memory_space<hbm>>) target(%arg9 : memref<32x80xi32, #tpu.memory_space<vmem>>) target_semaphore(%run_scoped3A : memref<!tpu.dma_semaphore, #tpu.memory_space<semaphore_mem>>)
        %dma_wait3A_90 = arith.constant 0 : i32
        %dma_wait3A_91 = tpu.memref_slice %arg3[%add3A_52, %dma_wait3A_90] : memref<4096x80xi32, #tpu.memory_space<hbm>> -> memref<32x80xi32, #tpu.memory_space<hbm>>
        %dma_wait3A_92 = arith.constant 0 : i32
        %dma_wait3A_93 = tpu.memref_slice %arg3[%add3A_52, %dma_wait3A_92] : memref<4096x80xi32, #tpu.memory_space<hbm>> -> memref<32x80xi32, #tpu.memory_space<hbm>>
        tpu.wait_dma2 semaphore(%run_scoped3A : memref<!tpu.dma_semaphore, #tpu.memory_space<semaphore_mem>>) src(%dma_wait3A_93 : memref<32x80xi32, #tpu.memory_space<hbm>>) dst(%arg9 : memref<32x80xi32, #tpu.memory_space<vmem>>)
        tpu.yield
      }) : () -> ()
      "tpu.region"() ({
        %run_scoped3A = tpu.sem_alloc : memref<!tpu.dma_semaphore, #tpu.memory_space<semaphore_mem>>
        %dma_start3A_86 = arith.constant 0 : i32
        %dma_start3A_87 = tpu.memref_slice %arg4[%add3A_52, %dma_start3A_86] : memref<4096x80xi32, #tpu.memory_space<hbm>> -> memref<32x80xi32, #tpu.memory_space<hbm>>
        %dma_start3A_88 = arith.constant 0 : i32
        %dma_start3A_89 = tpu.memref_slice %arg4[%add3A_52, %dma_start3A_88] : memref<4096x80xi32, #tpu.memory_space<hbm>> -> memref<32x80xi32, #tpu.memory_space<hbm>>
        tpu.enqueue_dma source(%dma_start3A_89 : memref<32x80xi32, #tpu.memory_space<hbm>>) target(%arg10 : memref<32x80xi32, #tpu.memory_space<vmem>>) target_semaphore(%run_scoped3A : memref<!tpu.dma_semaphore, #tpu.memory_space<semaphore_mem>>)
        %dma_wait3A_90 = arith.constant 0 : i32
        %dma_wait3A_91 = tpu.memref_slice %arg4[%add3A_52, %dma_wait3A_90] : memref<4096x80xi32, #tpu.memory_space<hbm>> -> memref<32x80xi32, #tpu.memory_space<hbm>>
        %dma_wait3A_92 = arith.constant 0 : i32
        %dma_wait3A_93 = tpu.memref_slice %arg4[%add3A_52, %dma_wait3A_92] : memref<4096x80xi32, #tpu.memory_space<hbm>> -> memref<32x80xi32, #tpu.memory_space<hbm>>
        tpu.wait_dma2 semaphore(%run_scoped3A : memref<!tpu.dma_semaphore, #tpu.memory_space<semaphore_mem>>) src(%dma_wait3A_93 : memref<32x80xi32, #tpu.memory_space<hbm>>) dst(%arg10 : memref<32x80xi32, #tpu.memory_space<vmem>>)
        tpu.yield
      }) : () -> ()
      "tpu.region"() ({
        %run_scoped3A = tpu.sem_alloc : memref<!tpu.dma_semaphore, #tpu.memory_space<semaphore_mem>>
        %dma_start3A_86 = arith.constant 0 : i32
        %dma_start3A_87 = tpu.memref_slice %arg5[%add3A_52, %dma_start3A_86] : memref<4096x80xf32, #tpu.memory_space<hbm>> -> memref<32x80xf32, #tpu.memory_space<hbm>>
        %dma_start3A_88 = arith.constant 0 : i32
        %dma_start3A_89 = tpu.memref_slice %arg5[%add3A_52, %dma_start3A_88] : memref<4096x80xf32, #tpu.memory_space<hbm>> -> memref<32x80xf32, #tpu.memory_space<hbm>>
        tpu.enqueue_dma source(%dma_start3A_89 : memref<32x80xf32, #tpu.memory_space<hbm>>) target(%arg11 : memref<32x80xf32, #tpu.memory_space<vmem>>) target_semaphore(%run_scoped3A : memref<!tpu.dma_semaphore, #tpu.memory_space<semaphore_mem>>)
        %dma_wait3A_90 = arith.constant 0 : i32
        %dma_wait3A_91 = tpu.memref_slice %arg5[%add3A_52, %dma_wait3A_90] : memref<4096x80xf32, #tpu.memory_space<hbm>> -> memref<32x80xf32, #tpu.memory_space<hbm>>
        %dma_wait3A_92 = arith.constant 0 : i32
        %dma_wait3A_93 = tpu.memref_slice %arg5[%add3A_52, %dma_wait3A_92] : memref<4096x80xf32, #tpu.memory_space<hbm>> -> memref<32x80xf32, #tpu.memory_space<hbm>>
        tpu.wait_dma2 semaphore(%run_scoped3A : memref<!tpu.dma_semaphore, #tpu.memory_space<semaphore_mem>>) src(%dma_wait3A_93 : memref<32x80xf32, #tpu.memory_space<hbm>>) dst(%arg11 : memref<32x80xf32, #tpu.memory_space<vmem>>)
        tpu.yield
      }) : () -> ()
      %parallel_loop3A = arith.constant 0 : i32
      %parallel_loop3A_53 = arith.constant 32 : i32
      %parallel_loop3A_54 = arith.constant 1 : i32
      scf.for %parallel_loop3A_86 = %parallel_loop3A to %parallel_loop3A_53 step %parallel_loop3A_54  : i32 {
        %parallel_loop3A_87 = arith.index_cast %parallel_loop3A_86 : i32 to index
        %parallel_loop3A_88 = arith.constant 0 : index
        %parallel_loop3A_89 = tpu.vector_load %arg9[%parallel_loop3A_87, %parallel_loop3A_88] {strides = array<i32>} : memref<32x80xi32, #tpu.memory_space<vmem>>, vector<16xi32>,
        %parallel_loop3A_90 = tpu.vector_load_idx %arg8[%parallel_loop3A_89] : memref<10240xf32, #tpu.memory_space<vmem>>[vector<16xi32>], vector<16xf32>,
        %parallel_loop3A_91 = arith.index_cast %parallel_loop3A_86 : i32 to index
        %parallel_loop3A_92 = arith.constant 0 : index
        %parallel_loop3A_93 = tpu.vector_load %arg11[%parallel_loop3A_91, %parallel_loop3A_92] {strides = array<i32>} : memref<32x80xf32, #tpu.memory_space<vmem>>, vector<16xf32>,
        %parallel_loop3A_94 = arith.mulf %parallel_loop3A_93, %parallel_loop3A_90 : vector<16xf32>
        %parallel_loop3A_95 = arith.index_cast %parallel_loop3A_86 : i32 to index
        %parallel_loop3A_96 = arith.constant 0 : index
        %parallel_loop3A_97 = tpu.vector_load %arg11[%parallel_loop3A_95, %parallel_loop3A_96] {strides = array<i32>} : memref<32x80xf32, #tpu.memory_space<vmem>>, vector<16xf32>,
        tpu.vector_store %arg11[%parallel_loop3A_95, %parallel_loop3A_96], %parallel_loop3A_94 {strides = array<i32>} : memref<32x80xf32, #tpu.memory_space<vmem>>, vector<16xf32>,
        %parallel_loop3A_98 = arith.index_cast %parallel_loop3A_86 : i32 to index
        %parallel_loop3A_99 = arith.constant 16 : index
        %parallel_loop3A_100 = tpu.vector_load %arg9[%parallel_loop3A_98, %parallel_loop3A_99] {strides = array<i32>} : memref<32x80xi32, #tpu.memory_space<vmem>>, vector<16xi32>,
        %parallel_loop3A_101 = tpu.vector_load_idx %arg8[%parallel_loop3A_100] : memref<10240xf32, #tpu.memory_space<vmem>>[vector<16xi32>], vector<16xf32>,
        %parallel_loop3A_102 = arith.index_cast %parallel_loop3A_86 : i32 to index
        %parallel_loop3A_103 = arith.constant 16 : index
        %parallel_loop3A_104 = tpu.vector_load %arg11[%parallel_loop3A_102, %parallel_loop3A_103] {strides = array<i32>} : memref<32x80xf32, #tpu.memory_space<vmem>>, vector<16xf32>,
        %parallel_loop3A_105 = arith.mulf %parallel_loop3A_104, %parallel_loop3A_101 : vector<16xf32>
        %parallel_loop3A_106 = arith.index_cast %parallel_loop3A_86 : i32 to index
        %parallel_loop3A_107 = arith.constant 16 : index
        %parallel_loop3A_108 = tpu.vector_load %arg11[%parallel_loop3A_106, %parallel_loop3A_107] {strides = array<i32>} : memref<32x80xf32, #tpu.memory_space<vmem>>, vector<16xf32>,
        tpu.vector_store %arg11[%parallel_loop3A_106, %parallel_loop3A_107], %parallel_loop3A_105 {strides = array<i32>} : memref<32x80xf32, #tpu.memory_space<vmem>>, vector<16xf32>,
        %parallel_loop3A_109 = arith.index_cast %parallel_loop3A_86 : i32 to index
        %parallel_loop3A_110 = arith.constant 32 : index
        %parallel_loop3A_111 = tpu.vector_load %arg9[%parallel_loop3A_109, %parallel_loop3A_110] {strides = array<i32>} : memref<32x80xi32, #tpu.memory_space<vmem>>, vector<16xi32>,
        %parallel_loop3A_112 = tpu.vector_load_idx %arg8[%parallel_loop3A_111] : memref<10240xf32, #tpu.memory_space<vmem>>[vector<16xi32>], vector<16xf32>,
        %parallel_loop3A_113 = arith.index_cast %parallel_loop3A_86 : i32 to index
        %parallel_loop3A_114 = arith.constant 32 : index
        %parallel_loop3A_115 = tpu.vector_load %arg11[%parallel_loop3A_113, %parallel_loop3A_114] {strides = array<i32>} : memref<32x80xf32, #tpu.memory_space<vmem>>, vector<16xf32>,
        %parallel_loop3A_116 = arith.mulf %parallel_loop3A_115, %parallel_loop3A_112 : vector<16xf32>
        %parallel_loop3A_117 = arith.index_cast %parallel_loop3A_86 : i32 to index
        %parallel_loop3A_118 = arith.constant 32 : index
        %parallel_loop3A_119 = tpu.vector_load %arg11[%parallel_loop3A_117, %parallel_loop3A_118] {strides = array<i32>} : memref<32x80xf32, #tpu.memory_space<vmem>>, vector<16xf32>,
        tpu.vector_store %arg11[%parallel_loop3A_117, %parallel_loop3A_118], %parallel_loop3A_116 {strides = array<i32>} : memref<32x80xf32, #tpu.memory_space<vmem>>, vector<16xf32>,
        %parallel_loop3A_120 = arith.index_cast %parallel_loop3A_86 : i32 to index
        %parallel_loop3A_121 = arith.constant 48 : index
        %parallel_loop3A_122 = tpu.vector_load %arg9[%parallel_loop3A_120, %parallel_loop3A_121] {strides = array<i32>} : memref<32x80xi32, #tpu.memory_space<vmem>>, vector<16xi32>,
        %parallel_loop3A_123 = tpu.vector_load_idx %arg8[%parallel_loop3A_122] : memref<10240xf32, #tpu.memory_space<vmem>>[vector<16xi32>], vector<16xf32>,
        %parallel_loop3A_124 = arith.index_cast %parallel_loop3A_86 : i32 to index
        %parallel_loop3A_125 = arith.constant 48 : index
        %parallel_loop3A_126 = tpu.vector_load %arg11[%parallel_loop3A_124, %parallel_loop3A_125] {strides = array<i32>} : memref<32x80xf32, #tpu.memory_space<vmem>>, vector<16xf32>,
        %parallel_loop3A_127 = arith.mulf %parallel_loop3A_126, %parallel_loop3A_123 : vector<16xf32>
        %parallel_loop3A_128 = arith.index_cast %parallel_loop3A_86 : i32 to index
        %parallel_loop3A_129 = arith.constant 48 : index
        %parallel_loop3A_130 = tpu.vector_load %arg11[%parallel_loop3A_128, %parallel_loop3A_129] {strides = array<i32>} : memref<32x80xf32, #tpu.memory_space<vmem>>, vector<16xf32>,
        tpu.vector_store %arg11[%parallel_loop3A_128, %parallel_loop3A_129], %parallel_loop3A_127 {strides = array<i32>} : memref<32x80xf32, #tpu.memory_space<vmem>>, vector<16xf32>,
        %parallel_loop3A_131 = arith.index_cast %parallel_loop3A_86 : i32 to index
        %parallel_loop3A_132 = arith.constant 64 : index
        %parallel_loop3A_133 = tpu.vector_load %arg9[%parallel_loop3A_131, %parallel_loop3A_132] {strides = array<i32>} : memref<32x80xi32, #tpu.memory_space<vmem>>, vector<16xi32>,
        %parallel_loop3A_134 = tpu.vector_load_idx %arg8[%parallel_loop3A_133] : memref<10240xf32, #tpu.memory_space<vmem>>[vector<16xi32>], vector<16xf32>,
        %parallel_loop3A_135 = arith.index_cast %parallel_loop3A_86 : i32 to index
        %parallel_loop3A_136 = arith.constant 64 : index
        %parallel_loop3A_137 = tpu.vector_load %arg11[%parallel_loop3A_135, %parallel_loop3A_136] {strides = array<i32>} : memref<32x80xf32, #tpu.memory_space<vmem>>, vector<16xf32>,
        %parallel_loop3A_138 = arith.mulf %parallel_loop3A_137, %parallel_loop3A_134 : vector<16xf32>
        %parallel_loop3A_139 = arith.index_cast %parallel_loop3A_86 : i32 to index
        %parallel_loop3A_140 = arith.constant 64 : index
        %parallel_loop3A_141 = tpu.vector_load %arg11[%parallel_loop3A_139, %parallel_loop3A_140] {strides = array<i32>} : memref<32x80xf32, #tpu.memory_space<vmem>>, vector<16xf32>,
        tpu.vector_store %arg11[%parallel_loop3A_139, %parallel_loop3A_140], %parallel_loop3A_138 {strides = array<i32>} : memref<32x80xf32, #tpu.memory_space<vmem>>, vector<16xf32>,
      } {sc.loop_unroll_factor = 2 : i64, sc.parallel_access}
      %dma_start3A = arith.constant 0 : i32
      %dma_start3A_55 = arith.constant 0 : i32
      %dma_start3A_56 = tpu.memref_slice %arg9[%dma_start3A, %dma_start3A_55] : memref<32x80xi32, #tpu.memory_space<vmem>> -> memref<1x80xi32, #tpu.memory_space<vmem>>
      %dma_start3A_57 = tpu.memref_squeeze %dma_start3A_56 : memref<1x80xi32, #tpu.memory_space<vmem>> -> memref<80xi32, #tpu.memory_space<vmem>>
      %dma_start3A_58 = arith.constant 0 : i32
      %dma_start3A_59 = arith.constant 0 : i32
      %dma_start3A_60 = tpu.memref_slice %arg2[%dma_start3A_58, %dma_start3A_59] : memref<10240x128xf32, #tpu.memory_space<hbm>> -> memref<10240x128xf32, #tpu.memory_space<hbm>>
      tpu.enqueue_indirect_dma source(%dma_start3A_60 : memref<10240x128xf32, #tpu.memory_space<hbm>>) target(%arg12 : memref<80x128xf32, #tpu.memory_space<vmem>>) offsets(%dma_start3A_57 : memref<80xi32, #tpu.memory_space<vmem>>) semaphore(%arg15 : memref<!tpu.dma_semaphore, #tpu.memory_space<semaphore_mem>>)
      %dma_start3A_61 = arith.constant 1 : i32
      %dma_start3A_62 = arith.constant 0 : i32
      %dma_start3A_63 = tpu.memref_slice %arg9[%dma_start3A_61, %dma_start3A_62] : memref<32x80xi32, #tpu.memory_space<vmem>> -> memref<1x80xi32, #tpu.memory_space<vmem>>
      %dma_start3A_64 = tpu.memref_squeeze %dma_start3A_63 : memref<1x80xi32, #tpu.memory_space<vmem>> -> memref<80xi32, #tpu.memory_space<vmem>>
      %dma_start3A_65 = arith.constant 0 : i32
      %dma_start3A_66 = arith.constant 0 : i32
      %dma_start3A_67 = tpu.memref_slice %arg2[%dma_start3A_65, %dma_start3A_66] : memref<10240x128xf32, #tpu.memory_space<hbm>> -> memref<10240x128xf32, #tpu.memory_space<hbm>>
      tpu.enqueue_indirect_dma source(%dma_start3A_67 : memref<10240x128xf32, #tpu.memory_space<hbm>>) target(%arg13 : memref<80x128xf32, #tpu.memory_space<vmem>>) offsets(%dma_start3A_64 : memref<80xi32, #tpu.memory_space<vmem>>) semaphore(%arg16 : memref<!tpu.dma_semaphore, #tpu.memory_space<semaphore_mem>>)
      %scan3A_68 = arith.constant 0 : i32
      %scan3A_69 = arith.constant 16 : i32
      %scan3A_70 = arith.addi %scan3A_68, %scan3A_69 : i32
      %scan3A_71 = arith.constant 1 : i32
      scf.for %scan3A_86 = %scan3A_68 to %scan3A_70 step %scan3A_71  : i32 {
        %mul3A_87 = arith.constant 2 : i32
        %mul3A_88 = arith.muli %mul3A_87, %scan3A_86 : i32
        %add3A_89 = arith.constant 1 : i32
        %add3A_90 = arith.addi %mul3A_88, %add3A_89 : i32
        %eq3A = arith.constant 15 : i32
        %eq3A_91 = arith.cmpi eq, %scan3A_86, %eq3A : i32
        %dma_wait3A_92 = arith.constant 0 : i32
        %dma_wait3A_93 = tpu.memref_slice %arg9[%mul3A_88, %dma_wait3A_92] : memref<32x80xi32, #tpu.memory_space<vmem>> -> memref<1x80xi32, #tpu.memory_space<vmem>>
        %dma_wait3A_94 = tpu.memref_squeeze %dma_wait3A_93 : memref<1x80xi32, #tpu.memory_space<vmem>> -> memref<80xi32, #tpu.memory_space<vmem>>
        %dma_wait3A_95 = arith.constant 0 : i32
        %dma_wait3A_96 = arith.constant 0 : i32
        %dma_wait3A_97 = tpu.memref_slice %arg2[%dma_wait3A_95, %dma_wait3A_96] : memref<10240x128xf32, #tpu.memory_space<hbm>> -> memref<10240x128xf32, #tpu.memory_space<hbm>>
        tpu.wait_indirect_dma semaphore(%arg15 : memref<!tpu.dma_semaphore, #tpu.memory_space<semaphore_mem>>) src(%dma_wait3A_97 : memref<10240x128xf32, #tpu.memory_space<hbm>>) dst(%arg12 : memref<80x128xf32, #tpu.memory_space<vmem>>)
        %broadcast_in_dim3A = arith.constant 0 : i32
        %broadcast_in_dim3A_98 = vector.broadcast %broadcast_in_dim3A : i32 to vector<16xi32>
        %add3A_99 = vector.broadcast %mul3A_88 : i32 to vector<16xi32>
        %add3A_100 = arith.addi %broadcast_in_dim3A_98, %add3A_99 : vector<16xi32>
        %broadcast_in_dim3A_101 = arith.constant 0 : i32
        %broadcast_in_dim3A_102 = vector.broadcast %broadcast_in_dim3A_101 : i32 to vector<16xi32>
        %add3A_103 = arith.constant 0 : i32
        %add3A_104 = vector.broadcast %add3A_103 : i32 to vector<16xi32>
        %add3A_105 = arith.addi %broadcast_in_dim3A_102, %add3A_104 : vector<16xi32>
        %parallel_loop3A_106 = arith.constant 0 : i32
        %parallel_loop3A_107 = arith.constant 80 : i32
        %parallel_loop3A_108 = arith.constant 1 : i32
        %parallel_loop3A_109 = scf.for %parallel_loop3A_148 = %parallel_loop3A_106 to %parallel_loop3A_107 step %parallel_loop3A_108 iter_args(%parallel_loop3A_149 = %add3A_105) -> (vector<16xi32>)  : i32 {
          %parallel_loop3A_150 = tpu.vector_load_idx %arg11[%add3A_100, %parallel_loop3A_149] : memref<32x80xf32, #tpu.memory_space<vmem>>[vector<16xi32>, vector<16xi32>], vector<16xf32>,
          %parallel_loop3A_151 = arith.index_cast %parallel_loop3A_148 : i32 to index
          %parallel_loop3A_152 = arith.constant 0 : index
          %parallel_loop3A_153 = tpu.vector_load %arg12[%parallel_loop3A_151, %parallel_loop3A_152] {strides = array<i32>} : memref<80x128xf32, #tpu.memory_space<vmem>>, vector<16xf32>,
          %parallel_loop3A_154 = arith.mulf %parallel_loop3A_153, %parallel_loop3A_150 : vector<16xf32>
          %parallel_loop3A_155 = arith.index_cast %parallel_loop3A_148 : i32 to index
          %parallel_loop3A_156 = arith.constant 0 : index
          %parallel_loop3A_157 = tpu.vector_load %arg12[%parallel_loop3A_155, %parallel_loop3A_156] {strides = array<i32>} : memref<80x128xf32, #tpu.memory_space<vmem>>, vector<16xf32>,
          tpu.vector_store %arg12[%parallel_loop3A_155, %parallel_loop3A_156], %parallel_loop3A_154 {strides = array<i32>} : memref<80x128xf32, #tpu.memory_space<vmem>>, vector<16xf32>,
          %parallel_loop3A_158 = arith.index_cast %parallel_loop3A_148 : i32 to index
          %parallel_loop3A_159 = arith.constant 16 : index
          %parallel_loop3A_160 = tpu.vector_load %arg12[%parallel_loop3A_158, %parallel_loop3A_159] {strides = array<i32>} : memref<80x128xf32, #tpu.memory_space<vmem>>, vector<16xf32>,
          %parallel_loop3A_161 = arith.mulf %parallel_loop3A_160, %parallel_loop3A_150 : vector<16xf32>
          %parallel_loop3A_162 = arith.index_cast %parallel_loop3A_148 : i32 to index
          %parallel_loop3A_163 = arith.constant 16 : index
          %parallel_loop3A_164 = tpu.vector_load %arg12[%parallel_loop3A_162, %parallel_loop3A_163] {strides = array<i32>} : memref<80x128xf32, #tpu.memory_space<vmem>>, vector<16xf32>,
          tpu.vector_store %arg12[%parallel_loop3A_162, %parallel_loop3A_163], %parallel_loop3A_161 {strides = array<i32>} : memref<80x128xf32, #tpu.memory_space<vmem>>, vector<16xf32>,
          %parallel_loop3A_165 = arith.index_cast %parallel_loop3A_148 : i32 to index
          %parallel_loop3A_166 = arith.constant 32 : index
          %parallel_loop3A_167 = tpu.vector_load %arg12[%parallel_loop3A_165, %parallel_loop3A_166] {strides = array<i32>} : memref<80x128xf32, #tpu.memory_space<vmem>>, vector<16xf32>,
          %parallel_loop3A_168 = arith.mulf %parallel_loop3A_167, %parallel_loop3A_150 : vector<16xf32>
          %parallel_loop3A_169 = arith.index_cast %parallel_loop3A_148 : i32 to index
          %parallel_loop3A_170 = arith.constant 32 : index
          %parallel_loop3A_171 = tpu.vector_load %arg12[%parallel_loop3A_169, %parallel_loop3A_170] {strides = array<i32>} : memref<80x128xf32, #tpu.memory_space<vmem>>, vector<16xf32>,
          tpu.vector_store %arg12[%parallel_loop3A_169, %parallel_loop3A_170], %parallel_loop3A_168 {strides = array<i32>} : memref<80x128xf32, #tpu.memory_space<vmem>>, vector<16xf32>,
          %parallel_loop3A_172 = arith.index_cast %parallel_loop3A_148 : i32 to index
          %parallel_loop3A_173 = arith.constant 48 : index
          %parallel_loop3A_174 = tpu.vector_load %arg12[%parallel_loop3A_172, %parallel_loop3A_173] {strides = array<i32>} : memref<80x128xf32, #tpu.memory_space<vmem>>, vector<16xf32>,
          %parallel_loop3A_175 = arith.mulf %parallel_loop3A_174, %parallel_loop3A_150 : vector<16xf32>
          %parallel_loop3A_176 = arith.index_cast %parallel_loop3A_148 : i32 to index
          %parallel_loop3A_177 = arith.constant 48 : index
          %parallel_loop3A_178 = tpu.vector_load %arg12[%parallel_loop3A_176, %parallel_loop3A_177] {strides = array<i32>} : memref<80x128xf32, #tpu.memory_space<vmem>>, vector<16xf32>,
          tpu.vector_store %arg12[%parallel_loop3A_176, %parallel_loop3A_177], %parallel_loop3A_175 {strides = array<i32>} : memref<80x128xf32, #tpu.memory_space<vmem>>, vector<16xf32>,
          %parallel_loop3A_179 = arith.index_cast %parallel_loop3A_148 : i32 to index
          %parallel_loop3A_180 = arith.constant 64 : index
          %parallel_loop3A_181 = tpu.vector_load %arg12[%parallel_loop3A_179, %parallel_loop3A_180] {strides = array<i32>} : memref<80x128xf32, #tpu.memory_space<vmem>>, vector<16xf32>,
          %parallel_loop3A_182 = arith.mulf %parallel_loop3A_181, %parallel_loop3A_150 : vector<16xf32>
          %parallel_loop3A_183 = arith.index_cast %parallel_loop3A_148 : i32 to index
          %parallel_loop3A_184 = arith.constant 64 : index
          %parallel_loop3A_185 = tpu.vector_load %arg12[%parallel_loop3A_183, %parallel_loop3A_184] {strides = array<i32>} : memref<80x128xf32, #tpu.memory_space<vmem>>, vector<16xf32>,
          tpu.vector_store %arg12[%parallel_loop3A_183, %parallel_loop3A_184], %parallel_loop3A_182 {strides = array<i32>} : memref<80x128xf32, #tpu.memory_space<vmem>>, vector<16xf32>,
          %parallel_loop3A_186 = arith.index_cast %parallel_loop3A_148 : i32 to index
          %parallel_loop3A_187 = arith.constant 80 : index
          %parallel_loop3A_188 = tpu.vector_load %arg12[%parallel_loop3A_186, %parallel_loop3A_187] {strides = array<i32>} : memref<80x128xf32, #tpu.memory_space<vmem>>, vector<16xf32>,
          %parallel_loop3A_189 = arith.mulf %parallel_loop3A_188, %parallel_loop3A_150 : vector<16xf32>
          %parallel_loop3A_190 = arith.index_cast %parallel_loop3A_148 : i32 to index
          %parallel_loop3A_191 = arith.constant 80 : index
          %parallel_loop3A_192 = tpu.vector_load %arg12[%parallel_loop3A_190, %parallel_loop3A_191] {strides = array<i32>} : memref<80x128xf32, #tpu.memory_space<vmem>>, vector<16xf32>,
          tpu.vector_store %arg12[%parallel_loop3A_190, %parallel_loop3A_191], %parallel_loop3A_189 {strides = array<i32>} : memref<80x128xf32, #tpu.memory_space<vmem>>, vector<16xf32>,
          %parallel_loop3A_193 = arith.index_cast %parallel_loop3A_148 : i32 to index
          %parallel_loop3A_194 = arith.constant 96 : index
          %parallel_loop3A_195 = tpu.vector_load %arg12[%parallel_loop3A_193, %parallel_loop3A_194] {strides = array<i32>} : memref<80x128xf32, #tpu.memory_space<vmem>>, vector<16xf32>,
          %parallel_loop3A_196 = arith.mulf %parallel_loop3A_195, %parallel_loop3A_150 : vector<16xf32>
          %parallel_loop3A_197 = arith.index_cast %parallel_loop3A_148 : i32 to index
          %parallel_loop3A_198 = arith.constant 96 : index
          %parallel_loop3A_199 = tpu.vector_load %arg12[%parallel_loop3A_197, %parallel_loop3A_198] {strides = array<i32>} : memref<80x128xf32, #tpu.memory_space<vmem>>, vector<16xf32>,
          tpu.vector_store %arg12[%parallel_loop3A_197, %parallel_loop3A_198], %parallel_loop3A_196 {strides = array<i32>} : memref<80x128xf32, #tpu.memory_space<vmem>>, vector<16xf32>,
          %parallel_loop3A_200 = arith.index_cast %parallel_loop3A_148 : i32 to index
          %parallel_loop3A_201 = arith.constant 112 : index
          %parallel_loop3A_202 = tpu.vector_load %arg12[%parallel_loop3A_200, %parallel_loop3A_201] {strides = array<i32>} : memref<80x128xf32, #tpu.memory_space<vmem>>, vector<16xf32>,
          %parallel_loop3A_203 = arith.mulf %parallel_loop3A_202, %parallel_loop3A_150 : vector<16xf32>
          %parallel_loop3A_204 = arith.index_cast %parallel_loop3A_148 : i32 to index
          %parallel_loop3A_205 = arith.constant 112 : index
          %parallel_loop3A_206 = tpu.vector_load %arg12[%parallel_loop3A_204, %parallel_loop3A_205] {strides = array<i32>} : memref<80x128xf32, #tpu.memory_space<vmem>>, vector<16xf32>,
          tpu.vector_store %arg12[%parallel_loop3A_204, %parallel_loop3A_205], %parallel_loop3A_203 {strides = array<i32>} : memref<80x128xf32, #tpu.memory_space<vmem>>, vector<16xf32>,
          %parallel_loop3A_207 = arith.constant 1 : i32
          %parallel_loop3A_208 = vector.broadcast %parallel_loop3A_207 : i32 to vector<16xi32>
          %parallel_loop3A_209 = arith.addi %parallel_loop3A_149, %parallel_loop3A_208 : vector<16xi32>
          scf.yield %parallel_loop3A_209 : vector<16xi32>
        } {sc.loop_unroll_factor = 8 : i64, sc.parallel_access}
        %dma_start3A_110 = arith.constant 0 : i32
        %dma_start3A_111 = tpu.memref_slice %arg10[%mul3A_88, %dma_start3A_110] : memref<32x80xi32, #tpu.memory_space<vmem>> -> memref<1x80xi32, #tpu.memory_space<vmem>>
        %dma_start3A_112 = tpu.memref_squeeze %dma_start3A_111 : memref<1x80xi32, #tpu.memory_space<vmem>> -> memref<80xi32, #tpu.memory_space<vmem>>
        %dma_start3A_113 = arith.constant 0 : i32
        %dma_start3A_114 = arith.constant 0 : i32
        %dma_start3A_115 = tpu.memref_slice %arg14[%dma_start3A_113, %dma_start3A_114] : memref<10240x128xf32, #tpu.memory_space<vmem_shared>> -> memref<10240x128xf32, #tpu.memory_space<vmem_shared>>
        tpu.enqueue_indirect_dma source(%arg12 : memref<80x128xf32, #tpu.memory_space<vmem>>) target(%dma_start3A_115 : memref<10240x128xf32, #tpu.memory_space<vmem_shared>>) offsets(%dma_start3A_112 : memref<80xi32, #tpu.memory_space<vmem>>) semaphore(%arg17 : memref<!tpu.dma_semaphore, #tpu.memory_space<semaphore_mem>>) {add = true}
        %dma_wait3A_116 = arith.constant 0 : i32
        %dma_wait3A_117 = tpu.memref_slice %arg9[%add3A_90, %dma_wait3A_116] : memref<32x80xi32, #tpu.memory_space<vmem>> -> memref<1x80xi32, #tpu.memory_space<vmem>>
        %dma_wait3A_118 = tpu.memref_squeeze %dma_wait3A_117 : memref<1x80xi32, #tpu.memory_space<vmem>> -> memref<80xi32, #tpu.memory_space<vmem>>
        %dma_wait3A_119 = arith.constant 0 : i32
        %dma_wait3A_120 = arith.constant 0 : i32
        %dma_wait3A_121 = tpu.memref_slice %arg2[%dma_wait3A_119, %dma_wait3A_120] : memref<10240x128xf32, #tpu.memory_space<hbm>> -> memref<10240x128xf32, #tpu.memory_space<hbm>>
        tpu.wait_indirect_dma semaphore(%arg16 : memref<!tpu.dma_semaphore, #tpu.memory_space<semaphore_mem>>) src(%dma_wait3A_121 : memref<10240x128xf32, #tpu.memory_space<hbm>>) dst(%arg13 : memref<80x128xf32, #tpu.memory_space<vmem>>)
        %broadcast_in_dim3A_122 = arith.constant 0 : i32
        %broadcast_in_dim3A_123 = vector.broadcast %broadcast_in_dim3A_122 : i32 to vector<16xi32>
        %add3A_124 = vector.broadcast %add3A_90 : i32 to vector<16xi32>
        %add3A_125 = arith.addi %broadcast_in_dim3A_123, %add3A_124 : vector<16xi32>
        %broadcast_in_dim3A_126 = arith.constant 0 : i32
        %broadcast_in_dim3A_127 = vector.broadcast %broadcast_in_dim3A_126 : i32 to vector<16xi32>
        %add3A_128 = arith.constant 0 : i32
        %add3A_129 = vector.broadcast %add3A_128 : i32 to vector<16xi32>
        %add3A_130 = arith.addi %broadcast_in_dim3A_127, %add3A_129 : vector<16xi32>
        %parallel_loop3A_131 = arith.constant 0 : i32
        %parallel_loop3A_132 = arith.constant 80 : i32
        %parallel_loop3A_133 = arith.constant 1 : i32
        %parallel_loop3A_134 = scf.for %parallel_loop3A_148 = %parallel_loop3A_131 to %parallel_loop3A_132 step %parallel_loop3A_133 iter_args(%parallel_loop3A_149 = %add3A_130) -> (vector<16xi32>)  : i32 {
          %parallel_loop3A_150 = tpu.vector_load_idx %arg11[%add3A_125, %parallel_loop3A_149] : memref<32x80xf32, #tpu.memory_space<vmem>>[vector<16xi32>, vector<16xi32>], vector<16xf32>,
          %parallel_loop3A_151 = arith.index_cast %parallel_loop3A_148 : i32 to index
          %parallel_loop3A_152 = arith.constant 0 : index
          %parallel_loop3A_153 = tpu.vector_load %arg13[%parallel_loop3A_151, %parallel_loop3A_152] {strides = array<i32>} : memref<80x128xf32, #tpu.memory_space<vmem>>, vector<16xf32>,
          %parallel_loop3A_154 = arith.mulf %parallel_loop3A_153, %parallel_loop3A_150 : vector<16xf32>
          %parallel_loop3A_155 = arith.index_cast %parallel_loop3A_148 : i32 to index
          %parallel_loop3A_156 = arith.constant 0 : index
          %parallel_loop3A_157 = tpu.vector_load %arg13[%parallel_loop3A_155, %parallel_loop3A_156] {strides = array<i32>} : memref<80x128xf32, #tpu.memory_space<vmem>>, vector<16xf32>,
          tpu.vector_store %arg13[%parallel_loop3A_155, %parallel_loop3A_156], %parallel_loop3A_154 {strides = array<i32>} : memref<80x128xf32, #tpu.memory_space<vmem>>, vector<16xf32>,
          %parallel_loop3A_158 = arith.index_cast %parallel_loop3A_148 : i32 to index
          %parallel_loop3A_159 = arith.constant 16 : index
          %parallel_loop3A_160 = tpu.vector_load %arg13[%parallel_loop3A_158, %parallel_loop3A_159] {strides = array<i32>} : memref<80x128xf32, #tpu.memory_space<vmem>>, vector<16xf32>,
          %parallel_loop3A_161 = arith.mulf %parallel_loop3A_160, %parallel_loop3A_150 : vector<16xf32>
          %parallel_loop3A_162 = arith.index_cast %parallel_loop3A_148 : i32 to index
          %parallel_loop3A_163 = arith.constant 16 : index
          %parallel_loop3A_164 = tpu.vector_load %arg13[%parallel_loop3A_162, %parallel_loop3A_163] {strides = array<i32>} : memref<80x128xf32, #tpu.memory_space<vmem>>, vector<16xf32>,
          tpu.vector_store %arg13[%parallel_loop3A_162, %parallel_loop3A_163], %parallel_loop3A_161 {strides = array<i32>} : memref<80x128xf32, #tpu.memory_space<vmem>>, vector<16xf32>,
          %parallel_loop3A_165 = arith.index_cast %parallel_loop3A_148 : i32 to index
          %parallel_loop3A_166 = arith.constant 32 : index
          %parallel_loop3A_167 = tpu.vector_load %arg13[%parallel_loop3A_165, %parallel_loop3A_166] {strides = array<i32>} : memref<80x128xf32, #tpu.memory_space<vmem>>, vector<16xf32>,
          %parallel_loop3A_168 = arith.mulf %parallel_loop3A_167, %parallel_loop3A_150 : vector<16xf32>
          %parallel_loop3A_169 = arith.index_cast %parallel_loop3A_148 : i32 to index
          %parallel_loop3A_170 = arith.constant 32 : index
          %parallel_loop3A_171 = tpu.vector_load %arg13[%parallel_loop3A_169, %parallel_loop3A_170] {strides = array<i32>} : memref<80x128xf32, #tpu.memory_space<vmem>>, vector<16xf32>,
          tpu.vector_store %arg13[%parallel_loop3A_169, %parallel_loop3A_170], %parallel_loop3A_168 {strides = array<i32>} : memref<80x128xf32, #tpu.memory_space<vmem>>, vector<16xf32>,
          %parallel_loop3A_172 = arith.index_cast %parallel_loop3A_148 : i32 to index
          %parallel_loop3A_173 = arith.constant 48 : index
          %parallel_loop3A_174 = tpu.vector_load %arg13[%parallel_loop3A_172, %parallel_loop3A_173] {strides = array<i32>} : memref<80x128xf32, #tpu.memory_space<vmem>>, vector<16xf32>,
          %parallel_loop3A_175 = arith.mulf %parallel_loop3A_174, %parallel_loop3A_150 : vector<16xf32>
          %parallel_loop3A_176 = arith.index_cast %parallel_loop3A_148 : i32 to index
          %parallel_loop3A_177 = arith.constant 48 : index
          %parallel_loop3A_178 = tpu.vector_load %arg13[%parallel_loop3A_176, %parallel_loop3A_177] {strides = array<i32>} : memref<80x128xf32, #tpu.memory_space<vmem>>, vector<16xf32>,
          tpu.vector_store %arg13[%parallel_loop3A_176, %parallel_loop3A_177], %parallel_loop3A_175 {strides = array<i32>} : memref<80x128xf32, #tpu.memory_space<vmem>>, vector<16xf32>,
          %parallel_loop3A_179 = arith.index_cast %parallel_loop3A_148 : i32 to index
          %parallel_loop3A_180 = arith.constant 64 : index
          %parallel_loop3A_181 = tpu.vector_load %arg13[%parallel_loop3A_179, %parallel_loop3A_180] {strides = array<i32>} : memref<80x128xf32, #tpu.memory_space<vmem>>, vector<16xf32>,
          %parallel_loop3A_182 = arith.mulf %parallel_loop3A_181, %parallel_loop3A_150 : vector<16xf32>
          %parallel_loop3A_183 = arith.index_cast %parallel_loop3A_148 : i32 to index
          %parallel_loop3A_184 = arith.constant 64 : index
          %parallel_loop3A_185 = tpu.vector_load %arg13[%parallel_loop3A_183, %parallel_loop3A_184] {strides = array<i32>} : memref<80x128xf32, #tpu.memory_space<vmem>>, vector<16xf32>,
          tpu.vector_store %arg13[%parallel_loop3A_183, %parallel_loop3A_184], %parallel_loop3A_182 {strides = array<i32>} : memref<80x128xf32, #tpu.memory_space<vmem>>, vector<16xf32>,
          %parallel_loop3A_186 = arith.index_cast %parallel_loop3A_148 : i32 to index
          %parallel_loop3A_187 = arith.constant 80 : index
          %parallel_loop3A_188 = tpu.vector_load %arg13[%parallel_loop3A_186, %parallel_loop3A_187] {strides = array<i32>} : memref<80x128xf32, #tpu.memory_space<vmem>>, vector<16xf32>,
          %parallel_loop3A_189 = arith.mulf %parallel_loop3A_188, %parallel_loop3A_150 : vector<16xf32>
          %parallel_loop3A_190 = arith.index_cast %parallel_loop3A_148 : i32 to index
          %parallel_loop3A_191 = arith.constant 80 : index
          %parallel_loop3A_192 = tpu.vector_load %arg13[%parallel_loop3A_190, %parallel_loop3A_191] {strides = array<i32>} : memref<80x128xf32, #tpu.memory_space<vmem>>, vector<16xf32>,
          tpu.vector_store %arg13[%parallel_loop3A_190, %parallel_loop3A_191], %parallel_loop3A_189 {strides = array<i32>} : memref<80x128xf32, #tpu.memory_space<vmem>>, vector<16xf32>,
          %parallel_loop3A_193 = arith.index_cast %parallel_loop3A_148 : i32 to index
          %parallel_loop3A_194 = arith.constant 96 : index
          %parallel_loop3A_195 = tpu.vector_load %arg13[%parallel_loop3A_193, %parallel_loop3A_194] {strides = array<i32>} : memref<80x128xf32, #tpu.memory_space<vmem>>, vector<16xf32>,
          %parallel_loop3A_196 = arith.mulf %parallel_loop3A_195, %parallel_loop3A_150 : vector<16xf32>
          %parallel_loop3A_197 = arith.index_cast %parallel_loop3A_148 : i32 to index
          %parallel_loop3A_198 = arith.constant 96 : index
          %parallel_loop3A_199 = tpu.vector_load %arg13[%parallel_loop3A_197, %parallel_loop3A_198] {strides = array<i32>} : memref<80x128xf32, #tpu.memory_space<vmem>>, vector<16xf32>,
          tpu.vector_store %arg13[%parallel_loop3A_197, %parallel_loop3A_198], %parallel_loop3A_196 {strides = array<i32>} : memref<80x128xf32, #tpu.memory_space<vmem>>, vector<16xf32>,
          %parallel_loop3A_200 = arith.index_cast %parallel_loop3A_148 : i32 to index
          %parallel_loop3A_201 = arith.constant 112 : index
          %parallel_loop3A_202 = tpu.vector_load %arg13[%parallel_loop3A_200, %parallel_loop3A_201] {strides = array<i32>} : memref<80x128xf32, #tpu.memory_space<vmem>>, vector<16xf32>,
          %parallel_loop3A_203 = arith.mulf %parallel_loop3A_202, %parallel_loop3A_150 : vector<16xf32>
          %parallel_loop3A_204 = arith.index_cast %parallel_loop3A_148 : i32 to index
          %parallel_loop3A_205 = arith.constant 112 : index
          %parallel_loop3A_206 = tpu.vector_load %arg13[%parallel_loop3A_204, %parallel_loop3A_205] {strides = array<i32>} : memref<80x128xf32, #tpu.memory_space<vmem>>, vector<16xf32>,
          tpu.vector_store %arg13[%parallel_loop3A_204, %parallel_loop3A_205], %parallel_loop3A_203 {strides = array<i32>} : memref<80x128xf32, #tpu.memory_space<vmem>>, vector<16xf32>,
          %parallel_loop3A_207 = arith.constant 1 : i32
          %parallel_loop3A_208 = vector.broadcast %parallel_loop3A_207 : i32 to vector<16xi32>
          %parallel_loop3A_209 = arith.addi %parallel_loop3A_149, %parallel_loop3A_208 : vector<16xi32>
          scf.yield %parallel_loop3A_209 : vector<16xi32>
        } {sc.loop_unroll_factor = 8 : i64, sc.parallel_access}
        %not3A = arith.constant true
        %not3A_135 = arith.xori %eq3A_91, %not3A : i1
        %convert_element_type3A = arith.extui %not3A_135 : i1 to i32
        %cond3A = arith.constant 0 : i32
        %cond3A_136 = arith.cmpi ne, %convert_element_type3A, %cond3A : i32
        scf.if %cond3A_136 {
          %dma_wait3A_148 = arith.constant 0 : i32
          %dma_wait3A_149 = tpu.memref_slice %arg10[%mul3A_88, %dma_wait3A_148] : memref<32x80xi32, #tpu.memory_space<vmem>> -> memref<1x80xi32, #tpu.memory_space<vmem>>
          %dma_wait3A_150 = tpu.memref_squeeze %dma_wait3A_149 : memref<1x80xi32, #tpu.memory_space<vmem>> -> memref<80xi32, #tpu.memory_space<vmem>>
          %dma_wait3A_151 = arith.constant 0 : i32
          %dma_wait3A_152 = arith.constant 0 : i32
          %dma_wait3A_153 = tpu.memref_slice %arg14[%dma_wait3A_151, %dma_wait3A_152] : memref<10240x128xf32, #tpu.memory_space<vmem_shared>> -> memref<10240x128xf32, #tpu.memory_space<vmem_shared>>
          tpu.wait_indirect_dma semaphore(%arg17 : memref<!tpu.dma_semaphore, #tpu.memory_space<semaphore_mem>>) src(%arg12 : memref<80x128xf32, #tpu.memory_space<vmem>>) dst(%dma_wait3A_153 : memref<10240x128xf32, #tpu.memory_space<vmem_shared>>)
          %add3A_154 = arith.constant 2 : i32
          %add3A_155 = arith.addi %mul3A_88, %add3A_154 : i32
          %dma_start3A_156 = arith.constant 0 : i32
          %dma_start3A_157 = tpu.memref_slice %arg9[%add3A_155, %dma_start3A_156] : memref<32x80xi32, #tpu.memory_space<vmem>> -> memref<1x80xi32, #tpu.memory_space<vmem>>
          %dma_start3A_158 = tpu.memref_squeeze %dma_start3A_157 : memref<1x80xi32, #tpu.memory_space<vmem>> -> memref<80xi32, #tpu.memory_space<vmem>>
          %dma_start3A_159 = arith.constant 0 : i32
          %dma_start3A_160 = arith.constant 0 : i32
          %dma_start3A_161 = tpu.memref_slice %arg2[%dma_start3A_159, %dma_start3A_160] : memref<10240x128xf32, #tpu.memory_space<hbm>> -> memref<10240x128xf32, #tpu.memory_space<hbm>>
          tpu.enqueue_indirect_dma source(%dma_start3A_161 : memref<10240x128xf32, #tpu.memory_space<hbm>>) target(%arg12 : memref<80x128xf32, #tpu.memory_space<vmem>>) offsets(%dma_start3A_158 : memref<80xi32, #tpu.memory_space<vmem>>) semaphore(%arg15 : memref<!tpu.dma_semaphore, #tpu.memory_space<semaphore_mem>>)
        } else {
        }
        %dma_start3A_137 = arith.constant 0 : i32
        %dma_start3A_138 = tpu.memref_slice %arg10[%add3A_90, %dma_start3A_137] : memref<32x80xi32, #tpu.memory_space<vmem>> -> memref<1x80xi32, #tpu.memory_space<vmem>>
        %dma_start3A_139 = tpu.memref_squeeze %dma_start3A_138 : memref<1x80xi32, #tpu.memory_space<vmem>> -> memref<80xi32, #tpu.memory_space<vmem>>
        %dma_start3A_140 = arith.constant 0 : i32
        %dma_start3A_141 = arith.constant 0 : i32
        %dma_start3A_142 = tpu.memref_slice %arg14[%dma_start3A_140, %dma_start3A_141] : memref<10240x128xf32, #tpu.memory_space<vmem_shared>> -> memref<10240x128xf32, #tpu.memory_space<vmem_shared>>
        tpu.enqueue_indirect_dma source(%arg13 : memref<80x128xf32, #tpu.memory_space<vmem>>) target(%dma_start3A_142 : memref<10240x128xf32, #tpu.memory_space<vmem_shared>>) offsets(%dma_start3A_139 : memref<80xi32, #tpu.memory_space<vmem>>) semaphore(%arg18 : memref<!tpu.dma_semaphore, #tpu.memory_space<semaphore_mem>>) {add = true}
        %not3A_143 = arith.constant true
        %not3A_144 = arith.xori %eq3A_91, %not3A_143 : i1
        %convert_element_type3A_145 = arith.extui %not3A_144 : i1 to i32
        %cond3A_146 = arith.constant 0 : i32
        %cond3A_147 = arith.cmpi ne, %convert_element_type3A_145, %cond3A_146 : i32
        scf.if %cond3A_147 {
          %dma_wait3A_148 = arith.constant 0 : i32
          %dma_wait3A_149 = tpu.memref_slice %arg10[%add3A_90, %dma_wait3A_148] : memref<32x80xi32, #tpu.memory_space<vmem>> -> memref<1x80xi32, #tpu.memory_space<vmem>>
          %dma_wait3A_150 = tpu.memref_squeeze %dma_wait3A_149 : memref<1x80xi32, #tpu.memory_space<vmem>> -> memref<80xi32, #tpu.memory_space<vmem>>
          %dma_wait3A_151 = arith.constant 0 : i32
          %dma_wait3A_152 = arith.constant 0 : i32
          %dma_wait3A_153 = tpu.memref_slice %arg14[%dma_wait3A_151, %dma_wait3A_152] : memref<10240x128xf32, #tpu.memory_space<vmem_shared>> -> memref<10240x128xf32, #tpu.memory_space<vmem_shared>>
          tpu.wait_indirect_dma semaphore(%arg18 : memref<!tpu.dma_semaphore, #tpu.memory_space<semaphore_mem>>) src(%arg13 : memref<80x128xf32, #tpu.memory_space<vmem>>) dst(%dma_wait3A_153 : memref<10240x128xf32, #tpu.memory_space<vmem_shared>>)
          %add3A_154 = arith.constant 2 : i32
          %add3A_155 = arith.addi %add3A_90, %add3A_154 : i32
          %dma_start3A_156 = arith.constant 0 : i32
          %dma_start3A_157 = tpu.memref_slice %arg9[%add3A_155, %dma_start3A_156] : memref<32x80xi32, #tpu.memory_space<vmem>> -> memref<1x80xi32, #tpu.memory_space<vmem>>
          %dma_start3A_158 = tpu.memref_squeeze %dma_start3A_157 : memref<1x80xi32, #tpu.memory_space<vmem>> -> memref<80xi32, #tpu.memory_space<vmem>>
          %dma_start3A_159 = arith.constant 0 : i32
          %dma_start3A_160 = arith.constant 0 : i32
          %dma_start3A_161 = tpu.memref_slice %arg2[%dma_start3A_159, %dma_start3A_160] : memref<10240x128xf32, #tpu.memory_space<hbm>> -> memref<10240x128xf32, #tpu.memory_space<hbm>>
          tpu.enqueue_indirect_dma source(%dma_start3A_161 : memref<10240x128xf32, #tpu.memory_space<hbm>>) target(%arg13 : memref<80x128xf32, #tpu.memory_space<vmem>>) offsets(%dma_start3A_158 : memref<80xi32, #tpu.memory_space<vmem>>) semaphore(%arg16 : memref<!tpu.dma_semaphore, #tpu.memory_space<semaphore_mem>>)
        } else {
        }
      }
      %scan3A_72 = arith.constant 16 : i32
      %dma_wait3A = arith.constant 30 : i32
      %dma_wait3A_73 = arith.constant 0 : i32
      %dma_wait3A_74 = tpu.memref_slice %arg10[%dma_wait3A, %dma_wait3A_73] : memref<32x80xi32, #tpu.memory_space<vmem>> -> memref<1x80xi32, #tpu.memory_space<vmem>>
      %dma_wait3A_75 = tpu.memref_squeeze %dma_wait3A_74 : memref<1x80xi32, #tpu.memory_space<vmem>> -> memref<80xi32, #tpu.memory_space<vmem>>
      %dma_wait3A_76 = arith.constant 0 : i32
      %dma_wait3A_77 = arith.constant 0 : i32
      %dma_wait3A_78 = tpu.memref_slice %arg14[%dma_wait3A_76, %dma_wait3A_77] : memref<10240x128xf32, #tpu.memory_space<vmem_shared>> -> memref<10240x128xf32, #tpu.memory_space<vmem_shared>>
      tpu.wait_indirect_dma semaphore(%arg17 : memref<!tpu.dma_semaphore, #tpu.memory_space<semaphore_mem>>) src(%arg12 : memref<80x128xf32, #tpu.memory_space<vmem>>) dst(%dma_wait3A_78 : memref<10240x128xf32, #tpu.memory_space<vmem_shared>>)
      %dma_wait3A_79 = arith.constant 31 : i32
      %dma_wait3A_80 = arith.constant 0 : i32
      %dma_wait3A_81 = tpu.memref_slice %arg10[%dma_wait3A_79, %dma_wait3A_80] : memref<32x80xi32, #tpu.memory_space<vmem>> -> memref<1x80xi32, #tpu.memory_space<vmem>>
      %dma_wait3A_82 = tpu.memref_squeeze %dma_wait3A_81 : memref<1x80xi32, #tpu.memory_space<vmem>> -> memref<80xi32, #tpu.memory_space<vmem>>
      %dma_wait3A_83 = arith.constant 0 : i32
      %dma_wait3A_84 = arith.constant 0 : i32
      %dma_wait3A_85 = tpu.memref_slice %arg14[%dma_wait3A_83, %dma_wait3A_84] : memref<10240x128xf32, #tpu.memory_space<vmem_shared>> -> memref<10240x128xf32, #tpu.memory_space<vmem_shared>>
      tpu.wait_indirect_dma semaphore(%arg18 : memref<!tpu.dma_semaphore, #tpu.memory_space<semaphore_mem>>) src(%arg13 : memref<80x128xf32, #tpu.memory_space<vmem>>) dst(%dma_wait3A_85 : memref<10240x128xf32, #tpu.memory_space<vmem_shared>>)
    }
    %scan3A_43 = arith.constant 4 : i32
    %barrier3A_44 = arith.constant 0 : index
    tpu.barrier barrier_id(%barrier3A_44)
    %mul3A_45 = arith.constant 640 : i32
    %mul3A_46 = arith.muli %arg1, %mul3A_45 : i32
    %mul3A_47 = arith.constant 640 : i32
    %mul3A_48 = arith.muli %arg1, %mul3A_47 : i32
    "tpu.region"() ({
      %run_scoped3A = tpu.sem_alloc : memref<!tpu.dma_semaphore, #tpu.memory_space<semaphore_mem>>
      %dma_start3A = arith.constant 0 : i32
      %dma_start3A_49 = tpu.memref_slice %arg7[%arg0, %mul3A_48, %dma_start3A] : memref<2x10240x128xf32, #tpu.memory_space<hbm>> -> memref<1x640x128xf32, #tpu.memory_space<hbm>>
      %dma_start3A_50 = tpu.memref_squeeze %dma_start3A_49 : memref<1x640x128xf32, #tpu.memory_space<hbm>> -> memref<640x128xf32, #tpu.memory_space<hbm>>
      %dma_start3A_51 = arith.constant 0 : i32
      %dma_start3A_52 = tpu.memref_slice %arg14[%mul3A_46, %dma_start3A_51] : memref<10240x128xf32, #tpu.memory_space<vmem_shared>> -> memref<640x128xf32, #tpu.memory_space<vmem_shared>>
      tpu.enqueue_dma source(%dma_start3A_52 : memref<640x128xf32, #tpu.memory_space<vmem_shared>>) target(%dma_start3A_50 : memref<640x128xf32, #tpu.memory_space<hbm>>) target_semaphore(%run_scoped3A : memref<!tpu.dma_semaphore, #tpu.memory_space<semaphore_mem>>)
      %dma_wait3A = arith.constant 0 : i32
      %dma_wait3A_53 = tpu.memref_slice %arg7[%arg0, %mul3A_48, %dma_wait3A] : memref<2x10240x128xf32, #tpu.memory_space<hbm>> -> memref<1x640x128xf32, #tpu.memory_space<hbm>>
      %dma_wait3A_54 = tpu.memref_squeeze %dma_wait3A_53 : memref<1x640x128xf32, #tpu.memory_space<hbm>> -> memref<640x128xf32, #tpu.memory_space<hbm>>
      %dma_wait3A_55 = arith.constant 0 : i32
      %dma_wait3A_56 = tpu.memref_slice %arg14[%mul3A_46, %dma_wait3A_55] : memref<10240x128xf32, #tpu.memory_space<vmem_shared>> -> memref<640x128xf32, #tpu.memory_space<vmem_shared>>
      tpu.wait_dma2 semaphore(%run_scoped3A : memref<!tpu.dma_semaphore, #tpu.memory_space<semaphore_mem>>) src(%dma_wait3A_56 : memref<640x128xf32, #tpu.memory_space<vmem_shared>>) dst(%dma_wait3A_54 : memref<640x128xf32, #tpu.memory_space<hbm>>)
      tpu.yield
    }) : () -> ()
    return
  }
}

#map = affine_map<(d0, d1) -> (0, 0)>
#map1 = affine_map<(d0, d1) -> (0, 0, 0)>
module attributes {stable_mosaic.version = 14 : i64} {
  func.func @_agg2(%arg0: i32, %arg1: i32, %arg2: memref<10240x128xf32, #tpu.memory_space<hbm>>, %arg3: memref<10240x128xf32, #tpu.memory_space<hbm>>, %arg4: memref<4096x80xi32, #tpu.memory_space<hbm>>, %arg5: memref<4096x80xi32, #tpu.memory_space<hbm>>, %arg6: memref<4096x80xf32, #tpu.memory_space<hbm>>, %arg7: memref<2x10240x128xf32, #tpu.memory_space<hbm>>, %arg8: memref<32x80xi32, #tpu.memory_space<vmem>>, %arg9: memref<32x80xi32, #tpu.memory_space<vmem>>, %arg10: memref<32x80xf32, #tpu.memory_space<vmem>>, %arg11: memref<80x128xf32, #tpu.memory_space<vmem>>, %arg12: memref<80x128xf32, #tpu.memory_space<vmem>>, %arg13: memref<10240x128xf32, #tpu.memory_space<vmem_shared>>, %arg14: memref<!tpu.dma_semaphore, #tpu.memory_space<semaphore_mem>>, %arg15: memref<!tpu.dma_semaphore, #tpu.memory_space<semaphore_mem>>, %arg16: memref<!tpu.dma_semaphore, #tpu.memory_space<semaphore_mem>>, %arg17: memref<!tpu.dma_semaphore, #tpu.memory_space<semaphore_mem>>) attributes {dimension_semantics = [#tpu.dimension_semantics<core_parallel>, #tpu.dimension_semantics<subcore_parallel>], iteration_bounds = array<i64: 2, 16>, scalar_prefetch = 0 : i64, scratch_operands = 10 : i64, tpu.core_type = #tpu.core_type<sc_vector_subcore>, window_params = [{transform_indices = #map}, {transform_indices = #map}, {transform_indices = #map}, {transform_indices = #map}, {transform_indices = #map}, {transform_indices = #map1}]} {
    %scan3A = arith.constant 0 : i32
    %scan3A_0 = arith.constant 80 : i32
    %scan3A_1 = arith.addi %scan3A, %scan3A_0 : i32
    %scan3A_2 = arith.constant 1 : i32
    scf.for %scan3A_48 = %scan3A to %scan3A_1 step %scan3A_2  : i32 {
      %broadcast_in_dim3A = arith.constant 0.000000e+00 : f32
      %broadcast_in_dim3A_49 = vector.broadcast %broadcast_in_dim3A : f32 to vector<16xf32>
      %swap3A = arith.index_cast %scan3A_48 : i32 to index
      %swap3A_50 = arith.constant 0 : index
      %swap3A_51 = tpu.vector_load %arg11[%swap3A, %swap3A_50] {strides = array<i32>} : memref<80x128xf32, #tpu.memory_space<vmem>>, vector<16xf32>,
      tpu.vector_store %arg11[%swap3A, %swap3A_50], %broadcast_in_dim3A_49 {strides = array<i32>} : memref<80x128xf32, #tpu.memory_space<vmem>>, vector<16xf32>,
      %broadcast_in_dim3A_52 = arith.constant 0.000000e+00 : f32
      %broadcast_in_dim3A_53 = vector.broadcast %broadcast_in_dim3A_52 : f32 to vector<16xf32>
      %swap3A_54 = arith.index_cast %scan3A_48 : i32 to index
      %swap3A_55 = arith.constant 16 : index
      %swap3A_56 = tpu.vector_load %arg11[%swap3A_54, %swap3A_55] {strides = array<i32>} : memref<80x128xf32, #tpu.memory_space<vmem>>, vector<16xf32>,
      tpu.vector_store %arg11[%swap3A_54, %swap3A_55], %broadcast_in_dim3A_53 {strides = array<i32>} : memref<80x128xf32, #tpu.memory_space<vmem>>, vector<16xf32>,
      %broadcast_in_dim3A_57 = arith.constant 0.000000e+00 : f32
      %broadcast_in_dim3A_58 = vector.broadcast %broadcast_in_dim3A_57 : f32 to vector<16xf32>
      %swap3A_59 = arith.index_cast %scan3A_48 : i32 to index
      %swap3A_60 = arith.constant 32 : index
      %swap3A_61 = tpu.vector_load %arg11[%swap3A_59, %swap3A_60] {strides = array<i32>} : memref<80x128xf32, #tpu.memory_space<vmem>>, vector<16xf32>,
      tpu.vector_store %arg11[%swap3A_59, %swap3A_60], %broadcast_in_dim3A_58 {strides = array<i32>} : memref<80x128xf32, #tpu.memory_space<vmem>>, vector<16xf32>,
      %broadcast_in_dim3A_62 = arith.constant 0.000000e+00 : f32
      %broadcast_in_dim3A_63 = vector.broadcast %broadcast_in_dim3A_62 : f32 to vector<16xf32>
      %swap3A_64 = arith.index_cast %scan3A_48 : i32 to index
      %swap3A_65 = arith.constant 48 : index
      %swap3A_66 = tpu.vector_load %arg11[%swap3A_64, %swap3A_65] {strides = array<i32>} : memref<80x128xf32, #tpu.memory_space<vmem>>, vector<16xf32>,
      tpu.vector_store %arg11[%swap3A_64, %swap3A_65], %broadcast_in_dim3A_63 {strides = array<i32>} : memref<80x128xf32, #tpu.memory_space<vmem>>, vector<16xf32>,
      %broadcast_in_dim3A_67 = arith.constant 0.000000e+00 : f32
      %broadcast_in_dim3A_68 = vector.broadcast %broadcast_in_dim3A_67 : f32 to vector<16xf32>
      %swap3A_69 = arith.index_cast %scan3A_48 : i32 to index
      %swap3A_70 = arith.constant 64 : index
      %swap3A_71 = tpu.vector_load %arg11[%swap3A_69, %swap3A_70] {strides = array<i32>} : memref<80x128xf32, #tpu.memory_space<vmem>>, vector<16xf32>,
      tpu.vector_store %arg11[%swap3A_69, %swap3A_70], %broadcast_in_dim3A_68 {strides = array<i32>} : memref<80x128xf32, #tpu.memory_space<vmem>>, vector<16xf32>,
      %broadcast_in_dim3A_72 = arith.constant 0.000000e+00 : f32
      %broadcast_in_dim3A_73 = vector.broadcast %broadcast_in_dim3A_72 : f32 to vector<16xf32>
      %swap3A_74 = arith.index_cast %scan3A_48 : i32 to index
      %swap3A_75 = arith.constant 80 : index
      %swap3A_76 = tpu.vector_load %arg11[%swap3A_74, %swap3A_75] {strides = array<i32>} : memref<80x128xf32, #tpu.memory_space<vmem>>, vector<16xf32>,
      tpu.vector_store %arg11[%swap3A_74, %swap3A_75], %broadcast_in_dim3A_73 {strides = array<i32>} : memref<80x128xf32, #tpu.memory_space<vmem>>, vector<16xf32>,
      %broadcast_in_dim3A_77 = arith.constant 0.000000e+00 : f32
      %broadcast_in_dim3A_78 = vector.broadcast %broadcast_in_dim3A_77 : f32 to vector<16xf32>
      %swap3A_79 = arith.index_cast %scan3A_48 : i32 to index
      %swap3A_80 = arith.constant 96 : index
      %swap3A_81 = tpu.vector_load %arg11[%swap3A_79, %swap3A_80] {strides = array<i32>} : memref<80x128xf32, #tpu.memory_space<vmem>>, vector<16xf32>,
      tpu.vector_store %arg11[%swap3A_79, %swap3A_80], %broadcast_in_dim3A_78 {strides = array<i32>} : memref<80x128xf32, #tpu.memory_space<vmem>>, vector<16xf32>,
      %broadcast_in_dim3A_82 = arith.constant 0.000000e+00 : f32
      %broadcast_in_dim3A_83 = vector.broadcast %broadcast_in_dim3A_82 : f32 to vector<16xf32>
      %swap3A_84 = arith.index_cast %scan3A_48 : i32 to index
      %swap3A_85 = arith.constant 112 : index
      %swap3A_86 = tpu.vector_load %arg11[%swap3A_84, %swap3A_85] {strides = array<i32>} : memref<80x128xf32, #tpu.memory_space<vmem>>, vector<16xf32>,
      tpu.vector_store %arg11[%swap3A_84, %swap3A_85], %broadcast_in_dim3A_83 {strides = array<i32>} : memref<80x128xf32, #tpu.memory_space<vmem>>, vector<16xf32>,
    }
    %scan3A_3 = arith.constant 80 : i32
    %mul3A = arith.constant 640 : i32
    %mul3A_4 = arith.muli %arg1, %mul3A : i32
    %add3A = arith.constant 0 : i32
    %add3A_5 = arith.addi %mul3A_4, %add3A : i32
    "tpu.region"() ({
      %run_scoped3A = tpu.sem_alloc : memref<!tpu.dma_semaphore, #tpu.memory_space<semaphore_mem>>
      %dma_start3A = arith.constant 0 : i32
      %dma_start3A_48 = tpu.memref_slice %arg13[%add3A_5, %dma_start3A] : memref<10240x128xf32, #tpu.memory_space<vmem_shared>> -> memref<80x128xf32, #tpu.memory_space<vmem_shared>>
      %dma_start3A_49 = arith.constant 0 : i32
      %dma_start3A_50 = tpu.memref_slice %arg13[%add3A_5, %dma_start3A_49] : memref<10240x128xf32, #tpu.memory_space<vmem_shared>> -> memref<80x128xf32, #tpu.memory_space<vmem_shared>>
      tpu.enqueue_dma source(%arg11 : memref<80x128xf32, #tpu.memory_space<vmem>>) target(%dma_start3A_50 : memref<80x128xf32, #tpu.memory_space<vmem_shared>>) target_semaphore(%run_scoped3A : memref<!tpu.dma_semaphore, #tpu.memory_space<semaphore_mem>>)
      %dma_wait3A = arith.constant 0 : i32
      %dma_wait3A_51 = tpu.memref_slice %arg13[%add3A_5, %dma_wait3A] : memref<10240x128xf32, #tpu.memory_space<vmem_shared>> -> memref<80x128xf32, #tpu.memory_space<vmem_shared>>
      %dma_wait3A_52 = arith.constant 0 : i32
      %dma_wait3A_53 = tpu.memref_slice %arg13[%add3A_5, %dma_wait3A_52] : memref<10240x128xf32, #tpu.memory_space<vmem_shared>> -> memref<80x128xf32, #tpu.memory_space<vmem_shared>>
      tpu.wait_dma2 semaphore(%run_scoped3A : memref<!tpu.dma_semaphore, #tpu.memory_space<semaphore_mem>>) src(%arg11 : memref<80x128xf32, #tpu.memory_space<vmem>>) dst(%dma_wait3A_53 : memref<80x128xf32, #tpu.memory_space<vmem_shared>>)
      tpu.yield
    }) : () -> ()
    %mul3A_6 = arith.constant 640 : i32
    %mul3A_7 = arith.muli %arg1, %mul3A_6 : i32
    %add3A_8 = arith.constant 80 : i32
    %add3A_9 = arith.addi %mul3A_7, %add3A_8 : i32
    "tpu.region"() ({
      %run_scoped3A = tpu.sem_alloc : memref<!tpu.dma_semaphore, #tpu.memory_space<semaphore_mem>>
      %dma_start3A = arith.constant 0 : i32
      %dma_start3A_48 = tpu.memref_slice %arg13[%add3A_9, %dma_start3A] : memref<10240x128xf32, #tpu.memory_space<vmem_shared>> -> memref<80x128xf32, #tpu.memory_space<vmem_shared>>
      %dma_start3A_49 = arith.constant 0 : i32
      %dma_start3A_50 = tpu.memref_slice %arg13[%add3A_9, %dma_start3A_49] : memref<10240x128xf32, #tpu.memory_space<vmem_shared>> -> memref<80x128xf32, #tpu.memory_space<vmem_shared>>
      tpu.enqueue_dma source(%arg11 : memref<80x128xf32, #tpu.memory_space<vmem>>) target(%dma_start3A_50 : memref<80x128xf32, #tpu.memory_space<vmem_shared>>) target_semaphore(%run_scoped3A : memref<!tpu.dma_semaphore, #tpu.memory_space<semaphore_mem>>)
      %dma_wait3A = arith.constant 0 : i32
      %dma_wait3A_51 = tpu.memref_slice %arg13[%add3A_9, %dma_wait3A] : memref<10240x128xf32, #tpu.memory_space<vmem_shared>> -> memref<80x128xf32, #tpu.memory_space<vmem_shared>>
      %dma_wait3A_52 = arith.constant 0 : i32
      %dma_wait3A_53 = tpu.memref_slice %arg13[%add3A_9, %dma_wait3A_52] : memref<10240x128xf32, #tpu.memory_space<vmem_shared>> -> memref<80x128xf32, #tpu.memory_space<vmem_shared>>
      tpu.wait_dma2 semaphore(%run_scoped3A : memref<!tpu.dma_semaphore, #tpu.memory_space<semaphore_mem>>) src(%arg11 : memref<80x128xf32, #tpu.memory_space<vmem>>) dst(%dma_wait3A_53 : memref<80x128xf32, #tpu.memory_space<vmem_shared>>)
      tpu.yield
    }) : () -> ()
    %mul3A_10 = arith.constant 640 : i32
    %mul3A_11 = arith.muli %arg1, %mul3A_10 : i32
    %add3A_12 = arith.constant 160 : i32
    %add3A_13 = arith.addi %mul3A_11, %add3A_12 : i32
    "tpu.region"() ({
      %run_scoped3A = tpu.sem_alloc : memref<!tpu.dma_semaphore, #tpu.memory_space<semaphore_mem>>
      %dma_start3A = arith.constant 0 : i32
      %dma_start3A_48 = tpu.memref_slice %arg13[%add3A_13, %dma_start3A] : memref<10240x128xf32, #tpu.memory_space<vmem_shared>> -> memref<80x128xf32, #tpu.memory_space<vmem_shared>>
      %dma_start3A_49 = arith.constant 0 : i32
      %dma_start3A_50 = tpu.memref_slice %arg13[%add3A_13, %dma_start3A_49] : memref<10240x128xf32, #tpu.memory_space<vmem_shared>> -> memref<80x128xf32, #tpu.memory_space<vmem_shared>>
      tpu.enqueue_dma source(%arg11 : memref<80x128xf32, #tpu.memory_space<vmem>>) target(%dma_start3A_50 : memref<80x128xf32, #tpu.memory_space<vmem_shared>>) target_semaphore(%run_scoped3A : memref<!tpu.dma_semaphore, #tpu.memory_space<semaphore_mem>>)
      %dma_wait3A = arith.constant 0 : i32
      %dma_wait3A_51 = tpu.memref_slice %arg13[%add3A_13, %dma_wait3A] : memref<10240x128xf32, #tpu.memory_space<vmem_shared>> -> memref<80x128xf32, #tpu.memory_space<vmem_shared>>
      %dma_wait3A_52 = arith.constant 0 : i32
      %dma_wait3A_53 = tpu.memref_slice %arg13[%add3A_13, %dma_wait3A_52] : memref<10240x128xf32, #tpu.memory_space<vmem_shared>> -> memref<80x128xf32, #tpu.memory_space<vmem_shared>>
      tpu.wait_dma2 semaphore(%run_scoped3A : memref<!tpu.dma_semaphore, #tpu.memory_space<semaphore_mem>>) src(%arg11 : memref<80x128xf32, #tpu.memory_space<vmem>>) dst(%dma_wait3A_53 : memref<80x128xf32, #tpu.memory_space<vmem_shared>>)
      tpu.yield
    }) : () -> ()
    %mul3A_14 = arith.constant 640 : i32
    %mul3A_15 = arith.muli %arg1, %mul3A_14 : i32
    %add3A_16 = arith.constant 240 : i32
    %add3A_17 = arith.addi %mul3A_15, %add3A_16 : i32
    "tpu.region"() ({
      %run_scoped3A = tpu.sem_alloc : memref<!tpu.dma_semaphore, #tpu.memory_space<semaphore_mem>>
      %dma_start3A = arith.constant 0 : i32
      %dma_start3A_48 = tpu.memref_slice %arg13[%add3A_17, %dma_start3A] : memref<10240x128xf32, #tpu.memory_space<vmem_shared>> -> memref<80x128xf32, #tpu.memory_space<vmem_shared>>
      %dma_start3A_49 = arith.constant 0 : i32
      %dma_start3A_50 = tpu.memref_slice %arg13[%add3A_17, %dma_start3A_49] : memref<10240x128xf32, #tpu.memory_space<vmem_shared>> -> memref<80x128xf32, #tpu.memory_space<vmem_shared>>
      tpu.enqueue_dma source(%arg11 : memref<80x128xf32, #tpu.memory_space<vmem>>) target(%dma_start3A_50 : memref<80x128xf32, #tpu.memory_space<vmem_shared>>) target_semaphore(%run_scoped3A : memref<!tpu.dma_semaphore, #tpu.memory_space<semaphore_mem>>)
      %dma_wait3A = arith.constant 0 : i32
      %dma_wait3A_51 = tpu.memref_slice %arg13[%add3A_17, %dma_wait3A] : memref<10240x128xf32, #tpu.memory_space<vmem_shared>> -> memref<80x128xf32, #tpu.memory_space<vmem_shared>>
      %dma_wait3A_52 = arith.constant 0 : i32
      %dma_wait3A_53 = tpu.memref_slice %arg13[%add3A_17, %dma_wait3A_52] : memref<10240x128xf32, #tpu.memory_space<vmem_shared>> -> memref<80x128xf32, #tpu.memory_space<vmem_shared>>
      tpu.wait_dma2 semaphore(%run_scoped3A : memref<!tpu.dma_semaphore, #tpu.memory_space<semaphore_mem>>) src(%arg11 : memref<80x128xf32, #tpu.memory_space<vmem>>) dst(%dma_wait3A_53 : memref<80x128xf32, #tpu.memory_space<vmem_shared>>)
      tpu.yield
    }) : () -> ()
    %mul3A_18 = arith.constant 640 : i32
    %mul3A_19 = arith.muli %arg1, %mul3A_18 : i32
    %add3A_20 = arith.constant 320 : i32
    %add3A_21 = arith.addi %mul3A_19, %add3A_20 : i32
    "tpu.region"() ({
      %run_scoped3A = tpu.sem_alloc : memref<!tpu.dma_semaphore, #tpu.memory_space<semaphore_mem>>
      %dma_start3A = arith.constant 0 : i32
      %dma_start3A_48 = tpu.memref_slice %arg13[%add3A_21, %dma_start3A] : memref<10240x128xf32, #tpu.memory_space<vmem_shared>> -> memref<80x128xf32, #tpu.memory_space<vmem_shared>>
      %dma_start3A_49 = arith.constant 0 : i32
      %dma_start3A_50 = tpu.memref_slice %arg13[%add3A_21, %dma_start3A_49] : memref<10240x128xf32, #tpu.memory_space<vmem_shared>> -> memref<80x128xf32, #tpu.memory_space<vmem_shared>>
      tpu.enqueue_dma source(%arg11 : memref<80x128xf32, #tpu.memory_space<vmem>>) target(%dma_start3A_50 : memref<80x128xf32, #tpu.memory_space<vmem_shared>>) target_semaphore(%run_scoped3A : memref<!tpu.dma_semaphore, #tpu.memory_space<semaphore_mem>>)
      %dma_wait3A = arith.constant 0 : i32
      %dma_wait3A_51 = tpu.memref_slice %arg13[%add3A_21, %dma_wait3A] : memref<10240x128xf32, #tpu.memory_space<vmem_shared>> -> memref<80x128xf32, #tpu.memory_space<vmem_shared>>
      %dma_wait3A_52 = arith.constant 0 : i32
      %dma_wait3A_53 = tpu.memref_slice %arg13[%add3A_21, %dma_wait3A_52] : memref<10240x128xf32, #tpu.memory_space<vmem_shared>> -> memref<80x128xf32, #tpu.memory_space<vmem_shared>>
      tpu.wait_dma2 semaphore(%run_scoped3A : memref<!tpu.dma_semaphore, #tpu.memory_space<semaphore_mem>>) src(%arg11 : memref<80x128xf32, #tpu.memory_space<vmem>>) dst(%dma_wait3A_53 : memref<80x128xf32, #tpu.memory_space<vmem_shared>>)
      tpu.yield
    }) : () -> ()
    %mul3A_22 = arith.constant 640 : i32
    %mul3A_23 = arith.muli %arg1, %mul3A_22 : i32
    %add3A_24 = arith.constant 400 : i32
    %add3A_25 = arith.addi %mul3A_23, %add3A_24 : i32
    "tpu.region"() ({
      %run_scoped3A = tpu.sem_alloc : memref<!tpu.dma_semaphore, #tpu.memory_space<semaphore_mem>>
      %dma_start3A = arith.constant 0 : i32
      %dma_start3A_48 = tpu.memref_slice %arg13[%add3A_25, %dma_start3A] : memref<10240x128xf32, #tpu.memory_space<vmem_shared>> -> memref<80x128xf32, #tpu.memory_space<vmem_shared>>
      %dma_start3A_49 = arith.constant 0 : i32
      %dma_start3A_50 = tpu.memref_slice %arg13[%add3A_25, %dma_start3A_49] : memref<10240x128xf32, #tpu.memory_space<vmem_shared>> -> memref<80x128xf32, #tpu.memory_space<vmem_shared>>
      tpu.enqueue_dma source(%arg11 : memref<80x128xf32, #tpu.memory_space<vmem>>) target(%dma_start3A_50 : memref<80x128xf32, #tpu.memory_space<vmem_shared>>) target_semaphore(%run_scoped3A : memref<!tpu.dma_semaphore, #tpu.memory_space<semaphore_mem>>)
      %dma_wait3A = arith.constant 0 : i32
      %dma_wait3A_51 = tpu.memref_slice %arg13[%add3A_25, %dma_wait3A] : memref<10240x128xf32, #tpu.memory_space<vmem_shared>> -> memref<80x128xf32, #tpu.memory_space<vmem_shared>>
      %dma_wait3A_52 = arith.constant 0 : i32
      %dma_wait3A_53 = tpu.memref_slice %arg13[%add3A_25, %dma_wait3A_52] : memref<10240x128xf32, #tpu.memory_space<vmem_shared>> -> memref<80x128xf32, #tpu.memory_space<vmem_shared>>
      tpu.wait_dma2 semaphore(%run_scoped3A : memref<!tpu.dma_semaphore, #tpu.memory_space<semaphore_mem>>) src(%arg11 : memref<80x128xf32, #tpu.memory_space<vmem>>) dst(%dma_wait3A_53 : memref<80x128xf32, #tpu.memory_space<vmem_shared>>)
      tpu.yield
    }) : () -> ()
    %mul3A_26 = arith.constant 640 : i32
    %mul3A_27 = arith.muli %arg1, %mul3A_26 : i32
    %add3A_28 = arith.constant 480 : i32
    %add3A_29 = arith.addi %mul3A_27, %add3A_28 : i32
    "tpu.region"() ({
      %run_scoped3A = tpu.sem_alloc : memref<!tpu.dma_semaphore, #tpu.memory_space<semaphore_mem>>
      %dma_start3A = arith.constant 0 : i32
      %dma_start3A_48 = tpu.memref_slice %arg13[%add3A_29, %dma_start3A] : memref<10240x128xf32, #tpu.memory_space<vmem_shared>> -> memref<80x128xf32, #tpu.memory_space<vmem_shared>>
      %dma_start3A_49 = arith.constant 0 : i32
      %dma_start3A_50 = tpu.memref_slice %arg13[%add3A_29, %dma_start3A_49] : memref<10240x128xf32, #tpu.memory_space<vmem_shared>> -> memref<80x128xf32, #tpu.memory_space<vmem_shared>>
      tpu.enqueue_dma source(%arg11 : memref<80x128xf32, #tpu.memory_space<vmem>>) target(%dma_start3A_50 : memref<80x128xf32, #tpu.memory_space<vmem_shared>>) target_semaphore(%run_scoped3A : memref<!tpu.dma_semaphore, #tpu.memory_space<semaphore_mem>>)
      %dma_wait3A = arith.constant 0 : i32
      %dma_wait3A_51 = tpu.memref_slice %arg13[%add3A_29, %dma_wait3A] : memref<10240x128xf32, #tpu.memory_space<vmem_shared>> -> memref<80x128xf32, #tpu.memory_space<vmem_shared>>
      %dma_wait3A_52 = arith.constant 0 : i32
      %dma_wait3A_53 = tpu.memref_slice %arg13[%add3A_29, %dma_wait3A_52] : memref<10240x128xf32, #tpu.memory_space<vmem_shared>> -> memref<80x128xf32, #tpu.memory_space<vmem_shared>>
      tpu.wait_dma2 semaphore(%run_scoped3A : memref<!tpu.dma_semaphore, #tpu.memory_space<semaphore_mem>>) src(%arg11 : memref<80x128xf32, #tpu.memory_space<vmem>>) dst(%dma_wait3A_53 : memref<80x128xf32, #tpu.memory_space<vmem_shared>>)
      tpu.yield
    }) : () -> ()
    %mul3A_30 = arith.constant 640 : i32
    %mul3A_31 = arith.muli %arg1, %mul3A_30 : i32
    %add3A_32 = arith.constant 560 : i32
    %add3A_33 = arith.addi %mul3A_31, %add3A_32 : i32
    "tpu.region"() ({
      %run_scoped3A = tpu.sem_alloc : memref<!tpu.dma_semaphore, #tpu.memory_space<semaphore_mem>>
      %dma_start3A = arith.constant 0 : i32
      %dma_start3A_48 = tpu.memref_slice %arg13[%add3A_33, %dma_start3A] : memref<10240x128xf32, #tpu.memory_space<vmem_shared>> -> memref<80x128xf32, #tpu.memory_space<vmem_shared>>
      %dma_start3A_49 = arith.constant 0 : i32
      %dma_start3A_50 = tpu.memref_slice %arg13[%add3A_33, %dma_start3A_49] : memref<10240x128xf32, #tpu.memory_space<vmem_shared>> -> memref<80x128xf32, #tpu.memory_space<vmem_shared>>
      tpu.enqueue_dma source(%arg11 : memref<80x128xf32, #tpu.memory_space<vmem>>) target(%dma_start3A_50 : memref<80x128xf32, #tpu.memory_space<vmem_shared>>) target_semaphore(%run_scoped3A : memref<!tpu.dma_semaphore, #tpu.memory_space<semaphore_mem>>)
      %dma_wait3A = arith.constant 0 : i32
      %dma_wait3A_51 = tpu.memref_slice %arg13[%add3A_33, %dma_wait3A] : memref<10240x128xf32, #tpu.memory_space<vmem_shared>> -> memref<80x128xf32, #tpu.memory_space<vmem_shared>>
      %dma_wait3A_52 = arith.constant 0 : i32
      %dma_wait3A_53 = tpu.memref_slice %arg13[%add3A_33, %dma_wait3A_52] : memref<10240x128xf32, #tpu.memory_space<vmem_shared>> -> memref<80x128xf32, #tpu.memory_space<vmem_shared>>
      tpu.wait_dma2 semaphore(%run_scoped3A : memref<!tpu.dma_semaphore, #tpu.memory_space<semaphore_mem>>) src(%arg11 : memref<80x128xf32, #tpu.memory_space<vmem>>) dst(%dma_wait3A_53 : memref<80x128xf32, #tpu.memory_space<vmem_shared>>)
      tpu.yield
    }) : () -> ()
    %barrier3A = arith.constant 0 : index
    tpu.barrier barrier_id(%barrier3A)
    %mul3A_34 = arith.constant 256 : i32
    %mul3A_35 = arith.muli %arg1, %mul3A_34 : i32
    %eq3A = arith.constant 0 : i32
    %eq3A_36 = arith.cmpi eq, %arg0, %eq3A : i32
    %convert_element_type3A = arith.extui %eq3A_36 : i1 to i32
    %cond3A = arith.constant 0 : i32
    %cond3A_37 = arith.cmpi ne, %convert_element_type3A, %cond3A : i32
    scf.if %cond3A_37 {
      %scan3A_48 = arith.constant 0 : i32
      %scan3A_49 = arith.constant 8 : i32
      %scan3A_50 = arith.addi %scan3A_48, %scan3A_49 : i32
      %scan3A_51 = arith.constant 1 : i32
      scf.for %scan3A_53 = %scan3A_48 to %scan3A_50 step %scan3A_51  : i32 {
        %mul3A_54 = arith.constant 32 : i32
        %mul3A_55 = arith.muli %scan3A_53, %mul3A_54 : i32
        %add3A_56 = arith.addi %mul3A_35, %mul3A_55 : i32
        "tpu.region"() ({
          %run_scoped3A = tpu.sem_alloc : memref<!tpu.dma_semaphore, #tpu.memory_space<semaphore_mem>>
          %dma_start3A_88 = arith.constant 0 : i32
          %dma_start3A_89 = tpu.memref_slice %arg4[%add3A_56, %dma_start3A_88] : memref<4096x80xi32, #tpu.memory_space<hbm>> -> memref<32x80xi32, #tpu.memory_space<hbm>>
          %dma_start3A_90 = arith.constant 0 : i32
          %dma_start3A_91 = tpu.memref_slice %arg4[%add3A_56, %dma_start3A_90] : memref<4096x80xi32, #tpu.memory_space<hbm>> -> memref<32x80xi32, #tpu.memory_space<hbm>>
          tpu.enqueue_dma source(%dma_start3A_91 : memref<32x80xi32, #tpu.memory_space<hbm>>) target(%arg8 : memref<32x80xi32, #tpu.memory_space<vmem>>) target_semaphore(%run_scoped3A : memref<!tpu.dma_semaphore, #tpu.memory_space<semaphore_mem>>)
          %dma_wait3A_92 = arith.constant 0 : i32
          %dma_wait3A_93 = tpu.memref_slice %arg4[%add3A_56, %dma_wait3A_92] : memref<4096x80xi32, #tpu.memory_space<hbm>> -> memref<32x80xi32, #tpu.memory_space<hbm>>
          %dma_wait3A_94 = arith.constant 0 : i32
          %dma_wait3A_95 = tpu.memref_slice %arg4[%add3A_56, %dma_wait3A_94] : memref<4096x80xi32, #tpu.memory_space<hbm>> -> memref<32x80xi32, #tpu.memory_space<hbm>>
          tpu.wait_dma2 semaphore(%run_scoped3A : memref<!tpu.dma_semaphore, #tpu.memory_space<semaphore_mem>>) src(%dma_wait3A_95 : memref<32x80xi32, #tpu.memory_space<hbm>>) dst(%arg8 : memref<32x80xi32, #tpu.memory_space<vmem>>)
          tpu.yield
        }) : () -> ()
        "tpu.region"() ({
          %run_scoped3A = tpu.sem_alloc : memref<!tpu.dma_semaphore, #tpu.memory_space<semaphore_mem>>
          %dma_start3A_88 = arith.constant 0 : i32
          %dma_start3A_89 = tpu.memref_slice %arg5[%add3A_56, %dma_start3A_88] : memref<4096x80xi32, #tpu.memory_space<hbm>> -> memref<32x80xi32, #tpu.memory_space<hbm>>
          %dma_start3A_90 = arith.constant 0 : i32
          %dma_start3A_91 = tpu.memref_slice %arg5[%add3A_56, %dma_start3A_90] : memref<4096x80xi32, #tpu.memory_space<hbm>> -> memref<32x80xi32, #tpu.memory_space<hbm>>
          tpu.enqueue_dma source(%dma_start3A_91 : memref<32x80xi32, #tpu.memory_space<hbm>>) target(%arg9 : memref<32x80xi32, #tpu.memory_space<vmem>>) target_semaphore(%run_scoped3A : memref<!tpu.dma_semaphore, #tpu.memory_space<semaphore_mem>>)
          %dma_wait3A_92 = arith.constant 0 : i32
          %dma_wait3A_93 = tpu.memref_slice %arg5[%add3A_56, %dma_wait3A_92] : memref<4096x80xi32, #tpu.memory_space<hbm>> -> memref<32x80xi32, #tpu.memory_space<hbm>>
          %dma_wait3A_94 = arith.constant 0 : i32
          %dma_wait3A_95 = tpu.memref_slice %arg5[%add3A_56, %dma_wait3A_94] : memref<4096x80xi32, #tpu.memory_space<hbm>> -> memref<32x80xi32, #tpu.memory_space<hbm>>
          tpu.wait_dma2 semaphore(%run_scoped3A : memref<!tpu.dma_semaphore, #tpu.memory_space<semaphore_mem>>) src(%dma_wait3A_95 : memref<32x80xi32, #tpu.memory_space<hbm>>) dst(%arg9 : memref<32x80xi32, #tpu.memory_space<vmem>>)
          tpu.yield
        }) : () -> ()
        "tpu.region"() ({
          %run_scoped3A = tpu.sem_alloc : memref<!tpu.dma_semaphore, #tpu.memory_space<semaphore_mem>>
          %dma_start3A_88 = arith.constant 0 : i32
          %dma_start3A_89 = tpu.memref_slice %arg6[%add3A_56, %dma_start3A_88] : memref<4096x80xf32, #tpu.memory_space<hbm>> -> memref<32x80xf32, #tpu.memory_space<hbm>>
          %dma_start3A_90 = arith.constant 0 : i32
          %dma_start3A_91 = tpu.memref_slice %arg6[%add3A_56, %dma_start3A_90] : memref<4096x80xf32, #tpu.memory_space<hbm>> -> memref<32x80xf32, #tpu.memory_space<hbm>>
          tpu.enqueue_dma source(%dma_start3A_91 : memref<32x80xf32, #tpu.memory_space<hbm>>) target(%arg10 : memref<32x80xf32, #tpu.memory_space<vmem>>) target_semaphore(%run_scoped3A : memref<!tpu.dma_semaphore, #tpu.memory_space<semaphore_mem>>)
          %dma_wait3A_92 = arith.constant 0 : i32
          %dma_wait3A_93 = tpu.memref_slice %arg6[%add3A_56, %dma_wait3A_92] : memref<4096x80xf32, #tpu.memory_space<hbm>> -> memref<32x80xf32, #tpu.memory_space<hbm>>
          %dma_wait3A_94 = arith.constant 0 : i32
          %dma_wait3A_95 = tpu.memref_slice %arg6[%add3A_56, %dma_wait3A_94] : memref<4096x80xf32, #tpu.memory_space<hbm>> -> memref<32x80xf32, #tpu.memory_space<hbm>>
          tpu.wait_dma2 semaphore(%run_scoped3A : memref<!tpu.dma_semaphore, #tpu.memory_space<semaphore_mem>>) src(%dma_wait3A_95 : memref<32x80xf32, #tpu.memory_space<hbm>>) dst(%arg10 : memref<32x80xf32, #tpu.memory_space<vmem>>)
          tpu.yield
        }) : () -> ()
        %dma_start3A = arith.constant 0 : i32
        %dma_start3A_57 = arith.constant 0 : i32
        %dma_start3A_58 = tpu.memref_slice %arg8[%dma_start3A, %dma_start3A_57] : memref<32x80xi32, #tpu.memory_space<vmem>> -> memref<1x80xi32, #tpu.memory_space<vmem>>
        %dma_start3A_59 = tpu.memref_squeeze %dma_start3A_58 : memref<1x80xi32, #tpu.memory_space<vmem>> -> memref<80xi32, #tpu.memory_space<vmem>>
        %dma_start3A_60 = arith.constant 0 : i32
        %dma_start3A_61 = arith.constant 0 : i32
        %dma_start3A_62 = tpu.memref_slice %arg2[%dma_start3A_60, %dma_start3A_61] : memref<10240x128xf32, #tpu.memory_space<hbm>> -> memref<10240x128xf32, #tpu.memory_space<hbm>>
        tpu.enqueue_indirect_dma source(%dma_start3A_62 : memref<10240x128xf32, #tpu.memory_space<hbm>>) target(%arg11 : memref<80x128xf32, #tpu.memory_space<vmem>>) offsets(%dma_start3A_59 : memref<80xi32, #tpu.memory_space<vmem>>) semaphore(%arg14 : memref<!tpu.dma_semaphore, #tpu.memory_space<semaphore_mem>>)
        %dma_start3A_63 = arith.constant 1 : i32
        %dma_start3A_64 = arith.constant 0 : i32
        %dma_start3A_65 = tpu.memref_slice %arg8[%dma_start3A_63, %dma_start3A_64] : memref<32x80xi32, #tpu.memory_space<vmem>> -> memref<1x80xi32, #tpu.memory_space<vmem>>
        %dma_start3A_66 = tpu.memref_squeeze %dma_start3A_65 : memref<1x80xi32, #tpu.memory_space<vmem>> -> memref<80xi32, #tpu.memory_space<vmem>>
        %dma_start3A_67 = arith.constant 0 : i32
        %dma_start3A_68 = arith.constant 0 : i32
        %dma_start3A_69 = tpu.memref_slice %arg2[%dma_start3A_67, %dma_start3A_68] : memref<10240x128xf32, #tpu.memory_space<hbm>> -> memref<10240x128xf32, #tpu.memory_space<hbm>>
        tpu.enqueue_indirect_dma source(%dma_start3A_69 : memref<10240x128xf32, #tpu.memory_space<hbm>>) target(%arg12 : memref<80x128xf32, #tpu.memory_space<vmem>>) offsets(%dma_start3A_66 : memref<80xi32, #tpu.memory_space<vmem>>) semaphore(%arg15 : memref<!tpu.dma_semaphore, #tpu.memory_space<semaphore_mem>>)
        %scan3A_70 = arith.constant 0 : i32
        %scan3A_71 = arith.constant 16 : i32
        %scan3A_72 = arith.addi %scan3A_70, %scan3A_71 : i32
        %scan3A_73 = arith.constant 1 : i32
        scf.for %scan3A_88 = %scan3A_70 to %scan3A_72 step %scan3A_73  : i32 {
          %mul3A_89 = arith.constant 2 : i32
          %mul3A_90 = arith.muli %mul3A_89, %scan3A_88 : i32
          %add3A_91 = arith.constant 1 : i32
          %add3A_92 = arith.addi %mul3A_90, %add3A_91 : i32
          %eq3A_93 = arith.constant 15 : i32
          %eq3A_94 = arith.cmpi eq, %scan3A_88, %eq3A_93 : i32
          %dma_wait3A_95 = arith.constant 0 : i32
          %dma_wait3A_96 = tpu.memref_slice %arg8[%mul3A_90, %dma_wait3A_95] : memref<32x80xi32, #tpu.memory_space<vmem>> -> memref<1x80xi32, #tpu.memory_space<vmem>>
          %dma_wait3A_97 = tpu.memref_squeeze %dma_wait3A_96 : memref<1x80xi32, #tpu.memory_space<vmem>> -> memref<80xi32, #tpu.memory_space<vmem>>
          %dma_wait3A_98 = arith.constant 0 : i32
          %dma_wait3A_99 = arith.constant 0 : i32
          %dma_wait3A_100 = tpu.memref_slice %arg2[%dma_wait3A_98, %dma_wait3A_99] : memref<10240x128xf32, #tpu.memory_space<hbm>> -> memref<10240x128xf32, #tpu.memory_space<hbm>>
          tpu.wait_indirect_dma semaphore(%arg14 : memref<!tpu.dma_semaphore, #tpu.memory_space<semaphore_mem>>) src(%dma_wait3A_100 : memref<10240x128xf32, #tpu.memory_space<hbm>>) dst(%arg11 : memref<80x128xf32, #tpu.memory_space<vmem>>)
          %broadcast_in_dim3A = arith.constant 0 : i32
          %broadcast_in_dim3A_101 = vector.broadcast %broadcast_in_dim3A : i32 to vector<16xi32>
          %add3A_102 = vector.broadcast %mul3A_90 : i32 to vector<16xi32>
          %add3A_103 = arith.addi %broadcast_in_dim3A_101, %add3A_102 : vector<16xi32>
          %broadcast_in_dim3A_104 = arith.constant 0 : i32
          %broadcast_in_dim3A_105 = vector.broadcast %broadcast_in_dim3A_104 : i32 to vector<16xi32>
          %add3A_106 = arith.constant 0 : i32
          %add3A_107 = vector.broadcast %add3A_106 : i32 to vector<16xi32>
          %add3A_108 = arith.addi %broadcast_in_dim3A_105, %add3A_107 : vector<16xi32>
          %parallel_loop3A = arith.constant 0 : i32
          %parallel_loop3A_109 = arith.constant 80 : i32
          %parallel_loop3A_110 = arith.constant 1 : i32
          %parallel_loop3A_111 = scf.for %parallel_loop3A_152 = %parallel_loop3A to %parallel_loop3A_109 step %parallel_loop3A_110 iter_args(%parallel_loop3A_153 = %add3A_108) -> (vector<16xi32>)  : i32 {
            %parallel_loop3A_154 = tpu.vector_load_idx %arg10[%add3A_103, %parallel_loop3A_153] : memref<32x80xf32, #tpu.memory_space<vmem>>[vector<16xi32>, vector<16xi32>], vector<16xf32>,
            %parallel_loop3A_155 = arith.index_cast %parallel_loop3A_152 : i32 to index
            %parallel_loop3A_156 = arith.constant 0 : index
            %parallel_loop3A_157 = tpu.vector_load %arg11[%parallel_loop3A_155, %parallel_loop3A_156] {strides = array<i32>} : memref<80x128xf32, #tpu.memory_space<vmem>>, vector<16xf32>,
            %parallel_loop3A_158 = arith.mulf %parallel_loop3A_157, %parallel_loop3A_154 : vector<16xf32>
            %parallel_loop3A_159 = arith.index_cast %parallel_loop3A_152 : i32 to index
            %parallel_loop3A_160 = arith.constant 0 : index
            %parallel_loop3A_161 = tpu.vector_load %arg11[%parallel_loop3A_159, %parallel_loop3A_160] {strides = array<i32>} : memref<80x128xf32, #tpu.memory_space<vmem>>, vector<16xf32>,
            tpu.vector_store %arg11[%parallel_loop3A_159, %parallel_loop3A_160], %parallel_loop3A_158 {strides = array<i32>} : memref<80x128xf32, #tpu.memory_space<vmem>>, vector<16xf32>,
            %parallel_loop3A_162 = arith.index_cast %parallel_loop3A_152 : i32 to index
            %parallel_loop3A_163 = arith.constant 16 : index
            %parallel_loop3A_164 = tpu.vector_load %arg11[%parallel_loop3A_162, %parallel_loop3A_163] {strides = array<i32>} : memref<80x128xf32, #tpu.memory_space<vmem>>, vector<16xf32>,
            %parallel_loop3A_165 = arith.mulf %parallel_loop3A_164, %parallel_loop3A_154 : vector<16xf32>
            %parallel_loop3A_166 = arith.index_cast %parallel_loop3A_152 : i32 to index
            %parallel_loop3A_167 = arith.constant 16 : index
            %parallel_loop3A_168 = tpu.vector_load %arg11[%parallel_loop3A_166, %parallel_loop3A_167] {strides = array<i32>} : memref<80x128xf32, #tpu.memory_space<vmem>>, vector<16xf32>,
            tpu.vector_store %arg11[%parallel_loop3A_166, %parallel_loop3A_167], %parallel_loop3A_165 {strides = array<i32>} : memref<80x128xf32, #tpu.memory_space<vmem>>, vector<16xf32>,
            %parallel_loop3A_169 = arith.index_cast %parallel_loop3A_152 : i32 to index
            %parallel_loop3A_170 = arith.constant 32 : index
            %parallel_loop3A_171 = tpu.vector_load %arg11[%parallel_loop3A_169, %parallel_loop3A_170] {strides = array<i32>} : memref<80x128xf32, #tpu.memory_space<vmem>>, vector<16xf32>,
            %parallel_loop3A_172 = arith.mulf %parallel_loop3A_171, %parallel_loop3A_154 : vector<16xf32>
            %parallel_loop3A_173 = arith.index_cast %parallel_loop3A_152 : i32 to index
            %parallel_loop3A_174 = arith.constant 32 : index
            %parallel_loop3A_175 = tpu.vector_load %arg11[%parallel_loop3A_173, %parallel_loop3A_174] {strides = array<i32>} : memref<80x128xf32, #tpu.memory_space<vmem>>, vector<16xf32>,
            tpu.vector_store %arg11[%parallel_loop3A_173, %parallel_loop3A_174], %parallel_loop3A_172 {strides = array<i32>} : memref<80x128xf32, #tpu.memory_space<vmem>>, vector<16xf32>,
            %parallel_loop3A_176 = arith.index_cast %parallel_loop3A_152 : i32 to index
            %parallel_loop3A_177 = arith.constant 48 : index
            %parallel_loop3A_178 = tpu.vector_load %arg11[%parallel_loop3A_176, %parallel_loop3A_177] {strides = array<i32>} : memref<80x128xf32, #tpu.memory_space<vmem>>, vector<16xf32>,
            %parallel_loop3A_179 = arith.mulf %parallel_loop3A_178, %parallel_loop3A_154 : vector<16xf32>
            %parallel_loop3A_180 = arith.index_cast %parallel_loop3A_152 : i32 to index
            %parallel_loop3A_181 = arith.constant 48 : index
            %parallel_loop3A_182 = tpu.vector_load %arg11[%parallel_loop3A_180, %parallel_loop3A_181] {strides = array<i32>} : memref<80x128xf32, #tpu.memory_space<vmem>>, vector<16xf32>,
            tpu.vector_store %arg11[%parallel_loop3A_180, %parallel_loop3A_181], %parallel_loop3A_179 {strides = array<i32>} : memref<80x128xf32, #tpu.memory_space<vmem>>, vector<16xf32>,
            %parallel_loop3A_183 = arith.index_cast %parallel_loop3A_152 : i32 to index
            %parallel_loop3A_184 = arith.constant 64 : index
            %parallel_loop3A_185 = tpu.vector_load %arg11[%parallel_loop3A_183, %parallel_loop3A_184] {strides = array<i32>} : memref<80x128xf32, #tpu.memory_space<vmem>>, vector<16xf32>,
            %parallel_loop3A_186 = arith.mulf %parallel_loop3A_185, %parallel_loop3A_154 : vector<16xf32>
            %parallel_loop3A_187 = arith.index_cast %parallel_loop3A_152 : i32 to index
            %parallel_loop3A_188 = arith.constant 64 : index
            %parallel_loop3A_189 = tpu.vector_load %arg11[%parallel_loop3A_187, %parallel_loop3A_188] {strides = array<i32>} : memref<80x128xf32, #tpu.memory_space<vmem>>, vector<16xf32>,
            tpu.vector_store %arg11[%parallel_loop3A_187, %parallel_loop3A_188], %parallel_loop3A_186 {strides = array<i32>} : memref<80x128xf32, #tpu.memory_space<vmem>>, vector<16xf32>,
            %parallel_loop3A_190 = arith.index_cast %parallel_loop3A_152 : i32 to index
            %parallel_loop3A_191 = arith.constant 80 : index
            %parallel_loop3A_192 = tpu.vector_load %arg11[%parallel_loop3A_190, %parallel_loop3A_191] {strides = array<i32>} : memref<80x128xf32, #tpu.memory_space<vmem>>, vector<16xf32>,
            %parallel_loop3A_193 = arith.mulf %parallel_loop3A_192, %parallel_loop3A_154 : vector<16xf32>
            %parallel_loop3A_194 = arith.index_cast %parallel_loop3A_152 : i32 to index
            %parallel_loop3A_195 = arith.constant 80 : index
            %parallel_loop3A_196 = tpu.vector_load %arg11[%parallel_loop3A_194, %parallel_loop3A_195] {strides = array<i32>} : memref<80x128xf32, #tpu.memory_space<vmem>>, vector<16xf32>,
            tpu.vector_store %arg11[%parallel_loop3A_194, %parallel_loop3A_195], %parallel_loop3A_193 {strides = array<i32>} : memref<80x128xf32, #tpu.memory_space<vmem>>, vector<16xf32>,
            %parallel_loop3A_197 = arith.index_cast %parallel_loop3A_152 : i32 to index
            %parallel_loop3A_198 = arith.constant 96 : index
            %parallel_loop3A_199 = tpu.vector_load %arg11[%parallel_loop3A_197, %parallel_loop3A_198] {strides = array<i32>} : memref<80x128xf32, #tpu.memory_space<vmem>>, vector<16xf32>,
            %parallel_loop3A_200 = arith.mulf %parallel_loop3A_199, %parallel_loop3A_154 : vector<16xf32>
            %parallel_loop3A_201 = arith.index_cast %parallel_loop3A_152 : i32 to index
            %parallel_loop3A_202 = arith.constant 96 : index
            %parallel_loop3A_203 = tpu.vector_load %arg11[%parallel_loop3A_201, %parallel_loop3A_202] {strides = array<i32>} : memref<80x128xf32, #tpu.memory_space<vmem>>, vector<16xf32>,
            tpu.vector_store %arg11[%parallel_loop3A_201, %parallel_loop3A_202], %parallel_loop3A_200 {strides = array<i32>} : memref<80x128xf32, #tpu.memory_space<vmem>>, vector<16xf32>,
            %parallel_loop3A_204 = arith.index_cast %parallel_loop3A_152 : i32 to index
            %parallel_loop3A_205 = arith.constant 112 : index
            %parallel_loop3A_206 = tpu.vector_load %arg11[%parallel_loop3A_204, %parallel_loop3A_205] {strides = array<i32>} : memref<80x128xf32, #tpu.memory_space<vmem>>, vector<16xf32>,
            %parallel_loop3A_207 = arith.mulf %parallel_loop3A_206, %parallel_loop3A_154 : vector<16xf32>
            %parallel_loop3A_208 = arith.index_cast %parallel_loop3A_152 : i32 to index
            %parallel_loop3A_209 = arith.constant 112 : index
            %parallel_loop3A_210 = tpu.vector_load %arg11[%parallel_loop3A_208, %parallel_loop3A_209] {strides = array<i32>} : memref<80x128xf32, #tpu.memory_space<vmem>>, vector<16xf32>,
            tpu.vector_store %arg11[%parallel_loop3A_208, %parallel_loop3A_209], %parallel_loop3A_207 {strides = array<i32>} : memref<80x128xf32, #tpu.memory_space<vmem>>, vector<16xf32>,
            %parallel_loop3A_211 = arith.constant 1 : i32
            %parallel_loop3A_212 = vector.broadcast %parallel_loop3A_211 : i32 to vector<16xi32>
            %parallel_loop3A_213 = arith.addi %parallel_loop3A_153, %parallel_loop3A_212 : vector<16xi32>
            scf.yield %parallel_loop3A_213 : vector<16xi32>
          } {sc.loop_unroll_factor = 8 : i64, sc.parallel_access}
          %dma_start3A_112 = arith.constant 0 : i32
          %dma_start3A_113 = tpu.memref_slice %arg9[%mul3A_90, %dma_start3A_112] : memref<32x80xi32, #tpu.memory_space<vmem>> -> memref<1x80xi32, #tpu.memory_space<vmem>>
          %dma_start3A_114 = tpu.memref_squeeze %dma_start3A_113 : memref<1x80xi32, #tpu.memory_space<vmem>> -> memref<80xi32, #tpu.memory_space<vmem>>
          %dma_start3A_115 = arith.constant 0 : i32
          %dma_start3A_116 = arith.constant 0 : i32
          %dma_start3A_117 = tpu.memref_slice %arg13[%dma_start3A_115, %dma_start3A_116] : memref<10240x128xf32, #tpu.memory_space<vmem_shared>> -> memref<10240x128xf32, #tpu.memory_space<vmem_shared>>
          tpu.enqueue_indirect_dma source(%arg11 : memref<80x128xf32, #tpu.memory_space<vmem>>) target(%dma_start3A_117 : memref<10240x128xf32, #tpu.memory_space<vmem_shared>>) offsets(%dma_start3A_114 : memref<80xi32, #tpu.memory_space<vmem>>) semaphore(%arg16 : memref<!tpu.dma_semaphore, #tpu.memory_space<semaphore_mem>>) {add = true}
          %dma_wait3A_118 = arith.constant 0 : i32
          %dma_wait3A_119 = tpu.memref_slice %arg8[%add3A_92, %dma_wait3A_118] : memref<32x80xi32, #tpu.memory_space<vmem>> -> memref<1x80xi32, #tpu.memory_space<vmem>>
          %dma_wait3A_120 = tpu.memref_squeeze %dma_wait3A_119 : memref<1x80xi32, #tpu.memory_space<vmem>> -> memref<80xi32, #tpu.memory_space<vmem>>
          %dma_wait3A_121 = arith.constant 0 : i32
          %dma_wait3A_122 = arith.constant 0 : i32
          %dma_wait3A_123 = tpu.memref_slice %arg2[%dma_wait3A_121, %dma_wait3A_122] : memref<10240x128xf32, #tpu.memory_space<hbm>> -> memref<10240x128xf32, #tpu.memory_space<hbm>>
          tpu.wait_indirect_dma semaphore(%arg15 : memref<!tpu.dma_semaphore, #tpu.memory_space<semaphore_mem>>) src(%dma_wait3A_123 : memref<10240x128xf32, #tpu.memory_space<hbm>>) dst(%arg12 : memref<80x128xf32, #tpu.memory_space<vmem>>)
          %broadcast_in_dim3A_124 = arith.constant 0 : i32
          %broadcast_in_dim3A_125 = vector.broadcast %broadcast_in_dim3A_124 : i32 to vector<16xi32>
          %add3A_126 = vector.broadcast %add3A_92 : i32 to vector<16xi32>
          %add3A_127 = arith.addi %broadcast_in_dim3A_125, %add3A_126 : vector<16xi32>
          %broadcast_in_dim3A_128 = arith.constant 0 : i32
          %broadcast_in_dim3A_129 = vector.broadcast %broadcast_in_dim3A_128 : i32 to vector<16xi32>
          %add3A_130 = arith.constant 0 : i32
          %add3A_131 = vector.broadcast %add3A_130 : i32 to vector<16xi32>
          %add3A_132 = arith.addi %broadcast_in_dim3A_129, %add3A_131 : vector<16xi32>
          %parallel_loop3A_133 = arith.constant 0 : i32
          %parallel_loop3A_134 = arith.constant 80 : i32
          %parallel_loop3A_135 = arith.constant 1 : i32
          %parallel_loop3A_136 = scf.for %parallel_loop3A_152 = %parallel_loop3A_133 to %parallel_loop3A_134 step %parallel_loop3A_135 iter_args(%parallel_loop3A_153 = %add3A_132) -> (vector<16xi32>)  : i32 {
            %parallel_loop3A_154 = tpu.vector_load_idx %arg10[%add3A_127, %parallel_loop3A_153] : memref<32x80xf32, #tpu.memory_space<vmem>>[vector<16xi32>, vector<16xi32>], vector<16xf32>,
            %parallel_loop3A_155 = arith.index_cast %parallel_loop3A_152 : i32 to index
            %parallel_loop3A_156 = arith.constant 0 : index
            %parallel_loop3A_157 = tpu.vector_load %arg12[%parallel_loop3A_155, %parallel_loop3A_156] {strides = array<i32>} : memref<80x128xf32, #tpu.memory_space<vmem>>, vector<16xf32>,
            %parallel_loop3A_158 = arith.mulf %parallel_loop3A_157, %parallel_loop3A_154 : vector<16xf32>
            %parallel_loop3A_159 = arith.index_cast %parallel_loop3A_152 : i32 to index
            %parallel_loop3A_160 = arith.constant 0 : index
            %parallel_loop3A_161 = tpu.vector_load %arg12[%parallel_loop3A_159, %parallel_loop3A_160] {strides = array<i32>} : memref<80x128xf32, #tpu.memory_space<vmem>>, vector<16xf32>,
            tpu.vector_store %arg12[%parallel_loop3A_159, %parallel_loop3A_160], %parallel_loop3A_158 {strides = array<i32>} : memref<80x128xf32, #tpu.memory_space<vmem>>, vector<16xf32>,
            %parallel_loop3A_162 = arith.index_cast %parallel_loop3A_152 : i32 to index
            %parallel_loop3A_163 = arith.constant 16 : index
            %parallel_loop3A_164 = tpu.vector_load %arg12[%parallel_loop3A_162, %parallel_loop3A_163] {strides = array<i32>} : memref<80x128xf32, #tpu.memory_space<vmem>>, vector<16xf32>,
            %parallel_loop3A_165 = arith.mulf %parallel_loop3A_164, %parallel_loop3A_154 : vector<16xf32>
            %parallel_loop3A_166 = arith.index_cast %parallel_loop3A_152 : i32 to index
            %parallel_loop3A_167 = arith.constant 16 : index
            %parallel_loop3A_168 = tpu.vector_load %arg12[%parallel_loop3A_166, %parallel_loop3A_167] {strides = array<i32>} : memref<80x128xf32, #tpu.memory_space<vmem>>, vector<16xf32>,
            tpu.vector_store %arg12[%parallel_loop3A_166, %parallel_loop3A_167], %parallel_loop3A_165 {strides = array<i32>} : memref<80x128xf32, #tpu.memory_space<vmem>>, vector<16xf32>,
            %parallel_loop3A_169 = arith.index_cast %parallel_loop3A_152 : i32 to index
            %parallel_loop3A_170 = arith.constant 32 : index
            %parallel_loop3A_171 = tpu.vector_load %arg12[%parallel_loop3A_169, %parallel_loop3A_170] {strides = array<i32>} : memref<80x128xf32, #tpu.memory_space<vmem>>, vector<16xf32>,
            %parallel_loop3A_172 = arith.mulf %parallel_loop3A_171, %parallel_loop3A_154 : vector<16xf32>
            %parallel_loop3A_173 = arith.index_cast %parallel_loop3A_152 : i32 to index
            %parallel_loop3A_174 = arith.constant 32 : index
            %parallel_loop3A_175 = tpu.vector_load %arg12[%parallel_loop3A_173, %parallel_loop3A_174] {strides = array<i32>} : memref<80x128xf32, #tpu.memory_space<vmem>>, vector<16xf32>,
            tpu.vector_store %arg12[%parallel_loop3A_173, %parallel_loop3A_174], %parallel_loop3A_172 {strides = array<i32>} : memref<80x128xf32, #tpu.memory_space<vmem>>, vector<16xf32>,
            %parallel_loop3A_176 = arith.index_cast %parallel_loop3A_152 : i32 to index
            %parallel_loop3A_177 = arith.constant 48 : index
            %parallel_loop3A_178 = tpu.vector_load %arg12[%parallel_loop3A_176, %parallel_loop3A_177] {strides = array<i32>} : memref<80x128xf32, #tpu.memory_space<vmem>>, vector<16xf32>,
            %parallel_loop3A_179 = arith.mulf %parallel_loop3A_178, %parallel_loop3A_154 : vector<16xf32>
            %parallel_loop3A_180 = arith.index_cast %parallel_loop3A_152 : i32 to index
            %parallel_loop3A_181 = arith.constant 48 : index
            %parallel_loop3A_182 = tpu.vector_load %arg12[%parallel_loop3A_180, %parallel_loop3A_181] {strides = array<i32>} : memref<80x128xf32, #tpu.memory_space<vmem>>, vector<16xf32>,
            tpu.vector_store %arg12[%parallel_loop3A_180, %parallel_loop3A_181], %parallel_loop3A_179 {strides = array<i32>} : memref<80x128xf32, #tpu.memory_space<vmem>>, vector<16xf32>,
            %parallel_loop3A_183 = arith.index_cast %parallel_loop3A_152 : i32 to index
            %parallel_loop3A_184 = arith.constant 64 : index
            %parallel_loop3A_185 = tpu.vector_load %arg12[%parallel_loop3A_183, %parallel_loop3A_184] {strides = array<i32>} : memref<80x128xf32, #tpu.memory_space<vmem>>, vector<16xf32>,
            %parallel_loop3A_186 = arith.mulf %parallel_loop3A_185, %parallel_loop3A_154 : vector<16xf32>
            %parallel_loop3A_187 = arith.index_cast %parallel_loop3A_152 : i32 to index
            %parallel_loop3A_188 = arith.constant 64 : index
            %parallel_loop3A_189 = tpu.vector_load %arg12[%parallel_loop3A_187, %parallel_loop3A_188] {strides = array<i32>} : memref<80x128xf32, #tpu.memory_space<vmem>>, vector<16xf32>,
            tpu.vector_store %arg12[%parallel_loop3A_187, %parallel_loop3A_188], %parallel_loop3A_186 {strides = array<i32>} : memref<80x128xf32, #tpu.memory_space<vmem>>, vector<16xf32>,
            %parallel_loop3A_190 = arith.index_cast %parallel_loop3A_152 : i32 to index
            %parallel_loop3A_191 = arith.constant 80 : index
            %parallel_loop3A_192 = tpu.vector_load %arg12[%parallel_loop3A_190, %parallel_loop3A_191] {strides = array<i32>} : memref<80x128xf32, #tpu.memory_space<vmem>>, vector<16xf32>,
            %parallel_loop3A_193 = arith.mulf %parallel_loop3A_192, %parallel_loop3A_154 : vector<16xf32>
            %parallel_loop3A_194 = arith.index_cast %parallel_loop3A_152 : i32 to index
            %parallel_loop3A_195 = arith.constant 80 : index
            %parallel_loop3A_196 = tpu.vector_load %arg12[%parallel_loop3A_194, %parallel_loop3A_195] {strides = array<i32>} : memref<80x128xf32, #tpu.memory_space<vmem>>, vector<16xf32>,
            tpu.vector_store %arg12[%parallel_loop3A_194, %parallel_loop3A_195], %parallel_loop3A_193 {strides = array<i32>} : memref<80x128xf32, #tpu.memory_space<vmem>>, vector<16xf32>,
            %parallel_loop3A_197 = arith.index_cast %parallel_loop3A_152 : i32 to index
            %parallel_loop3A_198 = arith.constant 96 : index
            %parallel_loop3A_199 = tpu.vector_load %arg12[%parallel_loop3A_197, %parallel_loop3A_198] {strides = array<i32>} : memref<80x128xf32, #tpu.memory_space<vmem>>, vector<16xf32>,
            %parallel_loop3A_200 = arith.mulf %parallel_loop3A_199, %parallel_loop3A_154 : vector<16xf32>
            %parallel_loop3A_201 = arith.index_cast %parallel_loop3A_152 : i32 to index
            %parallel_loop3A_202 = arith.constant 96 : index
            %parallel_loop3A_203 = tpu.vector_load %arg12[%parallel_loop3A_201, %parallel_loop3A_202] {strides = array<i32>} : memref<80x128xf32, #tpu.memory_space<vmem>>, vector<16xf32>,
            tpu.vector_store %arg12[%parallel_loop3A_201, %parallel_loop3A_202], %parallel_loop3A_200 {strides = array<i32>} : memref<80x128xf32, #tpu.memory_space<vmem>>, vector<16xf32>,
            %parallel_loop3A_204 = arith.index_cast %parallel_loop3A_152 : i32 to index
            %parallel_loop3A_205 = arith.constant 112 : index
            %parallel_loop3A_206 = tpu.vector_load %arg12[%parallel_loop3A_204, %parallel_loop3A_205] {strides = array<i32>} : memref<80x128xf32, #tpu.memory_space<vmem>>, vector<16xf32>,
            %parallel_loop3A_207 = arith.mulf %parallel_loop3A_206, %parallel_loop3A_154 : vector<16xf32>
            %parallel_loop3A_208 = arith.index_cast %parallel_loop3A_152 : i32 to index
            %parallel_loop3A_209 = arith.constant 112 : index
            %parallel_loop3A_210 = tpu.vector_load %arg12[%parallel_loop3A_208, %parallel_loop3A_209] {strides = array<i32>} : memref<80x128xf32, #tpu.memory_space<vmem>>, vector<16xf32>,
            tpu.vector_store %arg12[%parallel_loop3A_208, %parallel_loop3A_209], %parallel_loop3A_207 {strides = array<i32>} : memref<80x128xf32, #tpu.memory_space<vmem>>, vector<16xf32>,
            %parallel_loop3A_211 = arith.constant 1 : i32
            %parallel_loop3A_212 = vector.broadcast %parallel_loop3A_211 : i32 to vector<16xi32>
            %parallel_loop3A_213 = arith.addi %parallel_loop3A_153, %parallel_loop3A_212 : vector<16xi32>
            scf.yield %parallel_loop3A_213 : vector<16xi32>
          } {sc.loop_unroll_factor = 8 : i64, sc.parallel_access}
          %not3A = arith.constant true
          %not3A_137 = arith.xori %eq3A_94, %not3A : i1
          %convert_element_type3A_138 = arith.extui %not3A_137 : i1 to i32
          %cond3A_139 = arith.constant 0 : i32
          %cond3A_140 = arith.cmpi ne, %convert_element_type3A_138, %cond3A_139 : i32
          scf.if %cond3A_140 {
            %dma_wait3A_152 = arith.constant 0 : i32
            %dma_wait3A_153 = tpu.memref_slice %arg9[%mul3A_90, %dma_wait3A_152] : memref<32x80xi32, #tpu.memory_space<vmem>> -> memref<1x80xi32, #tpu.memory_space<vmem>>
            %dma_wait3A_154 = tpu.memref_squeeze %dma_wait3A_153 : memref<1x80xi32, #tpu.memory_space<vmem>> -> memref<80xi32, #tpu.memory_space<vmem>>
            %dma_wait3A_155 = arith.constant 0 : i32
            %dma_wait3A_156 = arith.constant 0 : i32
            %dma_wait3A_157 = tpu.memref_slice %arg13[%dma_wait3A_155, %dma_wait3A_156] : memref<10240x128xf32, #tpu.memory_space<vmem_shared>> -> memref<10240x128xf32, #tpu.memory_space<vmem_shared>>
            tpu.wait_indirect_dma semaphore(%arg16 : memref<!tpu.dma_semaphore, #tpu.memory_space<semaphore_mem>>) src(%arg11 : memref<80x128xf32, #tpu.memory_space<vmem>>) dst(%dma_wait3A_157 : memref<10240x128xf32, #tpu.memory_space<vmem_shared>>)
            %add3A_158 = arith.constant 2 : i32
            %add3A_159 = arith.addi %mul3A_90, %add3A_158 : i32
            %dma_start3A_160 = arith.constant 0 : i32
            %dma_start3A_161 = tpu.memref_slice %arg8[%add3A_159, %dma_start3A_160] : memref<32x80xi32, #tpu.memory_space<vmem>> -> memref<1x80xi32, #tpu.memory_space<vmem>>
            %dma_start3A_162 = tpu.memref_squeeze %dma_start3A_161 : memref<1x80xi32, #tpu.memory_space<vmem>> -> memref<80xi32, #tpu.memory_space<vmem>>
            %dma_start3A_163 = arith.constant 0 : i32
            %dma_start3A_164 = arith.constant 0 : i32
            %dma_start3A_165 = tpu.memref_slice %arg2[%dma_start3A_163, %dma_start3A_164] : memref<10240x128xf32, #tpu.memory_space<hbm>> -> memref<10240x128xf32, #tpu.memory_space<hbm>>
            tpu.enqueue_indirect_dma source(%dma_start3A_165 : memref<10240x128xf32, #tpu.memory_space<hbm>>) target(%arg11 : memref<80x128xf32, #tpu.memory_space<vmem>>) offsets(%dma_start3A_162 : memref<80xi32, #tpu.memory_space<vmem>>) semaphore(%arg14 : memref<!tpu.dma_semaphore, #tpu.memory_space<semaphore_mem>>)
          } else {
          }
          %dma_start3A_141 = arith.constant 0 : i32
          %dma_start3A_142 = tpu.memref_slice %arg9[%add3A_92, %dma_start3A_141] : memref<32x80xi32, #tpu.memory_space<vmem>> -> memref<1x80xi32, #tpu.memory_space<vmem>>
          %dma_start3A_143 = tpu.memref_squeeze %dma_start3A_142 : memref<1x80xi32, #tpu.memory_space<vmem>> -> memref<80xi32, #tpu.memory_space<vmem>>
          %dma_start3A_144 = arith.constant 0 : i32
          %dma_start3A_145 = arith.constant 0 : i32
          %dma_start3A_146 = tpu.memref_slice %arg13[%dma_start3A_144, %dma_start3A_145] : memref<10240x128xf32, #tpu.memory_space<vmem_shared>> -> memref<10240x128xf32, #tpu.memory_space<vmem_shared>>
          tpu.enqueue_indirect_dma source(%arg12 : memref<80x128xf32, #tpu.memory_space<vmem>>) target(%dma_start3A_146 : memref<10240x128xf32, #tpu.memory_space<vmem_shared>>) offsets(%dma_start3A_143 : memref<80xi32, #tpu.memory_space<vmem>>) semaphore(%arg17 : memref<!tpu.dma_semaphore, #tpu.memory_space<semaphore_mem>>) {add = true}
          %not3A_147 = arith.constant true
          %not3A_148 = arith.xori %eq3A_94, %not3A_147 : i1
          %convert_element_type3A_149 = arith.extui %not3A_148 : i1 to i32
          %cond3A_150 = arith.constant 0 : i32
          %cond3A_151 = arith.cmpi ne, %convert_element_type3A_149, %cond3A_150 : i32
          scf.if %cond3A_151 {
            %dma_wait3A_152 = arith.constant 0 : i32
            %dma_wait3A_153 = tpu.memref_slice %arg9[%add3A_92, %dma_wait3A_152] : memref<32x80xi32, #tpu.memory_space<vmem>> -> memref<1x80xi32, #tpu.memory_space<vmem>>
            %dma_wait3A_154 = tpu.memref_squeeze %dma_wait3A_153 : memref<1x80xi32, #tpu.memory_space<vmem>> -> memref<80xi32, #tpu.memory_space<vmem>>
            %dma_wait3A_155 = arith.constant 0 : i32
            %dma_wait3A_156 = arith.constant 0 : i32
            %dma_wait3A_157 = tpu.memref_slice %arg13[%dma_wait3A_155, %dma_wait3A_156] : memref<10240x128xf32, #tpu.memory_space<vmem_shared>> -> memref<10240x128xf32, #tpu.memory_space<vmem_shared>>
            tpu.wait_indirect_dma semaphore(%arg17 : memref<!tpu.dma_semaphore, #tpu.memory_space<semaphore_mem>>) src(%arg12 : memref<80x128xf32, #tpu.memory_space<vmem>>) dst(%dma_wait3A_157 : memref<10240x128xf32, #tpu.memory_space<vmem_shared>>)
            %add3A_158 = arith.constant 2 : i32
            %add3A_159 = arith.addi %add3A_92, %add3A_158 : i32
            %dma_start3A_160 = arith.constant 0 : i32
            %dma_start3A_161 = tpu.memref_slice %arg8[%add3A_159, %dma_start3A_160] : memref<32x80xi32, #tpu.memory_space<vmem>> -> memref<1x80xi32, #tpu.memory_space<vmem>>
            %dma_start3A_162 = tpu.memref_squeeze %dma_start3A_161 : memref<1x80xi32, #tpu.memory_space<vmem>> -> memref<80xi32, #tpu.memory_space<vmem>>
            %dma_start3A_163 = arith.constant 0 : i32
            %dma_start3A_164 = arith.constant 0 : i32
            %dma_start3A_165 = tpu.memref_slice %arg2[%dma_start3A_163, %dma_start3A_164] : memref<10240x128xf32, #tpu.memory_space<hbm>> -> memref<10240x128xf32, #tpu.memory_space<hbm>>
            tpu.enqueue_indirect_dma source(%dma_start3A_165 : memref<10240x128xf32, #tpu.memory_space<hbm>>) target(%arg12 : memref<80x128xf32, #tpu.memory_space<vmem>>) offsets(%dma_start3A_162 : memref<80xi32, #tpu.memory_space<vmem>>) semaphore(%arg15 : memref<!tpu.dma_semaphore, #tpu.memory_space<semaphore_mem>>)
          } else {
          }
        }
        %scan3A_74 = arith.constant 16 : i32
        %dma_wait3A = arith.constant 30 : i32
        %dma_wait3A_75 = arith.constant 0 : i32
        %dma_wait3A_76 = tpu.memref_slice %arg9[%dma_wait3A, %dma_wait3A_75] : memref<32x80xi32, #tpu.memory_space<vmem>> -> memref<1x80xi32, #tpu.memory_space<vmem>>
        %dma_wait3A_77 = tpu.memref_squeeze %dma_wait3A_76 : memref<1x80xi32, #tpu.memory_space<vmem>> -> memref<80xi32, #tpu.memory_space<vmem>>
        %dma_wait3A_78 = arith.constant 0 : i32
        %dma_wait3A_79 = arith.constant 0 : i32
        %dma_wait3A_80 = tpu.memref_slice %arg13[%dma_wait3A_78, %dma_wait3A_79] : memref<10240x128xf32, #tpu.memory_space<vmem_shared>> -> memref<10240x128xf32, #tpu.memory_space<vmem_shared>>
        tpu.wait_indirect_dma semaphore(%arg16 : memref<!tpu.dma_semaphore, #tpu.memory_space<semaphore_mem>>) src(%arg11 : memref<80x128xf32, #tpu.memory_space<vmem>>) dst(%dma_wait3A_80 : memref<10240x128xf32, #tpu.memory_space<vmem_shared>>)
        %dma_wait3A_81 = arith.constant 31 : i32
        %dma_wait3A_82 = arith.constant 0 : i32
        %dma_wait3A_83 = tpu.memref_slice %arg9[%dma_wait3A_81, %dma_wait3A_82] : memref<32x80xi32, #tpu.memory_space<vmem>> -> memref<1x80xi32, #tpu.memory_space<vmem>>
        %dma_wait3A_84 = tpu.memref_squeeze %dma_wait3A_83 : memref<1x80xi32, #tpu.memory_space<vmem>> -> memref<80xi32, #tpu.memory_space<vmem>>
        %dma_wait3A_85 = arith.constant 0 : i32
        %dma_wait3A_86 = arith.constant 0 : i32
        %dma_wait3A_87 = tpu.memref_slice %arg13[%dma_wait3A_85, %dma_wait3A_86] : memref<10240x128xf32, #tpu.memory_space<vmem_shared>> -> memref<10240x128xf32, #tpu.memory_space<vmem_shared>>
        tpu.wait_indirect_dma semaphore(%arg17 : memref<!tpu.dma_semaphore, #tpu.memory_space<semaphore_mem>>) src(%arg12 : memref<80x128xf32, #tpu.memory_space<vmem>>) dst(%dma_wait3A_87 : memref<10240x128xf32, #tpu.memory_space<vmem_shared>>)
      }
      %scan3A_52 = arith.constant 8 : i32
    } else {
    }
    %eq3A_38 = arith.constant 1 : i32
    %eq3A_39 = arith.cmpi eq, %arg0, %eq3A_38 : i32
    %convert_element_type3A_40 = arith.extui %eq3A_39 : i1 to i32
    %cond3A_41 = arith.constant 0 : i32
    %cond3A_42 = arith.cmpi ne, %convert_element_type3A_40, %cond3A_41 : i32
    scf.if %cond3A_42 {
      %scan3A_48 = arith.constant 0 : i32
      %scan3A_49 = arith.constant 8 : i32
      %scan3A_50 = arith.addi %scan3A_48, %scan3A_49 : i32
      %scan3A_51 = arith.constant 1 : i32
      scf.for %scan3A_53 = %scan3A_48 to %scan3A_50 step %scan3A_51  : i32 {
        %mul3A_54 = arith.constant 32 : i32
        %mul3A_55 = arith.muli %scan3A_53, %mul3A_54 : i32
        %add3A_56 = arith.addi %mul3A_35, %mul3A_55 : i32
        "tpu.region"() ({
          %run_scoped3A = tpu.sem_alloc : memref<!tpu.dma_semaphore, #tpu.memory_space<semaphore_mem>>
          %dma_start3A_88 = arith.constant 0 : i32
          %dma_start3A_89 = tpu.memref_slice %arg4[%add3A_56, %dma_start3A_88] : memref<4096x80xi32, #tpu.memory_space<hbm>> -> memref<32x80xi32, #tpu.memory_space<hbm>>
          %dma_start3A_90 = arith.constant 0 : i32
          %dma_start3A_91 = tpu.memref_slice %arg4[%add3A_56, %dma_start3A_90] : memref<4096x80xi32, #tpu.memory_space<hbm>> -> memref<32x80xi32, #tpu.memory_space<hbm>>
          tpu.enqueue_dma source(%dma_start3A_91 : memref<32x80xi32, #tpu.memory_space<hbm>>) target(%arg8 : memref<32x80xi32, #tpu.memory_space<vmem>>) target_semaphore(%run_scoped3A : memref<!tpu.dma_semaphore, #tpu.memory_space<semaphore_mem>>)
          %dma_wait3A_92 = arith.constant 0 : i32
          %dma_wait3A_93 = tpu.memref_slice %arg4[%add3A_56, %dma_wait3A_92] : memref<4096x80xi32, #tpu.memory_space<hbm>> -> memref<32x80xi32, #tpu.memory_space<hbm>>
          %dma_wait3A_94 = arith.constant 0 : i32
          %dma_wait3A_95 = tpu.memref_slice %arg4[%add3A_56, %dma_wait3A_94] : memref<4096x80xi32, #tpu.memory_space<hbm>> -> memref<32x80xi32, #tpu.memory_space<hbm>>
          tpu.wait_dma2 semaphore(%run_scoped3A : memref<!tpu.dma_semaphore, #tpu.memory_space<semaphore_mem>>) src(%dma_wait3A_95 : memref<32x80xi32, #tpu.memory_space<hbm>>) dst(%arg8 : memref<32x80xi32, #tpu.memory_space<vmem>>)
          tpu.yield
        }) : () -> ()
        "tpu.region"() ({
          %run_scoped3A = tpu.sem_alloc : memref<!tpu.dma_semaphore, #tpu.memory_space<semaphore_mem>>
          %dma_start3A_88 = arith.constant 0 : i32
          %dma_start3A_89 = tpu.memref_slice %arg5[%add3A_56, %dma_start3A_88] : memref<4096x80xi32, #tpu.memory_space<hbm>> -> memref<32x80xi32, #tpu.memory_space<hbm>>
          %dma_start3A_90 = arith.constant 0 : i32
          %dma_start3A_91 = tpu.memref_slice %arg5[%add3A_56, %dma_start3A_90] : memref<4096x80xi32, #tpu.memory_space<hbm>> -> memref<32x80xi32, #tpu.memory_space<hbm>>
          tpu.enqueue_dma source(%dma_start3A_91 : memref<32x80xi32, #tpu.memory_space<hbm>>) target(%arg9 : memref<32x80xi32, #tpu.memory_space<vmem>>) target_semaphore(%run_scoped3A : memref<!tpu.dma_semaphore, #tpu.memory_space<semaphore_mem>>)
          %dma_wait3A_92 = arith.constant 0 : i32
          %dma_wait3A_93 = tpu.memref_slice %arg5[%add3A_56, %dma_wait3A_92] : memref<4096x80xi32, #tpu.memory_space<hbm>> -> memref<32x80xi32, #tpu.memory_space<hbm>>
          %dma_wait3A_94 = arith.constant 0 : i32
          %dma_wait3A_95 = tpu.memref_slice %arg5[%add3A_56, %dma_wait3A_94] : memref<4096x80xi32, #tpu.memory_space<hbm>> -> memref<32x80xi32, #tpu.memory_space<hbm>>
          tpu.wait_dma2 semaphore(%run_scoped3A : memref<!tpu.dma_semaphore, #tpu.memory_space<semaphore_mem>>) src(%dma_wait3A_95 : memref<32x80xi32, #tpu.memory_space<hbm>>) dst(%arg9 : memref<32x80xi32, #tpu.memory_space<vmem>>)
          tpu.yield
        }) : () -> ()
        "tpu.region"() ({
          %run_scoped3A = tpu.sem_alloc : memref<!tpu.dma_semaphore, #tpu.memory_space<semaphore_mem>>
          %dma_start3A_88 = arith.constant 0 : i32
          %dma_start3A_89 = tpu.memref_slice %arg6[%add3A_56, %dma_start3A_88] : memref<4096x80xf32, #tpu.memory_space<hbm>> -> memref<32x80xf32, #tpu.memory_space<hbm>>
          %dma_start3A_90 = arith.constant 0 : i32
          %dma_start3A_91 = tpu.memref_slice %arg6[%add3A_56, %dma_start3A_90] : memref<4096x80xf32, #tpu.memory_space<hbm>> -> memref<32x80xf32, #tpu.memory_space<hbm>>
          tpu.enqueue_dma source(%dma_start3A_91 : memref<32x80xf32, #tpu.memory_space<hbm>>) target(%arg10 : memref<32x80xf32, #tpu.memory_space<vmem>>) target_semaphore(%run_scoped3A : memref<!tpu.dma_semaphore, #tpu.memory_space<semaphore_mem>>)
          %dma_wait3A_92 = arith.constant 0 : i32
          %dma_wait3A_93 = tpu.memref_slice %arg6[%add3A_56, %dma_wait3A_92] : memref<4096x80xf32, #tpu.memory_space<hbm>> -> memref<32x80xf32, #tpu.memory_space<hbm>>
          %dma_wait3A_94 = arith.constant 0 : i32
          %dma_wait3A_95 = tpu.memref_slice %arg6[%add3A_56, %dma_wait3A_94] : memref<4096x80xf32, #tpu.memory_space<hbm>> -> memref<32x80xf32, #tpu.memory_space<hbm>>
          tpu.wait_dma2 semaphore(%run_scoped3A : memref<!tpu.dma_semaphore, #tpu.memory_space<semaphore_mem>>) src(%dma_wait3A_95 : memref<32x80xf32, #tpu.memory_space<hbm>>) dst(%arg10 : memref<32x80xf32, #tpu.memory_space<vmem>>)
          tpu.yield
        }) : () -> ()
        %dma_start3A = arith.constant 0 : i32
        %dma_start3A_57 = arith.constant 0 : i32
        %dma_start3A_58 = tpu.memref_slice %arg8[%dma_start3A, %dma_start3A_57] : memref<32x80xi32, #tpu.memory_space<vmem>> -> memref<1x80xi32, #tpu.memory_space<vmem>>
        %dma_start3A_59 = tpu.memref_squeeze %dma_start3A_58 : memref<1x80xi32, #tpu.memory_space<vmem>> -> memref<80xi32, #tpu.memory_space<vmem>>
        %dma_start3A_60 = arith.constant 0 : i32
        %dma_start3A_61 = arith.constant 0 : i32
        %dma_start3A_62 = tpu.memref_slice %arg3[%dma_start3A_60, %dma_start3A_61] : memref<10240x128xf32, #tpu.memory_space<hbm>> -> memref<10240x128xf32, #tpu.memory_space<hbm>>
        tpu.enqueue_indirect_dma source(%dma_start3A_62 : memref<10240x128xf32, #tpu.memory_space<hbm>>) target(%arg11 : memref<80x128xf32, #tpu.memory_space<vmem>>) offsets(%dma_start3A_59 : memref<80xi32, #tpu.memory_space<vmem>>) semaphore(%arg14 : memref<!tpu.dma_semaphore, #tpu.memory_space<semaphore_mem>>)
        %dma_start3A_63 = arith.constant 1 : i32
        %dma_start3A_64 = arith.constant 0 : i32
        %dma_start3A_65 = tpu.memref_slice %arg8[%dma_start3A_63, %dma_start3A_64] : memref<32x80xi32, #tpu.memory_space<vmem>> -> memref<1x80xi32, #tpu.memory_space<vmem>>
        %dma_start3A_66 = tpu.memref_squeeze %dma_start3A_65 : memref<1x80xi32, #tpu.memory_space<vmem>> -> memref<80xi32, #tpu.memory_space<vmem>>
        %dma_start3A_67 = arith.constant 0 : i32
        %dma_start3A_68 = arith.constant 0 : i32
        %dma_start3A_69 = tpu.memref_slice %arg3[%dma_start3A_67, %dma_start3A_68] : memref<10240x128xf32, #tpu.memory_space<hbm>> -> memref<10240x128xf32, #tpu.memory_space<hbm>>
        tpu.enqueue_indirect_dma source(%dma_start3A_69 : memref<10240x128xf32, #tpu.memory_space<hbm>>) target(%arg12 : memref<80x128xf32, #tpu.memory_space<vmem>>) offsets(%dma_start3A_66 : memref<80xi32, #tpu.memory_space<vmem>>) semaphore(%arg15 : memref<!tpu.dma_semaphore, #tpu.memory_space<semaphore_mem>>)
        %scan3A_70 = arith.constant 0 : i32
        %scan3A_71 = arith.constant 16 : i32
        %scan3A_72 = arith.addi %scan3A_70, %scan3A_71 : i32
        %scan3A_73 = arith.constant 1 : i32
        scf.for %scan3A_88 = %scan3A_70 to %scan3A_72 step %scan3A_73  : i32 {
          %mul3A_89 = arith.constant 2 : i32
          %mul3A_90 = arith.muli %mul3A_89, %scan3A_88 : i32
          %add3A_91 = arith.constant 1 : i32
          %add3A_92 = arith.addi %mul3A_90, %add3A_91 : i32
          %eq3A_93 = arith.constant 15 : i32
          %eq3A_94 = arith.cmpi eq, %scan3A_88, %eq3A_93 : i32
          %dma_wait3A_95 = arith.constant 0 : i32
          %dma_wait3A_96 = tpu.memref_slice %arg8[%mul3A_90, %dma_wait3A_95] : memref<32x80xi32, #tpu.memory_space<vmem>> -> memref<1x80xi32, #tpu.memory_space<vmem>>
          %dma_wait3A_97 = tpu.memref_squeeze %dma_wait3A_96 : memref<1x80xi32, #tpu.memory_space<vmem>> -> memref<80xi32, #tpu.memory_space<vmem>>
          %dma_wait3A_98 = arith.constant 0 : i32
          %dma_wait3A_99 = arith.constant 0 : i32
          %dma_wait3A_100 = tpu.memref_slice %arg3[%dma_wait3A_98, %dma_wait3A_99] : memref<10240x128xf32, #tpu.memory_space<hbm>> -> memref<10240x128xf32, #tpu.memory_space<hbm>>
          tpu.wait_indirect_dma semaphore(%arg14 : memref<!tpu.dma_semaphore, #tpu.memory_space<semaphore_mem>>) src(%dma_wait3A_100 : memref<10240x128xf32, #tpu.memory_space<hbm>>) dst(%arg11 : memref<80x128xf32, #tpu.memory_space<vmem>>)
          %broadcast_in_dim3A = arith.constant 0 : i32
          %broadcast_in_dim3A_101 = vector.broadcast %broadcast_in_dim3A : i32 to vector<16xi32>
          %add3A_102 = vector.broadcast %mul3A_90 : i32 to vector<16xi32>
          %add3A_103 = arith.addi %broadcast_in_dim3A_101, %add3A_102 : vector<16xi32>
          %broadcast_in_dim3A_104 = arith.constant 0 : i32
          %broadcast_in_dim3A_105 = vector.broadcast %broadcast_in_dim3A_104 : i32 to vector<16xi32>
          %add3A_106 = arith.constant 0 : i32
          %add3A_107 = vector.broadcast %add3A_106 : i32 to vector<16xi32>
          %add3A_108 = arith.addi %broadcast_in_dim3A_105, %add3A_107 : vector<16xi32>
          %parallel_loop3A = arith.constant 0 : i32
          %parallel_loop3A_109 = arith.constant 80 : i32
          %parallel_loop3A_110 = arith.constant 1 : i32
          %parallel_loop3A_111 = scf.for %parallel_loop3A_152 = %parallel_loop3A to %parallel_loop3A_109 step %parallel_loop3A_110 iter_args(%parallel_loop3A_153 = %add3A_108) -> (vector<16xi32>)  : i32 {
            %parallel_loop3A_154 = tpu.vector_load_idx %arg10[%add3A_103, %parallel_loop3A_153] : memref<32x80xf32, #tpu.memory_space<vmem>>[vector<16xi32>, vector<16xi32>], vector<16xf32>,
            %parallel_loop3A_155 = arith.index_cast %parallel_loop3A_152 : i32 to index
            %parallel_loop3A_156 = arith.constant 0 : index
            %parallel_loop3A_157 = tpu.vector_load %arg11[%parallel_loop3A_155, %parallel_loop3A_156] {strides = array<i32>} : memref<80x128xf32, #tpu.memory_space<vmem>>, vector<16xf32>,
            %parallel_loop3A_158 = arith.mulf %parallel_loop3A_157, %parallel_loop3A_154 : vector<16xf32>
            %parallel_loop3A_159 = arith.index_cast %parallel_loop3A_152 : i32 to index
            %parallel_loop3A_160 = arith.constant 0 : index
            %parallel_loop3A_161 = tpu.vector_load %arg11[%parallel_loop3A_159, %parallel_loop3A_160] {strides = array<i32>} : memref<80x128xf32, #tpu.memory_space<vmem>>, vector<16xf32>,
            tpu.vector_store %arg11[%parallel_loop3A_159, %parallel_loop3A_160], %parallel_loop3A_158 {strides = array<i32>} : memref<80x128xf32, #tpu.memory_space<vmem>>, vector<16xf32>,
            %parallel_loop3A_162 = arith.index_cast %parallel_loop3A_152 : i32 to index
            %parallel_loop3A_163 = arith.constant 16 : index
            %parallel_loop3A_164 = tpu.vector_load %arg11[%parallel_loop3A_162, %parallel_loop3A_163] {strides = array<i32>} : memref<80x128xf32, #tpu.memory_space<vmem>>, vector<16xf32>,
            %parallel_loop3A_165 = arith.mulf %parallel_loop3A_164, %parallel_loop3A_154 : vector<16xf32>
            %parallel_loop3A_166 = arith.index_cast %parallel_loop3A_152 : i32 to index
            %parallel_loop3A_167 = arith.constant 16 : index
            %parallel_loop3A_168 = tpu.vector_load %arg11[%parallel_loop3A_166, %parallel_loop3A_167] {strides = array<i32>} : memref<80x128xf32, #tpu.memory_space<vmem>>, vector<16xf32>,
            tpu.vector_store %arg11[%parallel_loop3A_166, %parallel_loop3A_167], %parallel_loop3A_165 {strides = array<i32>} : memref<80x128xf32, #tpu.memory_space<vmem>>, vector<16xf32>,
            %parallel_loop3A_169 = arith.index_cast %parallel_loop3A_152 : i32 to index
            %parallel_loop3A_170 = arith.constant 32 : index
            %parallel_loop3A_171 = tpu.vector_load %arg11[%parallel_loop3A_169, %parallel_loop3A_170] {strides = array<i32>} : memref<80x128xf32, #tpu.memory_space<vmem>>, vector<16xf32>,
            %parallel_loop3A_172 = arith.mulf %parallel_loop3A_171, %parallel_loop3A_154 : vector<16xf32>
            %parallel_loop3A_173 = arith.index_cast %parallel_loop3A_152 : i32 to index
            %parallel_loop3A_174 = arith.constant 32 : index
            %parallel_loop3A_175 = tpu.vector_load %arg11[%parallel_loop3A_173, %parallel_loop3A_174] {strides = array<i32>} : memref<80x128xf32, #tpu.memory_space<vmem>>, vector<16xf32>,
            tpu.vector_store %arg11[%parallel_loop3A_173, %parallel_loop3A_174], %parallel_loop3A_172 {strides = array<i32>} : memref<80x128xf32, #tpu.memory_space<vmem>>, vector<16xf32>,
            %parallel_loop3A_176 = arith.index_cast %parallel_loop3A_152 : i32 to index
            %parallel_loop3A_177 = arith.constant 48 : index
            %parallel_loop3A_178 = tpu.vector_load %arg11[%parallel_loop3A_176, %parallel_loop3A_177] {strides = array<i32>} : memref<80x128xf32, #tpu.memory_space<vmem>>, vector<16xf32>,
            %parallel_loop3A_179 = arith.mulf %parallel_loop3A_178, %parallel_loop3A_154 : vector<16xf32>
            %parallel_loop3A_180 = arith.index_cast %parallel_loop3A_152 : i32 to index
            %parallel_loop3A_181 = arith.constant 48 : index
            %parallel_loop3A_182 = tpu.vector_load %arg11[%parallel_loop3A_180, %parallel_loop3A_181] {strides = array<i32>} : memref<80x128xf32, #tpu.memory_space<vmem>>, vector<16xf32>,
            tpu.vector_store %arg11[%parallel_loop3A_180, %parallel_loop3A_181], %parallel_loop3A_179 {strides = array<i32>} : memref<80x128xf32, #tpu.memory_space<vmem>>, vector<16xf32>,
            %parallel_loop3A_183 = arith.index_cast %parallel_loop3A_152 : i32 to index
            %parallel_loop3A_184 = arith.constant 64 : index
            %parallel_loop3A_185 = tpu.vector_load %arg11[%parallel_loop3A_183, %parallel_loop3A_184] {strides = array<i32>} : memref<80x128xf32, #tpu.memory_space<vmem>>, vector<16xf32>,
            %parallel_loop3A_186 = arith.mulf %parallel_loop3A_185, %parallel_loop3A_154 : vector<16xf32>
            %parallel_loop3A_187 = arith.index_cast %parallel_loop3A_152 : i32 to index
            %parallel_loop3A_188 = arith.constant 64 : index
            %parallel_loop3A_189 = tpu.vector_load %arg11[%parallel_loop3A_187, %parallel_loop3A_188] {strides = array<i32>} : memref<80x128xf32, #tpu.memory_space<vmem>>, vector<16xf32>,
            tpu.vector_store %arg11[%parallel_loop3A_187, %parallel_loop3A_188], %parallel_loop3A_186 {strides = array<i32>} : memref<80x128xf32, #tpu.memory_space<vmem>>, vector<16xf32>,
            %parallel_loop3A_190 = arith.index_cast %parallel_loop3A_152 : i32 to index
            %parallel_loop3A_191 = arith.constant 80 : index
            %parallel_loop3A_192 = tpu.vector_load %arg11[%parallel_loop3A_190, %parallel_loop3A_191] {strides = array<i32>} : memref<80x128xf32, #tpu.memory_space<vmem>>, vector<16xf32>,
            %parallel_loop3A_193 = arith.mulf %parallel_loop3A_192, %parallel_loop3A_154 : vector<16xf32>
            %parallel_loop3A_194 = arith.index_cast %parallel_loop3A_152 : i32 to index
            %parallel_loop3A_195 = arith.constant 80 : index
            %parallel_loop3A_196 = tpu.vector_load %arg11[%parallel_loop3A_194, %parallel_loop3A_195] {strides = array<i32>} : memref<80x128xf32, #tpu.memory_space<vmem>>, vector<16xf32>,
            tpu.vector_store %arg11[%parallel_loop3A_194, %parallel_loop3A_195], %parallel_loop3A_193 {strides = array<i32>} : memref<80x128xf32, #tpu.memory_space<vmem>>, vector<16xf32>,
            %parallel_loop3A_197 = arith.index_cast %parallel_loop3A_152 : i32 to index
            %parallel_loop3A_198 = arith.constant 96 : index
            %parallel_loop3A_199 = tpu.vector_load %arg11[%parallel_loop3A_197, %parallel_loop3A_198] {strides = array<i32>} : memref<80x128xf32, #tpu.memory_space<vmem>>, vector<16xf32>,
            %parallel_loop3A_200 = arith.mulf %parallel_loop3A_199, %parallel_loop3A_154 : vector<16xf32>
            %parallel_loop3A_201 = arith.index_cast %parallel_loop3A_152 : i32 to index
            %parallel_loop3A_202 = arith.constant 96 : index
            %parallel_loop3A_203 = tpu.vector_load %arg11[%parallel_loop3A_201, %parallel_loop3A_202] {strides = array<i32>} : memref<80x128xf32, #tpu.memory_space<vmem>>, vector<16xf32>,
            tpu.vector_store %arg11[%parallel_loop3A_201, %parallel_loop3A_202], %parallel_loop3A_200 {strides = array<i32>} : memref<80x128xf32, #tpu.memory_space<vmem>>, vector<16xf32>,
            %parallel_loop3A_204 = arith.index_cast %parallel_loop3A_152 : i32 to index
            %parallel_loop3A_205 = arith.constant 112 : index
            %parallel_loop3A_206 = tpu.vector_load %arg11[%parallel_loop3A_204, %parallel_loop3A_205] {strides = array<i32>} : memref<80x128xf32, #tpu.memory_space<vmem>>, vector<16xf32>,
            %parallel_loop3A_207 = arith.mulf %parallel_loop3A_206, %parallel_loop3A_154 : vector<16xf32>
            %parallel_loop3A_208 = arith.index_cast %parallel_loop3A_152 : i32 to index
            %parallel_loop3A_209 = arith.constant 112 : index
            %parallel_loop3A_210 = tpu.vector_load %arg11[%parallel_loop3A_208, %parallel_loop3A_209] {strides = array<i32>} : memref<80x128xf32, #tpu.memory_space<vmem>>, vector<16xf32>,
            tpu.vector_store %arg11[%parallel_loop3A_208, %parallel_loop3A_209], %parallel_loop3A_207 {strides = array<i32>} : memref<80x128xf32, #tpu.memory_space<vmem>>, vector<16xf32>,
            %parallel_loop3A_211 = arith.constant 1 : i32
            %parallel_loop3A_212 = vector.broadcast %parallel_loop3A_211 : i32 to vector<16xi32>
            %parallel_loop3A_213 = arith.addi %parallel_loop3A_153, %parallel_loop3A_212 : vector<16xi32>
            scf.yield %parallel_loop3A_213 : vector<16xi32>
          } {sc.loop_unroll_factor = 8 : i64, sc.parallel_access}
          %dma_start3A_112 = arith.constant 0 : i32
          %dma_start3A_113 = tpu.memref_slice %arg9[%mul3A_90, %dma_start3A_112] : memref<32x80xi32, #tpu.memory_space<vmem>> -> memref<1x80xi32, #tpu.memory_space<vmem>>
          %dma_start3A_114 = tpu.memref_squeeze %dma_start3A_113 : memref<1x80xi32, #tpu.memory_space<vmem>> -> memref<80xi32, #tpu.memory_space<vmem>>
          %dma_start3A_115 = arith.constant 0 : i32
          %dma_start3A_116 = arith.constant 0 : i32
          %dma_start3A_117 = tpu.memref_slice %arg13[%dma_start3A_115, %dma_start3A_116] : memref<10240x128xf32, #tpu.memory_space<vmem_shared>> -> memref<10240x128xf32, #tpu.memory_space<vmem_shared>>
          tpu.enqueue_indirect_dma source(%arg11 : memref<80x128xf32, #tpu.memory_space<vmem>>) target(%dma_start3A_117 : memref<10240x128xf32, #tpu.memory_space<vmem_shared>>) offsets(%dma_start3A_114 : memref<80xi32, #tpu.memory_space<vmem>>) semaphore(%arg16 : memref<!tpu.dma_semaphore, #tpu.memory_space<semaphore_mem>>) {add = true}
          %dma_wait3A_118 = arith.constant 0 : i32
          %dma_wait3A_119 = tpu.memref_slice %arg8[%add3A_92, %dma_wait3A_118] : memref<32x80xi32, #tpu.memory_space<vmem>> -> memref<1x80xi32, #tpu.memory_space<vmem>>
          %dma_wait3A_120 = tpu.memref_squeeze %dma_wait3A_119 : memref<1x80xi32, #tpu.memory_space<vmem>> -> memref<80xi32, #tpu.memory_space<vmem>>
          %dma_wait3A_121 = arith.constant 0 : i32
          %dma_wait3A_122 = arith.constant 0 : i32
          %dma_wait3A_123 = tpu.memref_slice %arg3[%dma_wait3A_121, %dma_wait3A_122] : memref<10240x128xf32, #tpu.memory_space<hbm>> -> memref<10240x128xf32, #tpu.memory_space<hbm>>
          tpu.wait_indirect_dma semaphore(%arg15 : memref<!tpu.dma_semaphore, #tpu.memory_space<semaphore_mem>>) src(%dma_wait3A_123 : memref<10240x128xf32, #tpu.memory_space<hbm>>) dst(%arg12 : memref<80x128xf32, #tpu.memory_space<vmem>>)
          %broadcast_in_dim3A_124 = arith.constant 0 : i32
          %broadcast_in_dim3A_125 = vector.broadcast %broadcast_in_dim3A_124 : i32 to vector<16xi32>
          %add3A_126 = vector.broadcast %add3A_92 : i32 to vector<16xi32>
          %add3A_127 = arith.addi %broadcast_in_dim3A_125, %add3A_126 : vector<16xi32>
          %broadcast_in_dim3A_128 = arith.constant 0 : i32
          %broadcast_in_dim3A_129 = vector.broadcast %broadcast_in_dim3A_128 : i32 to vector<16xi32>
          %add3A_130 = arith.constant 0 : i32
          %add3A_131 = vector.broadcast %add3A_130 : i32 to vector<16xi32>
          %add3A_132 = arith.addi %broadcast_in_dim3A_129, %add3A_131 : vector<16xi32>
          %parallel_loop3A_133 = arith.constant 0 : i32
          %parallel_loop3A_134 = arith.constant 80 : i32
          %parallel_loop3A_135 = arith.constant 1 : i32
          %parallel_loop3A_136 = scf.for %parallel_loop3A_152 = %parallel_loop3A_133 to %parallel_loop3A_134 step %parallel_loop3A_135 iter_args(%parallel_loop3A_153 = %add3A_132) -> (vector<16xi32>)  : i32 {
            %parallel_loop3A_154 = tpu.vector_load_idx %arg10[%add3A_127, %parallel_loop3A_153] : memref<32x80xf32, #tpu.memory_space<vmem>>[vector<16xi32>, vector<16xi32>], vector<16xf32>,
            %parallel_loop3A_155 = arith.index_cast %parallel_loop3A_152 : i32 to index
            %parallel_loop3A_156 = arith.constant 0 : index
            %parallel_loop3A_157 = tpu.vector_load %arg12[%parallel_loop3A_155, %parallel_loop3A_156] {strides = array<i32>} : memref<80x128xf32, #tpu.memory_space<vmem>>, vector<16xf32>,
            %parallel_loop3A_158 = arith.mulf %parallel_loop3A_157, %parallel_loop3A_154 : vector<16xf32>
            %parallel_loop3A_159 = arith.index_cast %parallel_loop3A_152 : i32 to index
            %parallel_loop3A_160 = arith.constant 0 : index
            %parallel_loop3A_161 = tpu.vector_load %arg12[%parallel_loop3A_159, %parallel_loop3A_160] {strides = array<i32>} : memref<80x128xf32, #tpu.memory_space<vmem>>, vector<16xf32>,
            tpu.vector_store %arg12[%parallel_loop3A_159, %parallel_loop3A_160], %parallel_loop3A_158 {strides = array<i32>} : memref<80x128xf32, #tpu.memory_space<vmem>>, vector<16xf32>,
            %parallel_loop3A_162 = arith.index_cast %parallel_loop3A_152 : i32 to index
            %parallel_loop3A_163 = arith.constant 16 : index
            %parallel_loop3A_164 = tpu.vector_load %arg12[%parallel_loop3A_162, %parallel_loop3A_163] {strides = array<i32>} : memref<80x128xf32, #tpu.memory_space<vmem>>, vector<16xf32>,
            %parallel_loop3A_165 = arith.mulf %parallel_loop3A_164, %parallel_loop3A_154 : vector<16xf32>
            %parallel_loop3A_166 = arith.index_cast %parallel_loop3A_152 : i32 to index
            %parallel_loop3A_167 = arith.constant 16 : index
            %parallel_loop3A_168 = tpu.vector_load %arg12[%parallel_loop3A_166, %parallel_loop3A_167] {strides = array<i32>} : memref<80x128xf32, #tpu.memory_space<vmem>>, vector<16xf32>,
            tpu.vector_store %arg12[%parallel_loop3A_166, %parallel_loop3A_167], %parallel_loop3A_165 {strides = array<i32>} : memref<80x128xf32, #tpu.memory_space<vmem>>, vector<16xf32>,
            %parallel_loop3A_169 = arith.index_cast %parallel_loop3A_152 : i32 to index
            %parallel_loop3A_170 = arith.constant 32 : index
            %parallel_loop3A_171 = tpu.vector_load %arg12[%parallel_loop3A_169, %parallel_loop3A_170] {strides = array<i32>} : memref<80x128xf32, #tpu.memory_space<vmem>>, vector<16xf32>,
            %parallel_loop3A_172 = arith.mulf %parallel_loop3A_171, %parallel_loop3A_154 : vector<16xf32>
            %parallel_loop3A_173 = arith.index_cast %parallel_loop3A_152 : i32 to index
            %parallel_loop3A_174 = arith.constant 32 : index
            %parallel_loop3A_175 = tpu.vector_load %arg12[%parallel_loop3A_173, %parallel_loop3A_174] {strides = array<i32>} : memref<80x128xf32, #tpu.memory_space<vmem>>, vector<16xf32>,
            tpu.vector_store %arg12[%parallel_loop3A_173, %parallel_loop3A_174], %parallel_loop3A_172 {strides = array<i32>} : memref<80x128xf32, #tpu.memory_space<vmem>>, vector<16xf32>,
            %parallel_loop3A_176 = arith.index_cast %parallel_loop3A_152 : i32 to index
            %parallel_loop3A_177 = arith.constant 48 : index
            %parallel_loop3A_178 = tpu.vector_load %arg12[%parallel_loop3A_176, %parallel_loop3A_177] {strides = array<i32>} : memref<80x128xf32, #tpu.memory_space<vmem>>, vector<16xf32>,
            %parallel_loop3A_179 = arith.mulf %parallel_loop3A_178, %parallel_loop3A_154 : vector<16xf32>
            %parallel_loop3A_180 = arith.index_cast %parallel_loop3A_152 : i32 to index
            %parallel_loop3A_181 = arith.constant 48 : index
            %parallel_loop3A_182 = tpu.vector_load %arg12[%parallel_loop3A_180, %parallel_loop3A_181] {strides = array<i32>} : memref<80x128xf32, #tpu.memory_space<vmem>>, vector<16xf32>,
            tpu.vector_store %arg12[%parallel_loop3A_180, %parallel_loop3A_181], %parallel_loop3A_179 {strides = array<i32>} : memref<80x128xf32, #tpu.memory_space<vmem>>, vector<16xf32>,
            %parallel_loop3A_183 = arith.index_cast %parallel_loop3A_152 : i32 to index
            %parallel_loop3A_184 = arith.constant 64 : index
            %parallel_loop3A_185 = tpu.vector_load %arg12[%parallel_loop3A_183, %parallel_loop3A_184] {strides = array<i32>} : memref<80x128xf32, #tpu.memory_space<vmem>>, vector<16xf32>,
            %parallel_loop3A_186 = arith.mulf %parallel_loop3A_185, %parallel_loop3A_154 : vector<16xf32>
            %parallel_loop3A_187 = arith.index_cast %parallel_loop3A_152 : i32 to index
            %parallel_loop3A_188 = arith.constant 64 : index
            %parallel_loop3A_189 = tpu.vector_load %arg12[%parallel_loop3A_187, %parallel_loop3A_188] {strides = array<i32>} : memref<80x128xf32, #tpu.memory_space<vmem>>, vector<16xf32>,
            tpu.vector_store %arg12[%parallel_loop3A_187, %parallel_loop3A_188], %parallel_loop3A_186 {strides = array<i32>} : memref<80x128xf32, #tpu.memory_space<vmem>>, vector<16xf32>,
            %parallel_loop3A_190 = arith.index_cast %parallel_loop3A_152 : i32 to index
            %parallel_loop3A_191 = arith.constant 80 : index
            %parallel_loop3A_192 = tpu.vector_load %arg12[%parallel_loop3A_190, %parallel_loop3A_191] {strides = array<i32>} : memref<80x128xf32, #tpu.memory_space<vmem>>, vector<16xf32>,
            %parallel_loop3A_193 = arith.mulf %parallel_loop3A_192, %parallel_loop3A_154 : vector<16xf32>
            %parallel_loop3A_194 = arith.index_cast %parallel_loop3A_152 : i32 to index
            %parallel_loop3A_195 = arith.constant 80 : index
            %parallel_loop3A_196 = tpu.vector_load %arg12[%parallel_loop3A_194, %parallel_loop3A_195] {strides = array<i32>} : memref<80x128xf32, #tpu.memory_space<vmem>>, vector<16xf32>,
            tpu.vector_store %arg12[%parallel_loop3A_194, %parallel_loop3A_195], %parallel_loop3A_193 {strides = array<i32>} : memref<80x128xf32, #tpu.memory_space<vmem>>, vector<16xf32>,
            %parallel_loop3A_197 = arith.index_cast %parallel_loop3A_152 : i32 to index
            %parallel_loop3A_198 = arith.constant 96 : index
            %parallel_loop3A_199 = tpu.vector_load %arg12[%parallel_loop3A_197, %parallel_loop3A_198] {strides = array<i32>} : memref<80x128xf32, #tpu.memory_space<vmem>>, vector<16xf32>,
            %parallel_loop3A_200 = arith.mulf %parallel_loop3A_199, %parallel_loop3A_154 : vector<16xf32>
            %parallel_loop3A_201 = arith.index_cast %parallel_loop3A_152 : i32 to index
            %parallel_loop3A_202 = arith.constant 96 : index
            %parallel_loop3A_203 = tpu.vector_load %arg12[%parallel_loop3A_201, %parallel_loop3A_202] {strides = array<i32>} : memref<80x128xf32, #tpu.memory_space<vmem>>, vector<16xf32>,
            tpu.vector_store %arg12[%parallel_loop3A_201, %parallel_loop3A_202], %parallel_loop3A_200 {strides = array<i32>} : memref<80x128xf32, #tpu.memory_space<vmem>>, vector<16xf32>,
            %parallel_loop3A_204 = arith.index_cast %parallel_loop3A_152 : i32 to index
            %parallel_loop3A_205 = arith.constant 112 : index
            %parallel_loop3A_206 = tpu.vector_load %arg12[%parallel_loop3A_204, %parallel_loop3A_205] {strides = array<i32>} : memref<80x128xf32, #tpu.memory_space<vmem>>, vector<16xf32>,
            %parallel_loop3A_207 = arith.mulf %parallel_loop3A_206, %parallel_loop3A_154 : vector<16xf32>
            %parallel_loop3A_208 = arith.index_cast %parallel_loop3A_152 : i32 to index
            %parallel_loop3A_209 = arith.constant 112 : index
            %parallel_loop3A_210 = tpu.vector_load %arg12[%parallel_loop3A_208, %parallel_loop3A_209] {strides = array<i32>} : memref<80x128xf32, #tpu.memory_space<vmem>>, vector<16xf32>,
            tpu.vector_store %arg12[%parallel_loop3A_208, %parallel_loop3A_209], %parallel_loop3A_207 {strides = array<i32>} : memref<80x128xf32, #tpu.memory_space<vmem>>, vector<16xf32>,
            %parallel_loop3A_211 = arith.constant 1 : i32
            %parallel_loop3A_212 = vector.broadcast %parallel_loop3A_211 : i32 to vector<16xi32>
            %parallel_loop3A_213 = arith.addi %parallel_loop3A_153, %parallel_loop3A_212 : vector<16xi32>
            scf.yield %parallel_loop3A_213 : vector<16xi32>
          } {sc.loop_unroll_factor = 8 : i64, sc.parallel_access}
          %not3A = arith.constant true
          %not3A_137 = arith.xori %eq3A_94, %not3A : i1
          %convert_element_type3A_138 = arith.extui %not3A_137 : i1 to i32
          %cond3A_139 = arith.constant 0 : i32
          %cond3A_140 = arith.cmpi ne, %convert_element_type3A_138, %cond3A_139 : i32
          scf.if %cond3A_140 {
            %dma_wait3A_152 = arith.constant 0 : i32
            %dma_wait3A_153 = tpu.memref_slice %arg9[%mul3A_90, %dma_wait3A_152] : memref<32x80xi32, #tpu.memory_space<vmem>> -> memref<1x80xi32, #tpu.memory_space<vmem>>
            %dma_wait3A_154 = tpu.memref_squeeze %dma_wait3A_153 : memref<1x80xi32, #tpu.memory_space<vmem>> -> memref<80xi32, #tpu.memory_space<vmem>>
            %dma_wait3A_155 = arith.constant 0 : i32
            %dma_wait3A_156 = arith.constant 0 : i32
            %dma_wait3A_157 = tpu.memref_slice %arg13[%dma_wait3A_155, %dma_wait3A_156] : memref<10240x128xf32, #tpu.memory_space<vmem_shared>> -> memref<10240x128xf32, #tpu.memory_space<vmem_shared>>
            tpu.wait_indirect_dma semaphore(%arg16 : memref<!tpu.dma_semaphore, #tpu.memory_space<semaphore_mem>>) src(%arg11 : memref<80x128xf32, #tpu.memory_space<vmem>>) dst(%dma_wait3A_157 : memref<10240x128xf32, #tpu.memory_space<vmem_shared>>)
            %add3A_158 = arith.constant 2 : i32
            %add3A_159 = arith.addi %mul3A_90, %add3A_158 : i32
            %dma_start3A_160 = arith.constant 0 : i32
            %dma_start3A_161 = tpu.memref_slice %arg8[%add3A_159, %dma_start3A_160] : memref<32x80xi32, #tpu.memory_space<vmem>> -> memref<1x80xi32, #tpu.memory_space<vmem>>
            %dma_start3A_162 = tpu.memref_squeeze %dma_start3A_161 : memref<1x80xi32, #tpu.memory_space<vmem>> -> memref<80xi32, #tpu.memory_space<vmem>>
            %dma_start3A_163 = arith.constant 0 : i32
            %dma_start3A_164 = arith.constant 0 : i32
            %dma_start3A_165 = tpu.memref_slice %arg3[%dma_start3A_163, %dma_start3A_164] : memref<10240x128xf32, #tpu.memory_space<hbm>> -> memref<10240x128xf32, #tpu.memory_space<hbm>>
            tpu.enqueue_indirect_dma source(%dma_start3A_165 : memref<10240x128xf32, #tpu.memory_space<hbm>>) target(%arg11 : memref<80x128xf32, #tpu.memory_space<vmem>>) offsets(%dma_start3A_162 : memref<80xi32, #tpu.memory_space<vmem>>) semaphore(%arg14 : memref<!tpu.dma_semaphore, #tpu.memory_space<semaphore_mem>>)
          } else {
          }
          %dma_start3A_141 = arith.constant 0 : i32
          %dma_start3A_142 = tpu.memref_slice %arg9[%add3A_92, %dma_start3A_141] : memref<32x80xi32, #tpu.memory_space<vmem>> -> memref<1x80xi32, #tpu.memory_space<vmem>>
          %dma_start3A_143 = tpu.memref_squeeze %dma_start3A_142 : memref<1x80xi32, #tpu.memory_space<vmem>> -> memref<80xi32, #tpu.memory_space<vmem>>
          %dma_start3A_144 = arith.constant 0 : i32
          %dma_start3A_145 = arith.constant 0 : i32
          %dma_start3A_146 = tpu.memref_slice %arg13[%dma_start3A_144, %dma_start3A_145] : memref<10240x128xf32, #tpu.memory_space<vmem_shared>> -> memref<10240x128xf32, #tpu.memory_space<vmem_shared>>
          tpu.enqueue_indirect_dma source(%arg12 : memref<80x128xf32, #tpu.memory_space<vmem>>) target(%dma_start3A_146 : memref<10240x128xf32, #tpu.memory_space<vmem_shared>>) offsets(%dma_start3A_143 : memref<80xi32, #tpu.memory_space<vmem>>) semaphore(%arg17 : memref<!tpu.dma_semaphore, #tpu.memory_space<semaphore_mem>>) {add = true}
          %not3A_147 = arith.constant true
          %not3A_148 = arith.xori %eq3A_94, %not3A_147 : i1
          %convert_element_type3A_149 = arith.extui %not3A_148 : i1 to i32
          %cond3A_150 = arith.constant 0 : i32
          %cond3A_151 = arith.cmpi ne, %convert_element_type3A_149, %cond3A_150 : i32
          scf.if %cond3A_151 {
            %dma_wait3A_152 = arith.constant 0 : i32
            %dma_wait3A_153 = tpu.memref_slice %arg9[%add3A_92, %dma_wait3A_152] : memref<32x80xi32, #tpu.memory_space<vmem>> -> memref<1x80xi32, #tpu.memory_space<vmem>>
            %dma_wait3A_154 = tpu.memref_squeeze %dma_wait3A_153 : memref<1x80xi32, #tpu.memory_space<vmem>> -> memref<80xi32, #tpu.memory_space<vmem>>
            %dma_wait3A_155 = arith.constant 0 : i32
            %dma_wait3A_156 = arith.constant 0 : i32
            %dma_wait3A_157 = tpu.memref_slice %arg13[%dma_wait3A_155, %dma_wait3A_156] : memref<10240x128xf32, #tpu.memory_space<vmem_shared>> -> memref<10240x128xf32, #tpu.memory_space<vmem_shared>>
            tpu.wait_indirect_dma semaphore(%arg17 : memref<!tpu.dma_semaphore, #tpu.memory_space<semaphore_mem>>) src(%arg12 : memref<80x128xf32, #tpu.memory_space<vmem>>) dst(%dma_wait3A_157 : memref<10240x128xf32, #tpu.memory_space<vmem_shared>>)
            %add3A_158 = arith.constant 2 : i32
            %add3A_159 = arith.addi %add3A_92, %add3A_158 : i32
            %dma_start3A_160 = arith.constant 0 : i32
            %dma_start3A_161 = tpu.memref_slice %arg8[%add3A_159, %dma_start3A_160] : memref<32x80xi32, #tpu.memory_space<vmem>> -> memref<1x80xi32, #tpu.memory_space<vmem>>
            %dma_start3A_162 = tpu.memref_squeeze %dma_start3A_161 : memref<1x80xi32, #tpu.memory_space<vmem>> -> memref<80xi32, #tpu.memory_space<vmem>>
            %dma_start3A_163 = arith.constant 0 : i32
            %dma_start3A_164 = arith.constant 0 : i32
            %dma_start3A_165 = tpu.memref_slice %arg3[%dma_start3A_163, %dma_start3A_164] : memref<10240x128xf32, #tpu.memory_space<hbm>> -> memref<10240x128xf32, #tpu.memory_space<hbm>>
            tpu.enqueue_indirect_dma source(%dma_start3A_165 : memref<10240x128xf32, #tpu.memory_space<hbm>>) target(%arg12 : memref<80x128xf32, #tpu.memory_space<vmem>>) offsets(%dma_start3A_162 : memref<80xi32, #tpu.memory_space<vmem>>) semaphore(%arg15 : memref<!tpu.dma_semaphore, #tpu.memory_space<semaphore_mem>>)
          } else {
          }
        }
        %scan3A_74 = arith.constant 16 : i32
        %dma_wait3A = arith.constant 30 : i32
        %dma_wait3A_75 = arith.constant 0 : i32
        %dma_wait3A_76 = tpu.memref_slice %arg9[%dma_wait3A, %dma_wait3A_75] : memref<32x80xi32, #tpu.memory_space<vmem>> -> memref<1x80xi32, #tpu.memory_space<vmem>>
        %dma_wait3A_77 = tpu.memref_squeeze %dma_wait3A_76 : memref<1x80xi32, #tpu.memory_space<vmem>> -> memref<80xi32, #tpu.memory_space<vmem>>
        %dma_wait3A_78 = arith.constant 0 : i32
        %dma_wait3A_79 = arith.constant 0 : i32
        %dma_wait3A_80 = tpu.memref_slice %arg13[%dma_wait3A_78, %dma_wait3A_79] : memref<10240x128xf32, #tpu.memory_space<vmem_shared>> -> memref<10240x128xf32, #tpu.memory_space<vmem_shared>>
        tpu.wait_indirect_dma semaphore(%arg16 : memref<!tpu.dma_semaphore, #tpu.memory_space<semaphore_mem>>) src(%arg11 : memref<80x128xf32, #tpu.memory_space<vmem>>) dst(%dma_wait3A_80 : memref<10240x128xf32, #tpu.memory_space<vmem_shared>>)
        %dma_wait3A_81 = arith.constant 31 : i32
        %dma_wait3A_82 = arith.constant 0 : i32
        %dma_wait3A_83 = tpu.memref_slice %arg9[%dma_wait3A_81, %dma_wait3A_82] : memref<32x80xi32, #tpu.memory_space<vmem>> -> memref<1x80xi32, #tpu.memory_space<vmem>>
        %dma_wait3A_84 = tpu.memref_squeeze %dma_wait3A_83 : memref<1x80xi32, #tpu.memory_space<vmem>> -> memref<80xi32, #tpu.memory_space<vmem>>
        %dma_wait3A_85 = arith.constant 0 : i32
        %dma_wait3A_86 = arith.constant 0 : i32
        %dma_wait3A_87 = tpu.memref_slice %arg13[%dma_wait3A_85, %dma_wait3A_86] : memref<10240x128xf32, #tpu.memory_space<vmem_shared>> -> memref<10240x128xf32, #tpu.memory_space<vmem_shared>>
        tpu.wait_indirect_dma semaphore(%arg17 : memref<!tpu.dma_semaphore, #tpu.memory_space<semaphore_mem>>) src(%arg12 : memref<80x128xf32, #tpu.memory_space<vmem>>) dst(%dma_wait3A_87 : memref<10240x128xf32, #tpu.memory_space<vmem_shared>>)
      }
      %scan3A_52 = arith.constant 8 : i32
    } else {
    }
    %barrier3A_43 = arith.constant 0 : index
    tpu.barrier barrier_id(%barrier3A_43)
    %mul3A_44 = arith.constant 640 : i32
    %mul3A_45 = arith.muli %arg1, %mul3A_44 : i32
    %mul3A_46 = arith.constant 640 : i32
    %mul3A_47 = arith.muli %arg1, %mul3A_46 : i32
    "tpu.region"() ({
      %run_scoped3A = tpu.sem_alloc : memref<!tpu.dma_semaphore, #tpu.memory_space<semaphore_mem>>
      %dma_start3A = arith.constant 0 : i32
      %dma_start3A_48 = tpu.memref_slice %arg7[%arg0, %mul3A_47, %dma_start3A] : memref<2x10240x128xf32, #tpu.memory_space<hbm>> -> memref<1x640x128xf32, #tpu.memory_space<hbm>>
      %dma_start3A_49 = tpu.memref_squeeze %dma_start3A_48 : memref<1x640x128xf32, #tpu.memory_space<hbm>> -> memref<640x128xf32, #tpu.memory_space<hbm>>
      %dma_start3A_50 = arith.constant 0 : i32
      %dma_start3A_51 = tpu.memref_slice %arg13[%mul3A_45, %dma_start3A_50] : memref<10240x128xf32, #tpu.memory_space<vmem_shared>> -> memref<640x128xf32, #tpu.memory_space<vmem_shared>>
      tpu.enqueue_dma source(%dma_start3A_51 : memref<640x128xf32, #tpu.memory_space<vmem_shared>>) target(%dma_start3A_49 : memref<640x128xf32, #tpu.memory_space<hbm>>) target_semaphore(%run_scoped3A : memref<!tpu.dma_semaphore, #tpu.memory_space<semaphore_mem>>)
      %dma_wait3A = arith.constant 0 : i32
      %dma_wait3A_52 = tpu.memref_slice %arg7[%arg0, %mul3A_47, %dma_wait3A] : memref<2x10240x128xf32, #tpu.memory_space<hbm>> -> memref<1x640x128xf32, #tpu.memory_space<hbm>>
      %dma_wait3A_53 = tpu.memref_squeeze %dma_wait3A_52 : memref<1x640x128xf32, #tpu.memory_space<hbm>> -> memref<640x128xf32, #tpu.memory_space<hbm>>
      %dma_wait3A_54 = arith.constant 0 : i32
      %dma_wait3A_55 = tpu.memref_slice %arg13[%mul3A_45, %dma_wait3A_54] : memref<10240x128xf32, #tpu.memory_space<vmem_shared>> -> memref<640x128xf32, #tpu.memory_space<vmem_shared>>
      tpu.wait_dma2 semaphore(%run_scoped3A : memref<!tpu.dma_semaphore, #tpu.memory_space<semaphore_mem>>) src(%dma_wait3A_55 : memref<640x128xf32, #tpu.memory_space<vmem_shared>>) dst(%dma_wait3A_53 : memref<640x128xf32, #tpu.memory_space<hbm>>)
      tpu.yield
    }) : () -> ()
    return
  }
}

module attributes {stable_mosaic.version = 14 : i64} {
  func.func @_dinv_body(%arg0: memref<2x80x128xf32, #tpu.memory_space<vmem>>, %arg1: memref<80x128xf32, #tpu.memory_space<vmem>>, %arg2: memref<80x128xf32, #tpu.memory_space<vmem>>) attributes {dimension_semantics = [], scalar_prefetch = 0 : i64, scratch_operands = 0 : i64, tpu.core_type = #tpu.core_type<tc>} {
    %get3A = arith.constant 0 : index
    %get3A_0 = arith.constant 0 : index
    %get3A_1 = arith.constant 0 : index
    %get3A_2 = vector.load %arg0[%get3A, %get3A_0, %get3A_1] : memref<2x80x128xf32, #tpu.memory_space<vmem>>, vector<1x80x128xf32>
    %get3A_3 = vector.shape_cast %get3A_2 : vector<1x80x128xf32> to vector<80x128xf32>
    %get3A_4 = arith.constant 1 : index
    %get3A_5 = arith.constant 0 : index
    %get3A_6 = arith.constant 0 : index
    %get3A_7 = vector.load %arg0[%get3A_4, %get3A_5, %get3A_6] : memref<2x80x128xf32, #tpu.memory_space<vmem>>, vector<1x80x128xf32>
    %get3A_8 = vector.shape_cast %get3A_7 : vector<1x80x128xf32> to vector<80x128xf32>
    %add3A = arith.addf %get3A_3, %get3A_8 : vector<80x128xf32>
    %add3A_9 = arith.constant 1.000000e+00 : f32
    %add3A_10 = vector.broadcast %add3A_9 : f32 to vector<80x128xf32>
    %add3A_11 = arith.addf %add3A, %add3A_10 : vector<80x128xf32>
    %rsqrt3A = math.rsqrt %add3A_11 : vector<80x128xf32>
    %swap3A = arith.constant 0 : index
    %swap3A_12 = arith.constant 0 : index
    %swap3A_13 = vector.load %arg1[%swap3A, %swap3A_12] : memref<80x128xf32, #tpu.memory_space<vmem>>, vector<80x128xf32>
    tpu.vector_store %arg1[%swap3A, %swap3A_12], %rsqrt3A {strides = array<i32>} : memref<80x128xf32, #tpu.memory_space<vmem>>, vector<80x128xf32>,
    %div3A = arith.constant 1.000000e+00 : f32
    %div3A_14 = vector.broadcast %div3A : f32 to vector<80x128xf32>
    %div3A_15 = arith.divf %div3A_14, %add3A_11 : vector<80x128xf32>
    %swap3A_16 = arith.constant 0 : index
    %swap3A_17 = arith.constant 0 : index
    %swap3A_18 = vector.load %arg2[%swap3A_16, %swap3A_17] : memref<80x128xf32, #tpu.memory_space<vmem>>, vector<80x128xf32>
    tpu.vector_store %arg2[%swap3A_16, %swap3A_17], %div3A_15 {strides = array<i32>} : memref<80x128xf32, #tpu.memory_space<vmem>>, vector<80x128xf32>,
    return
  }
}

module attributes {stable_mosaic.version = 14 : i64} {
  func.func @_l1_body(%arg0: i32, %arg1: i32, %arg2: memref<2x512x128xf32, #tpu.memory_space<vmem>>, %arg3: memref<512x128xf32, #tpu.memory_space<vmem>>, %arg4: memref<512x1xf32, #tpu.memory_space<vmem>>, %arg5: memref<512x1xf32, #tpu.memory_space<vmem>>, %arg6: memref<128x128xf32, #tpu.memory_space<vmem>>, %arg7: memref<1x1x128xf32, #tpu.memory_space<vmem>>, %arg8: memref<1x512x128xf32, #tpu.memory_space<vmem>>, %arg9: memref<1x512x128xf32, #tpu.memory_space<vmem>>) attributes {dimension_semantics = [#tpu.dimension_semantics<arbitrary>, #tpu.dimension_semantics<arbitrary>], iteration_bounds = array<i64: 20, 2>, scalar_prefetch = 0 : i64, scratch_operands = 0 : i64, tpu.core_type = #tpu.core_type<tc>, window_params = [{transform_indices = @transform_0, window_bounds = array<i64: 2, 512, 128>}, {transform_indices = @transform_1, window_bounds = array<i64: 512, 128>}, {transform_indices = @transform_2, window_bounds = array<i64: 512, 1>}, {transform_indices = @transform_3, window_bounds = array<i64: 512, 1>}, {transform_indices = @transform_4, window_bounds = array<i64: 128, 128>}, {transform_indices = @transform_5, window_bounds = array<i64: 1, 1, 128>}, {transform_indices = @transform_6, window_bounds = array<i64: 1, 512, 128>}, {transform_indices = @transform_7, window_bounds = array<i64: 1, 512, 128>}]} {
    %get3A = arith.constant 0 : index
    %get3A_0 = arith.constant 0 : index
    %get3A_1 = vector.load %arg4[%get3A, %get3A_0] : memref<512x1xf32, #tpu.memory_space<vmem>>, vector<512x1xf32>
    %get3A_2 = arith.constant 0 : index
    %get3A_3 = arith.constant 0 : index
    %get3A_4 = arith.constant 0 : index
    %get3A_5 = vector.load %arg2[%get3A_2, %get3A_3, %get3A_4] : memref<2x512x128xf32, #tpu.memory_space<vmem>>, vector<1x512x128xf32>
    %get3A_6 = vector.shape_cast %get3A_5 : vector<1x512x128xf32> to vector<512x128xf32>
    %get3A_7 = arith.constant 1 : index
    %get3A_8 = arith.constant 0 : index
    %get3A_9 = arith.constant 0 : index
    %get3A_10 = vector.load %arg2[%get3A_7, %get3A_8, %get3A_9] : memref<2x512x128xf32, #tpu.memory_space<vmem>>, vector<1x512x128xf32>
    %get3A_11 = vector.shape_cast %get3A_10 : vector<1x512x128xf32> to vector<512x128xf32>
    %add3A = arith.addf %get3A_6, %get3A_11 : vector<512x128xf32>
    %mul3A = vector.broadcast %get3A_1 : vector<512x1xf32> to vector<512x128xf32>
    %mul3A_12 = arith.mulf %mul3A, %add3A : vector<512x128xf32>
    %get3A_13 = arith.constant 0 : index
    %get3A_14 = arith.constant 0 : index
    %get3A_15 = vector.load %arg5[%get3A_13, %get3A_14] : memref<512x1xf32, #tpu.memory_space<vmem>>, vector<512x1xf32>
    %get3A_16 = arith.constant 0 : index
    %get3A_17 = arith.constant 0 : index
    %get3A_18 = vector.load %arg3[%get3A_16, %get3A_17] : memref<512x128xf32, #tpu.memory_space<vmem>>, vector<512x128xf32>
    %mul3A_19 = vector.broadcast %get3A_15 : vector<512x1xf32> to vector<512x128xf32>
    %mul3A_20 = arith.mulf %mul3A_19, %get3A_18 : vector<512x128xf32>
    %add3A_21 = arith.addf %mul3A_12, %mul3A_20 : vector<512x128xf32>
    %get3A_22 = arith.constant 0 : index
    %get3A_23 = arith.constant 0 : index
    %get3A_24 = vector.load %arg6[%get3A_22, %get3A_23] : memref<128x128xf32, #tpu.memory_space<vmem>>, vector<128x128xf32>
    %dot_general3A = arith.constant dense<0.000000e+00> : vector<512x128xf32>
    %dot_general3A_25 = tpu.matmul %add3A_21, %get3A_24, %dot_general3A {dimension_numbers = #tpu.dot_dimension_numbers<[1], [0], [0], [1], [0, 0, 1, 1], [], []>, transpose_lhs_hint = false} : vector<512x128xf32>, vector<128x128xf32>, vector<512x128xf32> -> vector<512x128xf32>
    %get3A_26 = arith.constant 0 : index
    %get3A_27 = arith.constant 0 : index
    %get3A_28 = arith.constant 0 : index
    %get3A_29 = vector.load %arg7[%get3A_26, %get3A_27, %get3A_28] : memref<1x1x128xf32, #tpu.memory_space<vmem>>, vector<1x1x128xf32>
    %get3A_30 = vector.shape_cast %get3A_29 : vector<1x1x128xf32> to vector<1x128xf32>
    %add3A_31 = vector.broadcast %get3A_30 : vector<1x128xf32> to vector<512x128xf32>
    %add3A_32 = arith.addf %dot_general3A_25, %add3A_31 : vector<512x128xf32>
    %max3A = arith.constant 0.000000e+00 : f32
    %max3A_33 = vector.broadcast %max3A : f32 to vector<512x128xf32>
    %max3A_34 = arith.maximumf %add3A_32, %max3A_33 : vector<512x128xf32>
    %swap3A = arith.constant 0 : index
    %swap3A_35 = arith.constant 0 : index
    %swap3A_36 = arith.constant 0 : index
    %swap3A_37 = vector.load %arg8[%swap3A, %swap3A_35, %swap3A_36] : memref<1x512x128xf32, #tpu.memory_space<vmem>>, vector<1x512x128xf32>
    %swap3A_38 = vector.shape_cast %swap3A_37 : vector<1x512x128xf32> to vector<512x128xf32>
    %swap3A_39 = vector.shape_cast %max3A_34 : vector<512x128xf32> to vector<1x512x128xf32>
    tpu.vector_store %arg8[%swap3A, %swap3A_35, %swap3A_36], %swap3A_39 {strides = array<i32>} : memref<1x512x128xf32, #tpu.memory_space<vmem>>, vector<1x512x128xf32>,
    %get3A_40 = arith.constant 0 : index
    %get3A_41 = arith.constant 0 : index
    %get3A_42 = vector.load %arg4[%get3A_40, %get3A_41] : memref<512x1xf32, #tpu.memory_space<vmem>>, vector<512x1xf32>
    %mul3A_43 = vector.broadcast %get3A_42 : vector<512x1xf32> to vector<512x128xf32>
    %mul3A_44 = arith.mulf %mul3A_43, %max3A_34 : vector<512x128xf32>
    %swap3A_45 = arith.constant 0 : index
    %swap3A_46 = arith.constant 0 : index
    %swap3A_47 = arith.constant 0 : index
    %swap3A_48 = vector.load %arg9[%swap3A_45, %swap3A_46, %swap3A_47] : memref<1x512x128xf32, #tpu.memory_space<vmem>>, vector<1x512x128xf32>
    %swap3A_49 = vector.shape_cast %swap3A_48 : vector<1x512x128xf32> to vector<512x128xf32>
    %swap3A_50 = vector.shape_cast %mul3A_44 : vector<512x128xf32> to vector<1x512x128xf32>
    tpu.vector_store %arg9[%swap3A_45, %swap3A_46, %swap3A_47], %swap3A_50 {strides = array<i32>} : memref<1x512x128xf32, #tpu.memory_space<vmem>>, vector<1x512x128xf32>,
    return
  }
  func.func @transform_0(%arg0: i32, %arg1: i32) -> (i32, i32, i32) {
    %c0_i32 = arith.constant 0 : i32
    %c0_i32_0 = arith.constant 0 : i32
    %c0_i32_1 = arith.constant 0 : i32
    return %c0_i32, %arg0, %c0_i32_0 : i32, i32, i32
  }
  func.func @transform_1(%arg0: i32, %arg1: i32) -> (i32, i32) {
    %c0_i32 = arith.constant 0 : i32
    %c0_i32_0 = arith.constant 0 : i32
    return %arg0, %c0_i32 : i32, i32
  }
  func.func @transform_2(%arg0: i32, %arg1: i32) -> (i32, i32) {
    %c0_i32 = arith.constant 0 : i32
    %c0_i32_0 = arith.constant 0 : i32
    return %arg0, %c0_i32 : i32, i32
  }
  func.func @transform_3(%arg0: i32, %arg1: i32) -> (i32, i32) {
    %c0_i32 = arith.constant 0 : i32
    %c0_i32_0 = arith.constant 0 : i32
    return %arg0, %c0_i32 : i32, i32
  }
  func.func @transform_4(%arg0: i32, %arg1: i32) -> (i32, i32) {
    %c0_i32 = arith.constant 0 : i32
    %c0_i32_0 = arith.constant 0 : i32
    return %c0_i32, %arg1 : i32, i32
  }
  func.func @transform_5(%arg0: i32, %arg1: i32) -> (i32, i32, i32) {
    %c0_i32 = arith.constant 0 : i32
    %c0_i32_0 = arith.constant 0 : i32
    %c0_i32_1 = arith.constant 0 : i32
    return %arg1, %c0_i32, %c0_i32_0 : i32, i32, i32
  }
  func.func @transform_6(%arg0: i32, %arg1: i32) -> (i32, i32, i32) {
    %c0_i32 = arith.constant 0 : i32
    %c0_i32_0 = arith.constant 0 : i32
    return %arg1, %arg0, %c0_i32 : i32, i32, i32
  }
  func.func @transform_7(%arg0: i32, %arg1: i32) -> (i32, i32, i32) {
    %c0_i32 = arith.constant 0 : i32
    %c0_i32_0 = arith.constant 0 : i32
    return %arg1, %arg0, %c0_i32 : i32, i32, i32
  }
}

module attributes {stable_mosaic.version = 14 : i64} {
  func.func @_head_body(%arg0: i32, %arg1: memref<2x512x128xf32, #tpu.memory_space<vmem>>, %arg2: memref<2x512x128xf32, #tpu.memory_space<vmem>>, %arg3: memref<512x1xf32, #tpu.memory_space<vmem>>, %arg4: memref<512x1xf32, #tpu.memory_space<vmem>>, %arg5: memref<256x512xbf16, #tpu.memory_space<vmem>>, %arg6: memref<1x512xf32, #tpu.memory_space<vmem>>, %arg7: memref<512x1024xbf16, #tpu.memory_space<vmem>>, %arg8: memref<1x1024xf32, #tpu.memory_space<vmem>>, %arg9: memref<1024x40xbf16, #tpu.memory_space<vmem>>, %arg10: memref<1x40xf32, #tpu.memory_space<vmem>>, %arg11: memref<512x40xf32, #tpu.memory_space<vmem>>) attributes {dimension_semantics = [#tpu.dimension_semantics<arbitrary>], iteration_bounds = array<i64: 20>, scalar_prefetch = 0 : i64, scratch_operands = 0 : i64, tpu.core_type = #tpu.core_type<tc>, window_params = [{transform_indices = @transform_0, window_bounds = array<i64: 2, 512, 128>}, {transform_indices = @transform_1, window_bounds = array<i64: 2, 512, 128>}, {transform_indices = @transform_2, window_bounds = array<i64: 512, 1>}, {transform_indices = @transform_3, window_bounds = array<i64: 512, 1>}, {pipeline_mode = #tpu.pipeline_mode<synchronous>, transform_indices = @transform_4, window_bounds = array<i64: 256, 512>}, {pipeline_mode = #tpu.pipeline_mode<synchronous>, transform_indices = @transform_5, window_bounds = array<i64: 1, 512>}, {pipeline_mode = #tpu.pipeline_mode<synchronous>, transform_indices = @transform_6, window_bounds = array<i64: 512, 1024>}, {pipeline_mode = #tpu.pipeline_mode<synchronous>, transform_indices = @transform_7, window_bounds = array<i64: 1, 1024>}, {pipeline_mode = #tpu.pipeline_mode<synchronous>, transform_indices = @transform_8, window_bounds = array<i64: 1024, 40>}, {pipeline_mode = #tpu.pipeline_mode<synchronous>, transform_indices = @transform_9, window_bounds = array<i64: 1, 40>}, {transform_indices = @transform_10, window_bounds = array<i64: 512, 40>}]} {
    %get3A = arith.constant 0 : index
    %get3A_0 = arith.constant 0 : index
    %get3A_1 = vector.load %arg3[%get3A, %get3A_0] : memref<512x1xf32, #tpu.memory_space<vmem>>, vector<512x1xf32>
    %get3A_2 = arith.constant 0 : index
    %get3A_3 = arith.constant 0 : index
    %get3A_4 = vector.load %arg4[%get3A_2, %get3A_3] : memref<512x1xf32, #tpu.memory_space<vmem>>, vector<512x1xf32>
    %get3A_5 = arith.constant 0 : index
    %get3A_6 = arith.constant 0 : index
    %get3A_7 = arith.constant 0 : index
    %get3A_8 = vector.load %arg1[%get3A_5, %get3A_6, %get3A_7] : memref<2x512x128xf32, #tpu.memory_space<vmem>>, vector<1x512x128xf32>
    %get3A_9 = vector.shape_cast %get3A_8 : vector<1x512x128xf32> to vector<512x128xf32>
    %mul3A = vector.broadcast %get3A_1 : vector<512x1xf32> to vector<512x128xf32>
    %mul3A_10 = arith.mulf %mul3A, %get3A_9 : vector<512x128xf32>
    %get3A_11 = arith.constant 0 : index
    %get3A_12 = arith.constant 0 : index
    %get3A_13 = arith.constant 0 : index
    %get3A_14 = vector.load %arg2[%get3A_11, %get3A_12, %get3A_13] : memref<2x512x128xf32, #tpu.memory_space<vmem>>, vector<1x512x128xf32>
    %get3A_15 = vector.shape_cast %get3A_14 : vector<1x512x128xf32> to vector<512x128xf32>
    %mul3A_16 = vector.broadcast %get3A_4 : vector<512x1xf32> to vector<512x128xf32>
    %mul3A_17 = arith.mulf %mul3A_16, %get3A_15 : vector<512x128xf32>
    %add3A = arith.addf %mul3A_10, %mul3A_17 : vector<512x128xf32>
    %get3A_18 = arith.constant 1 : index
    %get3A_19 = arith.constant 0 : index
    %get3A_20 = arith.constant 0 : index
    %get3A_21 = vector.load %arg1[%get3A_18, %get3A_19, %get3A_20] : memref<2x512x128xf32, #tpu.memory_space<vmem>>, vector<1x512x128xf32>
    %get3A_22 = vector.shape_cast %get3A_21 : vector<1x512x128xf32> to vector<512x128xf32>
    %mul3A_23 = vector.broadcast %get3A_1 : vector<512x1xf32> to vector<512x128xf32>
    %mul3A_24 = arith.mulf %mul3A_23, %get3A_22 : vector<512x128xf32>
    %get3A_25 = arith.constant 1 : index
    %get3A_26 = arith.constant 0 : index
    %get3A_27 = arith.constant 0 : index
    %get3A_28 = vector.load %arg2[%get3A_25, %get3A_26, %get3A_27] : memref<2x512x128xf32, #tpu.memory_space<vmem>>, vector<1x512x128xf32>
    %get3A_29 = vector.shape_cast %get3A_28 : vector<1x512x128xf32> to vector<512x128xf32>
    %mul3A_30 = vector.broadcast %get3A_4 : vector<512x1xf32> to vector<512x128xf32>
    %mul3A_31 = arith.mulf %mul3A_30, %get3A_29 : vector<512x128xf32>
    %add3A_32 = arith.addf %mul3A_24, %mul3A_31 : vector<512x128xf32>
    %concatenate3A = tpu.concatenate %add3A, %add3A_32 in 1 : vector<512x128xf32>, vector<512x128xf32> -> vector<512x256xf32>
    %convert_element_type3A = arith.truncf %concatenate3A : vector<512x256xf32> to vector<512x256xbf16>
    %get3A_33 = arith.constant 0 : index
    %get3A_34 = arith.constant 0 : index
    %get3A_35 = vector.load %arg5[%get3A_33, %get3A_34] : memref<256x512xbf16, #tpu.memory_space<vmem>>, vector<256x512xbf16>
    %dot_general3A = arith.constant dense<0.000000e+00> : vector<512x512xf32>
    %dot_general3A_36 = tpu.matmul %convert_element_type3A, %get3A_35, %dot_general3A {dimension_numbers = #tpu.dot_dimension_numbers<[1], [0], [0], [1], [0, 0, 1, 1], [], []>, transpose_lhs_hint = false} : vector<512x256xbf16>, vector<256x512xbf16>, vector<512x512xf32> -> vector<512x512xf32>
    %get3A_37 = arith.constant 0 : index
    %get3A_38 = arith.constant 0 : index
    %get3A_39 = vector.load %arg6[%get3A_37, %get3A_38] : memref<1x512xf32, #tpu.memory_space<vmem>>, vector<1x512xf32>
    %add3A_40 = vector.broadcast %get3A_39 : vector<1x512xf32> to vector<512x512xf32>
    %add3A_41 = arith.addf %dot_general3A_36, %add3A_40 : vector<512x512xf32>
    %max3A = arith.constant 0.000000e+00 : f32
    %max3A_42 = vector.broadcast %max3A : f32 to vector<512x512xf32>
    %max3A_43 = arith.maximumf %add3A_41, %max3A_42 : vector<512x512xf32>
    %convert_element_type3A_44 = arith.truncf %max3A_43 : vector<512x512xf32> to vector<512x512xbf16>
    %get3A_45 = arith.constant 0 : index
    %get3A_46 = arith.constant 0 : index
    %get3A_47 = vector.load %arg7[%get3A_45, %get3A_46] : memref<512x1024xbf16, #tpu.memory_space<vmem>>, vector<512x1024xbf16>
    %dot_general3A_48 = arith.constant dense<0.000000e+00> : vector<512x1024xf32>
    %dot_general3A_49 = tpu.matmul %convert_element_type3A_44, %get3A_47, %dot_general3A_48 {dimension_numbers = #tpu.dot_dimension_numbers<[1], [0], [0], [1], [0, 0, 1, 1], [], []>, transpose_lhs_hint = false} : vector<512x512xbf16>, vector<512x1024xbf16>, vector<512x1024xf32> -> vector<512x1024xf32>
    %get3A_50 = arith.constant 0 : index
    %get3A_51 = arith.constant 0 : index
    %get3A_52 = vector.load %arg8[%get3A_50, %get3A_51] : memref<1x1024xf32, #tpu.memory_space<vmem>>, vector<1x1024xf32>
    %add3A_53 = vector.broadcast %get3A_52 : vector<1x1024xf32> to vector<512x1024xf32>
    %add3A_54 = arith.addf %dot_general3A_49, %add3A_53 : vector<512x1024xf32>
    %max3A_55 = arith.constant 0.000000e+00 : f32
    %max3A_56 = vector.broadcast %max3A_55 : f32 to vector<512x1024xf32>
    %max3A_57 = arith.maximumf %add3A_54, %max3A_56 : vector<512x1024xf32>
    %convert_element_type3A_58 = arith.truncf %max3A_57 : vector<512x1024xf32> to vector<512x1024xbf16>
    %get3A_59 = arith.constant 0 : index
    %get3A_60 = arith.constant 0 : index
    %get3A_61 = vector.load %arg9[%get3A_59, %get3A_60] : memref<1024x40xbf16, #tpu.memory_space<vmem>>, vector<1024x40xbf16>
    %dot_general3A_62 = arith.constant dense<0.000000e+00> : vector<512x40xf32>
    %dot_general3A_63 = tpu.matmul %convert_element_type3A_58, %get3A_61, %dot_general3A_62 {dimension_numbers = #tpu.dot_dimension_numbers<[1], [0], [0], [1], [0, 0, 1, 1], [], []>, transpose_lhs_hint = false} : vector<512x1024xbf16>, vector<1024x40xbf16>, vector<512x40xf32> -> vector<512x40xf32>
    %get3A_64 = arith.constant 0 : index
    %get3A_65 = arith.constant 0 : index
    %get3A_66 = vector.load %arg10[%get3A_64, %get3A_65] : memref<1x40xf32, #tpu.memory_space<vmem>>, vector<1x40xf32>
    %add3A_67 = vector.broadcast %get3A_66 : vector<1x40xf32> to vector<512x40xf32>
    %add3A_68 = arith.addf %dot_general3A_63, %add3A_67 : vector<512x40xf32>
    %reduce_max3A = arith.constant dense<0xFF800000> : vector<512xf32>
    %reduce_max3A_69 = vector.multi_reduction <maximumf>, %add3A_68, %reduce_max3A [1] : vector<512x40xf32> to vector<512xf32>
    %broadcast_in_dim3A = vector.shape_cast %reduce_max3A_69 : vector<512xf32> to vector<512x1xf32>
    %sub3A = vector.broadcast %broadcast_in_dim3A : vector<512x1xf32> to vector<512x40xf32>
    %sub3A_70 = arith.subf %add3A_68, %sub3A : vector<512x40xf32>
    %exp3A = math.exp %sub3A_70 : vector<512x40xf32>
    %reduce_sum3A = arith.constant dense<0.000000e+00> : vector<512xf32>
    %reduce_sum3A_71 = vector.multi_reduction <add>, %exp3A, %reduce_sum3A [1] : vector<512x40xf32> to vector<512xf32>
    %broadcast_in_dim3A_72 = vector.shape_cast %reduce_sum3A_71 : vector<512xf32> to vector<512x1xf32>
    %sub3A_73 = vector.broadcast %broadcast_in_dim3A : vector<512x1xf32> to vector<512x40xf32>
    %sub3A_74 = arith.subf %add3A_68, %sub3A_73 : vector<512x40xf32>
    %log3A = math.log %broadcast_in_dim3A_72 : vector<512x1xf32>
    %sub3A_75 = vector.broadcast %log3A : vector<512x1xf32> to vector<512x40xf32>
    %sub3A_76 = arith.subf %sub3A_74, %sub3A_75 : vector<512x40xf32>
    %swap3A = arith.constant 0 : index
    %swap3A_77 = arith.constant 0 : index
    %swap3A_78 = vector.load %arg11[%swap3A, %swap3A_77] : memref<512x40xf32, #tpu.memory_space<vmem>>, vector<512x40xf32>
    tpu.vector_store %arg11[%swap3A, %swap3A_77], %sub3A_76 {strides = array<i32>} : memref<512x40xf32, #tpu.memory_space<vmem>>, vector<512x40xf32>,
    return
  }
  func.func @transform_0(%arg0: i32) -> (i32, i32, i32) {
    %c0_i32 = arith.constant 0 : i32
    %c0_i32_0 = arith.constant 0 : i32
    %c0_i32_1 = arith.constant 0 : i32
    return %c0_i32, %arg0, %c0_i32_0 : i32, i32, i32
  }
  func.func @transform_1(%arg0: i32) -> (i32, i32, i32) {
    %c0_i32 = arith.constant 0 : i32
    %c0_i32_0 = arith.constant 0 : i32
    %c0_i32_1 = arith.constant 0 : i32
    return %c0_i32, %arg0, %c0_i32_0 : i32, i32, i32
  }
  func.func @transform_2(%arg0: i32) -> (i32, i32) {
    %c0_i32 = arith.constant 0 : i32
    %c0_i32_0 = arith.constant 0 : i32
    return %arg0, %c0_i32 : i32, i32
  }
  func.func @transform_3(%arg0: i32) -> (i32, i32) {
    %c0_i32 = arith.constant 0 : i32
    %c0_i32_0 = arith.constant 0 : i32
    return %arg0, %c0_i32 : i32, i32
  }
  func.func @transform_4(%arg0: i32) -> (i32, i32) {
    %c0_i32 = arith.constant 0 : i32
    %c0_i32_0 = arith.constant 0 : i32
    %c0_i32_1 = arith.constant 0 : i32
    return %c0_i32, %c0_i32_0 : i32, i32
  }
  func.func @transform_5(%arg0: i32) -> (i32, i32) {
    %c0_i32 = arith.constant 0 : i32
    %c0_i32_0 = arith.constant 0 : i32
    %c0_i32_1 = arith.constant 0 : i32
    return %c0_i32, %c0_i32_0 : i32, i32
  }
  func.func @transform_6(%arg0: i32) -> (i32, i32) {
    %c0_i32 = arith.constant 0 : i32
    %c0_i32_0 = arith.constant 0 : i32
    %c0_i32_1 = arith.constant 0 : i32
    return %c0_i32, %c0_i32_0 : i32, i32
  }
  func.func @transform_7(%arg0: i32) -> (i32, i32) {
    %c0_i32 = arith.constant 0 : i32
    %c0_i32_0 = arith.constant 0 : i32
    %c0_i32_1 = arith.constant 0 : i32
    return %c0_i32, %c0_i32_0 : i32, i32
  }
  func.func @transform_8(%arg0: i32) -> (i32, i32) {
    %c0_i32 = arith.constant 0 : i32
    %c0_i32_0 = arith.constant 0 : i32
    %c0_i32_1 = arith.constant 0 : i32
    return %c0_i32, %c0_i32_0 : i32, i32
  }
  func.func @transform_9(%arg0: i32) -> (i32, i32) {
    %c0_i32 = arith.constant 0 : i32
    %c0_i32_0 = arith.constant 0 : i32
    %c0_i32_1 = arith.constant 0 : i32
    return %c0_i32, %c0_i32_0 : i32, i32
  }
  func.func @transform_10(%arg0: i32) -> (i32, i32) {
    %c0_i32 = arith.constant 0 : i32
    %c0_i32_0 = arith.constant 0 : i32
    return %arg0, %c0_i32 : i32, i32
  }
}

</mosaic_0001>

<sc_bundles>
// kernel: kernel.11.cloned.1.call-start
scs
__scs_entry_jumppad:
0x0: {  	(pc) =	sbr.rel $0x88, $3  }
0x1: {  	(tag) =	ssettag $0x0;
	lr =	simm.s32 $0x1  }
0x2: {  	[smem:$0x3F96] =	sst lr;
	_ =	strace $0xD0000000  }
0x3: {  	_ = 	snop  }
0x4: {  	_ = 	snop  }
0x5: {  	_ = 	snop  }
0x6: {  	_ = 	snop  }
0x7: {  	_ = 	snop  }
__scs_overlays_trampoline_lowered:
0x8: {  	[smem:$0x3FA5] =	sst s0  }
0x9: {  	[smem:$0x3FA6] =	sst s1  }
0xa: {  	[smem:$0x3FA7] =	sst s2  }
0xb: {  	[smem:$0x3FA8] =	sst s3  }
0xc: {  	[smem:$0x3FA9] =	sst s4  }
0xd: {  	[smem:$0x3FAA] =	sst s5  }
0xe: {  	[smem:$0x3FAB] =	sst s6  }
0xf: {  	[smem:$0x3FAC] =	sst s7  }
0x10: {  	[smem:$0x3FAD] =	sst s8  }
0x11: {  	[smem:$0x3FAE] =	sst s9;
	s0 =	simm.s32 @!p0 $0x0  }
0x12: {  	s1 =	sld [smem:$0x3F94];
	s0 =	simm.s32 @p0 $0x1  }
0x13: {  	[smem:$0x3FAF] =	sst s0;
	s0 =	simm.s32 @!p1 $0x0  }
0x14: {  	s2 =	sld [smem:$0x3F93];
	s0 =	simm.s32 @p1 $0x1  }
0x15: {  	[smem:$0x3FB0] =	sst s0;
	s0 =	simm.s32 @!p2 $0x0  }
0x16: {  	s3 =	sld [smem:$0x3FDB];
	s0 =	simm.s32 @p2 $0x1  }
0x17: {  	s4 =	simm.s32 $0x1BF5;
	[smem:$0x3FB2] =	sst s0  }
0x18: {  	s0 =	sld [smem:$0x3F95];
	_ =	swait.ge [sflag:s4], $0x0  }
0x19: {  	s7 =	sld [smem:$0x3F96]  }
0x1a: {  	s8 =	sadd.s32 $0xFFFFE003, lr  }
0x1b: {  	s9 =	sadd.s32 $0xFFFFFEF7, lr;
	s5 =	simm.s32 $0xFFFFFFFF;
	p2 =	slt.u32 s8, $0xFFFFF086  }
0x1c: {  	p1 =	slt.u32 s9, $0xF7A;
	s5 =	simm.s32 @!p2 $0x0  }
0x1d: {  	s5 =	simm.s32 @p1 $0x1;
	p0 =	seq.s32 s7, s2  }
0x1e: {  	s7 =	smul.u32 @!p0 $0xF7A, s2;
	p2 =	seq.s32 @!p0 s5, $0x0  }
0x1f: {  	s9 =	smul.u32 $0xF7A, s1;
	s8 =	simm.s32 @!p0 $0x1BF5;
	p2 =	por !p2, p0  }
0x20: {  	[sflag:s8] =	ssyncset.s32 @!p0 $0xFFFFF086;
	s6 =	sadd.s32 @!p0 s3, s7;
	s7 =	simm.s32 @!p0 $0x108  }
0x21: {  	s3 =	sadd.s32 s3, s9;
	s6 =	sadd.s32 @!p0 $0x88, s6;
	s7 =	simm.s32 @p2 $0x1082  }
0x22: {  	[simem:s7], [sflag:s8] =	dma.local @!p0 [hbm:s6], $0xF7A  }
0x23: {  	s9 =	sor.u32 $0xD0000000, s2;
	s6 =	simm.s32 $0x108;
	_ =	swait.ge @!p0 [sflag:s8], $0x0  }
0x24: {  	s3 =	sadd.s32 $0x88, s3;
	s6 =	simm.s32 @!p1 $0x1082;
	[sflag:s4] =	ssyncset.s32 $0xFFFFF086  }
0x25: {  	[simem:s6], [sflag:s4] =	dma.local [hbm:s3], $0xF7A  }
0x26: {  	[smem:$0x3F96] =	sst s1;
	(tag) =	ssettag s2;
	_ =	strace s9  }
0x27: {  	s1 =	sld [smem:$0x3FA6]  }
0x28: {  	s2 =	sld [smem:$0x3FA7]  }
0x29: {  	s4 =	sld [smem:$0x3FA9]  }
0x2a: {  	p0 =	seq.s32 s5, $0x0;
	s5 =	sld [smem:$0x3FAA]  }
0x2b: {  	s6 =	sld [smem:$0x3FAB]  }
0x2c: {  	s7 =	sld [smem:$0x3FAC]  }
0x2d: {  	s3 =	simm.s32 $0x108;
	s8 =	sld [smem:$0x3FAD]  }
0x2e: {  	s3 =	simm.s32 @!p0 $0x1082;
	s9 =	sld [smem:$0x3FAE]  }
0x2f: {  	lr =	sadd.s32 s0, s3;
	s0 =	sld [smem:$0x3FA5]  }
0x30: {  	s3 =	sld [smem:$0x3FA8]  }
0x31: {  	[smem:$0x3FB1] =	sst s10  }
0x32: {  	s10 =	sld [smem:$0x3FAF];
	_ =	sdelay $0x3  }
0x33: {  	p0 =	seq.s32 s10, $0x1;
	s10 =	sld [smem:$0x3FB1];
	_ =	sdelay $0x3  }
0x34: {  	[smem:$0x3FB1] =	sst s10  }
0x35: {  	s10 =	sld [smem:$0x3FB0];
	_ =	sdelay $0x3  }
0x36: {  	p1 =	seq.s32 s10, $0x1;
	s10 =	sld [smem:$0x3FB1];
	_ =	sdelay $0x3  }
0x37: {  	[smem:$0x3FB1] =	sst s10  }
0x38: {  	s10 =	sld [smem:$0x3FB2]  }
0x39: {  	_ = 	snop;
	(pc) =	sbr.ind lr, $3  }
0x3a: {  	_ = 	snop  }
0x3b: {  	_ = 	snop  }
0x3c: {  	p2 =	seq.s32 s10, $0x1;
	s10 =	sld [smem:$0x3FB1]  }
0x3d: {  	_ =	shalt  }
0x3e: {  	_ =	shalt  }
0x3f: {  	_ =	shalt  }
0x40: {  	_ =	shalt  }
0x41: {  	_ =	shalt  }
0x42: {  	_ =	shalt  }
0x43: {  	_ =	shalt  }
0x44: {  	_ =	shalt  }
0x45: {  	_ =	shalt  }
0x46: {  	_ =	shalt  }
0x47: {  	_ =	shalt  }
0x48: {  	_ =	shalt  }
0x49: {  	_ =	shalt  }
0x4a: {  	_ =	shalt  }
0x4b: {  	_ =	shalt  }
0x4c: {  	_ =	shalt  }
0x4d: {  	_ =	shalt  }
0x4e: {  	_ =	shalt  }
0x4f: {  	_ =	shalt  }
0x50: {  	_ =	shalt  }
0x51: {  	_ =	shalt  }
0x52: {  	_ =	shalt  }
0x53: {  	_ =	shalt  }
0x54: {  	_ =	shalt  }
0x55: {  	_ =	shalt  }
0x56: {  	_ =	shalt  }
0x57: {  	_ =	shalt  }
0x58: {  	_ =	shalt  }
0x59: {  	_ =	shalt  }
0x5a: {  	_ =	shalt  }
0x5b: {  	_ =	shalt  }
0x5c: {  	_ =	shalt  }
0x5d: {  	_ =	shalt  }
0x5e: {  	_ =	shalt  }
0x5f: {  	_ =	shalt  }
0x60: {  	_ =	shalt  }
0x61: {  	_ =	shalt  }
0x62: {  	_ =	shalt  }
0x63: {  	_ =	shalt  }
0x64: {  	_ =	shalt  }
0x65: {  	_ =	shalt  }
0x66: {  	_ =	shalt  }
0x67: {  	_ =	shalt  }
0x68: {  	_ =	shalt  }
0x69: {  	_ =	shalt  }
0x6a: {  	_ =	shalt  }
0x6b: {  	_ =	shalt  }
0x6c: {  	_ =	shalt  }
0x6d: {  	_ =	shalt  }
0x6e: {  	_ =	shalt  }
0x6f: {  	_ =	shalt  }
0x70: {  	_ =	shalt  }
0x71: {  	_ =	shalt  }
0x72: {  	_ =	shalt  }
0x73: {  	_ =	shalt  }
0x74: {  	_ =	shalt  }
0x75: {  	_ =	shalt  }
0x76: {  	_ =	shalt  }
0x77: {  	_ =	shalt  }
0x78: {  	_ =	shalt  }
0x79: {  	_ =	shalt  }
0x7a: {  	_ =	shalt  }
0x7b: {  	_ =	shalt  }
0x7c: {  	_ =	shalt  }
0x7d: {  	_ =	shalt  }
0x7e: {  	_ =	shalt  }
0x7f: {  	_ =	shalt  }
0x80: {  	_ =	shalt  }
0x81: {  	_ =	shalt  }
0x82: {  	_ =	shalt  }
0x83: {  	_ =	shalt  }
0x84: {  	_ =	shalt  }
0x85: {  	_ =	shalt  }
0x86: {  	_ =	shalt  }
0x87: {  	_ =	shalt  }
.Lfunc_end0:
.L_simem_size_0:
called_computation.1_lowered:
.L_overlay_start_0:
0x88: {  	s2 =	sld [smem:$0x3FD9]  }
0x89: {  	s3 =	sld [smem:$0x3FFE];
	_ =	sdelay $0x1  }
0x8a: {  	s1 =	srdreg.scid  }
0x8b: {  	s0 =	sand.u32 $0x1, s1  }
0x8c: {  	s17 =	sshll.u32 s0, $0xA;
	s2 =	sadd.s32 s3, s2  }
0x8d: {  	s2 =	sadd.s32 s2, s17  }
0x8e: {  	[smem:$0x3FBD] =	sst s2  }
0x8f: {  	_ = 	snop  }
0x90: {  	s2 =	sld [smem:$0x3FD0];
	(tm) =	ssettm $0x1  }
0x91: {  	s18 =	sld [smem:$0x3FFB];
	_ =	sdelay $0x3  }
0x92: {  	_ =	strace s18  }
0x93: {  	s3 =	sld [smem:$0x3FFC];
	_ =	sdelay $0x3  }
0x94: {  	_ =	strace s3  }
0x95: {  	s3 =	sld [smem:$0x3FFD];
	_ =	sdelay $0x3  }
0x96: {  	_ =	strace s3  }
0x97: {  	_ =	strace $0x8FFFFFFF  }
0x98: {  	s19 =	sld [smem:$0x3FDB];
	_ =	sdelay $0x1  }
0x99: {  	s4 =	simm.s32 $_scs_section_size  }
0x9a: {  	s5 =	simm.s32 $_size__tile_overlayer_lowered;
	s6 =	simm.s32 $_tile_overlayer_lowered  }
0x9b: {  	s22 =	simm.s32 $0x1BFF;
	s21 =	sshll.u32 s6, $0x1;
	s3 =	sadd.s32 s4, s19  }
0x9c: {  	s7 =	simm.s32 $0x0;
	s20 =	sshll.u32 s5, $0x1;
	s5 =	sadd.s32 s21, s3  }
0x9d: {  	[timem:s7], [sflag:s22] =	dma.local [hbm:s5], s20  }
0x9e: {  	_ =	swait.ge [sflag:s22], s20  }
0x9f: {  	s4 =	ssub.s32 $0x0, s20;
	[sflag:s22] =	ssyncset.done $0x0  }
0xa0: {  	[sflag:s22] =	ssyncadd.s32 s4;
	_ =	sdelay $0x1  }
0xa1: {  	s23 =	simm.s32 $0x1B8B  }
0xa2: {  	_ =	swait.ge [sflag:s23], $0x1  }
0xa3: {  	[sflag:s23] =	ssyncset.done $0x0  }
0xa4: {  	s25 =	simm.s32 $0x1B8E;
	s24 =	sld [smem:$0x3FFE];
	[sflag:s23] =	ssyncadd.s32 $0xFFFFFFFF  }
0xa5: {  	s26 =	simm.s32 $execute0_lowered;
	[smem:$0x3FD2] =	sst s25  }
0xa6: {  	s5 =	sshll.u32 s26, $0x1;
	_ =	strace $0x80000049;
	[dreg:$0x1] =	wrdreg $0xFFFFFFFF  }
0xa7: {  	s28 =	simm.s32 $_size_execute0_lowered;
	s3 =	sadd.s32 s3, s5;
	[dreg:$0x0] =	wrdreg $0x0  }
0xa8: {  	s5 =	sshll.u32 s28, $0x1;
	[dreg:$0x2] =	wrdreg s3  }
0xa9: {  	[dreg:$0x3] =	wrdreg s5  }
0xaa: {  	[dreg:$0x4] =	wrdreg $0xC0  }
0xab: {  	_ =	task [dreg:s7], $0x5FFFF  }
0xac: {  	[dreg:$0x1] =	wrdreg $0xFFFFFFFF  }
0xad: {  	[dreg:$0x0] =	wrdreg $0x60  }
0xae: {  	[dreg:$0x2] =	wrdreg s24  }
0xaf: {  	[dreg:$0x3] =	wrdreg s2  }
0xb0: {  	[dreg:$0x4] =	wrdreg $0xA8000  }
0xb1: {  	[dreg:$0x5] =	wrdreg $0x9  }
0xb2: {  	_ =	task.clear_ibuf [dreg:s7], $0x6FFFF;
	_ =	strace $0x90000049  }
0xb3: {  	s29 =	simm.s32 $0x9;
	_ =	strace $0x8000004B  }
0xb4: {  	_ =	swait.ge [sflag:s29], $0x1  }
0xb5: {  	[sflag:s29] =	ssyncadd.s32 $0xFFFFFFFF  }
0xb6: {  	_ =	strace $0x9000004B  }
0xb7: {  	_ =	sfence  }
0xb8: {  	s30 =	sld [smem:$0x0];
	_ =	sdelay $0x2  }
0xb9: {  	s31 =	sshll.u32 s1, $0xD;
	s1 =	sshrl.u32 s1, $0x2  }
0xba: {  	s3 =	sand.u32 $0x4000, s31;
	s1 =	sadd.s32 s1, s30  }
0xbb: {  	s0 =	sor.u32 s3, s0;
	s1 =	sshll.u32 s1, $0x11  }
0xbc: {  	s0 =	sor.u32 s1, s0  }
0xbd: {  	s0 =	sadd.s32 $0x8F2B, s0  }
0xbe: {  	[sflag:s0] =	ssyncadd.remote.s32 $0x1  }
0xbf: {  	_ =	sfence.sel $0xFFFF  }
0xc0: {  	[dreg:$0x0] =	wrdreg $0xFFFFFFFF;
	(pc) =	sbr.abs _section_cstart, $3  }
0xc1: {  	[dreg:$0x1] =	wrdreg $0xFFFFFFFF  }
0xc2: {  	_ =	task.clear_ibuf [dreg:s7], $0x2FFFF;
	_ =	strace $0x9FFFFFFF  }
0xc3: {  	(tm) =	ssettm $0x7FFFFFFF  }
tec
execute0_lowered:
.L_overlay_start_1:
0x0: {  	(tag) =	ssettag $0x1  }
0x1: {  	s0 =	rddreg [dreg:$0x0]  }
0x2: {  	s2 =	rddreg [dreg:$0x2];
	s4 =	simm.s32 $0x0  }
0x3: {  	s1 =	srdreg.scid;
	s11 =	stileid.u32;
	s28 =	simm.s32 $0x8000  }
0x4: {  	s29 =	simm.s32 $0x1;
	s30 =	simm.s32 $0x2;
	s31 =	simm.s32 $0x4780  }
0x5: {  	[smem:$0x7FF] =	sst s4;
	s1 =	sand.u32 $0x1, s1;
	s10 =	smul.u32 $0x50000, s11  }
0x6: {  	s9 =	smul.u32 $0x14000, s11;
	s5 =	sadd.s32 $0x32600, s0;
	s6 =	sadd.s32 $0x22600, s0  }
0x7: {  	s7 =	sadd.s32 $0x12600, s0;
	s8 =	sadd.s32 $0x2600, s0;
	s10 =	sshrl.u32 s10, $0x2  }
0x8: {  	s25 =	sshll.u32 s11, $0xB;
	s3 =	smul.u32 $0x140000, s1;
	s12 =	sadd.s32 s10, s2  }
0x9: {  	_ =	strace $0x8000004A;
	s19 =	sadd.s32 $0x2800, s12;
	[dreg:$0x4] =	wrdreg s12  }
0xa: {  	s17 =	ssub.s32 $0x2, s1;
	s20 =	sadd.s32 $0x5000, s12;
	[dreg:$0x5] =	wrdreg s19  }
0xb: {  	s1 =	sshll.u32 s1, $0xF;
	s21 =	sadd.s32 $0x7800, s12;
	[dreg:$0x6] =	wrdreg s20  }
0xc: {  	s18 =	sshrl.u32 s17, $0x1;
	s22 =	sadd.s32 $0xA000, s12;
	[dreg:$0x7] =	wrdreg s21  }
0xd: {  	s3 =	sadd.s32 s9, s3;
	s23 =	sadd.s32 $0xC800, s12;
	[dreg:$0x8] =	wrdreg s22  }
0xe: {  	s3 =	sshrl.u32 s3, $0x3;
	s24 =	sadd.s32 $0xF000, s12;
	[dreg:$0x9] =	wrdreg s23  }
0xf: {  	s10 =	sadd.s32 $0x11800, s12;
	s0 =	sadd.s32 s3, s0;
	[dreg:$0xa] =	wrdreg s24  }
0x10: {  	s3 =	ssub.s32 s17, s18;
	[dreg:$0xb] =	wrdreg s10;
	s17 =	sor.u32 s25, s1  }
.Ltmp0:
0x11: {  	s20 =	simm.s32 $0x5800;
	s21 =	simm.s32 $0x5;
	(pc) =	sbr.rel .LBB2_1-.Ltmp0, $4  }
0x12: {  	s22 =	simm.s32 $0x2800;
	s23 =	simm.s32 $0x3800;
	s24 =	simm.s32 $0x4800  }
0x13: {  	s25 =	simm.s32 $0x50;
	s1 =	simm.s32 $0x4;
	s0 =	sadd.s32 $0x5A600, s0  }
0x14: {  	s26 =	smax.u32 s3, $0x1;
	s3 =	simm.s32 $0x0;
	[dreg:$0xc] =	wrdreg s0  }
0x15: {  	v0 =	vimm.f32 $0.0e+00;
	[dreg:$0xd] =	wrdreg s26;
	s26 =	simm.s32 $0x2880;
	s0 =	simm.s32 $0x3  }
.LBB2_14:
0x16: {  	s9 =	stileid.u32;
	[bflag:$0x0] =	sbarrier.arrive $0xFFFF  }
0x17: {  	s9 =	sshll.u32 s9, $0x6;
	s12 =	rddreg [dreg:$0x4]  }
0x18: {  	s11 =	rddreg [dreg:$0xc];
	s9 =	sor.u32 $0x1C05, s9;
	s10 =	sshrl.u32 s12, $0x3  }
0x19: {  	[hbm:s11], [sflag:s9] =	dma.local [spmem:s10], $0x2800  }
0x1a: {  	_ =	swait.ge [sflag:s21], $0x2800  }
0x1b: {  	s3 =	sadd.s32 $0x1, s3;
	s19 =	rddreg [dreg:$0xd]  }
0x1c: {  	p0 =	sne.s32 s3, s19  }
.Ltmp1:
0x1d: {  	_ = 	snop;
	(pc) =	sbr.rel @!p0 .LBB2_15-.Ltmp1, $3  }
0x1e: {  	_ =	sdelay $0x1  }
0x1f: {  	[sflag:s21] =	ssyncset.done $0x0  }
0x20: {  	[sflag:s21] =	ssyncadd.s32 $0xFFFFD800  }
.LBB2_1:
0x21: {  	s9 =	simm.s32 $0x0;
	s10 =	simm.s32 $0x200  }
.LBB2_2:
0x22: {  	p0 =	sne.s32 s10, $0x9E00;
	[tilespmem:s9+$0x5870] =	vst v0  }
0x23: {  	[tilespmem:s9+$0x5800] =	vst v0  }
0x24: {  	[tilespmem:s9+$0x5810] =	vst v0  }
.Ltmp2:
0x25: {  	[tilespmem:s9+$0x5820] =	vst v0;
	(pc) =	sbr.rel @p0 .LBB2_2-.Ltmp2, $4  }
0x26: {  	[tilespmem:s9+$0x5830] =	vst v0  }
0x27: {  	[tilespmem:s9+$0x5840] =	vst v0  }
0x28: {  	[tilespmem:s9+$0x5850] =	vst v0  }
0x29: {  	[tilespmem:s9+$0x5860] =	vst v0;
	s9 =	sshra.s32 s10, $0x2;
	s10 =	sadd.s32 $0x200, s10  }
0x2a: {  	[tilespmem:s9+$0x5870] =	vst v0  }
0x2b: {  	[tilespmem:s9+$0x5800] =	vst v0  }
0x2c: {  	[tilespmem:s9+$0x5810] =	vst v0  }
0x2d: {  	[tilespmem:s9+$0x5820] =	vst v0  }
0x2e: {  	[tilespmem:s9+$0x5830] =	vst v0  }
0x2f: {  	[tilespmem:s9+$0x5840] =	vst v0  }
0x30: {  	[tilespmem:s9+$0x5850] =	vst v0  }
0x31: {  	[tilespmem:s9+$0x5860] =	vst v0  }
0x32: {  	[spmem:s12] =	stream.linear.scatter [tilespmem:s20], [sflag:$0x5], $0x2800, $0x38;
	[tilespmem:$0x1E800] =	vst v63  }
0x33: {  	_ =	swait.ge [sflag:s21], $0x2800  }
0x34: {  	[sflag:s21] =	ssyncset.done $0x0  }
0x35: {  	s11 =	rddreg [dreg:$0x5];
	[sflag:s21] =	ssyncadd.s32 $0xFFFFD800  }
0x36: {  	[spmem:s11] =	stream.linear.scatter [tilespmem:s20], [sflag:$0x5], $0x2800, $0x38;
	[tilespmem:$0x1E800] =	vst v63  }
0x37: {  	_ =	swait.ge [sflag:s21], $0x2800  }
0x38: {  	[sflag:s21] =	ssyncset.done $0x0  }
0x39: {  	s12 =	rddreg [dreg:$0x6];
	[sflag:s21] =	ssyncadd.s32 $0xFFFFD800  }
0x3a: {  	[spmem:s12] =	stream.linear.scatter [tilespmem:s20], [sflag:$0x5], $0x2800, $0x38;
	[tilespmem:$0x1E800] =	vst v63  }
0x3b: {  	_ =	swait.ge [sflag:s21], $0x2800  }
0x3c: {  	[sflag:s21] =	ssyncset.done $0x0  }
0x3d: {  	s13 =	rddreg [dreg:$0x7];
	[sflag:s21] =	ssyncadd.s32 $0xFFFFD800  }
0x3e: {  	[spmem:s13] =	stream.linear.scatter [tilespmem:s20], [sflag:$0x5], $0x2800, $0x38;
	[tilespmem:$0x1E800] =	vst v63  }
0x3f: {  	_ =	swait.ge [sflag:s21], $0x2800  }
0x40: {  	[sflag:s21] =	ssyncset.done $0x0  }
0x41: {  	s14 =	rddreg [dreg:$0x8];
	[sflag:s21] =	ssyncadd.s32 $0xFFFFD800  }
0x42: {  	[spmem:s14] =	stream.linear.scatter [tilespmem:s20], [sflag:$0x5], $0x2800, $0x38;
	[tilespmem:$0x1E800] =	vst v63  }
0x43: {  	_ =	swait.ge [sflag:s21], $0x2800  }
0x44: {  	[sflag:s21] =	ssyncset.done $0x0  }
0x45: {  	s15 =	rddreg [dreg:$0x9];
	[sflag:s21] =	ssyncadd.s32 $0xFFFFD800  }
0x46: {  	[spmem:s15] =	stream.linear.scatter [tilespmem:s20], [sflag:$0x5], $0x2800, $0x38;
	[tilespmem:$0x1E800] =	vst v63  }
0x47: {  	_ =	swait.ge [sflag:s21], $0x2800  }
0x48: {  	[sflag:s21] =	ssyncset.done $0x0  }
0x49: {  	s16 =	rddreg [dreg:$0xa];
	[sflag:s21] =	ssyncadd.s32 $0xFFFFD800  }
0x4a: {  	[spmem:s16] =	stream.linear.scatter [tilespmem:s20], [sflag:$0x5], $0x2800, $0x38;
	[tilespmem:$0x1E800] =	vst v63  }
0x4b: {  	_ =	swait.ge [sflag:s21], $0x2800  }
0x4c: {  	[sflag:s21] =	ssyncset.done $0x0  }
0x4d: {  	s18 =	rddreg [dreg:$0xb];
	[sflag:s21] =	ssyncadd.s32 $0xFFFFD800  }
0x4e: {  	[spmem:s18] =	stream.linear.scatter [tilespmem:s20], [sflag:$0x5], $0x2800, $0x38;
	[tilespmem:$0x1E800] =	vst v63  }
0x4f: {  	_ =	swait.ge [sflag:s21], $0x2800  }
0x50: {  	[sflag:s21] =	ssyncset.done $0x0  }
0x51: {  	[sflag:s21] =	ssyncadd.s32 $0xFFFFD800  }
0x52: {  	s10 =	simm.s32 $0x0;
	s19 =	rddreg [dreg:$0x1]  }
0x53: {  	[tilespmem:s10], [sflag:$0x5] =	stream.linear.gather [hbm4b:s19+s10], $0x2800, $0x38;
	[tilespmem:$0x1E800] =	vst v63  }
.Ltmp3:
0x54: {  	_ =	swait.ge [sflag:s21], $0x2800;
	(pc) =	sbr.rel .LBB2_4-.Ltmp3, $3  }
0x55: {  	[sflag:s21] =	ssyncset.done $0x0  }
0x56: {  	[sflag:s21] =	ssyncadd.s32 $0xFFFFD800  }
0x57: {  	[bflag:$0x0] =	sbarrier.arrive $0xFFFF;
	_ =	sdelay $0x1  }
.LBB2_13:
0x58: {  	[spmem:s2] =	stream.indirect.scatter.add.f32 [tilespmem:s28], [sflag:$0x4], $0x80, s31, s25, $0xb8;
	[tilespmem:$0x1E800] =	vst v63  }
0x59: {  	s10 =	sadd.s32 $0x1, s10  }
0x5a: {  	_ =	swait.ge [sflag:s0], $0x2800;
	p0 =	sne.s32 s10, $0x4  }
.Ltmp4:
0x5b: {  	[sflag:s0] =	ssyncset.done $0x0;
	(pc) =	sbr.rel @!p0 .LBB2_14-.Ltmp4, $4  }
0x5c: {  	[sflag:s0] =	ssyncadd.s32 $0xFFFFD800  }
0x5d: {  	_ =	swait.ge [sflag:s1], $0x2800  }
0x5e: {  	[sflag:s1] =	ssyncset.done $0x0  }
0x5f: {  	[sflag:s1] =	ssyncadd.s32 $0xFFFFD800  }
.LBB2_4:
0x60: {  	s9 =	sshll.u32 s10, $0x9  }
0x61: {  	s9 =	sadd.s32 s17, s9  }
0x62: {  	s11 =	sadd.s32 s6, s9  }
0x63: {  	[tilespmem:s22], [sflag:$0x5] =	stream.linear.gather [hbm4b:s11+s4], $0x1000, $0x38;
	[tilespmem:$0x1E800] =	vst v63  }
0x64: {  	_ =	swait.ge [sflag:s21], $0x1000  }
0x65: {  	[sflag:s21] =	ssyncset.done $0x0  }
0x66: {  	s19 =	sadd.s32 s7, s9;
	[sflag:s21] =	ssyncadd.s32 $0xFFFFF000  }
0x67: {  	[tilespmem:s23], [sflag:$0x5] =	stream.linear.gather [hbm4b:s19+s4], $0x1000, $0x38;
	[tilespmem:$0x1E800] =	vst v63  }
0x68: {  	_ =	swait.ge [sflag:s21], $0x1000  }
0x69: {  	[sflag:s21] =	ssyncset.done $0x0  }
0x6a: {  	s9 =	sadd.s32 s8, s9;
	[sflag:s21] =	ssyncadd.s32 $0xFFFFF000  }
0x6b: {  	[tilespmem:s24], [sflag:$0x5] =	stream.linear.gather [hbm4b:s9+s4], $0x1000, $0x38;
	[tilespmem:$0x1E800] =	vst v63  }
0x6c: {  	_ =	swait.ge [sflag:s21], $0x1000  }
0x6d: {  	[sflag:s21] =	ssyncset.done $0x0  }
0x6e: {  	s18 =	simm.s32 $0x2880;
	[sflag:s21] =	ssyncadd.s32 $0xFFFFF000  }
0x6f: {  	v1 =	vld [tilespmem:s18+$0x0];
	_ =	sdelay $0x4  }
0x70: {  	s11 =	simm.s32 $0x4880  }
0x71: {  	v2 =	vld [tilespmem:s11+$0x0]  }
0x72: {  	v3 =	vld [tilespmem:s18+$0xFFFFFF80]  }
0x73: {  	v1 =	vld.idx.msk [tilespmem:v1+s4+$0x0], $0xffff;
	_ =	sdelay $0x4  }
0x74: {  	v1 =	vmul.f32 v2, v1;
	_ =	sdelay $0x1  }
0x75: {  	v2 =	vld.idx.msk [tilespmem:v3+s4+$0x0], $0xffff;
	[tilespmem:s11+$0x0] =	vst v1  }
0x76: {  	v1 =	vld [tilespmem:s18+$0x10]  }
0x77: {  	v3 =	vld [tilespmem:s11+$0xFFFFFF80];
	_ =	sdelay $0x3  }
0x78: {  	s13 =	simm.s32 $0x2980;
	v4 =	vld [tilespmem:s11+$0xFFFFFF90]  }
0x79: {  	v5 =	vld [tilespmem:s13+$0x0];
	v2 =	vmul.f32 v3, v2  }
0x7a: {  	v3 =	vld [tilespmem:s11+$0x10]  }
0x7b: {  	[tilespmem:s11+$0xFFFFFF80] =	vst v2;
	v1 =	vld.idx.msk [tilespmem:v1+s4+$0x0], $0xffff  }
0x7c: {  	v2 =	vld [tilespmem:s18+$0xFFFFFF90]  }
0x7d: {  	v6 =	vld [tilespmem:s11+$0xFFFFFFA0]  }
0x7e: {  	s12 =	simm.s32 $0x4980;
	v7 =	vld [tilespmem:s11+$0xFFFFFFB0]  }
0x7f: {  	v8 =	vld [tilespmem:s12+$0x0]  }
0x80: {  	s15 =	simm.s32 $0x2A80;
	v9 =	vld [tilespmem:s12+$0xFFFFFF80];
	v1 =	vmul.f32 v3, v1  }
0x81: {  	v11 =	vld [tilespmem:s15+$0x0]  }
0x82: {  	v3 =	vld [tilespmem:s13+$0xFFFFFF80];
	[tilespmem:s11+$0x10] =	vst v1  }
0x83: {  	v1 =	vld [tilespmem:s18+$0x20]  }
0x84: {  	v2 =	vld.idx.msk [tilespmem:v2+s4+$0x0], $0xffff  }
0x85: {  	v12 =	vld [tilespmem:s11+$0x30]  }
0x86: {  	v5 =	vld.idx.msk [tilespmem:v5+s4+$0x0], $0xffff  }
0x87: {  	v13 =	vld [tilespmem:s12+$0xFFFFFFA0]  }
0x88: {  	v14 =	vld [tilespmem:s12+$0x20]  }
0x89: {  	v2 =	vmul.f32 v4, v2;
	v4 =	vld [tilespmem:s11+$0x20]  }
0x8a: {  	v3 =	vld.idx.msk [tilespmem:v3+s4+$0x0], $0xffff  }
0x8b: {  	[tilespmem:s11+$0xFFFFFF90] =	vst v2;
	v2 =	vmul.f32 v8, v5;
	v1 =	vld.idx.msk [tilespmem:v1+s4+$0x0], $0xffff  }
0x8c: {  	v5 =	vld [tilespmem:s18+$0xFFFFFFA0]  }
0x8d: {  	v15 =	vld [tilespmem:s11+$0x40];
	[tilespmem:s12+$0x0] =	vst v2  }
0x8e: {  	s16 =	simm.s32 $0x2B80;
	v2 =	vld [tilespmem:s13+$0x10]  }
0x8f: {  	s14 =	simm.s32 $0x4A80;
	v17 =	vld [tilespmem:s16+$0x0];
	v3 =	vmul.f32 v9, v3  }
0x90: {  	v19 =	vld [tilespmem:s14+$0x20];
	v1 =	vmul.f32 v4, v1  }
0x91: {  	v61 =	vld [tilespmem:s12+$0x40];
	[tilespmem:s12+$0xFFFFFF80] =	vst v3  }
0x92: {  	v3 =	vld [tilespmem:s13+$0xFFFFFF90];
	[tilespmem:s11+$0x20] =	vst v1  }
0x93: {  	v4 =	vld [tilespmem:s18+$0x30]  }
0x94: {  	v5 =	vld.idx.msk [tilespmem:v5+s4+$0x0], $0xffff  }
0x95: {  	v9 =	vld [tilespmem:s12+$0x10]  }
0x96: {  	v2 =	vld.idx.msk [tilespmem:v2+s4+$0x0], $0xffff  }
0x97: {  	v8 =	vld [tilespmem:s12+$0xFFFFFF90]  }
0x98: {  	v1 =	vld [tilespmem:s11+$0xFFFFFFC0]  }
0x99: {  	v5 =	vmul.f32 v6, v5;
	v6 =	vld [tilespmem:s15+$0xFFFFFF80]  }
0x9a: {  	v10 =	vld.idx.msk [tilespmem:v3+s4+$0x0], $0xffff  }
0x9b: {  	v2 =	vmul.f32 v9, v2;
	v4 =	vld.idx.msk [tilespmem:v4+s4+$0x0], $0xffff  }
0x9c: {  	[tilespmem:s11+$0xFFFFFFA0] =	vst v5;
	v9 =	vld.idx.msk [tilespmem:v11+s4+$0x0], $0xffff  }
0x9d: {  	v5 =	vld [tilespmem:s18+$0xFFFFFFB0];
	[tilespmem:s12+$0x10] =	vst v2  }
0x9e: {  	v2 =	vld [tilespmem:s13+$0x20]  }
0x9f: {  	v8 =	vmul.f32 v8, v10;
	v10 =	vld [tilespmem:s14+$0x0]  }
0xa0: {  	v11 =	vld [tilespmem:s14+$0xFFFFFF80];
	v4 =	vmul.f32 v12, v4  }
0xa1: {  	v3 =	vld [tilespmem:s12+$0xFFFFFFB0]  }
0xa2: {  	v6 =	vld.idx.msk [tilespmem:v6+s4+$0x0], $0xffff;
	[tilespmem:s11+$0x30] =	vst v4  }
0xa3: {  	[tilespmem:s12+$0xFFFFFF90] =	vst v8;
	v4 =	vld [tilespmem:s18+$0x40]  }
0xa4: {  	v8 =	vld [tilespmem:s13+$0xFFFFFFA0];
	v9 =	vmul.f32 v10, v9  }
0xa5: {  	v5 =	vld.idx.msk [tilespmem:v5+s4+$0x0], $0xffff  }
0xa6: {  	v12 =	vld.idx.msk [tilespmem:v2+s4+$0x0], $0xffff;
	[tilespmem:s14+$0x0] =	vst v9  }
0xa7: {  	v6 =	vmul.f32 v11, v6;
	v9 =	vld [tilespmem:s15+$0x10]  }
0xa8: {  	v2 =	vld [tilespmem:s12+$0xFFFFFFC0]  }
0xa9: {  	v10 =	vld [tilespmem:s14+$0xFFFFFF90];
	[tilespmem:s14+$0xFFFFFF80] =	vst v6  }
0xaa: {  	v6 =	vld [tilespmem:s15+$0xFFFFFF90]  }
0xab: {  	v16 =	vld.idx.msk [tilespmem:v4+s4+$0x0], $0xffff;
	v4 =	vmul.f32 v14, v12  }
0xac: {  	v8 =	vld.idx.msk [tilespmem:v8+s4+$0x0], $0xffff  }
0xad: {  	v14 =	vld [tilespmem:s14+$0x10];
	[tilespmem:s12+$0x20] =	vst v4  }
0xae: {  	v11 =	vld [tilespmem:s13+$0x30]  }
0xaf: {  	v9 =	vld.idx.msk [tilespmem:v9+s4+$0x0], $0xffff  }
0xb0: {  	v5 =	vmul.f32 v7, v5;
	v7 =	vld [tilespmem:s12+$0x30]  }
0xb1: {  	v12 =	vld [tilespmem:s14+$0xFFFFFFA0]  }
0xb2: {  	v6 =	vld.idx.msk [tilespmem:v6+s4+$0x0], $0xffff;
	v8 =	vmul.f32 v13, v8  }
0xb3: {  	v4 =	vld [tilespmem:s14+$0xFFFFFFB0]  }
0xb4: {  	[tilespmem:s12+$0xFFFFFFA0] =	vst v8;
	v8 =	vld [tilespmem:s16+$0xFFFFFF80];
	v9 =	vmul.f32 v14, v9  }
0xb5: {  	v13 =	vld [tilespmem:s13+$0xFFFFFFB0]  }
0xb6: {  	[tilespmem:s14+$0x10] =	vst v9;
	v11 =	vld.idx.msk [tilespmem:v11+s4+$0x0], $0xffff  }
0xb7: {  	[tilespmem:s11+$0xFFFFFFB0] =	vst v5;
	v5 =	vmul.f32 v10, v6;
	v6 =	vld [tilespmem:s15+$0x20]  }
0xb8: {  	v14 =	vld [tilespmem:s18+$0xFFFFFFC0]  }
0xb9: {  	v10 =	vld.idx.msk [tilespmem:v17+s4+$0x0], $0xffff;
	s18 =	simm.s32 $0x4B80  }
0xba: {  	v60 =	vld [tilespmem:s18+$0x0]  }
0xbb: {  	v18 =	vld [tilespmem:s18+$0xFFFFFF80];
	[tilespmem:s14+$0xFFFFFF90] =	vst v5;
	v7 =	vmul.f32 v7, v11  }
0xbc: {  	v9 =	vld [tilespmem:s15+$0xFFFFFFA0]  }
0xbd: {  	v8 =	vld.idx.msk [tilespmem:v8+s4+$0x0], $0xffff;
	[tilespmem:s12+$0x30] =	vst v7  }
0xbe: {  	v11 =	vld [tilespmem:s13+$0x40]  }
0xbf: {  	v10 =	vmul.f32 v60, v10;
	v6 =	vld.idx.msk [tilespmem:v6+s4+$0x0], $0xffff  }
0xc0: {  	v5 =	vld [tilespmem:s14+$0xFFFFFFC0]  }
0xc1: {  	[tilespmem:s18+$0x0] =	vst v10;
	v10 =	vld.idx.msk [tilespmem:v13+s4+$0x0], $0xffff  }
0xc2: {  	v20 =	vld [tilespmem:s16+$0x10];
	v8 =	vmul.f32 v18, v8  }
0xc3: {  	v7 =	vld [tilespmem:s18+$0xFFFFFF90]  }
0xc4: {  	v21 =	vld.idx.msk [tilespmem:v9+s4+$0x0], $0xffff;
	[tilespmem:s18+$0xFFFFFF80] =	vst v8;
	v8 =	vmul.f32 v19, v6  }
0xc5: {  	v63 =	vld [tilespmem:s16+$0xFFFFFF90]  }
0xc6: {  	[tilespmem:s14+$0x20] =	vst v8;
	v62 =	vld.idx.msk [tilespmem:v11+s4+$0x0], $0xffff  }
0xc7: {  	v11 =	vld [tilespmem:s15+$0x30]  }
0xc8: {  	v13 =	vmul.f32 v15, v16;
	v9 =	vld [tilespmem:s18+$0xFFFFFFB0]  }
0xc9: {  	v6 =	vld [tilespmem:s18+$0xFFFFFFA0]  }
0xca: {  	[tilespmem:s11+$0x40] =	vst v13;
	v13 =	vmul.f32 v12, v21;
	v12 =	vld.idx.msk [tilespmem:v20+s4+$0x0], $0xffff  }
0xcb: {  	v8 =	vld.idx.msk [tilespmem:v14+s4+$0x0], $0xffff;
	v15 =	vmul.f32 v61, v62  }
0xcc: {  	v14 =	vld [tilespmem:s18+$0x10];
	[tilespmem:s14+$0xFFFFFFA0] =	vst v13  }
0xcd: {  	s19 =	simm.s32 $0x6;
	s9 =	simm.s32 $0x2C80;
	v13 =	vld.idx.msk [tilespmem:v63+s4+$0x0], $0xffff;
	[tilespmem:s12+$0x40] =	vst v15  }
.LBB2_5:
0xce: {  	v15 =	vld [tilespmem:s9+$0x0];
	v10 =	vmul.f32 v3, v10;
	v3 =	vmov v4;
	v4 =	vmov v9  }
0xcf: {  	v9 =	vld.idx.msk [tilespmem:v11+s4+$0x0], $0xffff  }
0xd0: {  	s19 =	sadd.s32 $0x2, s19;
	v8 =	vmul.f32 v1, v8;
	v1 =	vmov v2;
	v2 =	vmov v5;
	v11 =	vld [tilespmem:s14+$0x30];
	[tilespmem:s12+$0xFFFFFFB0] =	vst v10  }
0xd1: {  	p0 =	slt.u32 s19, $0x1E;
	v10 =	vld [tilespmem:s9+$0xFFFFFF80];
	v5 =	vmul.f32 v14, v12  }
0xd2: {  	v12 =	vld [tilespmem:s15+$0xFFFFFFB0];
	[tilespmem:s11+$0xFFFFFFC0] =	vst v8;
	s11 =	smov.u32 s12;
	s12 =	smov.u32 s14;
	s14 =	smov.u32 s18  }
0xd3: {  	v7 =	vmul.f32 v7, v13;
	[tilespmem:s18+$0x10] =	vst v5;
	v8 =	vld [tilespmem:s13+$0xFFFFFFC0];
	s13 =	smov.u32 s15;
	s15 =	smov.u32 s16;
	s16 =	smov.u32 s9  }
0xd4: {  	v13 =	vld [tilespmem:s15+$0x20]  }
0xd5: {  	[tilespmem:s18+$0xFFFFFF90] =	vst v7;
	v5 =	vld [tilespmem:s18+$0xFFFFFFC0];
	v7 =	vmul.f32 v11, v9  }
0xd6: {  	v9 =	vld [tilespmem:s15+$0xFFFFFFA0]  }
0xd7: {  	v11 =	vld.idx.msk [tilespmem:v15+s4+$0x0], $0xffff;
	[tilespmem:s12+$0x30] =	vst v7  }
0xd8: {  	s18 =	sadd.s32 $0x100, s18;
	v14 =	vld [tilespmem:s13+$0x40]  }
0xd9: {  	v15 =	vld [tilespmem:s18+$0x0]  }
0xda: {  	v10 =	vld.idx.msk [tilespmem:v10+s4+$0x0], $0xffff  }
0xdb: {  	v16 =	vld [tilespmem:s18+$0xFFFFFF80]  }
0xdc: {  	v13 =	vld.idx.msk [tilespmem:v13+s4+$0x0], $0xffff  }
0xdd: {  	v17 =	vld [tilespmem:s14+$0x20]  }
0xde: {  	v7 =	vld [tilespmem:s18+$0xFFFFFF90];
	v11 =	vmul.f32 v15, v11  }
0xdf: {  	v15 =	vld [tilespmem:s12+$0x40]  }
0xe0: {  	v10 =	vmul.f32 v16, v10;
	[tilespmem:s18+$0x0] =	vst v11;
	v14 =	vld.idx.msk [tilespmem:v14+s4+$0x0], $0xffff  }
0xe1: {  	v16 =	vld [tilespmem:s9+$0x10]  }
0xe2: {  	[tilespmem:s18+$0xFFFFFF80] =	vst v10;
	v18 =	vld.idx.msk [tilespmem:v9+s4+$0x0], $0xffff;
	v9 =	vmul.f32 v17, v13  }
0xe3: {  	v13 =	vld [tilespmem:s9+$0xFFFFFF90]  }
0xe4: {  	v17 =	vld [tilespmem:s18+$0xFFFFFFA0];
	[tilespmem:s14+$0x20] =	vst v9  }
0xe5: {  	v11 =	vld [tilespmem:s15+$0x30]  }
0xe6: {  	v10 =	vld.idx.msk [tilespmem:v12+s4+$0x0], $0xffff;
	v12 =	vmul.f32 v15, v14  }
.Ltmp5:
0xe7: {  	v9 =	vld [tilespmem:s18+$0xFFFFFFB0];
	(pc) =	sbr.rel @p0 .LBB2_5-.Ltmp5, $4  }
0xe8: {  	v15 =	vmul.f32 v6, v18;
	[tilespmem:s12+$0x40] =	vst v12;
	v8 =	vld.idx.msk [tilespmem:v8+s4+$0x0], $0xffff  }
0xe9: {  	v12 =	vld.idx.msk [tilespmem:v16+s4+$0x0], $0xffff;
	v6 =	vmov v17  }
0xea: {  	v14 =	vld [tilespmem:s18+$0x10];
	[tilespmem:s14+$0xFFFFFFA0] =	vst v15  }
0xeb: {  	s9 =	sadd.s32 $0x100, s9;
	v13 =	vld.idx.msk [tilespmem:v13+s4+$0x0], $0xffff  }
0xec: {  	_ =	sdelay $0x2  }
0xed: {  	v12 =	vmul.f32 v14, v12;
	_ =	sdelay $0x1  }
0xee: {  	v7 =	vmul.f32 v7, v13;
	[tilespmem:s18+$0x10] =	vst v12  }
0xef: {  	v12 =	vld [tilespmem:s16+$0x20]  }
0xf0: {  	[tilespmem:s18+$0xFFFFFF90] =	vst v7  }
0xf1: {  	v7 =	vld [tilespmem:s16+$0xFFFFFFA0];
	_ =	sdelay $0x4  }
0xf2: {  	v54 =	vld [tilespmem:s18+$0x20]  }
0xf3: {  	v12 =	vld.idx.msk [tilespmem:v12+s4+$0x0], $0xffff;
	_ =	sdelay $0x1  }
0xf4: {  	v7 =	vld.idx.msk [tilespmem:v7+s4+$0x0], $0xffff;
	_ =	sdelay $0x2  }
0xf5: {  	v12 =	vmul.f32 v54, v12;
	_ =	sdelay $0x1  }
0xf6: {  	v6 =	vmul.f32 v6, v7;
	[tilespmem:s18+$0x20] =	vst v12  }
0xf7: {  	v12 =	vld [tilespmem:s16+$0x30]  }
0xf8: {  	v56 =	vld [tilespmem:s15+$0xFFFFFFB0];
	[tilespmem:s18+$0xFFFFFFA0] =	vst v6  }
0xf9: {  	v6 =	vld [tilespmem:s16+$0xFFFFFFB0];
	_ =	sdelay $0x2  }
0xfa: {  	v11 =	vld.idx.msk [tilespmem:v11+s4+$0x0], $0xffff  }
0xfb: {  	v57 =	vld [tilespmem:s14+$0x30]  }
0xfc: {  	v15 =	vld [tilespmem:s18+$0x30]  }
0xfd: {  	v12 =	vld.idx.msk [tilespmem:v12+s4+$0x0], $0xffff  }
0xfe: {  	v13 =	vld.idx.msk [tilespmem:v56+s4+$0x0], $0xffff  }
0xff: {  	v6 =	vld.idx.msk [tilespmem:v6+s4+$0x0], $0xffff  }
0x100: {  	v3 =	vmul.f32 v3, v10  }
0x101: {  	v11 =	vmul.f32 v57, v11  }
0x102: {  	[tilespmem:s12+$0xFFFFFFB0] =	vst v3;
	v58 =	vmul.f32 v15, v12  }
0x103: {  	v59 =	vld [tilespmem:s13+$0xFFFFFFC0];
	[tilespmem:s14+$0x30] =	vst v11;
	v4 =	vmul.f32 v4, v13  }
0x104: {  	v3 =	vld [tilespmem:s15+$0x40];
	v6 =	vmul.f32 v9, v6;
	[tilespmem:s18+$0x30] =	vst v58  }
0x105: {  	[tilespmem:s14+$0xFFFFFFB0] =	vst v4;
	v60 =	vld [tilespmem:s16+$0x40]  }
0x106: {  	v61 =	vld [tilespmem:s15+$0xFFFFFFC0];
	[tilespmem:s18+$0xFFFFFFB0] =	vst v6  }
0x107: {  	v6 =	vld [tilespmem:s16+$0xFFFFFFC0]  }
0x108: {  	v55 =	vld [tilespmem:s18+$0xFFFFFFC0]  }
0x109: {  	v62 =	vld [tilespmem:s14+$0x40]  }
0x10a: {  	v63 =	vld [tilespmem:s18+$0x40]  }
0x10b: {  	v11 =	vld.idx.msk [tilespmem:v59+s4+$0x0], $0xffff  }
0x10c: {  	v3 =	vld.idx.msk [tilespmem:v3+s4+$0x0], $0xffff  }
0x10d: {  	v4 =	vld.idx.msk [tilespmem:v60+s4+$0x0], $0xffff  }
0x10e: {  	v1 =	vmul.f32 v1, v8;
	v9 =	vld.idx.msk [tilespmem:v61+s4+$0x0], $0xffff  }
0x10f: {  	v6 =	vld.idx.msk [tilespmem:v6+s4+$0x0], $0xffff  }
0x110: {  	[tilespmem:s11+$0xFFFFFFC0] =	vst v1;
	v1 =	vmul.f32 v2, v11  }
0x111: {  	v3 =	vmul.f32 v62, v3  }
0x112: {  	[tilespmem:s12+$0xFFFFFFC0] =	vst v1;
	v2 =	vmul.f32 v63, v4  }
0x113: {  	[tilespmem:s14+$0x40] =	vst v3;
	v1 =	vmul.f32 v5, v9  }
0x114: {  	[tilespmem:s18+$0x40] =	vst v2;
	v2 =	vmul.f32 v55, v6  }
0x115: {  	[tilespmem:s14+$0xFFFFFFC0] =	vst v1  }
0x116: {  	[tilespmem:s18+$0xFFFFFFC0] =	vst v2  }
0x117: {  	[tilespmem:s20], [sflag:$0x1] =	stream.indirect.gather [hbm4b:s5+s25], $0x80, s22, s25, $0xb8;
	[tilespmem:$0x1E800] =	vst v63  }
0x118: {  	s11 =	simm.s32 $0x0  }
0x119: {  	[tilespmem:s28], [sflag:$0x2] =	stream.indirect.gather [hbm4b:s5+s25], $0x80, s26, s25, $0xb8;
	[tilespmem:$0x1E800] =	vst v63  }
.LBB2_7:
0x11a: {  	_ =	swait.ge [sflag:s29], $0x2800  }
0x11b: {  	[sflag:s29] =	ssyncset.done $0x0  }
0x11c: {  	s12 =	simm.s32 $0x5A00;
	[sflag:s29] =	ssyncadd.s32 $0xFFFFD800  }
0x11d: {  	v6 =	vld [tilespmem:s12+$0x1F0]  }
0x11e: {  	s9 =	sshll.u32 s11, $0x8;
	v4 =	vimm.s32 $0x0;
	v7 =	vld [tilespmem:s12+$0xFFFFFE00]  }
0x11f: {  	v2 =	vmov s9;
	v1 =	vand.u32 $0xFFFFFF80, v4;
	v8 =	vld [tilespmem:s12+$0xFFFFFE10]  }
0x120: {  	v3 =	vand.u32 $0x78, v4;
	v1 =	vadd.s32 v2, v1;
	v10 =	vld [tilespmem:s12+$0xFFFFFE20]  }
0x121: {  	v3 =	vor.u32 v3, v1;
	v11 =	vld [tilespmem:s12+$0xFFFFFE30]  }
0x122: {  	v12 =	vld [tilespmem:s12+$0xFFFFFE40]  }
0x123: {  	v13 =	vld [tilespmem:s12+$0xFFFFFE50]  }
0x124: {  	v14 =	vld [tilespmem:s12+$0xFFFFFE60]  }
0x125: {  	v15 =	vld [tilespmem:s12+$0xFFFFFE80];
	v1 =	vor.u32 $0x7, v3  }
0x126: {  	v9 =	vor.u32 $0x1, v3;
	v5 =	vld.idx.msk [tilespmem:v3+s24+$0x0], $0xffff  }
0x127: {  	v16 =	vld [tilespmem:s12+$0xFFFFFE90]  }
0x128: {  	v18 =	vld [tilespmem:s12+$0xFFFFFEA0]  }
0x129: {  	v19 =	vld [tilespmem:s12+$0xFFFFFEB0]  }
0x12a: {  	v1 =	vld.idx.msk [tilespmem:v1+s24+$0x0], $0xffff  }
0x12b: {  	v9 =	vld.idx.msk [tilespmem:v9+s24+$0x0], $0xffff;
	v7 =	vmul.f32 v7, v5  }
0x12c: {  	v20 =	vld [tilespmem:s12+$0xFFFFFEC0];
	v8 =	vmul.f32 v8, v5  }
0x12d: {  	v39 =	vld [tilespmem:s12+$0xFFFFFED0];
	v10 =	vmul.f32 v10, v5;
	[tilespmem:s12+$0xFFFFFE00] =	vst v7  }
0x12e: {  	v40 =	vld [tilespmem:s12+$0xFFFFFEF0];
	v11 =	vmul.f32 v11, v5;
	[tilespmem:s12+$0xFFFFFE10] =	vst v8  }
0x12f: {  	v41 =	vld [tilespmem:s12+$0xFFFFFF00];
	v6 =	vmul.f32 v6, v1;
	[tilespmem:s12+$0xFFFFFE20] =	vst v10  }
0x130: {  	v42 =	vld [tilespmem:s12+$0xFFFFFF10];
	v17 =	vor.u32 $0x2, v3;
	v46 =	vmul.f32 v19, v9;
	[tilespmem:s12+$0xFFFFFE30] =	vst v11  }
0x131: {  	v43 =	vld [tilespmem:s12+$0xFFFFFF30];
	v10 =	vmul.f32 v12, v5;
	[tilespmem:s12+$0x1F0] =	vst v6  }
0x132: {  	v7 =	vld [tilespmem:s12+$0xFFFFFE70];
	v11 =	vmul.f32 v13, v5;
	[tilespmem:s12+$0xFFFFFEB0] =	vst v46  }
0x133: {  	v8 =	vld [tilespmem:s12+$0xFFFFFEE0];
	v6 =	vmul.f32 v15, v9;
	[tilespmem:s12+$0xFFFFFE40] =	vst v10  }
0x134: {  	v44 =	vld [tilespmem:s12+$0xFFFFFF40];
	v10 =	vmul.f32 v14, v5;
	[tilespmem:s12+$0xFFFFFE50] =	vst v11  }
0x135: {  	v15 =	vmul.f32 v39, v9;
	[tilespmem:s12+$0xFFFFFE80] =	vst v6;
	v6 =	vld.idx.msk [tilespmem:v17+s24+$0x0], $0xffff  }
0x136: {  	v45 =	vld [tilespmem:s12+$0xFFFFFF50];
	[tilespmem:s12+$0xFFFFFE60] =	vst v10;
	v10 =	vmul.f32 v16, v9  }
0x137: {  	v47 =	vld [tilespmem:s12+$0xFFFFFF70];
	[tilespmem:s12+$0xFFFFFED0] =	vst v15;
	v5 =	vmul.f32 v7, v5  }
0x138: {  	v48 =	vld [tilespmem:s12+$0xFFFFFF90];
	v11 =	vor.u32 $0x3, v3;
	v8 =	vmul.f32 v8, v9;
	[tilespmem:s12+$0xFFFFFE90] =	vst v10  }
0x139: {  	v50 =	vld [tilespmem:s12+$0xFFFFFFA0];
	[tilespmem:s12+$0xFFFFFE70] =	vst v5;
	v5 =	vmul.f32 v18, v9  }
0x13a: {  	v51 =	vld [tilespmem:s12+$0xFFFFFFC0];
	[tilespmem:s12+$0xFFFFFEE0] =	vst v8;
	v10 =	vmul.f32 v41, v6  }
0x13b: {  	v7 =	vld [tilespmem:s12+$0xFFFFFF20];
	v8 =	vmul.f32 v42, v6;
	[tilespmem:s12+$0xFFFFFEA0] =	vst v5  }
0x13c: {  	v17 =	vmul.f32 v44, v6;
	v5 =	vld [tilespmem:s12+$0xFFFFFF60];
	[tilespmem:s12+$0xFFFFFF00] =	vst v10  }
0x13d: {  	v10 =	vld.idx.msk [tilespmem:v11+s24+$0x0], $0xffff;
	v11 =	vmul.f32 v20, v9;
	[tilespmem:s12+$0xFFFFFF10] =	vst v8  }
0x13e: {  	v52 =	vld [tilespmem:s12+$0xFFFFFFF0];
	v13 =	vmul.f32 v45, v6;
	[tilespmem:s12+$0xFFFFFF40] =	vst v17  }
0x13f: {  	v9 =	vmul.f32 v40, v9;
	[tilespmem:s12+$0xFFFFFEC0] =	vst v11;
	v11 =	vld [tilespmem:s12+$0xFFFFFF80]  }
0x140: {  	v53 =	vld [tilespmem:s12+$0x0];
	v7 =	vmul.f32 v7, v6;
	v8 =	vmul.f32 v43, v6;
	[tilespmem:s12+$0xFFFFFF50] =	vst v13  }
0x141: {  	v54 =	vld [tilespmem:s12+$0x10];
	v49 =	vor.u32 $0x4, v3;
	[tilespmem:s12+$0xFFFFFEF0] =	vst v9;
	v5 =	vmul.f32 v5, v6;
	v6 =	vmul.f32 v47, v6  }
0x142: {  	v56 =	vld [tilespmem:s12+$0x20];
	[tilespmem:s12+$0xFFFFFF30] =	vst v8  }
0x143: {  	v8 =	vld [tilespmem:s12+$0xFFFFFFE0];
	[tilespmem:s12+$0xFFFFFF70] =	vst v6;
	v6 =	vmul.f32 v50, v10  }
0x144: {  	v9 =	vld [tilespmem:s12+$0xFFFFFFB0];
	[tilespmem:s12+$0xFFFFFF20] =	vst v7;
	v7 =	vmul.f32 v11, v10  }
0x145: {  	v11 =	vld [tilespmem:s12+$0xFFFFFFD0];
	[tilespmem:s12+$0xFFFFFFA0] =	vst v6  }
0x146: {  	v6 =	vmul.f32 v51, v10;
	[tilespmem:s12+$0xFFFFFF80] =	vst v7;
	v7 =	vld.idx.msk [tilespmem:v49+s24+$0x0], $0xffff  }
0x147: {  	v57 =	vld [tilespmem:s12+$0x40];
	[tilespmem:s12+$0xFFFFFF60] =	vst v5;
	v5 =	vmul.f32 v48, v10  }
0x148: {  	v55 =	vor.u32 $0x5, v3;
	v8 =	vmul.f32 v8, v10;
	[tilespmem:s12+$0xFFFFFFC0] =	vst v6;
	v6 =	vld [tilespmem:s12+$0x60]  }
0x149: {  	v58 =	vld [tilespmem:s12+$0x50];
	[tilespmem:s12+$0xFFFFFF90] =	vst v5;
	v5 =	vmul.f32 v9, v10  }
0x14a: {  	v9 =	vld [tilespmem:s12+$0x30];
	[tilespmem:s12+$0xFFFFFFE0] =	vst v8;
	v11 =	vmul.f32 v11, v10  }
0x14b: {  	v59 =	vld [tilespmem:s12+$0x90];
	[tilespmem:s12+$0xFFFFFFB0] =	vst v5;
	v5 =	vmul.f32 v53, v7  }
0x14c: {  	v60 =	vld [tilespmem:s12+$0xB0];
	[tilespmem:s12+$0xFFFFFFD0] =	vst v11;
	v8 =	vmul.f32 v54, v7  }
0x14d: {  	v17 =	vld.idx.msk [tilespmem:v55+s24+$0x0], $0xffff;
	v6 =	vmul.f32 v6, v7;
	[tilespmem:s12+$0x0] =	vst v5  }
0x14e: {  	v3 =	vor.u32 $0x6, v3;
	v5 =	vmul.f32 v52, v10;
	v10 =	vld [tilespmem:s12+$0x70];
	[tilespmem:s12+$0x10] =	vst v8  }
0x14f: {  	v11 =	vld [tilespmem:s12+$0x80];
	v8 =	vmul.f32 v9, v7;
	[tilespmem:s12+$0x60] =	vst v6  }
0x150: {  	v6 =	vld [tilespmem:s12+$0xF0];
	[tilespmem:s12+$0xFFFFFFF0] =	vst v5;
	v5 =	vmul.f32 v56, v7  }
0x151: {  	v9 =	vld [tilespmem:s12+$0xA0];
	[tilespmem:s12+$0x30] =	vst v8;
	v8 =	vmul.f32 v58, v7  }
0x152: {  	v61 =	vld [tilespmem:s12+$0xC0];
	[tilespmem:s12+$0x20] =	vst v5;
	v5 =	vmul.f32 v57, v7  }
0x153: {  	v3 =	vld.idx.msk [tilespmem:v3+s24+$0x0], $0xffff;
	[tilespmem:s12+$0x50] =	vst v8;
	v7 =	vmul.f32 v10, v7  }
0x154: {  	v8 =	vld [tilespmem:s12+$0xE0];
	[tilespmem:s12+$0x40] =	vst v5;
	v5 =	vmul.f32 v11, v17  }
0x155: {  	v10 =	vld [tilespmem:s12+$0x100];
	v6 =	vmul.f32 v6, v17;
	[tilespmem:s12+$0x70] =	vst v7  }
0x156: {  	v11 =	vld [tilespmem:s12+$0xD0];
	v7 =	vmul.f32 v9, v17;
	[tilespmem:s12+$0x80] =	vst v5  }
0x157: {  	v5 =	vmul.f32 v59, v17;
	[tilespmem:s12+$0xF0] =	vst v6  }
0x158: {  	v62 =	vld [tilespmem:s12+$0x110];
	[tilespmem:s12+$0xA0] =	vst v7;
	v7 =	vmul.f32 v61, v17  }
0x159: {  	v63 =	vld [tilespmem:s12+$0x120];
	[tilespmem:s12+$0x90] =	vst v5;
	v5 =	vmul.f32 v60, v17  }
0x15a: {  	v9 =	vld [tilespmem:s12+$0x130];
	v10 =	vmul.f32 v10, v3;
	[tilespmem:s12+$0xC0] =	vst v7  }
0x15b: {  	[tilespmem:s12+$0xB0] =	vst v5;
	v5 =	vmul.f32 v11, v17;
	v11 =	vmul.f32 v8, v17;
	v8 =	vld [tilespmem:s12+$0x140]  }
0x15c: {  	v7 =	vld [tilespmem:s12+$0x150];
	[tilespmem:s12+$0x100] =	vst v10  }
0x15d: {  	v6 =	vld [tilespmem:s12+$0x170];
	[tilespmem:s12+$0xE0] =	vst v11;
	v11 =	vmul.f32 v62, v3  }
0x15e: {  	s13 =	sshll.u32 s11, $0x1;
	s15 =	simm.s32 $0x0;
	s14 =	simm.s32 $0x5A00;
	v4 =	vadd.s32 $0x8, v4;
	v10 =	vmul.f32 v63, v3;
	[tilespmem:s12+$0xD0] =	vst v5;
	v5 =	vld [tilespmem:s12+$0x160]  }
.LBB2_8:
0x15f: {  	v12 =	vand.u32 $0xFFFFFF80, v4;
	s15 =	sadd.s32 $0x8, s15;
	[tilespmem:s12+$0x110] =	vst v11;
	v9 =	vmul.f32 v9, v3;
	v11 =	vld [tilespmem:s12+$0x180]  }
0x160: {  	v13 =	vand.u32 $0x78, v4;
	v12 =	vadd.s32 v2, v12;
	p0 =	slt.u32 s15, $0x48;
	[tilespmem:s12+$0x120] =	vst v10;
	v8 =	vmul.f32 v8, v3;
	v10 =	vld [tilespmem:s12+$0x190]  }
0x161: {  	v12 =	vor.u32 v13, v12;
	[tilespmem:s12+$0x130] =	vst v9;
	v7 =	vmul.f32 v7, v3;
	v9 =	vld [tilespmem:s12+$0x1A0]  }
0x162: {  	v13 =	vor.u32 $0x1, v12;
	v14 =	vor.u32 $0x2, v12;
	v15 =	vor.u32 $0x7, v12;
	[tilespmem:s12+$0x140] =	vst v8;
	v8 =	vld [tilespmem:s12+$0x1B0]  }
0x163: {  	v16 =	vor.u32 $0x3, v12;
	v17 =	vor.u32 $0x4, v12;
	v18 =	vor.u32 $0x5, v12;
	[tilespmem:s12+$0x150] =	vst v7;
	v7 =	vld [tilespmem:s12+$0x1C0]  }
0x164: {  	v19 =	vor.u32 $0x6, v12;
	v5 =	vmul.f32 v5, v3;
	v3 =	vmul.f32 v6, v3;
	v6 =	vld [tilespmem:s12+$0x1D0]  }
0x165: {  	v11 =	vmul.f32 v11, v1;
	v10 =	vmul.f32 v10, v1;
	v20 =	vld [tilespmem:s12+$0x1E0]  }
0x166: {  	v12 =	vld.idx.msk [tilespmem:v12+s24+$0x0], $0xffff;
	[tilespmem:s12+$0x160] =	vst v5;
	v5 =	vmul.f32 v9, v1  }
0x167: {  	s12 =	sadd.s32 $0x400, s12;
	v9 =	vld.idx.msk [tilespmem:v15+s24+$0x0], $0xffff;
	[tilespmem:s14+$0x170] =	vst v3;
	v3 =	vmul.f32 v8, v1  }
0x168: {  	v8 =	vld [tilespmem:s12+$0x1F0];
	[tilespmem:s14+$0x180] =	vst v11;
	v11 =	vmul.f32 v7, v1  }
0x169: {  	v13 =	vld.idx.msk [tilespmem:v13+s24+$0x0], $0xffff;
	[tilespmem:s14+$0x190] =	vst v10;
	v10 =	vmul.f32 v6, v1  }
0x16a: {  	v14 =	vld.idx.msk [tilespmem:v14+s24+$0x0], $0xffff;
	[tilespmem:s14+$0x1A0] =	vst v5;
	v15 =	vmul.f32 v20, v1  }
0x16b: {  	v7 =	vld.idx.msk [tilespmem:v16+s24+$0x0], $0xffff;
	[tilespmem:s14+$0x1B0] =	vst v3  }
0x16c: {  	v6 =	vld.idx.msk [tilespmem:v17+s24+$0x0], $0xffff;
	[tilespmem:s14+$0x1C0] =	vst v11  }
0x16d: {  	v1 =	vmov v9;
	v5 =	vld.idx.msk [tilespmem:v18+s24+$0x0], $0xffff;
	v8 =	vmul.f32 v8, v9;
	[tilespmem:s14+$0x1D0] =	vst v10  }
0x16e: {  	v3 =	vld.idx.msk [tilespmem:v19+s24+$0x0], $0xffff;
	[tilespmem:s14+$0x1E0] =	vst v15;
	s14 =	smov.u32 s12  }
0x16f: {  	v9 =	vld [tilespmem:s12+$0xFFFFFE00];
	[tilespmem:s12+$0x1F0] =	vst v8  }
0x170: {  	v8 =	vld [tilespmem:s12+$0xFFFFFE10]  }
0x171: {  	v10 =	vld [tilespmem:s12+$0xFFFFFE20]  }
0x172: {  	v11 =	vld [tilespmem:s12+$0xFFFFFE30]  }
0x173: {  	v15 =	vld [tilespmem:s12+$0xFFFFFE40]  }
0x174: {  	v9 =	vmul.f32 v9, v12;
	v16 =	vld [tilespmem:s12+$0xFFFFFE50]  }
0x175: {  	v8 =	vmul.f32 v8, v12;
	v17 =	vld [tilespmem:s12+$0xFFFFFE60]  }
0x176: {  	[tilespmem:s12+$0xFFFFFE00] =	vst v9;
	v9 =	vmul.f32 v10, v12;
	v10 =	vld [tilespmem:s12+$0xFFFFFE70]  }
0x177: {  	[tilespmem:s12+$0xFFFFFE10] =	vst v8;
	v8 =	vmul.f32 v11, v12;
	v11 =	vld [tilespmem:s12+$0xFFFFFE80]  }
0x178: {  	[tilespmem:s12+$0xFFFFFE20] =	vst v9;
	v9 =	vmul.f32 v15, v12;
	v15 =	vld [tilespmem:s12+$0xFFFFFE90]  }
0x179: {  	[tilespmem:s12+$0xFFFFFE30] =	vst v8;
	v8 =	vmul.f32 v16, v12;
	v16 =	vld [tilespmem:s12+$0xFFFFFEA0]  }
0x17a: {  	[tilespmem:s12+$0xFFFFFE40] =	vst v9;
	v9 =	vmul.f32 v17, v12;
	v17 =	vld [tilespmem:s12+$0xFFFFFEB0]  }
0x17b: {  	[tilespmem:s12+$0xFFFFFE50] =	vst v8;
	v8 =	vmul.f32 v10, v12;
	v10 =	vld [tilespmem:s12+$0xFFFFFEC0]  }
0x17c: {  	[tilespmem:s12+$0xFFFFFE60] =	vst v9;
	v9 =	vmul.f32 v11, v13;
	v11 =	vld [tilespmem:s12+$0xFFFFFED0]  }
0x17d: {  	[tilespmem:s12+$0xFFFFFE70] =	vst v8;
	v8 =	vmul.f32 v15, v13;
	v12 =	vld [tilespmem:s12+$0xFFFFFEE0]  }
0x17e: {  	[tilespmem:s12+$0xFFFFFE80] =	vst v9;
	v9 =	vmul.f32 v16, v13;
	v15 =	vld [tilespmem:s12+$0xFFFFFEF0]  }
0x17f: {  	[tilespmem:s12+$0xFFFFFE90] =	vst v8;
	v8 =	vmul.f32 v17, v13;
	v16 =	vld [tilespmem:s12+$0xFFFFFF00]  }
0x180: {  	[tilespmem:s12+$0xFFFFFEA0] =	vst v9;
	v9 =	vmul.f32 v10, v13;
	v10 =	vld [tilespmem:s12+$0xFFFFFF10]  }
0x181: {  	[tilespmem:s12+$0xFFFFFEB0] =	vst v8;
	v8 =	vmul.f32 v11, v13;
	v11 =	vld [tilespmem:s12+$0xFFFFFF20]  }
0x182: {  	[tilespmem:s12+$0xFFFFFEC0] =	vst v9;
	v9 =	vmul.f32 v12, v13;
	v12 =	vld [tilespmem:s12+$0xFFFFFF30]  }
0x183: {  	[tilespmem:s12+$0xFFFFFED0] =	vst v8;
	v8 =	vmul.f32 v15, v13;
	v13 =	vld [tilespmem:s12+$0xFFFFFF40]  }
0x184: {  	[tilespmem:s12+$0xFFFFFEE0] =	vst v9;
	v9 =	vmul.f32 v16, v14;
	v15 =	vld [tilespmem:s12+$0xFFFFFF50]  }
0x185: {  	[tilespmem:s12+$0xFFFFFEF0] =	vst v8;
	v8 =	vmul.f32 v10, v14;
	v10 =	vld [tilespmem:s12+$0xFFFFFF60]  }
0x186: {  	[tilespmem:s12+$0xFFFFFF00] =	vst v9;
	v9 =	vmul.f32 v11, v14;
	v11 =	vld [tilespmem:s12+$0xFFFFFF70]  }
0x187: {  	[tilespmem:s12+$0xFFFFFF10] =	vst v8;
	v8 =	vmul.f32 v12, v14;
	v12 =	vld [tilespmem:s12+$0xFFFFFF80]  }
0x188: {  	[tilespmem:s12+$0xFFFFFF20] =	vst v9;
	v9 =	vmul.f32 v13, v14;
	v13 =	vld [tilespmem:s12+$0xFFFFFF90]  }
0x189: {  	[tilespmem:s12+$0xFFFFFF30] =	vst v8;
	v8 =	vmul.f32 v15, v14;
	v15 =	vld [tilespmem:s12+$0xFFFFFFA0]  }
0x18a: {  	[tilespmem:s12+$0xFFFFFF40] =	vst v9;
	v9 =	vmul.f32 v10, v14;
	v10 =	vld [tilespmem:s12+$0xFFFFFFB0]  }
0x18b: {  	[tilespmem:s12+$0xFFFFFF50] =	vst v8;
	v8 =	vmul.f32 v11, v14;
	v11 =	vld [tilespmem:s12+$0xFFFFFFC0]  }
0x18c: {  	[tilespmem:s12+$0xFFFFFF60] =	vst v9;
	v9 =	vmul.f32 v12, v7;
	v12 =	vld [tilespmem:s12+$0xFFFFFFD0]  }
0x18d: {  	[tilespmem:s12+$0xFFFFFF70] =	vst v8;
	v8 =	vmul.f32 v13, v7;
	v13 =	vld [tilespmem:s12+$0xFFFFFFE0]  }
0x18e: {  	[tilespmem:s12+$0xFFFFFF80] =	vst v9;
	v9 =	vmul.f32 v15, v7;
	v14 =	vld [tilespmem:s12+$0xFFFFFFF0]  }
0x18f: {  	[tilespmem:s12+$0xFFFFFF90] =	vst v8;
	v8 =	vmul.f32 v10, v7;
	v10 =	vld [tilespmem:s12+$0x0]  }
0x190: {  	[tilespmem:s12+$0xFFFFFFA0] =	vst v9;
	v9 =	vmul.f32 v11, v7;
	v11 =	vld [tilespmem:s12+$0x10]  }
0x191: {  	[tilespmem:s12+$0xFFFFFFB0] =	vst v8;
	v8 =	vmul.f32 v12, v7;
	v12 =	vld [tilespmem:s12+$0x20]  }
0x192: {  	[tilespmem:s12+$0xFFFFFFC0] =	vst v9;
	v9 =	vmul.f32 v13, v7;
	v13 =	vld [tilespmem:s12+$0x30]  }
0x193: {  	[tilespmem:s12+$0xFFFFFFD0] =	vst v8;
	v7 =	vmul.f32 v14, v7;
	v8 =	vld [tilespmem:s12+$0x40]  }
0x194: {  	[tilespmem:s12+$0xFFFFFFE0] =	vst v9;
	v9 =	vmul.f32 v10, v6;
	v10 =	vld [tilespmem:s12+$0x50]  }
0x195: {  	[tilespmem:s12+$0xFFFFFFF0] =	vst v7;
	v7 =	vmul.f32 v11, v6;
	v11 =	vld [tilespmem:s12+$0x60]  }
0x196: {  	[tilespmem:s12+$0x0] =	vst v9;
	v9 =	vmul.f32 v12, v6;
	v12 =	vld [tilespmem:s12+$0x70]  }
0x197: {  	[tilespmem:s12+$0x10] =	vst v7;
	v7 =	vmul.f32 v13, v6;
	v13 =	vld [tilespmem:s12+$0x80]  }
0x198: {  	[tilespmem:s12+$0x20] =	vst v9;
	v8 =	vmul.f32 v8, v6;
	v9 =	vld [tilespmem:s12+$0x90]  }
0x199: {  	[tilespmem:s12+$0x30] =	vst v7;
	v7 =	vmul.f32 v10, v6;
	v10 =	vld [tilespmem:s12+$0xA0]  }
0x19a: {  	[tilespmem:s12+$0x40] =	vst v8;
	v8 =	vmul.f32 v11, v6;
	v11 =	vld [tilespmem:s12+$0xB0]  }
0x19b: {  	[tilespmem:s12+$0x50] =	vst v7;
	v6 =	vmul.f32 v12, v6;
	v7 =	vld [tilespmem:s12+$0xC0]  }
0x19c: {  	[tilespmem:s12+$0x60] =	vst v8;
	v8 =	vmul.f32 v13, v5;
	v12 =	vld [tilespmem:s12+$0xD0]  }
0x19d: {  	[tilespmem:s12+$0x70] =	vst v6;
	v6 =	vmul.f32 v9, v5;
	v9 =	vld [tilespmem:s12+$0xE0]  }
0x19e: {  	[tilespmem:s12+$0x80] =	vst v8;
	v8 =	vmul.f32 v10, v5;
	v10 =	vld [tilespmem:s12+$0xF0]  }
0x19f: {  	[tilespmem:s12+$0x90] =	vst v6;
	v6 =	vmul.f32 v11, v5;
	v11 =	vld [tilespmem:s12+$0x100]  }
0x1a0: {  	[tilespmem:s12+$0xA0] =	vst v8;
	v7 =	vmul.f32 v7, v5;
	v13 =	vld [tilespmem:s12+$0x110]  }
0x1a1: {  	[tilespmem:s12+$0xB0] =	vst v6;
	v6 =	vmul.f32 v12, v5;
	v12 =	vld [tilespmem:s12+$0x120]  }
.Ltmp6:
0x1a2: {  	[tilespmem:s12+$0xC0] =	vst v7;
	v7 =	vmul.f32 v9, v5;
	v9 =	vld [tilespmem:s12+$0x130];
	(pc) =	sbr.rel @p0 .LBB2_8-.Ltmp6, $4  }
0x1a3: {  	[tilespmem:s12+$0xD0] =	vst v6;
	v5 =	vmul.f32 v10, v5;
	v8 =	vld [tilespmem:s12+$0x140]  }
0x1a4: {  	[tilespmem:s12+$0xE0] =	vst v7;
	v6 =	vmul.f32 v11, v3;
	v7 =	vld [tilespmem:s12+$0x150]  }
0x1a5: {  	[tilespmem:s12+$0xF0] =	vst v5;
	v11 =	vmul.f32 v13, v3;
	v5 =	vld [tilespmem:s12+$0x160]  }
0x1a6: {  	v4 =	vadd.s32 $0x8, v4;
	[tilespmem:s12+$0x100] =	vst v6;
	v10 =	vmul.f32 v12, v3;
	v6 =	vld [tilespmem:s12+$0x170]  }
0x1a7: {  	[tilespmem:s12+$0x110] =	vst v11;
	v2 =	vmul.f32 v9, v3;
	v4 =	vld [tilespmem:s12+$0x180]  }
0x1a8: {  	v9 =	vld [tilespmem:s12+$0x190];
	[tilespmem:s12+$0x120] =	vst v10;
	v8 =	vmul.f32 v8, v3  }
0x1a9: {  	[tilespmem:s12+$0x130] =	vst v2;
	v2 =	vmul.f32 v7, v3;
	v7 =	vld [tilespmem:s12+$0x1A0]  }
0x1aa: {  	[tilespmem:s12+$0x140] =	vst v8;
	v8 =	vld [tilespmem:s12+$0x1B0];
	v5 =	vmul.f32 v5, v3  }
0x1ab: {  	[tilespmem:s12+$0x150] =	vst v2;
	v2 =	vld [tilespmem:s12+$0x1C0];
	v3 =	vmul.f32 v6, v3  }
0x1ac: {  	v6 =	vld [tilespmem:s12+$0x1D0];
	v4 =	vmul.f32 v4, v1;
	[tilespmem:s12+$0x160] =	vst v5  }
0x1ad: {  	v5 =	vmul.f32 v9, v1;
	v9 =	vld [tilespmem:s12+$0x1E0];
	[tilespmem:s14+$0x170] =	vst v3  }
0x1ae: {  	v3 =	vmul.f32 v7, v1;
	[tilespmem:s14+$0x180] =	vst v4  }
0x1af: {  	[tilespmem:s14+$0x190] =	vst v5;
	v4 =	vmul.f32 v8, v1  }
0x1b0: {  	v2 =	vmul.f32 v2, v1;
	[tilespmem:s14+$0x1A0] =	vst v3  }
0x1b1: {  	v3 =	vmul.f32 v6, v1;
	[tilespmem:s14+$0x1B0] =	vst v4  }
0x1b2: {  	s19 =	sshll.u32 s11, $0xA;
	v1 =	vmul.f32 v9, v1;
	[tilespmem:s14+$0x1C0] =	vst v2  }
0x1b3: {  	s9 =	sor.u32 $0x1, s13;
	s13 =	sshrl.u32 s19, $0x2;
	[tilespmem:s14+$0x1D0] =	vst v3  }
0x1b4: {  	s12 =	sshll.u32 s9, $0x7;
	s9 =	sadd.s32 $0x3800, s13;
	[tilespmem:s14+$0x1E0] =	vst v1  }
0x1b5: {  	[spmem:s2] =	stream.indirect.scatter.add.f32 [tilespmem:s20], [sflag:$0x3], $0x80, s9, s25, $0xb8;
	[tilespmem:$0x1E800] =	vst v63  }
0x1b6: {  	_ =	swait.ge [sflag:s30], $0x2800  }
0x1b7: {  	[sflag:s30] =	ssyncset.done $0x0  }
0x1b8: {  	s14 =	simm.s32 $0x8200;
	[sflag:s30] =	ssyncadd.s32 $0xFFFFD800  }
0x1b9: {  	v6 =	vld [tilespmem:s14+$0x1F0]  }
0x1ba: {  	v4 =	vimm.s32 $0x0;
	v7 =	vld [tilespmem:s14+$0xFFFFFE00]  }
0x1bb: {  	v2 =	vmov s12;
	v5 =	vand.u32 $0xFFFFFF80, v4;
	v8 =	vld [tilespmem:s14+$0xFFFFFE10]  }
0x1bc: {  	v3 =	vand.u32 $0x78, v4;
	v5 =	vadd.s32 v2, v5;
	v10 =	vld [tilespmem:s14+$0xFFFFFE20]  }
0x1bd: {  	v3 =	vor.u32 v3, v5;
	v11 =	vld [tilespmem:s14+$0xFFFFFE30]  }
0x1be: {  	v12 =	vld [tilespmem:s14+$0xFFFFFE40]  }
0x1bf: {  	v13 =	vld [tilespmem:s14+$0xFFFFFE50]  }
0x1c0: {  	v14 =	vld [tilespmem:s14+$0xFFFFFE60]  }
0x1c1: {  	v1 =	vor.u32 $0x7, v3;
	v15 =	vld [tilespmem:s14+$0xFFFFFE80]  }
0x1c2: {  	v9 =	vor.u32 $0x1, v3;
	v5 =	vld.idx.msk [tilespmem:v3+s24+$0x0], $0xffff  }
0x1c3: {  	v16 =	vld [tilespmem:s14+$0xFFFFFE90]  }
0x1c4: {  	v18 =	vld [tilespmem:s14+$0xFFFFFEA0]  }
0x1c5: {  	v19 =	vld [tilespmem:s14+$0xFFFFFEB0]  }
0x1c6: {  	v1 =	vld.idx.msk [tilespmem:v1+s24+$0x0], $0xffff  }
0x1c7: {  	v9 =	vld.idx.msk [tilespmem:v9+s24+$0x0], $0xffff;
	v7 =	vmul.f32 v7, v5  }
0x1c8: {  	v20 =	vld [tilespmem:s14+$0xFFFFFEC0];
	v8 =	vmul.f32 v8, v5  }
0x1c9: {  	v39 =	vld [tilespmem:s14+$0xFFFFFED0];
	v10 =	vmul.f32 v10, v5;
	[tilespmem:s14+$0xFFFFFE00] =	vst v7  }
0x1ca: {  	v40 =	vld [tilespmem:s14+$0xFFFFFEF0];
	v11 =	vmul.f32 v11, v5;
	[tilespmem:s14+$0xFFFFFE10] =	vst v8  }
0x1cb: {  	v41 =	vld [tilespmem:s14+$0xFFFFFF00];
	v6 =	vmul.f32 v6, v1;
	[tilespmem:s14+$0xFFFFFE20] =	vst v10  }
0x1cc: {  	v17 =	vor.u32 $0x2, v3;
	v42 =	vld [tilespmem:s14+$0xFFFFFF10];
	v46 =	vmul.f32 v19, v9;
	[tilespmem:s14+$0xFFFFFE30] =	vst v11  }
0x1cd: {  	v43 =	vld [tilespmem:s14+$0xFFFFFF30];
	v10 =	vmul.f32 v12, v5;
	[tilespmem:s14+$0x1F0] =	vst v6  }
0x1ce: {  	v7 =	vld [tilespmem:s14+$0xFFFFFE70];
	v11 =	vmul.f32 v13, v5;
	[tilespmem:s14+$0xFFFFFEB0] =	vst v46  }
0x1cf: {  	v8 =	vld [tilespmem:s14+$0xFFFFFEE0];
	v6 =	vmul.f32 v15, v9;
	[tilespmem:s14+$0xFFFFFE40] =	vst v10  }
0x1d0: {  	v44 =	vld [tilespmem:s14+$0xFFFFFF40];
	v10 =	vmul.f32 v14, v5;
	[tilespmem:s14+$0xFFFFFE50] =	vst v11  }
0x1d1: {  	v15 =	vmul.f32 v39, v9;
	[tilespmem:s14+$0xFFFFFE80] =	vst v6;
	v6 =	vld.idx.msk [tilespmem:v17+s24+$0x0], $0xffff  }
0x1d2: {  	v45 =	vld [tilespmem:s14+$0xFFFFFF50];
	[tilespmem:s14+$0xFFFFFE60] =	vst v10;
	v10 =	vmul.f32 v16, v9  }
0x1d3: {  	v47 =	vld [tilespmem:s14+$0xFFFFFF70];
	[tilespmem:s14+$0xFFFFFED0] =	vst v15;
	v5 =	vmul.f32 v7, v5  }
0x1d4: {  	v48 =	vld [tilespmem:s14+$0xFFFFFF90];
	v11 =	vor.u32 $0x3, v3;
	v8 =	vmul.f32 v8, v9;
	[tilespmem:s14+$0xFFFFFE90] =	vst v10  }
0x1d5: {  	v50 =	vld [tilespmem:s14+$0xFFFFFFA0];
	[tilespmem:s14+$0xFFFFFE70] =	vst v5;
	v5 =	vmul.f32 v18, v9  }
0x1d6: {  	v51 =	vld [tilespmem:s14+$0xFFFFFFC0];
	[tilespmem:s14+$0xFFFFFEE0] =	vst v8;
	v10 =	vmul.f32 v41, v6  }
0x1d7: {  	v7 =	vld [tilespmem:s14+$0xFFFFFF20];
	v8 =	vmul.f32 v42, v6;
	[tilespmem:s14+$0xFFFFFEA0] =	vst v5  }
0x1d8: {  	v17 =	vmul.f32 v44, v6;
	v5 =	vld [tilespmem:s14+$0xFFFFFF60];
	[tilespmem:s14+$0xFFFFFF00] =	vst v10  }
0x1d9: {  	v10 =	vld.idx.msk [tilespmem:v11+s24+$0x0], $0xffff;
	v11 =	vmul.f32 v20, v9;
	[tilespmem:s14+$0xFFFFFF10] =	vst v8  }
0x1da: {  	v52 =	vld [tilespmem:s14+$0xFFFFFFF0];
	v13 =	vmul.f32 v45, v6;
	[tilespmem:s14+$0xFFFFFF40] =	vst v17  }
0x1db: {  	v9 =	vmul.f32 v40, v9;
	[tilespmem:s14+$0xFFFFFEC0] =	vst v11;
	v11 =	vld [tilespmem:s14+$0xFFFFFF80]  }
0x1dc: {  	v53 =	vld [tilespmem:s14+$0x0];
	v7 =	vmul.f32 v7, v6;
	v8 =	vmul.f32 v43, v6;
	[tilespmem:s14+$0xFFFFFF50] =	vst v13  }
0x1dd: {  	v49 =	vor.u32 $0x4, v3;
	v54 =	vld [tilespmem:s14+$0x10];
	[tilespmem:s14+$0xFFFFFEF0] =	vst v9;
	v5 =	vmul.f32 v5, v6;
	v6 =	vmul.f32 v47, v6  }
0x1de: {  	v56 =	vld [tilespmem:s14+$0x20];
	[tilespmem:s14+$0xFFFFFF30] =	vst v8  }
0x1df: {  	v8 =	vld [tilespmem:s14+$0xFFFFFFE0];
	[tilespmem:s14+$0xFFFFFF70] =	vst v6;
	v6 =	vmul.f32 v50, v10  }
0x1e0: {  	v9 =	vld [tilespmem:s14+$0xFFFFFFB0];
	[tilespmem:s14+$0xFFFFFF20] =	vst v7;
	v7 =	vmul.f32 v11, v10  }
0x1e1: {  	v11 =	vld [tilespmem:s14+$0xFFFFFFD0];
	[tilespmem:s14+$0xFFFFFFA0] =	vst v6  }
0x1e2: {  	v6 =	vmul.f32 v51, v10;
	[tilespmem:s14+$0xFFFFFF80] =	vst v7;
	v7 =	vld.idx.msk [tilespmem:v49+s24+$0x0], $0xffff  }
0x1e3: {  	v57 =	vld [tilespmem:s14+$0x40];
	[tilespmem:s14+$0xFFFFFF60] =	vst v5;
	v5 =	vmul.f32 v48, v10  }
0x1e4: {  	v55 =	vor.u32 $0x5, v3;
	v8 =	vmul.f32 v8, v10;
	[tilespmem:s14+$0xFFFFFFC0] =	vst v6;
	v6 =	vld [tilespmem:s14+$0x60]  }
0x1e5: {  	v58 =	vld [tilespmem:s14+$0x50];
	[tilespmem:s14+$0xFFFFFF90] =	vst v5;
	v5 =	vmul.f32 v9, v10  }
0x1e6: {  	v9 =	vld [tilespmem:s14+$0x30];
	[tilespmem:s14+$0xFFFFFFE0] =	vst v8;
	v11 =	vmul.f32 v11, v10  }
0x1e7: {  	v59 =	vld [tilespmem:s14+$0x90];
	[tilespmem:s14+$0xFFFFFFB0] =	vst v5;
	v5 =	vmul.f32 v53, v7  }
0x1e8: {  	v60 =	vld [tilespmem:s14+$0xB0];
	[tilespmem:s14+$0xFFFFFFD0] =	vst v11;
	v8 =	vmul.f32 v54, v7  }
0x1e9: {  	v17 =	vld.idx.msk [tilespmem:v55+s24+$0x0], $0xffff;
	v6 =	vmul.f32 v6, v7;
	[tilespmem:s14+$0x0] =	vst v5  }
0x1ea: {  	v3 =	vor.u32 $0x6, v3;
	v5 =	vmul.f32 v52, v10;
	v10 =	vld [tilespmem:s14+$0x70];
	[tilespmem:s14+$0x10] =	vst v8  }
0x1eb: {  	v11 =	vld [tilespmem:s14+$0x80];
	v8 =	vmul.f32 v9, v7;
	[tilespmem:s14+$0x60] =	vst v6  }
0x1ec: {  	v6 =	vld [tilespmem:s14+$0xF0];
	[tilespmem:s14+$0xFFFFFFF0] =	vst v5;
	v5 =	vmul.f32 v56, v7  }
0x1ed: {  	v9 =	vld [tilespmem:s14+$0xA0];
	[tilespmem:s14+$0x30] =	vst v8;
	v8 =	vmul.f32 v58, v7  }
0x1ee: {  	v61 =	vld [tilespmem:s14+$0xC0];
	[tilespmem:s14+$0x20] =	vst v5;
	v5 =	vmul.f32 v57, v7  }
0x1ef: {  	v3 =	vld.idx.msk [tilespmem:v3+s24+$0x0], $0xffff;
	[tilespmem:s14+$0x50] =	vst v8;
	v7 =	vmul.f32 v10, v7  }
0x1f0: {  	v8 =	vld [tilespmem:s14+$0xE0];
	[tilespmem:s14+$0x40] =	vst v5;
	v5 =	vmul.f32 v11, v17  }
0x1f1: {  	v10 =	vld [tilespmem:s14+$0x100];
	v6 =	vmul.f32 v6, v17;
	[tilespmem:s14+$0x70] =	vst v7  }
0x1f2: {  	v11 =	vld [tilespmem:s14+$0xD0];
	v7 =	vmul.f32 v9, v17;
	[tilespmem:s14+$0x80] =	vst v5  }
0x1f3: {  	v5 =	vmul.f32 v59, v17;
	[tilespmem:s14+$0xF0] =	vst v6  }
0x1f4: {  	v62 =	vld [tilespmem:s14+$0x110];
	[tilespmem:s14+$0xA0] =	vst v7;
	v7 =	vmul.f32 v61, v17  }
0x1f5: {  	v63 =	vld [tilespmem:s14+$0x120];
	[tilespmem:s14+$0x90] =	vst v5;
	v5 =	vmul.f32 v60, v17  }
0x1f6: {  	v9 =	vld [tilespmem:s14+$0x130];
	v10 =	vmul.f32 v10, v3;
	[tilespmem:s14+$0xC0] =	vst v7  }
0x1f7: {  	[tilespmem:s14+$0xB0] =	vst v5;
	v5 =	vmul.f32 v11, v17;
	v11 =	vmul.f32 v8, v17;
	v8 =	vld [tilespmem:s14+$0x140]  }
0x1f8: {  	v7 =	vld [tilespmem:s14+$0x150];
	[tilespmem:s14+$0x100] =	vst v10  }
0x1f9: {  	v6 =	vld [tilespmem:s14+$0x170];
	[tilespmem:s14+$0xE0] =	vst v11;
	v11 =	vmul.f32 v62, v3  }
0x1fa: {  	s16 =	simm.s32 $0x0;
	s15 =	simm.s32 $0x8200;
	v4 =	vadd.s32 $0x8, v4;
	v10 =	vmul.f32 v63, v3;
	[tilespmem:s14+$0xD0] =	vst v5;
	v5 =	vld [tilespmem:s14+$0x160]  }
.LBB2_10:
0x1fb: {  	v12 =	vand.u32 $0xFFFFFF80, v4;
	s16 =	sadd.s32 $0x8, s16;
	[tilespmem:s14+$0x110] =	vst v11;
	v9 =	vmul.f32 v9, v3;
	v11 =	vld [tilespmem:s14+$0x180]  }
0x1fc: {  	v13 =	vand.u32 $0x78, v4;
	v12 =	vadd.s32 v2, v12;
	p0 =	slt.u32 s16, $0x48;
	[tilespmem:s14+$0x120] =	vst v10;
	v8 =	vmul.f32 v8, v3;
	v10 =	vld [tilespmem:s14+$0x190]  }
0x1fd: {  	v12 =	vor.u32 v13, v12;
	[tilespmem:s14+$0x130] =	vst v9;
	v7 =	vmul.f32 v7, v3;
	v9 =	vld [tilespmem:s14+$0x1A0]  }
0x1fe: {  	v13 =	vor.u32 $0x1, v12;
	v14 =	vor.u32 $0x2, v12;
	v15 =	vor.u32 $0x7, v12;
	[tilespmem:s14+$0x140] =	vst v8;
	v8 =	vld [tilespmem:s14+$0x1B0]  }
0x1ff: {  	v16 =	vor.u32 $0x3, v12;
	v17 =	vor.u32 $0x4, v12;
	v18 =	vor.u32 $0x5, v12;
	[tilespmem:s14+$0x150] =	vst v7;
	v7 =	vld [tilespmem:s14+$0x1C0]  }
0x200: {  	v19 =	vor.u32 $0x6, v12;
	v5 =	vmul.f32 v5, v3;
	v3 =	vmul.f32 v6, v3;
	v6 =	vld [tilespmem:s14+$0x1D0]  }
0x201: {  	v11 =	vmul.f32 v11, v1;
	v10 =	vmul.f32 v10, v1;
	v20 =	vld [tilespmem:s14+$0x1E0]  }
0x202: {  	v12 =	vld.idx.msk [tilespmem:v12+s24+$0x0], $0xffff;
	[tilespmem:s14+$0x160] =	vst v5;
	v5 =	vmul.f32 v9, v1  }
0x203: {  	s14 =	sadd.s32 $0x400, s14;
	v9 =	vld.idx.msk [tilespmem:v15+s24+$0x0], $0xffff;
	[tilespmem:s15+$0x170] =	vst v3;
	v3 =	vmul.f32 v8, v1  }
0x204: {  	v8 =	vld [tilespmem:s14+$0x1F0];
	[tilespmem:s15+$0x180] =	vst v11;
	v11 =	vmul.f32 v7, v1  }
0x205: {  	v13 =	vld.idx.msk [tilespmem:v13+s24+$0x0], $0xffff;
	[tilespmem:s15+$0x190] =	vst v10;
	v10 =	vmul.f32 v6, v1  }
0x206: {  	v14 =	vld.idx.msk [tilespmem:v14+s24+$0x0], $0xffff;
	[tilespmem:s15+$0x1A0] =	vst v5;
	v15 =	vmul.f32 v20, v1  }
0x207: {  	v7 =	vld.idx.msk [tilespmem:v16+s24+$0x0], $0xffff;
	[tilespmem:s15+$0x1B0] =	vst v3  }
0x208: {  	v6 =	vld.idx.msk [tilespmem:v17+s24+$0x0], $0xffff;
	[tilespmem:s15+$0x1C0] =	vst v11  }
0x209: {  	v1 =	vmov v9;
	v5 =	vld.idx.msk [tilespmem:v18+s24+$0x0], $0xffff;
	v8 =	vmul.f32 v8, v9;
	[tilespmem:s15+$0x1D0] =	vst v10  }
0x20a: {  	v3 =	vld.idx.msk [tilespmem:v19+s24+$0x0], $0xffff;
	[tilespmem:s15+$0x1E0] =	vst v15;
	s15 =	smov.u32 s14  }
0x20b: {  	v9 =	vld [tilespmem:s14+$0xFFFFFE00];
	[tilespmem:s14+$0x1F0] =	vst v8  }
0x20c: {  	v8 =	vld [tilespmem:s14+$0xFFFFFE10]  }
0x20d: {  	v10 =	vld [tilespmem:s14+$0xFFFFFE20]  }
0x20e: {  	v11 =	vld [tilespmem:s14+$0xFFFFFE30]  }
0x20f: {  	v15 =	vld [tilespmem:s14+$0xFFFFFE40]  }
0x210: {  	v9 =	vmul.f32 v9, v12;
	v16 =	vld [tilespmem:s14+$0xFFFFFE50]  }
0x211: {  	v8 =	vmul.f32 v8, v12;
	v17 =	vld [tilespmem:s14+$0xFFFFFE60]  }
0x212: {  	[tilespmem:s14+$0xFFFFFE00] =	vst v9;
	v9 =	vmul.f32 v10, v12;
	v10 =	vld [tilespmem:s14+$0xFFFFFE70]  }
0x213: {  	[tilespmem:s14+$0xFFFFFE10] =	vst v8;
	v8 =	vmul.f32 v11, v12;
	v11 =	vld [tilespmem:s14+$0xFFFFFE80]  }
0x214: {  	[tilespmem:s14+$0xFFFFFE20] =	vst v9;
	v9 =	vmul.f32 v15, v12;
	v15 =	vld [tilespmem:s14+$0xFFFFFE90]  }
0x215: {  	[tilespmem:s14+$0xFFFFFE30] =	vst v8;
	v8 =	vmul.f32 v16, v12;
	v16 =	vld [tilespmem:s14+$0xFFFFFEA0]  }
0x216: {  	[tilespmem:s14+$0xFFFFFE40] =	vst v9;
	v9 =	vmul.f32 v17, v12;
	v17 =	vld [tilespmem:s14+$0xFFFFFEB0]  }
0x217: {  	[tilespmem:s14+$0xFFFFFE50] =	vst v8;
	v8 =	vmul.f32 v10, v12;
	v10 =	vld [tilespmem:s14+$0xFFFFFEC0]  }
0x218: {  	[tilespmem:s14+$0xFFFFFE60] =	vst v9;
	v9 =	vmul.f32 v11, v13;
	v11 =	vld [tilespmem:s14+$0xFFFFFED0]  }
0x219: {  	[tilespmem:s14+$0xFFFFFE70] =	vst v8;
	v8 =	vmul.f32 v15, v13;
	v12 =	vld [tilespmem:s14+$0xFFFFFEE0]  }
0x21a: {  	[tilespmem:s14+$0xFFFFFE80] =	vst v9;
	v9 =	vmul.f32 v16, v13;
	v15 =	vld [tilespmem:s14+$0xFFFFFEF0]  }
0x21b: {  	[tilespmem:s14+$0xFFFFFE90] =	vst v8;
	v8 =	vmul.f32 v17, v13;
	v16 =	vld [tilespmem:s14+$0xFFFFFF00]  }
0x21c: {  	[tilespmem:s14+$0xFFFFFEA0] =	vst v9;
	v9 =	vmul.f32 v10, v13;
	v10 =	vld [tilespmem:s14+$0xFFFFFF10]  }
0x21d: {  	[tilespmem:s14+$0xFFFFFEB0] =	vst v8;
	v8 =	vmul.f32 v11, v13;
	v11 =	vld [tilespmem:s14+$0xFFFFFF20]  }
0x21e: {  	[tilespmem:s14+$0xFFFFFEC0] =	vst v9;
	v9 =	vmul.f32 v12, v13;
	v12 =	vld [tilespmem:s14+$0xFFFFFF30]  }
0x21f: {  	[tilespmem:s14+$0xFFFFFED0] =	vst v8;
	v8 =	vmul.f32 v15, v13;
	v13 =	vld [tilespmem:s14+$0xFFFFFF40]  }
0x220: {  	[tilespmem:s14+$0xFFFFFEE0] =	vst v9;
	v9 =	vmul.f32 v16, v14;
	v15 =	vld [tilespmem:s14+$0xFFFFFF50]  }
0x221: {  	[tilespmem:s14+$0xFFFFFEF0] =	vst v8;
	v8 =	vmul.f32 v10, v14;
	v10 =	vld [tilespmem:s14+$0xFFFFFF60]  }
0x222: {  	[tilespmem:s14+$0xFFFFFF00] =	vst v9;
	v9 =	vmul.f32 v11, v14;
	v11 =	vld [tilespmem:s14+$0xFFFFFF70]  }
0x223: {  	[tilespmem:s14+$0xFFFFFF10] =	vst v8;
	v8 =	vmul.f32 v12, v14;
	v12 =	vld [tilespmem:s14+$0xFFFFFF80]  }
0x224: {  	[tilespmem:s14+$0xFFFFFF20] =	vst v9;
	v9 =	vmul.f32 v13, v14;
	v13 =	vld [tilespmem:s14+$0xFFFFFF90]  }
0x225: {  	[tilespmem:s14+$0xFFFFFF30] =	vst v8;
	v8 =	vmul.f32 v15, v14;
	v15 =	vld [tilespmem:s14+$0xFFFFFFA0]  }
0x226: {  	[tilespmem:s14+$0xFFFFFF40] =	vst v9;
	v9 =	vmul.f32 v10, v14;
	v10 =	vld [tilespmem:s14+$0xFFFFFFB0]  }
0x227: {  	[tilespmem:s14+$0xFFFFFF50] =	vst v8;
	v8 =	vmul.f32 v11, v14;
	v11 =	vld [tilespmem:s14+$0xFFFFFFC0]  }
0x228: {  	[tilespmem:s14+$0xFFFFFF60] =	vst v9;
	v9 =	vmul.f32 v12, v7;
	v12 =	vld [tilespmem:s14+$0xFFFFFFD0]  }
0x229: {  	[tilespmem:s14+$0xFFFFFF70] =	vst v8;
	v8 =	vmul.f32 v13, v7;
	v13 =	vld [tilespmem:s14+$0xFFFFFFE0]  }
0x22a: {  	[tilespmem:s14+$0xFFFFFF80] =	vst v9;
	v9 =	vmul.f32 v15, v7;
	v14 =	vld [tilespmem:s14+$0xFFFFFFF0]  }
0x22b: {  	[tilespmem:s14+$0xFFFFFF90] =	vst v8;
	v8 =	vmul.f32 v10, v7;
	v10 =	vld [tilespmem:s14+$0x0]  }
0x22c: {  	[tilespmem:s14+$0xFFFFFFA0] =	vst v9;
	v9 =	vmul.f32 v11, v7;
	v11 =	vld [tilespmem:s14+$0x10]  }
0x22d: {  	[tilespmem:s14+$0xFFFFFFB0] =	vst v8;
	v8 =	vmul.f32 v12, v7;
	v12 =	vld [tilespmem:s14+$0x20]  }
0x22e: {  	[tilespmem:s14+$0xFFFFFFC0] =	vst v9;
	v9 =	vmul.f32 v13, v7;
	v13 =	vld [tilespmem:s14+$0x30]  }
0x22f: {  	[tilespmem:s14+$0xFFFFFFD0] =	vst v8;
	v7 =	vmul.f32 v14, v7;
	v8 =	vld [tilespmem:s14+$0x40]  }
0x230: {  	[tilespmem:s14+$0xFFFFFFE0] =	vst v9;
	v9 =	vmul.f32 v10, v6;
	v10 =	vld [tilespmem:s14+$0x50]  }
0x231: {  	[tilespmem:s14+$0xFFFFFFF0] =	vst v7;
	v7 =	vmul.f32 v11, v6;
	v11 =	vld [tilespmem:s14+$0x60]  }
0x232: {  	[tilespmem:s14+$0x0] =	vst v9;
	v9 =	vmul.f32 v12, v6;
	v12 =	vld [tilespmem:s14+$0x70]  }
0x233: {  	[tilespmem:s14+$0x10] =	vst v7;
	v7 =	vmul.f32 v13, v6;
	v13 =	vld [tilespmem:s14+$0x80]  }
0x234: {  	[tilespmem:s14+$0x20] =	vst v9;
	v8 =	vmul.f32 v8, v6;
	v9 =	vld [tilespmem:s14+$0x90]  }
0x235: {  	[tilespmem:s14+$0x30] =	vst v7;
	v7 =	vmul.f32 v10, v6;
	v10 =	vld [tilespmem:s14+$0xA0]  }
0x236: {  	[tilespmem:s14+$0x40] =	vst v8;
	v8 =	vmul.f32 v11, v6;
	v11 =	vld [tilespmem:s14+$0xB0]  }
0x237: {  	[tilespmem:s14+$0x50] =	vst v7;
	v6 =	vmul.f32 v12, v6;
	v7 =	vld [tilespmem:s14+$0xC0]  }
0x238: {  	[tilespmem:s14+$0x60] =	vst v8;
	v8 =	vmul.f32 v13, v5;
	v12 =	vld [tilespmem:s14+$0xD0]  }
0x239: {  	[tilespmem:s14+$0x70] =	vst v6;
	v6 =	vmul.f32 v9, v5;
	v9 =	vld [tilespmem:s14+$0xE0]  }
0x23a: {  	[tilespmem:s14+$0x80] =	vst v8;
	v8 =	vmul.f32 v10, v5;
	v10 =	vld [tilespmem:s14+$0xF0]  }
0x23b: {  	[tilespmem:s14+$0x90] =	vst v6;
	v6 =	vmul.f32 v11, v5;
	v11 =	vld [tilespmem:s14+$0x100]  }
0x23c: {  	[tilespmem:s14+$0xA0] =	vst v8;
	v7 =	vmul.f32 v7, v5;
	v13 =	vld [tilespmem:s14+$0x110]  }
0x23d: {  	[tilespmem:s14+$0xB0] =	vst v6;
	v6 =	vmul.f32 v12, v5;
	v12 =	vld [tilespmem:s14+$0x120]  }
.Ltmp7:
0x23e: {  	[tilespmem:s14+$0xC0] =	vst v7;
	v7 =	vmul.f32 v9, v5;
	v9 =	vld [tilespmem:s14+$0x130];
	(pc) =	sbr.rel @p0 .LBB2_10-.Ltmp7, $4  }
0x23f: {  	[tilespmem:s14+$0xD0] =	vst v6;
	v5 =	vmul.f32 v10, v5;
	v8 =	vld [tilespmem:s14+$0x140]  }
0x240: {  	[tilespmem:s14+$0xE0] =	vst v7;
	v6 =	vmul.f32 v11, v3;
	v7 =	vld [tilespmem:s14+$0x150]  }
0x241: {  	[tilespmem:s14+$0xF0] =	vst v5;
	v11 =	vmul.f32 v13, v3;
	v5 =	vld [tilespmem:s14+$0x160]  }
0x242: {  	v4 =	vadd.s32 $0x8, v4;
	[tilespmem:s14+$0x100] =	vst v6;
	v10 =	vmul.f32 v12, v3;
	v6 =	vld [tilespmem:s14+$0x170]  }
0x243: {  	[tilespmem:s14+$0x110] =	vst v11;
	v2 =	vmul.f32 v9, v3;
	v4 =	vld [tilespmem:s14+$0x180]  }
0x244: {  	v57 =	vld [tilespmem:s14+$0x190];
	[tilespmem:s14+$0x120] =	vst v10;
	v8 =	vmul.f32 v8, v3  }
0x245: {  	v58 =	vld [tilespmem:s14+$0x1A0];
	[tilespmem:s14+$0x130] =	vst v2;
	v2 =	vmul.f32 v7, v3  }
0x246: {  	v59 =	vld [tilespmem:s14+$0x1B0];
	[tilespmem:s14+$0x140] =	vst v8;
	v5 =	vmul.f32 v5, v3  }
0x247: {  	v60 =	vld [tilespmem:s14+$0x1D0];
	[tilespmem:s14+$0x150] =	vst v2;
	v3 =	vmul.f32 v6, v3  }
0x248: {  	v2 =	vld [tilespmem:s14+$0x1C0];
	v4 =	vmul.f32 v4, v1;
	[tilespmem:s14+$0x160] =	vst v5  }
0x249: {  	v62 =	vld [tilespmem:s14+$0x1E0];
	v61 =	vmul.f32 v57, v1;
	[tilespmem:s15+$0x170] =	vst v3  }
0x24a: {  	v3 =	vmul.f32 v58, v1;
	[tilespmem:s15+$0x180] =	vst v4  }
0x24b: {  	p0 =	seq.s32 s11, $0xF;
	v63 =	vmul.f32 v59, v1;
	[tilespmem:s15+$0x190] =	vst v61  }
.Ltmp8:
0x24c: {  	[tilespmem:s15+$0x1A0] =	vst v3;
	v3 =	vmul.f32 v60, v1;
	(pc) =	sbr.rel @p0 .LBB2_13-.Ltmp8, $4  }
0x24d: {  	[tilespmem:s15+$0x1B0] =	vst v63;
	v2 =	vmul.f32 v2, v1  }
0x24e: {  	v1 =	vmul.f32 v62, v1;
	[tilespmem:s15+$0x1D0] =	vst v3  }
0x24f: {  	[tilespmem:s15+$0x1C0] =	vst v2  }
0x250: {  	[tilespmem:s15+$0x1E0] =	vst v1  }
0x251: {  	_ =	swait.ge [sflag:s0], $0x2800  }
0x252: {  	[sflag:s0] =	ssyncset.done $0x0  }
0x253: {  	s9 =	sadd.s32 $0x2900, s13;
	s18 =	sand.u32 $0x3FFFFF80, s12;
	[sflag:s0] =	ssyncadd.s32 $0xFFFFD800  }
0x254: {  	[tilespmem:s20], [sflag:$0x1] =	stream.indirect.gather [hbm4b:s5+s25], $0x80, s9, s25, $0xb8;
	[tilespmem:$0x1E800] =	vst v63  }
0x255: {  	s9 =	sadd.s32 $0x3800, s18  }
0x256: {  	[spmem:s2] =	stream.indirect.scatter.add.f32 [tilespmem:s28], [sflag:$0x4], $0x80, s9, s25, $0xb8;
	[tilespmem:$0x1E800] =	vst v63  }
.Ltmp9:
0x257: {  	_ = 	snop;
	(pc) =	sbr.rel .LBB2_7-.Ltmp9, $4  }
0x258: {  	_ =	swait.ge [sflag:s1], $0x2800  }
0x259: {  	[sflag:s1] =	ssyncset.done $0x0  }
0x25a: {  	s19 =	sadd.s32 $0x2980, s13;
	s11 =	sadd.s32 $0x1, s11;
	[sflag:s1] =	ssyncadd.s32 $0xFFFFD800  }
0x25b: {  	[tilespmem:s28], [sflag:$0x2] =	stream.indirect.gather [hbm4b:s5+s25], $0x80, s19, s25, $0xb8;
	[tilespmem:$0x1E800] =	vst v63  }
.LBB2_15:
0x25c: {  	_ =	sfence.sel $0x180000  }
0x25d: {  	[bflag:$0x0] =	sbarrier.arrive $0xFFFF  }
0x25e: {  	_ =	strace $0x9000004A  }
0x25f: {  	s0 =	stileid.u32;
	[bflag:$0x2] =	sbarrier.arrive $0xFFFF  }
0x260: {  	p0 =	sne.s32 s0, $0x0;
	s0 =	rddreg [dreg:$0x3]  }
0x261: {  	s0 =	sadd.s32 @!p0 $0x100000, s0  }
0x262: {  	[sflag:s0] =	ssyncadd.tile.s32 @!p0 $0x1;
	_ =	shalt  }
.Lfunc_end2:
_tile_overlayer_lowered:
.L_overlay_start_2:
0x263: {  	(tag) =	ssettag $0x2  }
0x264: {  	s0 =	rddreg [dreg:$0x0];
	s2 =	stileid.u32  }
0x265: {  	s1 =	rddreg [dreg:$0x1];
	p0 =	sne.s32 s2, $0x0  }
0x266: {  	s3 =	rddreg [dreg:$0x2];
	[bflag:$0x3] =	sbarrier.arrive $0xFFFF;
	s2 =	simm.s32 @!p0 $0x1C05  }
0x267: {  	[timem:s3], [sflag:s2] =	dma.local @!p0 [hbm:s0], s1  }
0x268: {  	s0 =	simm.s32 @!p0 $0x5  }
0x269: {  	_ =	swait.ge @!p0 [sflag:s0], s1  }
0x26a: {  	s1 =	ssub.s32 @!p0 $0x0, s1;
	[sflag:s0] =	ssyncset.done @!p0 $0x0  }
0x26b: {  	[sflag:s0] =	ssyncadd.s32 @!p0 s1  }
0x26c: {  	[bflag:$0x3] =	sbarrier.arrive $0xFFFF  }
0x26d: {  	_ =	shalt  }

// kernel: kernel.14.cloned.1.call-start
scs
__scs_entry_jumppad:
0x0: {  	(pc) =	sbr.rel $0x88, $3  }
0x1: {  	(tag) =	ssettag $0x0;
	lr =	simm.s32 $0x1  }
0x2: {  	[smem:$0x3F96] =	sst lr;
	_ =	strace $0xD0000000  }
0x3: {  	_ = 	snop  }
0x4: {  	_ = 	snop  }
0x5: {  	_ = 	snop  }
0x6: {  	_ = 	snop  }
0x7: {  	_ = 	snop  }
__scs_overlays_trampoline_lowered:
0x8: {  	[smem:$0x3FA5] =	sst s0  }
0x9: {  	[smem:$0x3FA6] =	sst s1  }
0xa: {  	[smem:$0x3FA7] =	sst s2  }
0xb: {  	[smem:$0x3FA8] =	sst s3  }
0xc: {  	[smem:$0x3FA9] =	sst s4  }
0xd: {  	[smem:$0x3FAA] =	sst s5  }
0xe: {  	[smem:$0x3FAB] =	sst s6  }
0xf: {  	[smem:$0x3FAC] =	sst s7  }
0x10: {  	[smem:$0x3FAD] =	sst s8  }
0x11: {  	[smem:$0x3FAE] =	sst s9;
	s0 =	simm.s32 @!p0 $0x0  }
0x12: {  	s1 =	sld [smem:$0x3F94];
	s0 =	simm.s32 @p0 $0x1  }
0x13: {  	[smem:$0x3FAF] =	sst s0;
	s0 =	simm.s32 @!p1 $0x0  }
0x14: {  	s2 =	sld [smem:$0x3F93];
	s0 =	simm.s32 @p1 $0x1  }
0x15: {  	[smem:$0x3FB0] =	sst s0;
	s0 =	simm.s32 @!p2 $0x0  }
0x16: {  	s3 =	sld [smem:$0x3FDB];
	s0 =	simm.s32 @p2 $0x1  }
0x17: {  	s4 =	simm.s32 $0x1BF5;
	[smem:$0x3FB2] =	sst s0  }
0x18: {  	s0 =	sld [smem:$0x3F95];
	_ =	swait.ge [sflag:s4], $0x0  }
0x19: {  	s7 =	sld [smem:$0x3F96]  }
0x1a: {  	s8 =	sadd.s32 $0xFFFFE003, lr  }
0x1b: {  	s9 =	sadd.s32 $0xFFFFFEF7, lr;
	s5 =	simm.s32 $0xFFFFFFFF;
	p2 =	slt.u32 s8, $0xFFFFF086  }
0x1c: {  	p1 =	slt.u32 s9, $0xF7A;
	s5 =	simm.s32 @!p2 $0x0  }
0x1d: {  	s5 =	simm.s32 @p1 $0x1;
	p0 =	seq.s32 s7, s2  }
0x1e: {  	s7 =	smul.u32 @!p0 $0xF7A, s2;
	p2 =	seq.s32 @!p0 s5, $0x0  }
0x1f: {  	s9 =	smul.u32 $0xF7A, s1;
	s8 =	simm.s32 @!p0 $0x1BF5;
	p2 =	por !p2, p0  }
0x20: {  	[sflag:s8] =	ssyncset.s32 @!p0 $0xFFFFF086;
	s6 =	sadd.s32 @!p0 s3, s7;
	s7 =	simm.s32 @!p0 $0x108  }
0x21: {  	s3 =	sadd.s32 s3, s9;
	s6 =	sadd.s32 @!p0 $0x88, s6;
	s7 =	simm.s32 @p2 $0x1082  }
0x22: {  	[simem:s7], [sflag:s8] =	dma.local @!p0 [hbm:s6], $0xF7A  }
0x23: {  	s9 =	sor.u32 $0xD0000000, s2;
	s6 =	simm.s32 $0x108;
	_ =	swait.ge @!p0 [sflag:s8], $0x0  }
0x24: {  	s3 =	sadd.s32 $0x88, s3;
	s6 =	simm.s32 @!p1 $0x1082;
	[sflag:s4] =	ssyncset.s32 $0xFFFFF086  }
0x25: {  	[simem:s6], [sflag:s4] =	dma.local [hbm:s3], $0xF7A  }
0x26: {  	[smem:$0x3F96] =	sst s1;
	(tag) =	ssettag s2;
	_ =	strace s9  }
0x27: {  	s1 =	sld [smem:$0x3FA6]  }
0x28: {  	s2 =	sld [smem:$0x3FA7]  }
0x29: {  	s4 =	sld [smem:$0x3FA9]  }
0x2a: {  	p0 =	seq.s32 s5, $0x0;
	s5 =	sld [smem:$0x3FAA]  }
0x2b: {  	s6 =	sld [smem:$0x3FAB]  }
0x2c: {  	s7 =	sld [smem:$0x3FAC]  }
0x2d: {  	s3 =	simm.s32 $0x108;
	s8 =	sld [smem:$0x3FAD]  }
0x2e: {  	s3 =	simm.s32 @!p0 $0x1082;
	s9 =	sld [smem:$0x3FAE]  }
0x2f: {  	lr =	sadd.s32 s0, s3;
	s0 =	sld [smem:$0x3FA5]  }
0x30: {  	s3 =	sld [smem:$0x3FA8]  }
0x31: {  	[smem:$0x3FB1] =	sst s10  }
0x32: {  	s10 =	sld [smem:$0x3FAF];
	_ =	sdelay $0x3  }
0x33: {  	p0 =	seq.s32 s10, $0x1;
	s10 =	sld [smem:$0x3FB1];
	_ =	sdelay $0x3  }
0x34: {  	[smem:$0x3FB1] =	sst s10  }
0x35: {  	s10 =	sld [smem:$0x3FB0];
	_ =	sdelay $0x3  }
0x36: {  	p1 =	seq.s32 s10, $0x1;
	s10 =	sld [smem:$0x3FB1];
	_ =	sdelay $0x3  }
0x37: {  	[smem:$0x3FB1] =	sst s10  }
0x38: {  	s10 =	sld [smem:$0x3FB2]  }
0x39: {  	_ = 	snop;
	(pc) =	sbr.ind lr, $3  }
0x3a: {  	_ = 	snop  }
0x3b: {  	_ = 	snop  }
0x3c: {  	p2 =	seq.s32 s10, $0x1;
	s10 =	sld [smem:$0x3FB1]  }
0x3d: {  	_ =	shalt  }
0x3e: {  	_ =	shalt  }
0x3f: {  	_ =	shalt  }
0x40: {  	_ =	shalt  }
0x41: {  	_ =	shalt  }
0x42: {  	_ =	shalt  }
0x43: {  	_ =	shalt  }
0x44: {  	_ =	shalt  }
0x45: {  	_ =	shalt  }
0x46: {  	_ =	shalt  }
0x47: {  	_ =	shalt  }
0x48: {  	_ =	shalt  }
0x49: {  	_ =	shalt  }
0x4a: {  	_ =	shalt  }
0x4b: {  	_ =	shalt  }
0x4c: {  	_ =	shalt  }
0x4d: {  	_ =	shalt  }
0x4e: {  	_ =	shalt  }
0x4f: {  	_ =	shalt  }
0x50: {  	_ =	shalt  }
0x51: {  	_ =	shalt  }
0x52: {  	_ =	shalt  }
0x53: {  	_ =	shalt  }
0x54: {  	_ =	shalt  }
0x55: {  	_ =	shalt  }
0x56: {  	_ =	shalt  }
0x57: {  	_ =	shalt  }
0x58: {  	_ =	shalt  }
0x59: {  	_ =	shalt  }
0x5a: {  	_ =	shalt  }
0x5b: {  	_ =	shalt  }
0x5c: {  	_ =	shalt  }
0x5d: {  	_ =	shalt  }
0x5e: {  	_ =	shalt  }
0x5f: {  	_ =	shalt  }
0x60: {  	_ =	shalt  }
0x61: {  	_ =	shalt  }
0x62: {  	_ =	shalt  }
0x63: {  	_ =	shalt  }
0x64: {  	_ =	shalt  }
0x65: {  	_ =	shalt  }
0x66: {  	_ =	shalt  }
0x67: {  	_ =	shalt  }
0x68: {  	_ =	shalt  }
0x69: {  	_ =	shalt  }
0x6a: {  	_ =	shalt  }
0x6b: {  	_ =	shalt  }
0x6c: {  	_ =	shalt  }
0x6d: {  	_ =	shalt  }
0x6e: {  	_ =	shalt  }
0x6f: {  	_ =	shalt  }
0x70: {  	_ =	shalt  }
0x71: {  	_ =	shalt  }
0x72: {  	_ =	shalt  }
0x73: {  	_ =	shalt  }
0x74: {  	_ =	shalt  }
0x75: {  	_ =	shalt  }
0x76: {  	_ =	shalt  }
0x77: {  	_ =	shalt  }
0x78: {  	_ =	shalt  }
0x79: {  	_ =	shalt  }
0x7a: {  	_ =	shalt  }
0x7b: {  	_ =	shalt  }
0x7c: {  	_ =	shalt  }
0x7d: {  	_ =	shalt  }
0x7e: {  	_ =	shalt  }
0x7f: {  	_ =	shalt  }
0x80: {  	_ =	shalt  }
0x81: {  	_ =	shalt  }
0x82: {  	_ =	shalt  }
0x83: {  	_ =	shalt  }
0x84: {  	_ =	shalt  }
0x85: {  	_ =	shalt  }
0x86: {  	_ =	shalt  }
0x87: {  	_ =	shalt  }
.Lfunc_end0:
.L_simem_size_0:
called_computation.2_lowered:
.L_overlay_start_0:
0x88: {  	s2 =	sld [smem:$0x3FD9]  }
0x89: {  	s3 =	sld [smem:$0x3FFE];
	_ =	sdelay $0x1  }
0x8a: {  	s1 =	srdreg.scid  }
0x8b: {  	s0 =	sand.u32 $0x1, s1  }
0x8c: {  	s16 =	sshll.u32 s0, $0xA;
	s2 =	sadd.s32 s3, s2  }
0x8d: {  	s2 =	sadd.s32 s2, s16  }
0x8e: {  	[smem:$0x3FBD] =	sst s2  }
0x8f: {  	_ = 	snop  }
0x90: {  	(tm) =	ssettm $0x1  }
0x91: {  	s17 =	sld [smem:$0x3FFB];
	_ =	sdelay $0x3  }
0x92: {  	_ =	strace s17  }
0x93: {  	s2 =	sld [smem:$0x3FFC];
	_ =	sdelay $0x3  }
0x94: {  	_ =	strace s2  }
0x95: {  	s2 =	sld [smem:$0x3FFD];
	_ =	sdelay $0x3  }
0x96: {  	_ =	strace s2  }
0x97: {  	_ =	strace $0x8FFFFFFF  }
0x98: {  	s18 =	sld [smem:$0x3FDB];
	_ =	sdelay $0x1  }
0x99: {  	s19 =	simm.s32 $_scs_section_size  }
0x9a: {  	s4 =	simm.s32 $_size__tile_overlayer_lowered;
	s5 =	simm.s32 $_tile_overlayer_lowered  }
0x9b: {  	s22 =	simm.s32 $0x1BFF;
	s21 =	sshll.u32 s5, $0x1;
	s2 =	sadd.s32 s19, s18  }
0x9c: {  	s6 =	simm.s32 $0x0;
	s20 =	sshll.u32 s4, $0x1;
	s4 =	sadd.s32 s21, s2  }
0x9d: {  	[timem:s6], [sflag:s22] =	dma.local [hbm:s4], s20  }
0x9e: {  	_ =	swait.ge [sflag:s22], s20  }
0x9f: {  	s3 =	ssub.s32 $0x0, s20;
	[sflag:s22] =	ssyncset.done $0x0  }
0xa0: {  	[sflag:s22] =	ssyncadd.s32 s3;
	_ =	sdelay $0x1  }
0xa1: {  	s23 =	simm.s32 $0x1B8B  }
0xa2: {  	_ =	swait.ge [sflag:s23], $0x1  }
0xa3: {  	[sflag:s23] =	ssyncset.done $0x0  }
0xa4: {  	s25 =	simm.s32 $0x1B8E;
	s24 =	sld [smem:$0x3FFE];
	[sflag:s23] =	ssyncadd.s32 $0xFFFFFFFF  }
0xa5: {  	s26 =	simm.s32 $execute0_lowered;
	[smem:$0x3FD2] =	sst s25  }
0xa6: {  	s4 =	sshll.u32 s26, $0x1;
	_ =	strace $0x8000004C;
	[dreg:$0x1] =	wrdreg $0xFFFFFFFF  }
0xa7: {  	s28 =	simm.s32 $_size_execute0_lowered;
	s2 =	sadd.s32 s2, s4;
	[dreg:$0x0] =	wrdreg $0x0  }
0xa8: {  	s4 =	sshll.u32 s28, $0x1;
	[dreg:$0x2] =	wrdreg s2  }
0xa9: {  	[dreg:$0x3] =	wrdreg s4  }
0xaa: {  	[dreg:$0x4] =	wrdreg $0xC0  }
0xab: {  	_ =	task [dreg:s6], $0x5FFFF  }
0xac: {  	[dreg:$0x1] =	wrdreg $0xFFFFFFFF  }
0xad: {  	[dreg:$0x0] =	wrdreg $0x60  }
0xae: {  	[dreg:$0x2] =	wrdreg s24  }
0xaf: {  	[dreg:$0x3] =	wrdreg $0x80000  }
0xb0: {  	[dreg:$0x4] =	wrdreg $0x9  }
0xb1: {  	_ =	task.clear_ibuf [dreg:s6], $0x5FFFF;
	_ =	strace $0x9000004C  }
0xb2: {  	s29 =	simm.s32 $0x9;
	_ =	strace $0x8000004E  }
0xb3: {  	_ =	swait.ge [sflag:s29], $0x1  }
0xb4: {  	[sflag:s29] =	ssyncadd.s32 $0xFFFFFFFF  }
0xb5: {  	_ =	strace $0x9000004E  }
0xb6: {  	_ =	sfence  }
0xb7: {  	s30 =	sld [smem:$0x0];
	_ =	sdelay $0x2  }
0xb8: {  	s31 =	sshll.u32 s1, $0xD;
	s1 =	sshrl.u32 s1, $0x2  }
0xb9: {  	s3 =	sand.u32 $0x4000, s31;
	s1 =	sadd.s32 s1, s30  }
0xba: {  	s0 =	sor.u32 s3, s0;
	s1 =	sshll.u32 s1, $0x11  }
0xbb: {  	s0 =	sor.u32 s1, s0  }
0xbc: {  	s0 =	sadd.s32 $0x8F2B, s0  }
0xbd: {  	[sflag:s0] =	ssyncadd.remote.s32 $0x1  }
0xbe: {  	_ =	sfence.sel $0xFFFF  }
0xbf: {  	[dreg:$0x0] =	wrdreg $0xFFFFFFFF;
	(pc) =	sbr.abs _section_cstart, $3  }
0xc0: {  	[dreg:$0x1] =	wrdreg $0xFFFFFFFF  }
0xc1: {  	_ =	task.clear_ibuf [dreg:s6], $0x2FFFF;
	_ =	strace $0x9FFFFFFF  }
0xc2: {  	(tm) =	ssettm $0x7FFFFFFF  }
0xc3: {  	_ =	shalt  }
tec
execute0_lowered:
.L_overlay_start_1:
0x0: {  	(tag) =	ssettag $0x1  }
0x1: {  	s0 =	rddreg [dreg:$0x0]  }
0x2: {  	s1 =	rddreg [dreg:$0x1];
	s3 =	simm.s32 $0x0;
	s2 =	srdreg.scid  }
0x3: {  	s13 =	stileid.u32;
	s28 =	simm.s32 $0x1;
	s29 =	simm.s32 $0x2  }
0x4: {  	s30 =	simm.s32 $0x1F80;
	s2 =	sand.u32 $0x1, s2;
	s10 =	smul.u32 $0x14000, s13  }
0x5: {  	s31 =	simm.s32 $0x3;
	[smem:$0x7FF] =	sst s3;
	s9 =	smul.u32 $0x140000, s2  }
0x6: {  	s4 =	sadd.s32 $0x5A600, s0;
	s5 =	sadd.s32 $0x32600, s0;
	s11 =	smul.u32 $0x50000, s13  }
0x7: {  	s6 =	sadd.s32 $0x22600, s0;
	s7 =	sadd.s32 $0x12600, s0;
	s9 =	sadd.s32 s10, s9  }
0x8: {  	s8 =	sadd.s32 $0x2600, s0;
	s11 =	sshrl.u32 s11, $0x2;
	s9 =	sshrl.u32 s9, $0x3  }
0x9: {  	s17 =	sshll.u32 s13, $0xC;
	s0 =	sadd.s32 s9, s0;
	s9 =	sadd.s32 s11, s1  }
0xa: {  	_ =	strace $0x8000004D;
	s20 =	ssub.s32 $0x2, s2;
	s11 =	sadd.s32 $0x2800, s9  }
0xb: {  	p0 =	seq.s32 s2, $0x1;
	s21 =	sadd.s32 $0x5000, s9;
	[dreg:$0x3] =	wrdreg s11  }
0xc: {  	s12 =	sshrl.u32 s20, $0x1;
	s22 =	sadd.s32 $0x7800, s9;
	[dreg:$0x4] =	wrdreg s21  }
0xd: {  	s10 =	ssub.s32 s20, s12;
	s23 =	sadd.s32 $0xA000, s9;
	[dreg:$0x5] =	wrdreg s22  }
0xe: {  	s20 =	simm.s32 $0x3000;
	s24 =	sadd.s32 $0xC800, s9;
	[dreg:$0x6] =	wrdreg s23  }
.Ltmp0:
0xf: {  	s25 =	sadd.s32 $0xF000, s9;
	[dreg:$0x7] =	wrdreg s24;
	(pc) =	sbr.rel .LBB2_1-.Ltmp0, $4  }
0x10: {  	s19 =	smax.u32 s10, $0x1;
	s26 =	sadd.s32 $0x11800, s9;
	[dreg:$0x8] =	wrdreg s25  }
0x11: {  	s18 =	sadd.s32 $0x82600, s0;
	s0 =	simm.s32 $0x4;
	[dreg:$0x9] =	wrdreg s26  }
0x12: {  	s21 =	simm.s32 $0x5;
	s22 =	simm.s32 $0x1000;
	s23 =	simm.s32 $0x2000  }
0x13: {  	v0 =	vimm.f32 $0.0e+00;
	s24 =	simm.s32 $0x50;
	s25 =	simm.s32 $0x80;
	s26 =	simm.s32 $0x5800  }
.LBB2_20:
0x14: {  	s2 =	stileid.u32;
	s3 =	sadd.s32 $0x1, s3  }
0x15: {  	[bflag:$0x0] =	sbarrier.arrive $0xFFFF;
	s2 =	sshll.u32 s2, $0x6;
	p1 =	sne.s32 s3, s19  }
.Ltmp1:
0x16: {  	s10 =	sshrl.u32 s9, $0x3;
	s2 =	sor.u32 $0x1C05, s2;
	(pc) =	sbr.rel @!p1 .LBB2_21-.Ltmp1, $4  }
0x17: {  	[hbm:s18], [sflag:s2] =	dma.local [spmem:s10], $0x2800  }
0x18: {  	_ =	swait.ge [sflag:s21], $0x2800  }
0x19: {  	[sflag:s21] =	ssyncset.done $0x0  }
0x1a: {  	[sflag:s21] =	ssyncadd.s32 $0xFFFFD800  }
.LBB2_1:
0x1b: {  	s2 =	simm.s32 $0x0;
	s10 =	simm.s32 $0x200  }
.LBB2_2:
0x1c: {  	p1 =	sne.s32 s10, $0x9E00;
	[tilespmem:s2+$0x3070] =	vst v0  }
0x1d: {  	[tilespmem:s2+$0x3000] =	vst v0  }
0x1e: {  	[tilespmem:s2+$0x3010] =	vst v0  }
.Ltmp2:
0x1f: {  	[tilespmem:s2+$0x3020] =	vst v0;
	(pc) =	sbr.rel @p1 .LBB2_2-.Ltmp2, $4  }
0x20: {  	[tilespmem:s2+$0x3030] =	vst v0  }
0x21: {  	[tilespmem:s2+$0x3040] =	vst v0  }
0x22: {  	[tilespmem:s2+$0x3050] =	vst v0  }
0x23: {  	[tilespmem:s2+$0x3060] =	vst v0;
	s2 =	sshra.s32 s10, $0x2;
	s10 =	sadd.s32 $0x200, s10  }
0x24: {  	[tilespmem:s2+$0x3070] =	vst v0  }
0x25: {  	[tilespmem:s2+$0x3000] =	vst v0  }
0x26: {  	[tilespmem:s2+$0x3010] =	vst v0  }
0x27: {  	[tilespmem:s2+$0x3020] =	vst v0  }
0x28: {  	[tilespmem:s2+$0x3030] =	vst v0  }
0x29: {  	[tilespmem:s2+$0x3040] =	vst v0  }
0x2a: {  	[tilespmem:s2+$0x3050] =	vst v0  }
0x2b: {  	[tilespmem:s2+$0x3060] =	vst v0  }
0x2c: {  	[spmem:s9] =	stream.linear.scatter [tilespmem:s20], [sflag:$0x5], $0x2800, $0x38;
	[tilespmem:$0x1C000] =	vst v63  }
0x2d: {  	_ =	swait.ge [sflag:s21], $0x2800  }
0x2e: {  	[sflag:s21] =	ssyncset.done $0x0  }
0x2f: {  	s10 =	rddreg [dreg:$0x3];
	[sflag:s21] =	ssyncadd.s32 $0xFFFFD800  }
0x30: {  	[spmem:s10] =	stream.linear.scatter [tilespmem:s20], [sflag:$0x5], $0x2800, $0x38;
	[tilespmem:$0x1C000] =	vst v63  }
0x31: {  	_ =	swait.ge [sflag:s21], $0x2800  }
0x32: {  	[sflag:s21] =	ssyncset.done $0x0  }
0x33: {  	s11 =	rddreg [dreg:$0x4];
	[sflag:s21] =	ssyncadd.s32 $0xFFFFD800  }
0x34: {  	[spmem:s11] =	stream.linear.scatter [tilespmem:s20], [sflag:$0x5], $0x2800, $0x38;
	[tilespmem:$0x1C000] =	vst v63  }
0x35: {  	_ =	swait.ge [sflag:s21], $0x2800  }
0x36: {  	[sflag:s21] =	ssyncset.done $0x0  }
0x37: {  	s12 =	rddreg [dreg:$0x5];
	[sflag:s21] =	ssyncadd.s32 $0xFFFFD800  }
0x38: {  	[spmem:s12] =	stream.linear.scatter [tilespmem:s20], [sflag:$0x5], $0x2800, $0x38;
	[tilespmem:$0x1C000] =	vst v63  }
0x39: {  	_ =	swait.ge [sflag:s21], $0x2800  }
0x3a: {  	[sflag:s21] =	ssyncset.done $0x0  }
0x3b: {  	s13 =	rddreg [dreg:$0x6];
	[sflag:s21] =	ssyncadd.s32 $0xFFFFD800  }
0x3c: {  	[spmem:s13] =	stream.linear.scatter [tilespmem:s20], [sflag:$0x5], $0x2800, $0x38;
	[tilespmem:$0x1C000] =	vst v63  }
0x3d: {  	_ =	swait.ge [sflag:s21], $0x2800  }
0x3e: {  	[sflag:s21] =	ssyncset.done $0x0  }
0x3f: {  	s14 =	rddreg [dreg:$0x7];
	[sflag:s21] =	ssyncadd.s32 $0xFFFFD800  }
0x40: {  	[spmem:s14] =	stream.linear.scatter [tilespmem:s20], [sflag:$0x5], $0x2800, $0x38;
	[tilespmem:$0x1C000] =	vst v63  }
0x41: {  	_ =	swait.ge [sflag:s21], $0x2800  }
0x42: {  	[sflag:s21] =	ssyncset.done $0x0  }
0x43: {  	s15 =	rddreg [dreg:$0x8];
	[sflag:s21] =	ssyncadd.s32 $0xFFFFD800  }
0x44: {  	[spmem:s15] =	stream.linear.scatter [tilespmem:s20], [sflag:$0x5], $0x2800, $0x38;
	[tilespmem:$0x1C000] =	vst v63  }
0x45: {  	_ =	swait.ge [sflag:s21], $0x2800  }
0x46: {  	[sflag:s21] =	ssyncset.done $0x0  }
0x47: {  	s16 =	rddreg [dreg:$0x9];
	[sflag:s21] =	ssyncadd.s32 $0xFFFFD800  }
0x48: {  	[spmem:s16] =	stream.linear.scatter [tilespmem:s20], [sflag:$0x5], $0x2800, $0x38;
	[tilespmem:$0x1C000] =	vst v63  }
.Ltmp3:
0x49: {  	_ =	swait.ge [sflag:s21], $0x2800;
	(pc) =	sbr.rel @p0 .LBB2_12-.Ltmp3, $4  }
.Ltmp4:
0x4a: {  	[sflag:s21] =	ssyncset.done $0x0;
	(pc) =	sbr.rel @!p0 .LBB2_4-.Ltmp4, $4  }
0x4b: {  	[sflag:s21] =	ssyncadd.s32 $0xFFFFD800  }
0x4c: {  	[bflag:$0x0] =	sbarrier.arrive $0xFFFF  }
0x4d: {  	s2 =	simm.s32 $0x0;
	s10 =	simm.s32 $0x0;
	s11 =	simm.s32 $0x0  }
0x4e: {  	_ = 	snop  }
.LBB2_19:
0x4f: {  	[spmem:s1] =	stream.indirect.scatter.add.f32 [tilespmem:s26], [sflag:$0x4], $0x80, s30, s24, $0xb8;
	[tilespmem:$0x1C000] =	vst v63  }
0x50: {  	s11 =	sadd.s32 $0x1, s11  }
0x51: {  	_ =	swait.ge [sflag:s31], $0x2800;
	p1 =	sne.s32 s11, $0x8  }
.Ltmp5:
0x52: {  	[sflag:s31] =	ssyncset.done $0x0;
	(pc) =	sbr.rel @!p1 .LBB2_20-.Ltmp5, $4  }
0x53: {  	[sflag:s31] =	ssyncadd.s32 $0xFFFFD800  }
0x54: {  	_ =	swait.ge [sflag:s0], $0x2800  }
0x55: {  	[sflag:s0] =	ssyncset.done $0x0  }
0x56: {  	[sflag:s0] =	ssyncadd.s32 $0xFFFFD800  }
.LBB2_12:
0x57: {  	s10 =	sshll.u32 s11, $0x9  }
0x58: {  	s10 =	sadd.s32 s17, s10  }
0x59: {  	s12 =	sadd.s32 s6, s10  }
0x5a: {  	[tilespmem:s2], [sflag:$0x5] =	stream.linear.gather [hbm4b:s12+s2], $0x1000, $0x38;
	[tilespmem:$0x1C000] =	vst v63  }
0x5b: {  	_ =	swait.ge [sflag:s21], $0x1000  }
0x5c: {  	[sflag:s21] =	ssyncset.done $0x0  }
0x5d: {  	s16 =	sadd.s32 s7, s10;
	[sflag:s21] =	ssyncadd.s32 $0xFFFFF000  }
0x5e: {  	[tilespmem:s22], [sflag:$0x5] =	stream.linear.gather [hbm4b:s16+s2], $0x1000, $0x38;
	[tilespmem:$0x1C000] =	vst v63  }
0x5f: {  	_ =	swait.ge [sflag:s21], $0x1000  }
0x60: {  	[sflag:s21] =	ssyncset.done $0x0  }
0x61: {  	s10 =	sadd.s32 s8, s10;
	[sflag:s21] =	ssyncadd.s32 $0xFFFFF000  }
0x62: {  	[tilespmem:s23], [sflag:$0x5] =	stream.linear.gather [hbm4b:s10+s2], $0x1000, $0x38;
	[tilespmem:$0x1C000] =	vst v63  }
0x63: {  	_ =	swait.ge [sflag:s21], $0x1000  }
0x64: {  	[sflag:s21] =	ssyncset.done $0x0  }
0x65: {  	[sflag:s21] =	ssyncadd.s32 $0xFFFFF000  }
0x66: {  	[tilespmem:s20], [sflag:$0x1] =	stream.indirect.gather [hbm4b:s5+s24], $0x80, s2, s24, $0xb8;
	[tilespmem:$0x1C000] =	vst v63  }
0x67: {  	s10 =	simm.s32 $0x0  }
0x68: {  	[tilespmem:s26], [sflag:$0x2] =	stream.indirect.gather [hbm4b:s5+s24], $0x80, s25, s24, $0xb8;
	[tilespmem:$0x1C000] =	vst v63  }
.LBB2_13:
0x69: {  	_ =	swait.ge [sflag:s28], $0x2800  }
0x6a: {  	s12 =	sshll.u32 s10, $0x8;
	[sflag:s28] =	ssyncset.done $0x0  }
0x6b: {  	v2 =	vmov s12;
	s12 =	simm.s32 $0x3200;
	[sflag:s28] =	ssyncadd.s32 $0xFFFFD800  }
0x6c: {  	v6 =	vld [tilespmem:s12+$0x1F0]  }
0x6d: {  	v4 =	vimm.s32 $0x0;
	v7 =	vld [tilespmem:s12+$0xFFFFFE00]  }
0x6e: {  	v1 =	vand.u32 $0xFFFFFF80, v4;
	v8 =	vld [tilespmem:s12+$0xFFFFFE10]  }
0x6f: {  	v3 =	vand.u32 $0x78, v4;
	v1 =	vadd.s32 v2, v1;
	v10 =	vld [tilespmem:s12+$0xFFFFFE20]  }
0x70: {  	v3 =	vor.u32 v3, v1;
	v11 =	vld [tilespmem:s12+$0xFFFFFE30]  }
0x71: {  	v12 =	vld [tilespmem:s12+$0xFFFFFE40]  }
0x72: {  	v13 =	vld [tilespmem:s12+$0xFFFFFE50]  }
0x73: {  	v14 =	vld [tilespmem:s12+$0xFFFFFE60]  }
0x74: {  	v15 =	vld [tilespmem:s12+$0xFFFFFE80];
	v1 =	vor.u32 $0x7, v3  }
0x75: {  	v9 =	vor.u32 $0x1, v3;
	v5 =	vld.idx.msk [tilespmem:v3+s23+$0x0], $0xffff  }
0x76: {  	v16 =	vld [tilespmem:s12+$0xFFFFFE90]  }
0x77: {  	v18 =	vld [tilespmem:s12+$0xFFFFFEA0]  }
0x78: {  	v19 =	vld [tilespmem:s12+$0xFFFFFEB0]  }
0x79: {  	v1 =	vld.idx.msk [tilespmem:v1+s23+$0x0], $0xffff  }
0x7a: {  	v9 =	vld.idx.msk [tilespmem:v9+s23+$0x0], $0xffff;
	v7 =	vmul.f32 v7, v5  }
0x7b: {  	v20 =	vld [tilespmem:s12+$0xFFFFFEC0];
	v8 =	vmul.f32 v8, v5  }
0x7c: {  	v39 =	vld [tilespmem:s12+$0xFFFFFED0];
	v10 =	vmul.f32 v10, v5;
	[tilespmem:s12+$0xFFFFFE00] =	vst v7  }
0x7d: {  	v40 =	vld [tilespmem:s12+$0xFFFFFEF0];
	v11 =	vmul.f32 v11, v5;
	[tilespmem:s12+$0xFFFFFE10] =	vst v8  }
0x7e: {  	v41 =	vld [tilespmem:s12+$0xFFFFFF00];
	v6 =	vmul.f32 v6, v1;
	[tilespmem:s12+$0xFFFFFE20] =	vst v10  }
0x7f: {  	v42 =	vld [tilespmem:s12+$0xFFFFFF10];
	v17 =	vor.u32 $0x2, v3;
	v46 =	vmul.f32 v19, v9;
	[tilespmem:s12+$0xFFFFFE30] =	vst v11  }
0x80: {  	v43 =	vld [tilespmem:s12+$0xFFFFFF30];
	v10 =	vmul.f32 v12, v5;
	[tilespmem:s12+$0x1F0] =	vst v6  }
0x81: {  	v7 =	vld [tilespmem:s12+$0xFFFFFE70];
	v11 =	vmul.f32 v13, v5;
	[tilespmem:s12+$0xFFFFFEB0] =	vst v46  }
0x82: {  	v8 =	vld [tilespmem:s12+$0xFFFFFEE0];
	v6 =	vmul.f32 v15, v9;
	[tilespmem:s12+$0xFFFFFE40] =	vst v10  }
0x83: {  	v44 =	vld [tilespmem:s12+$0xFFFFFF40];
	v10 =	vmul.f32 v14, v5;
	[tilespmem:s12+$0xFFFFFE50] =	vst v11  }
0x84: {  	v15 =	vmul.f32 v39, v9;
	[tilespmem:s12+$0xFFFFFE80] =	vst v6;
	v6 =	vld.idx.msk [tilespmem:v17+s23+$0x0], $0xffff  }
0x85: {  	v45 =	vld [tilespmem:s12+$0xFFFFFF50];
	[tilespmem:s12+$0xFFFFFE60] =	vst v10;
	v10 =	vmul.f32 v16, v9  }
0x86: {  	v47 =	vld [tilespmem:s12+$0xFFFFFF70];
	[tilespmem:s12+$0xFFFFFED0] =	vst v15;
	v5 =	vmul.f32 v7, v5  }
0x87: {  	v48 =	vld [tilespmem:s12+$0xFFFFFF90];
	v11 =	vor.u32 $0x3, v3;
	v8 =	vmul.f32 v8, v9;
	[tilespmem:s12+$0xFFFFFE90] =	vst v10  }
0x88: {  	v50 =	vld [tilespmem:s12+$0xFFFFFFA0];
	[tilespmem:s12+$0xFFFFFE70] =	vst v5;
	v5 =	vmul.f32 v18, v9  }
0x89: {  	v51 =	vld [tilespmem:s12+$0xFFFFFFC0];
	[tilespmem:s12+$0xFFFFFEE0] =	vst v8;
	v10 =	vmul.f32 v41, v6  }
0x8a: {  	v7 =	vld [tilespmem:s12+$0xFFFFFF20];
	v8 =	vmul.f32 v42, v6;
	[tilespmem:s12+$0xFFFFFEA0] =	vst v5  }
0x8b: {  	v17 =	vmul.f32 v44, v6;
	v5 =	vld [tilespmem:s12+$0xFFFFFF60];
	[tilespmem:s12+$0xFFFFFF00] =	vst v10  }
0x8c: {  	v10 =	vld.idx.msk [tilespmem:v11+s23+$0x0], $0xffff;
	v11 =	vmul.f32 v20, v9;
	[tilespmem:s12+$0xFFFFFF10] =	vst v8  }
0x8d: {  	v52 =	vld [tilespmem:s12+$0xFFFFFFF0];
	v13 =	vmul.f32 v45, v6;
	[tilespmem:s12+$0xFFFFFF40] =	vst v17  }
0x8e: {  	v9 =	vmul.f32 v40, v9;
	[tilespmem:s12+$0xFFFFFEC0] =	vst v11;
	v11 =	vld [tilespmem:s12+$0xFFFFFF80]  }
0x8f: {  	v53 =	vld [tilespmem:s12+$0x0];
	v7 =	vmul.f32 v7, v6;
	v8 =	vmul.f32 v43, v6;
	[tilespmem:s12+$0xFFFFFF50] =	vst v13  }
0x90: {  	v54 =	vld [tilespmem:s12+$0x10];
	v49 =	vor.u32 $0x4, v3;
	[tilespmem:s12+$0xFFFFFEF0] =	vst v9;
	v5 =	vmul.f32 v5, v6;
	v6 =	vmul.f32 v47, v6  }
0x91: {  	v56 =	vld [tilespmem:s12+$0x20];
	[tilespmem:s12+$0xFFFFFF30] =	vst v8  }
0x92: {  	v8 =	vld [tilespmem:s12+$0xFFFFFFE0];
	[tilespmem:s12+$0xFFFFFF70] =	vst v6;
	v6 =	vmul.f32 v50, v10  }
0x93: {  	v9 =	vld [tilespmem:s12+$0xFFFFFFB0];
	[tilespmem:s12+$0xFFFFFF20] =	vst v7;
	v7 =	vmul.f32 v11, v10  }
0x94: {  	v11 =	vld [tilespmem:s12+$0xFFFFFFD0];
	[tilespmem:s12+$0xFFFFFFA0] =	vst v6  }
0x95: {  	v6 =	vmul.f32 v51, v10;
	[tilespmem:s12+$0xFFFFFF80] =	vst v7;
	v7 =	vld.idx.msk [tilespmem:v49+s23+$0x0], $0xffff  }
0x96: {  	v57 =	vld [tilespmem:s12+$0x40];
	[tilespmem:s12+$0xFFFFFF60] =	vst v5;
	v5 =	vmul.f32 v48, v10  }
0x97: {  	v55 =	vor.u32 $0x5, v3;
	v8 =	vmul.f32 v8, v10;
	[tilespmem:s12+$0xFFFFFFC0] =	vst v6;
	v6 =	vld [tilespmem:s12+$0x60]  }
0x98: {  	v58 =	vld [tilespmem:s12+$0x50];
	[tilespmem:s12+$0xFFFFFF90] =	vst v5;
	v5 =	vmul.f32 v9, v10  }
0x99: {  	v9 =	vld [tilespmem:s12+$0x30];
	[tilespmem:s12+$0xFFFFFFE0] =	vst v8;
	v11 =	vmul.f32 v11, v10  }
0x9a: {  	v59 =	vld [tilespmem:s12+$0x90];
	[tilespmem:s12+$0xFFFFFFB0] =	vst v5;
	v5 =	vmul.f32 v53, v7  }
0x9b: {  	v60 =	vld [tilespmem:s12+$0xB0];
	[tilespmem:s12+$0xFFFFFFD0] =	vst v11;
	v8 =	vmul.f32 v54, v7  }
0x9c: {  	v17 =	vld.idx.msk [tilespmem:v55+s23+$0x0], $0xffff;
	v6 =	vmul.f32 v6, v7;
	[tilespmem:s12+$0x0] =	vst v5  }
0x9d: {  	v3 =	vor.u32 $0x6, v3;
	v5 =	vmul.f32 v52, v10;
	v10 =	vld [tilespmem:s12+$0x70];
	[tilespmem:s12+$0x10] =	vst v8  }
0x9e: {  	v11 =	vld [tilespmem:s12+$0x80];
	v8 =	vmul.f32 v9, v7;
	[tilespmem:s12+$0x60] =	vst v6  }
0x9f: {  	v6 =	vld [tilespmem:s12+$0xF0];
	[tilespmem:s12+$0xFFFFFFF0] =	vst v5;
	v5 =	vmul.f32 v56, v7  }
0xa0: {  	v9 =	vld [tilespmem:s12+$0xA0];
	[tilespmem:s12+$0x30] =	vst v8;
	v8 =	vmul.f32 v58, v7  }
0xa1: {  	v61 =	vld [tilespmem:s12+$0xC0];
	[tilespmem:s12+$0x20] =	vst v5;
	v5 =	vmul.f32 v57, v7  }
0xa2: {  	v3 =	vld.idx.msk [tilespmem:v3+s23+$0x0], $0xffff;
	[tilespmem:s12+$0x50] =	vst v8;
	v7 =	vmul.f32 v10, v7  }
0xa3: {  	v8 =	vld [tilespmem:s12+$0xE0];
	[tilespmem:s12+$0x40] =	vst v5;
	v5 =	vmul.f32 v11, v17  }
0xa4: {  	v10 =	vld [tilespmem:s12+$0x100];
	v6 =	vmul.f32 v6, v17;
	[tilespmem:s12+$0x70] =	vst v7  }
0xa5: {  	v11 =	vld [tilespmem:s12+$0xD0];
	v7 =	vmul.f32 v9, v17;
	[tilespmem:s12+$0x80] =	vst v5  }
0xa6: {  	v5 =	vmul.f32 v59, v17;
	[tilespmem:s12+$0xF0] =	vst v6  }
0xa7: {  	v62 =	vld [tilespmem:s12+$0x110];
	[tilespmem:s12+$0xA0] =	vst v7;
	v7 =	vmul.f32 v61, v17  }
0xa8: {  	v63 =	vld [tilespmem:s12+$0x120];
	[tilespmem:s12+$0x90] =	vst v5;
	v5 =	vmul.f32 v60, v17  }
0xa9: {  	v9 =	vld [tilespmem:s12+$0x130];
	v10 =	vmul.f32 v10, v3;
	[tilespmem:s12+$0xC0] =	vst v7  }
0xaa: {  	[tilespmem:s12+$0xB0] =	vst v5;
	v5 =	vmul.f32 v11, v17;
	v11 =	vmul.f32 v8, v17;
	v8 =	vld [tilespmem:s12+$0x140]  }
0xab: {  	v7 =	vld [tilespmem:s12+$0x150];
	[tilespmem:s12+$0x100] =	vst v10  }
0xac: {  	v6 =	vld [tilespmem:s12+$0x170];
	[tilespmem:s12+$0xE0] =	vst v11;
	v11 =	vmul.f32 v62, v3  }
0xad: {  	s13 =	sshll.u32 s10, $0x1;
	s15 =	simm.s32 $0x0;
	s14 =	simm.s32 $0x3200;
	v4 =	vadd.s32 $0x8, v4;
	v10 =	vmul.f32 v63, v3;
	[tilespmem:s12+$0xD0] =	vst v5;
	v5 =	vld [tilespmem:s12+$0x160]  }
.LBB2_14:
0xae: {  	v12 =	vand.u32 $0xFFFFFF80, v4;
	s15 =	sadd.s32 $0x8, s15;
	[tilespmem:s12+$0x110] =	vst v11;
	v9 =	vmul.f32 v9, v3;
	v11 =	vld [tilespmem:s12+$0x180]  }
0xaf: {  	v13 =	vand.u32 $0x78, v4;
	v12 =	vadd.s32 v2, v12;
	p1 =	slt.u32 s15, $0x48;
	[tilespmem:s12+$0x120] =	vst v10;
	v8 =	vmul.f32 v8, v3;
	v10 =	vld [tilespmem:s12+$0x190]  }
0xb0: {  	v12 =	vor.u32 v13, v12;
	[tilespmem:s12+$0x130] =	vst v9;
	v7 =	vmul.f32 v7, v3;
	v9 =	vld [tilespmem:s12+$0x1A0]  }
0xb1: {  	v13 =	vor.u32 $0x1, v12;
	v14 =	vor.u32 $0x2, v12;
	v15 =	vor.u32 $0x7, v12;
	[tilespmem:s12+$0x140] =	vst v8;
	v8 =	vld [tilespmem:s12+$0x1B0]  }
0xb2: {  	v16 =	vor.u32 $0x3, v12;
	v17 =	vor.u32 $0x4, v12;
	v18 =	vor.u32 $0x5, v12;
	[tilespmem:s12+$0x150] =	vst v7;
	v7 =	vld [tilespmem:s12+$0x1C0]  }
0xb3: {  	v19 =	vor.u32 $0x6, v12;
	v5 =	vmul.f32 v5, v3;
	v3 =	vmul.f32 v6, v3;
	v6 =	vld [tilespmem:s12+$0x1D0]  }
0xb4: {  	v11 =	vmul.f32 v11, v1;
	v10 =	vmul.f32 v10, v1;
	v20 =	vld [tilespmem:s12+$0x1E0]  }
0xb5: {  	v12 =	vld.idx.msk [tilespmem:v12+s23+$0x0], $0xffff;
	[tilespmem:s12+$0x160] =	vst v5;
	v5 =	vmul.f32 v9, v1  }
0xb6: {  	s12 =	sadd.s32 $0x400, s12;
	v9 =	vld.idx.msk [tilespmem:v15+s23+$0x0], $0xffff;
	[tilespmem:s14+$0x170] =	vst v3;
	v3 =	vmul.f32 v8, v1  }
0xb7: {  	v8 =	vld [tilespmem:s12+$0x1F0];
	[tilespmem:s14+$0x180] =	vst v11;
	v11 =	vmul.f32 v7, v1  }
0xb8: {  	v13 =	vld.idx.msk [tilespmem:v13+s23+$0x0], $0xffff;
	[tilespmem:s14+$0x190] =	vst v10;
	v10 =	vmul.f32 v6, v1  }
0xb9: {  	v14 =	vld.idx.msk [tilespmem:v14+s23+$0x0], $0xffff;
	[tilespmem:s14+$0x1A0] =	vst v5;
	v15 =	vmul.f32 v20, v1  }
0xba: {  	v7 =	vld.idx.msk [tilespmem:v16+s23+$0x0], $0xffff;
	[tilespmem:s14+$0x1B0] =	vst v3  }
0xbb: {  	v6 =	vld.idx.msk [tilespmem:v17+s23+$0x0], $0xffff;
	[tilespmem:s14+$0x1C0] =	vst v11  }
0xbc: {  	v1 =	vmov v9;
	v5 =	vld.idx.msk [tilespmem:v18+s23+$0x0], $0xffff;
	v8 =	vmul.f32 v8, v9;
	[tilespmem:s14+$0x1D0] =	vst v10  }
0xbd: {  	v3 =	vld.idx.msk [tilespmem:v19+s23+$0x0], $0xffff;
	[tilespmem:s14+$0x1E0] =	vst v15;
	s14 =	smov.u32 s12  }
0xbe: {  	v9 =	vld [tilespmem:s12+$0xFFFFFE00];
	[tilespmem:s12+$0x1F0] =	vst v8  }
0xbf: {  	v8 =	vld [tilespmem:s12+$0xFFFFFE10]  }
0xc0: {  	v10 =	vld [tilespmem:s12+$0xFFFFFE20]  }
0xc1: {  	v11 =	vld [tilespmem:s12+$0xFFFFFE30]  }
0xc2: {  	v15 =	vld [tilespmem:s12+$0xFFFFFE40]  }
0xc3: {  	v9 =	vmul.f32 v9, v12;
	v16 =	vld [tilespmem:s12+$0xFFFFFE50]  }
0xc4: {  	v8 =	vmul.f32 v8, v12;
	v17 =	vld [tilespmem:s12+$0xFFFFFE60]  }
0xc5: {  	[tilespmem:s12+$0xFFFFFE00] =	vst v9;
	v9 =	vmul.f32 v10, v12;
	v10 =	vld [tilespmem:s12+$0xFFFFFE70]  }
0xc6: {  	[tilespmem:s12+$0xFFFFFE10] =	vst v8;
	v8 =	vmul.f32 v11, v12;
	v11 =	vld [tilespmem:s12+$0xFFFFFE80]  }
0xc7: {  	[tilespmem:s12+$0xFFFFFE20] =	vst v9;
	v9 =	vmul.f32 v15, v12;
	v15 =	vld [tilespmem:s12+$0xFFFFFE90]  }
0xc8: {  	[tilespmem:s12+$0xFFFFFE30] =	vst v8;
	v8 =	vmul.f32 v16, v12;
	v16 =	vld [tilespmem:s12+$0xFFFFFEA0]  }
0xc9: {  	[tilespmem:s12+$0xFFFFFE40] =	vst v9;
	v9 =	vmul.f32 v17, v12;
	v17 =	vld [tilespmem:s12+$0xFFFFFEB0]  }
0xca: {  	[tilespmem:s12+$0xFFFFFE50] =	vst v8;
	v8 =	vmul.f32 v10, v12;
	v10 =	vld [tilespmem:s12+$0xFFFFFEC0]  }
0xcb: {  	[tilespmem:s12+$0xFFFFFE60] =	vst v9;
	v9 =	vmul.f32 v11, v13;
	v11 =	vld [tilespmem:s12+$0xFFFFFED0]  }
0xcc: {  	[tilespmem:s12+$0xFFFFFE70] =	vst v8;
	v8 =	vmul.f32 v15, v13;
	v12 =	vld [tilespmem:s12+$0xFFFFFEE0]  }
0xcd: {  	[tilespmem:s12+$0xFFFFFE80] =	vst v9;
	v9 =	vmul.f32 v16, v13;
	v15 =	vld [tilespmem:s12+$0xFFFFFEF0]  }
0xce: {  	[tilespmem:s12+$0xFFFFFE90] =	vst v8;
	v8 =	vmul.f32 v17, v13;
	v16 =	vld [tilespmem:s12+$0xFFFFFF00]  }
0xcf: {  	[tilespmem:s12+$0xFFFFFEA0] =	vst v9;
	v9 =	vmul.f32 v10, v13;
	v10 =	vld [tilespmem:s12+$0xFFFFFF10]  }
0xd0: {  	[tilespmem:s12+$0xFFFFFEB0] =	vst v8;
	v8 =	vmul.f32 v11, v13;
	v11 =	vld [tilespmem:s12+$0xFFFFFF20]  }
0xd1: {  	[tilespmem:s12+$0xFFFFFEC0] =	vst v9;
	v9 =	vmul.f32 v12, v13;
	v12 =	vld [tilespmem:s12+$0xFFFFFF30]  }
0xd2: {  	[tilespmem:s12+$0xFFFFFED0] =	vst v8;
	v8 =	vmul.f32 v15, v13;
	v13 =	vld [tilespmem:s12+$0xFFFFFF40]  }
0xd3: {  	[tilespmem:s12+$0xFFFFFEE0] =	vst v9;
	v9 =	vmul.f32 v16, v14;
	v15 =	vld [tilespmem:s12+$0xFFFFFF50]  }
0xd4: {  	[tilespmem:s12+$0xFFFFFEF0] =	vst v8;
	v8 =	vmul.f32 v10, v14;
	v10 =	vld [tilespmem:s12+$0xFFFFFF60]  }
0xd5: {  	[tilespmem:s12+$0xFFFFFF00] =	vst v9;
	v9 =	vmul.f32 v11, v14;
	v11 =	vld [tilespmem:s12+$0xFFFFFF70]  }
0xd6: {  	[tilespmem:s12+$0xFFFFFF10] =	vst v8;
	v8 =	vmul.f32 v12, v14;
	v12 =	vld [tilespmem:s12+$0xFFFFFF80]  }
0xd7: {  	[tilespmem:s12+$0xFFFFFF20] =	vst v9;
	v9 =	vmul.f32 v13, v14;
	v13 =	vld [tilespmem:s12+$0xFFFFFF90]  }
0xd8: {  	[tilespmem:s12+$0xFFFFFF30] =	vst v8;
	v8 =	vmul.f32 v15, v14;
	v15 =	vld [tilespmem:s12+$0xFFFFFFA0]  }
0xd9: {  	[tilespmem:s12+$0xFFFFFF40] =	vst v9;
	v9 =	vmul.f32 v10, v14;
	v10 =	vld [tilespmem:s12+$0xFFFFFFB0]  }
0xda: {  	[tilespmem:s12+$0xFFFFFF50] =	vst v8;
	v8 =	vmul.f32 v11, v14;
	v11 =	vld [tilespmem:s12+$0xFFFFFFC0]  }
0xdb: {  	[tilespmem:s12+$0xFFFFFF60] =	vst v9;
	v9 =	vmul.f32 v12, v7;
	v12 =	vld [tilespmem:s12+$0xFFFFFFD0]  }
0xdc: {  	[tilespmem:s12+$0xFFFFFF70] =	vst v8;
	v8 =	vmul.f32 v13, v7;
	v13 =	vld [tilespmem:s12+$0xFFFFFFE0]  }
0xdd: {  	[tilespmem:s12+$0xFFFFFF80] =	vst v9;
	v9 =	vmul.f32 v15, v7;
	v14 =	vld [tilespmem:s12+$0xFFFFFFF0]  }
0xde: {  	[tilespmem:s12+$0xFFFFFF90] =	vst v8;
	v8 =	vmul.f32 v10, v7;
	v10 =	vld [tilespmem:s12+$0x0]  }
0xdf: {  	[tilespmem:s12+$0xFFFFFFA0] =	vst v9;
	v9 =	vmul.f32 v11, v7;
	v11 =	vld [tilespmem:s12+$0x10]  }
0xe0: {  	[tilespmem:s12+$0xFFFFFFB0] =	vst v8;
	v8 =	vmul.f32 v12, v7;
	v12 =	vld [tilespmem:s12+$0x20]  }
0xe1: {  	[tilespmem:s12+$0xFFFFFFC0] =	vst v9;
	v9 =	vmul.f32 v13, v7;
	v13 =	vld [tilespmem:s12+$0x30]  }
0xe2: {  	[tilespmem:s12+$0xFFFFFFD0] =	vst v8;
	v7 =	vmul.f32 v14, v7;
	v8 =	vld [tilespmem:s12+$0x40]  }
0xe3: {  	[tilespmem:s12+$0xFFFFFFE0] =	vst v9;
	v9 =	vmul.f32 v10, v6;
	v10 =	vld [tilespmem:s12+$0x50]  }
0xe4: {  	[tilespmem:s12+$0xFFFFFFF0] =	vst v7;
	v7 =	vmul.f32 v11, v6;
	v11 =	vld [tilespmem:s12+$0x60]  }
0xe5: {  	[tilespmem:s12+$0x0] =	vst v9;
	v9 =	vmul.f32 v12, v6;
	v12 =	vld [tilespmem:s12+$0x70]  }
0xe6: {  	[tilespmem:s12+$0x10] =	vst v7;
	v7 =	vmul.f32 v13, v6;
	v13 =	vld [tilespmem:s12+$0x80]  }
0xe7: {  	[tilespmem:s12+$0x20] =	vst v9;
	v8 =	vmul.f32 v8, v6;
	v9 =	vld [tilespmem:s12+$0x90]  }
0xe8: {  	[tilespmem:s12+$0x30] =	vst v7;
	v7 =	vmul.f32 v10, v6;
	v10 =	vld [tilespmem:s12+$0xA0]  }
0xe9: {  	[tilespmem:s12+$0x40] =	vst v8;
	v8 =	vmul.f32 v11, v6;
	v11 =	vld [tilespmem:s12+$0xB0]  }
0xea: {  	[tilespmem:s12+$0x50] =	vst v7;
	v6 =	vmul.f32 v12, v6;
	v7 =	vld [tilespmem:s12+$0xC0]  }
0xeb: {  	[tilespmem:s12+$0x60] =	vst v8;
	v8 =	vmul.f32 v13, v5;
	v12 =	vld [tilespmem:s12+$0xD0]  }
0xec: {  	[tilespmem:s12+$0x70] =	vst v6;
	v6 =	vmul.f32 v9, v5;
	v9 =	vld [tilespmem:s12+$0xE0]  }
0xed: {  	[tilespmem:s12+$0x80] =	vst v8;
	v8 =	vmul.f32 v10, v5;
	v10 =	vld [tilespmem:s12+$0xF0]  }
0xee: {  	[tilespmem:s12+$0x90] =	vst v6;
	v6 =	vmul.f32 v11, v5;
	v11 =	vld [tilespmem:s12+$0x100]  }
0xef: {  	[tilespmem:s12+$0xA0] =	vst v8;
	v7 =	vmul.f32 v7, v5;
	v13 =	vld [tilespmem:s12+$0x110]  }
0xf0: {  	[tilespmem:s12+$0xB0] =	vst v6;
	v6 =	vmul.f32 v12, v5;
	v12 =	vld [tilespmem:s12+$0x120]  }
.Ltmp6:
0xf1: {  	[tilespmem:s12+$0xC0] =	vst v7;
	v7 =	vmul.f32 v9, v5;
	v9 =	vld [tilespmem:s12+$0x130];
	(pc) =	sbr.rel @p1 .LBB2_14-.Ltmp6, $4  }
0xf2: {  	[tilespmem:s12+$0xD0] =	vst v6;
	v5 =	vmul.f32 v10, v5;
	v8 =	vld [tilespmem:s12+$0x140]  }
0xf3: {  	[tilespmem:s12+$0xE0] =	vst v7;
	v6 =	vmul.f32 v11, v3;
	v7 =	vld [tilespmem:s12+$0x150]  }
0xf4: {  	[tilespmem:s12+$0xF0] =	vst v5;
	v11 =	vmul.f32 v13, v3;
	v5 =	vld [tilespmem:s12+$0x160]  }
0xf5: {  	v4 =	vadd.s32 $0x8, v4;
	[tilespmem:s12+$0x100] =	vst v6;
	v10 =	vmul.f32 v12, v3;
	v6 =	vld [tilespmem:s12+$0x170]  }
0xf6: {  	[tilespmem:s12+$0x110] =	vst v11;
	v2 =	vmul.f32 v9, v3;
	v4 =	vld [tilespmem:s12+$0x180]  }
0xf7: {  	v9 =	vld [tilespmem:s12+$0x190];
	[tilespmem:s12+$0x120] =	vst v10;
	v8 =	vmul.f32 v8, v3  }
0xf8: {  	[tilespmem:s12+$0x130] =	vst v2;
	v2 =	vmul.f32 v7, v3;
	v7 =	vld [tilespmem:s12+$0x1A0]  }
0xf9: {  	[tilespmem:s12+$0x140] =	vst v8;
	v8 =	vld [tilespmem:s12+$0x1B0];
	v5 =	vmul.f32 v5, v3  }
0xfa: {  	[tilespmem:s12+$0x150] =	vst v2;
	v2 =	vld [tilespmem:s12+$0x1C0];
	v3 =	vmul.f32 v6, v3  }
0xfb: {  	v6 =	vld [tilespmem:s12+$0x1D0];
	v4 =	vmul.f32 v4, v1;
	[tilespmem:s12+$0x160] =	vst v5  }
0xfc: {  	v5 =	vmul.f32 v9, v1;
	v9 =	vld [tilespmem:s12+$0x1E0];
	[tilespmem:s14+$0x170] =	vst v3  }
0xfd: {  	v3 =	vmul.f32 v7, v1;
	[tilespmem:s14+$0x180] =	vst v4  }
0xfe: {  	[tilespmem:s14+$0x190] =	vst v5;
	v4 =	vmul.f32 v8, v1  }
0xff: {  	v2 =	vmul.f32 v2, v1;
	[tilespmem:s14+$0x1A0] =	vst v3  }
0x100: {  	v3 =	vmul.f32 v6, v1;
	[tilespmem:s14+$0x1B0] =	vst v4  }
0x101: {  	s13 =	sor.u32 $0x1, s13;
	s15 =	sshll.u32 s10, $0xA;
	v1 =	vmul.f32 v9, v1;
	[tilespmem:s14+$0x1C0] =	vst v2  }
0x102: {  	s12 =	sshll.u32 s13, $0x7;
	s13 =	sshrl.u32 s15, $0x2;
	[tilespmem:s14+$0x1D0] =	vst v3  }
0x103: {  	s16 =	sadd.s32 $0x1000, s13;
	[tilespmem:s14+$0x1E0] =	vst v1  }
0x104: {  	[spmem:s1] =	stream.indirect.scatter.add.f32 [tilespmem:s20], [sflag:$0x3], $0x80, s16, s24, $0xb8;
	[tilespmem:$0x1C000] =	vst v63  }
0x105: {  	_ =	swait.ge [sflag:s29], $0x2800  }
0x106: {  	[sflag:s29] =	ssyncset.done $0x0  }
0x107: {  	s14 =	simm.s32 $0x5A00;
	[sflag:s29] =	ssyncadd.s32 $0xFFFFD800  }
0x108: {  	v6 =	vld [tilespmem:s14+$0x1F0]  }
0x109: {  	v4 =	vimm.s32 $0x0;
	v7 =	vld [tilespmem:s14+$0xFFFFFE00]  }
0x10a: {  	v2 =	vmov s12;
	v5 =	vand.u32 $0xFFFFFF80, v4;
	v8 =	vld [tilespmem:s14+$0xFFFFFE10]  }
0x10b: {  	v3 =	vand.u32 $0x78, v4;
	v5 =	vadd.s32 v2, v5;
	v10 =	vld [tilespmem:s14+$0xFFFFFE20]  }
0x10c: {  	v3 =	vor.u32 v3, v5;
	v11 =	vld [tilespmem:s14+$0xFFFFFE30]  }
0x10d: {  	v12 =	vld [tilespmem:s14+$0xFFFFFE40]  }
0x10e: {  	v13 =	vld [tilespmem:s14+$0xFFFFFE50]  }
0x10f: {  	v14 =	vld [tilespmem:s14+$0xFFFFFE60]  }
0x110: {  	v1 =	vor.u32 $0x7, v3;
	v15 =	vld [tilespmem:s14+$0xFFFFFE80]  }
0x111: {  	v9 =	vor.u32 $0x1, v3;
	v5 =	vld.idx.msk [tilespmem:v3+s23+$0x0], $0xffff  }
0x112: {  	v16 =	vld [tilespmem:s14+$0xFFFFFE90]  }
0x113: {  	v18 =	vld [tilespmem:s14+$0xFFFFFEA0]  }
0x114: {  	v19 =	vld [tilespmem:s14+$0xFFFFFEB0]  }
0x115: {  	v1 =	vld.idx.msk [tilespmem:v1+s23+$0x0], $0xffff  }
0x116: {  	v9 =	vld.idx.msk [tilespmem:v9+s23+$0x0], $0xffff;
	v7 =	vmul.f32 v7, v5  }
0x117: {  	v20 =	vld [tilespmem:s14+$0xFFFFFEC0];
	v8 =	vmul.f32 v8, v5  }
0x118: {  	v39 =	vld [tilespmem:s14+$0xFFFFFED0];
	v10 =	vmul.f32 v10, v5;
	[tilespmem:s14+$0xFFFFFE00] =	vst v7  }
0x119: {  	v40 =	vld [tilespmem:s14+$0xFFFFFEF0];
	v11 =	vmul.f32 v11, v5;
	[tilespmem:s14+$0xFFFFFE10] =	vst v8  }
0x11a: {  	v41 =	vld [tilespmem:s14+$0xFFFFFF00];
	v6 =	vmul.f32 v6, v1;
	[tilespmem:s14+$0xFFFFFE20] =	vst v10  }
0x11b: {  	v17 =	vor.u32 $0x2, v3;
	v42 =	vld [tilespmem:s14+$0xFFFFFF10];
	v46 =	vmul.f32 v19, v9;
	[tilespmem:s14+$0xFFFFFE30] =	vst v11  }
0x11c: {  	v43 =	vld [tilespmem:s14+$0xFFFFFF30];
	v10 =	vmul.f32 v12, v5;
	[tilespmem:s14+$0x1F0] =	vst v6  }
0x11d: {  	v7 =	vld [tilespmem:s14+$0xFFFFFE70];
	v11 =	vmul.f32 v13, v5;
	[tilespmem:s14+$0xFFFFFEB0] =	vst v46  }
0x11e: {  	v8 =	vld [tilespmem:s14+$0xFFFFFEE0];
	v6 =	vmul.f32 v15, v9;
	[tilespmem:s14+$0xFFFFFE40] =	vst v10  }
0x11f: {  	v44 =	vld [tilespmem:s14+$0xFFFFFF40];
	v10 =	vmul.f32 v14, v5;
	[tilespmem:s14+$0xFFFFFE50] =	vst v11  }
0x120: {  	v15 =	vmul.f32 v39, v9;
	[tilespmem:s14+$0xFFFFFE80] =	vst v6;
	v6 =	vld.idx.msk [tilespmem:v17+s23+$0x0], $0xffff  }
0x121: {  	v45 =	vld [tilespmem:s14+$0xFFFFFF50];
	[tilespmem:s14+$0xFFFFFE60] =	vst v10;
	v10 =	vmul.f32 v16, v9  }
0x122: {  	v47 =	vld [tilespmem:s14+$0xFFFFFF70];
	[tilespmem:s14+$0xFFFFFED0] =	vst v15;
	v5 =	vmul.f32 v7, v5  }
0x123: {  	v48 =	vld [tilespmem:s14+$0xFFFFFF90];
	v11 =	vor.u32 $0x3, v3;
	v8 =	vmul.f32 v8, v9;
	[tilespmem:s14+$0xFFFFFE90] =	vst v10  }
0x124: {  	v50 =	vld [tilespmem:s14+$0xFFFFFFA0];
	[tilespmem:s14+$0xFFFFFE70] =	vst v5;
	v5 =	vmul.f32 v18, v9  }
0x125: {  	v51 =	vld [tilespmem:s14+$0xFFFFFFC0];
	[tilespmem:s14+$0xFFFFFEE0] =	vst v8;
	v10 =	vmul.f32 v41, v6  }
0x126: {  	v7 =	vld [tilespmem:s14+$0xFFFFFF20];
	v8 =	vmul.f32 v42, v6;
	[tilespmem:s14+$0xFFFFFEA0] =	vst v5  }
0x127: {  	v17 =	vmul.f32 v44, v6;
	v5 =	vld [tilespmem:s14+$0xFFFFFF60];
	[tilespmem:s14+$0xFFFFFF00] =	vst v10  }
0x128: {  	v10 =	vld.idx.msk [tilespmem:v11+s23+$0x0], $0xffff;
	v11 =	vmul.f32 v20, v9;
	[tilespmem:s14+$0xFFFFFF10] =	vst v8  }
0x129: {  	v52 =	vld [tilespmem:s14+$0xFFFFFFF0];
	v13 =	vmul.f32 v45, v6;
	[tilespmem:s14+$0xFFFFFF40] =	vst v17  }
0x12a: {  	v9 =	vmul.f32 v40, v9;
	[tilespmem:s14+$0xFFFFFEC0] =	vst v11;
	v11 =	vld [tilespmem:s14+$0xFFFFFF80]  }
0x12b: {  	v53 =	vld [tilespmem:s14+$0x0];
	v7 =	vmul.f32 v7, v6;
	v8 =	vmul.f32 v43, v6;
	[tilespmem:s14+$0xFFFFFF50] =	vst v13  }
0x12c: {  	v49 =	vor.u32 $0x4, v3;
	v54 =	vld [tilespmem:s14+$0x10];
	[tilespmem:s14+$0xFFFFFEF0] =	vst v9;
	v5 =	vmul.f32 v5, v6;
	v6 =	vmul.f32 v47, v6  }
0x12d: {  	v56 =	vld [tilespmem:s14+$0x20];
	[tilespmem:s14+$0xFFFFFF30] =	vst v8  }
0x12e: {  	v8 =	vld [tilespmem:s14+$0xFFFFFFE0];
	[tilespmem:s14+$0xFFFFFF70] =	vst v6;
	v6 =	vmul.f32 v50, v10  }
0x12f: {  	v9 =	vld [tilespmem:s14+$0xFFFFFFB0];
	[tilespmem:s14+$0xFFFFFF20] =	vst v7;
	v7 =	vmul.f32 v11, v10  }
0x130: {  	v11 =	vld [tilespmem:s14+$0xFFFFFFD0];
	[tilespmem:s14+$0xFFFFFFA0] =	vst v6  }
0x131: {  	v6 =	vmul.f32 v51, v10;
	[tilespmem:s14+$0xFFFFFF80] =	vst v7;
	v7 =	vld.idx.msk [tilespmem:v49+s23+$0x0], $0xffff  }
0x132: {  	v57 =	vld [tilespmem:s14+$0x40];
	[tilespmem:s14+$0xFFFFFF60] =	vst v5;
	v5 =	vmul.f32 v48, v10  }
0x133: {  	v55 =	vor.u32 $0x5, v3;
	v8 =	vmul.f32 v8, v10;
	[tilespmem:s14+$0xFFFFFFC0] =	vst v6;
	v6 =	vld [tilespmem:s14+$0x60]  }
0x134: {  	v58 =	vld [tilespmem:s14+$0x50];
	[tilespmem:s14+$0xFFFFFF90] =	vst v5;
	v5 =	vmul.f32 v9, v10  }
0x135: {  	v9 =	vld [tilespmem:s14+$0x30];
	[tilespmem:s14+$0xFFFFFFE0] =	vst v8;
	v11 =	vmul.f32 v11, v10  }
0x136: {  	v59 =	vld [tilespmem:s14+$0x90];
	[tilespmem:s14+$0xFFFFFFB0] =	vst v5;
	v5 =	vmul.f32 v53, v7  }
0x137: {  	v60 =	vld [tilespmem:s14+$0xB0];
	[tilespmem:s14+$0xFFFFFFD0] =	vst v11;
	v8 =	vmul.f32 v54, v7  }
0x138: {  	v17 =	vld.idx.msk [tilespmem:v55+s23+$0x0], $0xffff;
	v6 =	vmul.f32 v6, v7;
	[tilespmem:s14+$0x0] =	vst v5  }
0x139: {  	v3 =	vor.u32 $0x6, v3;
	v5 =	vmul.f32 v52, v10;
	v10 =	vld [tilespmem:s14+$0x70];
	[tilespmem:s14+$0x10] =	vst v8  }
0x13a: {  	v11 =	vld [tilespmem:s14+$0x80];
	v8 =	vmul.f32 v9, v7;
	[tilespmem:s14+$0x60] =	vst v6  }
0x13b: {  	v6 =	vld [tilespmem:s14+$0xF0];
	[tilespmem:s14+$0xFFFFFFF0] =	vst v5;
	v5 =	vmul.f32 v56, v7  }
0x13c: {  	v9 =	vld [tilespmem:s14+$0xA0];
	[tilespmem:s14+$0x30] =	vst v8;
	v8 =	vmul.f32 v58, v7  }
0x13d: {  	v61 =	vld [tilespmem:s14+$0xC0];
	[tilespmem:s14+$0x20] =	vst v5;
	v5 =	vmul.f32 v57, v7  }
0x13e: {  	v3 =	vld.idx.msk [tilespmem:v3+s23+$0x0], $0xffff;
	[tilespmem:s14+$0x50] =	vst v8;
	v7 =	vmul.f32 v10, v7  }
0x13f: {  	v8 =	vld [tilespmem:s14+$0xE0];
	[tilespmem:s14+$0x40] =	vst v5;
	v5 =	vmul.f32 v11, v17  }
0x140: {  	v10 =	vld [tilespmem:s14+$0x100];
	v6 =	vmul.f32 v6, v17;
	[tilespmem:s14+$0x70] =	vst v7  }
0x141: {  	v11 =	vld [tilespmem:s14+$0xD0];
	v7 =	vmul.f32 v9, v17;
	[tilespmem:s14+$0x80] =	vst v5  }
0x142: {  	v5 =	vmul.f32 v59, v17;
	[tilespmem:s14+$0xF0] =	vst v6  }
0x143: {  	v62 =	vld [tilespmem:s14+$0x110];
	[tilespmem:s14+$0xA0] =	vst v7;
	v7 =	vmul.f32 v61, v17  }
0x144: {  	v63 =	vld [tilespmem:s14+$0x120];
	[tilespmem:s14+$0x90] =	vst v5;
	v5 =	vmul.f32 v60, v17  }
0x145: {  	v9 =	vld [tilespmem:s14+$0x130];
	v10 =	vmul.f32 v10, v3;
	[tilespmem:s14+$0xC0] =	vst v7  }
0x146: {  	[tilespmem:s14+$0xB0] =	vst v5;
	v5 =	vmul.f32 v11, v17;
	v11 =	vmul.f32 v8, v17;
	v8 =	vld [tilespmem:s14+$0x140]  }
0x147: {  	v7 =	vld [tilespmem:s14+$0x150];
	[tilespmem:s14+$0x100] =	vst v10  }
0x148: {  	v6 =	vld [tilespmem:s14+$0x170];
	[tilespmem:s14+$0xE0] =	vst v11;
	v11 =	vmul.f32 v62, v3  }
0x149: {  	s15 =	simm.s32 $0x5A00;
	v4 =	vadd.s32 $0x8, v4;
	s16 =	simm.s32 $0x0;
	v10 =	vmul.f32 v63, v3;
	[tilespmem:s14+$0xD0] =	vst v5;
	v5 =	vld [tilespmem:s14+$0x160]  }
.LBB2_16:
0x14a: {  	v12 =	vand.u32 $0xFFFFFF80, v4;
	s16 =	sadd.s32 $0x8, s16;
	[tilespmem:s14+$0x110] =	vst v11;
	v9 =	vmul.f32 v9, v3;
	v11 =	vld [tilespmem:s14+$0x180]  }
0x14b: {  	v13 =	vand.u32 $0x78, v4;
	v12 =	vadd.s32 v2, v12;
	p1 =	slt.u32 s16, $0x48;
	[tilespmem:s14+$0x120] =	vst v10;
	v8 =	vmul.f32 v8, v3;
	v10 =	vld [tilespmem:s14+$0x190]  }
0x14c: {  	v12 =	vor.u32 v13, v12;
	[tilespmem:s14+$0x130] =	vst v9;
	v7 =	vmul.f32 v7, v3;
	v9 =	vld [tilespmem:s14+$0x1A0]  }
0x14d: {  	v13 =	vor.u32 $0x1, v12;
	v14 =	vor.u32 $0x2, v12;
	v15 =	vor.u32 $0x7, v12;
	[tilespmem:s14+$0x140] =	vst v8;
	v8 =	vld [tilespmem:s14+$0x1B0]  }
0x14e: {  	v16 =	vor.u32 $0x3, v12;
	v17 =	vor.u32 $0x4, v12;
	v18 =	vor.u32 $0x5, v12;
	[tilespmem:s14+$0x150] =	vst v7;
	v7 =	vld [tilespmem:s14+$0x1C0]  }
0x14f: {  	v19 =	vor.u32 $0x6, v12;
	v5 =	vmul.f32 v5, v3;
	v3 =	vmul.f32 v6, v3;
	v6 =	vld [tilespmem:s14+$0x1D0]  }
0x150: {  	v11 =	vmul.f32 v11, v1;
	v10 =	vmul.f32 v10, v1;
	v20 =	vld [tilespmem:s14+$0x1E0]  }
0x151: {  	v12 =	vld.idx.msk [tilespmem:v12+s23+$0x0], $0xffff;
	[tilespmem:s14+$0x160] =	vst v5;
	v5 =	vmul.f32 v9, v1  }
0x152: {  	s14 =	sadd.s32 $0x400, s14;
	v9 =	vld.idx.msk [tilespmem:v15+s23+$0x0], $0xffff;
	[tilespmem:s15+$0x170] =	vst v3;
	v3 =	vmul.f32 v8, v1  }
0x153: {  	v8 =	vld [tilespmem:s14+$0x1F0];
	[tilespmem:s15+$0x180] =	vst v11;
	v11 =	vmul.f32 v7, v1  }
0x154: {  	v13 =	vld.idx.msk [tilespmem:v13+s23+$0x0], $0xffff;
	[tilespmem:s15+$0x190] =	vst v10;
	v10 =	vmul.f32 v6, v1  }
0x155: {  	v14 =	vld.idx.msk [tilespmem:v14+s23+$0x0], $0xffff;
	[tilespmem:s15+$0x1A0] =	vst v5;
	v15 =	vmul.f32 v20, v1  }
0x156: {  	v7 =	vld.idx.msk [tilespmem:v16+s23+$0x0], $0xffff;
	[tilespmem:s15+$0x1B0] =	vst v3  }
0x157: {  	v6 =	vld.idx.msk [tilespmem:v17+s23+$0x0], $0xffff;
	[tilespmem:s15+$0x1C0] =	vst v11  }
0x158: {  	v1 =	vmov v9;
	v5 =	vld.idx.msk [tilespmem:v18+s23+$0x0], $0xffff;
	v8 =	vmul.f32 v8, v9;
	[tilespmem:s15+$0x1D0] =	vst v10  }
0x159: {  	v3 =	vld.idx.msk [tilespmem:v19+s23+$0x0], $0xffff;
	[tilespmem:s15+$0x1E0] =	vst v15;
	s15 =	smov.u32 s14  }
0x15a: {  	v9 =	vld [tilespmem:s14+$0xFFFFFE00];
	[tilespmem:s14+$0x1F0] =	vst v8  }
0x15b: {  	v8 =	vld [tilespmem:s14+$0xFFFFFE10]  }
0x15c: {  	v10 =	vld [tilespmem:s14+$0xFFFFFE20]  }
0x15d: {  	v11 =	vld [tilespmem:s14+$0xFFFFFE30]  }
0x15e: {  	v15 =	vld [tilespmem:s14+$0xFFFFFE40]  }
0x15f: {  	v9 =	vmul.f32 v9, v12;
	v16 =	vld [tilespmem:s14+$0xFFFFFE50]  }
0x160: {  	v8 =	vmul.f32 v8, v12;
	v17 =	vld [tilespmem:s14+$0xFFFFFE60]  }
0x161: {  	[tilespmem:s14+$0xFFFFFE00] =	vst v9;
	v9 =	vmul.f32 v10, v12;
	v10 =	vld [tilespmem:s14+$0xFFFFFE70]  }
0x162: {  	[tilespmem:s14+$0xFFFFFE10] =	vst v8;
	v8 =	vmul.f32 v11, v12;
	v11 =	vld [tilespmem:s14+$0xFFFFFE80]  }
0x163: {  	[tilespmem:s14+$0xFFFFFE20] =	vst v9;
	v9 =	vmul.f32 v15, v12;
	v15 =	vld [tilespmem:s14+$0xFFFFFE90]  }
0x164: {  	[tilespmem:s14+$0xFFFFFE30] =	vst v8;
	v8 =	vmul.f32 v16, v12;
	v16 =	vld [tilespmem:s14+$0xFFFFFEA0]  }
0x165: {  	[tilespmem:s14+$0xFFFFFE40] =	vst v9;
	v9 =	vmul.f32 v17, v12;
	v17 =	vld [tilespmem:s14+$0xFFFFFEB0]  }
0x166: {  	[tilespmem:s14+$0xFFFFFE50] =	vst v8;
	v8 =	vmul.f32 v10, v12;
	v10 =	vld [tilespmem:s14+$0xFFFFFEC0]  }
0x167: {  	[tilespmem:s14+$0xFFFFFE60] =	vst v9;
	v9 =	vmul.f32 v11, v13;
	v11 =	vld [tilespmem:s14+$0xFFFFFED0]  }
0x168: {  	[tilespmem:s14+$0xFFFFFE70] =	vst v8;
	v8 =	vmul.f32 v15, v13;
	v12 =	vld [tilespmem:s14+$0xFFFFFEE0]  }
0x169: {  	[tilespmem:s14+$0xFFFFFE80] =	vst v9;
	v9 =	vmul.f32 v16, v13;
	v15 =	vld [tilespmem:s14+$0xFFFFFEF0]  }
0x16a: {  	[tilespmem:s14+$0xFFFFFE90] =	vst v8;
	v8 =	vmul.f32 v17, v13;
	v16 =	vld [tilespmem:s14+$0xFFFFFF00]  }
0x16b: {  	[tilespmem:s14+$0xFFFFFEA0] =	vst v9;
	v9 =	vmul.f32 v10, v13;
	v10 =	vld [tilespmem:s14+$0xFFFFFF10]  }
0x16c: {  	[tilespmem:s14+$0xFFFFFEB0] =	vst v8;
	v8 =	vmul.f32 v11, v13;
	v11 =	vld [tilespmem:s14+$0xFFFFFF20]  }
0x16d: {  	[tilespmem:s14+$0xFFFFFEC0] =	vst v9;
	v9 =	vmul.f32 v12, v13;
	v12 =	vld [tilespmem:s14+$0xFFFFFF30]  }
0x16e: {  	[tilespmem:s14+$0xFFFFFED0] =	vst v8;
	v8 =	vmul.f32 v15, v13;
	v13 =	vld [tilespmem:s14+$0xFFFFFF40]  }
0x16f: {  	[tilespmem:s14+$0xFFFFFEE0] =	vst v9;
	v9 =	vmul.f32 v16, v14;
	v15 =	vld [tilespmem:s14+$0xFFFFFF50]  }
0x170: {  	[tilespmem:s14+$0xFFFFFEF0] =	vst v8;
	v8 =	vmul.f32 v10, v14;
	v10 =	vld [tilespmem:s14+$0xFFFFFF60]  }
0x171: {  	[tilespmem:s14+$0xFFFFFF00] =	vst v9;
	v9 =	vmul.f32 v11, v14;
	v11 =	vld [tilespmem:s14+$0xFFFFFF70]  }
0x172: {  	[tilespmem:s14+$0xFFFFFF10] =	vst v8;
	v8 =	vmul.f32 v12, v14;
	v12 =	vld [tilespmem:s14+$0xFFFFFF80]  }
0x173: {  	[tilespmem:s14+$0xFFFFFF20] =	vst v9;
	v9 =	vmul.f32 v13, v14;
	v13 =	vld [tilespmem:s14+$0xFFFFFF90]  }
0x174: {  	[tilespmem:s14+$0xFFFFFF30] =	vst v8;
	v8 =	vmul.f32 v15, v14;
	v15 =	vld [tilespmem:s14+$0xFFFFFFA0]  }
0x175: {  	[tilespmem:s14+$0xFFFFFF40] =	vst v9;
	v9 =	vmul.f32 v10, v14;
	v10 =	vld [tilespmem:s14+$0xFFFFFFB0]  }
0x176: {  	[tilespmem:s14+$0xFFFFFF50] =	vst v8;
	v8 =	vmul.f32 v11, v14;
	v11 =	vld [tilespmem:s14+$0xFFFFFFC0]  }
0x177: {  	[tilespmem:s14+$0xFFFFFF60] =	vst v9;
	v9 =	vmul.f32 v12, v7;
	v12 =	vld [tilespmem:s14+$0xFFFFFFD0]  }
0x178: {  	[tilespmem:s14+$0xFFFFFF70] =	vst v8;
	v8 =	vmul.f32 v13, v7;
	v13 =	vld [tilespmem:s14+$0xFFFFFFE0]  }
0x179: {  	[tilespmem:s14+$0xFFFFFF80] =	vst v9;
	v9 =	vmul.f32 v15, v7;
	v14 =	vld [tilespmem:s14+$0xFFFFFFF0]  }
0x17a: {  	[tilespmem:s14+$0xFFFFFF90] =	vst v8;
	v8 =	vmul.f32 v10, v7;
	v10 =	vld [tilespmem:s14+$0x0]  }
0x17b: {  	[tilespmem:s14+$0xFFFFFFA0] =	vst v9;
	v9 =	vmul.f32 v11, v7;
	v11 =	vld [tilespmem:s14+$0x10]  }
0x17c: {  	[tilespmem:s14+$0xFFFFFFB0] =	vst v8;
	v8 =	vmul.f32 v12, v7;
	v12 =	vld [tilespmem:s14+$0x20]  }
0x17d: {  	[tilespmem:s14+$0xFFFFFFC0] =	vst v9;
	v9 =	vmul.f32 v13, v7;
	v13 =	vld [tilespmem:s14+$0x30]  }
0x17e: {  	[tilespmem:s14+$0xFFFFFFD0] =	vst v8;
	v7 =	vmul.f32 v14, v7;
	v8 =	vld [tilespmem:s14+$0x40]  }
0x17f: {  	[tilespmem:s14+$0xFFFFFFE0] =	vst v9;
	v9 =	vmul.f32 v10, v6;
	v10 =	vld [tilespmem:s14+$0x50]  }
0x180: {  	[tilespmem:s14+$0xFFFFFFF0] =	vst v7;
	v7 =	vmul.f32 v11, v6;
	v11 =	vld [tilespmem:s14+$0x60]  }
0x181: {  	[tilespmem:s14+$0x0] =	vst v9;
	v9 =	vmul.f32 v12, v6;
	v12 =	vld [tilespmem:s14+$0x70]  }
0x182: {  	[tilespmem:s14+$0x10] =	vst v7;
	v7 =	vmul.f32 v13, v6;
	v13 =	vld [tilespmem:s14+$0x80]  }
0x183: {  	[tilespmem:s14+$0x20] =	vst v9;
	v8 =	vmul.f32 v8, v6;
	v9 =	vld [tilespmem:s14+$0x90]  }
0x184: {  	[tilespmem:s14+$0x30] =	vst v7;
	v7 =	vmul.f32 v10, v6;
	v10 =	vld [tilespmem:s14+$0xA0]  }
0x185: {  	[tilespmem:s14+$0x40] =	vst v8;
	v8 =	vmul.f32 v11, v6;
	v11 =	vld [tilespmem:s14+$0xB0]  }
0x186: {  	[tilespmem:s14+$0x50] =	vst v7;
	v6 =	vmul.f32 v12, v6;
	v7 =	vld [tilespmem:s14+$0xC0]  }
0x187: {  	[tilespmem:s14+$0x60] =	vst v8;
	v8 =	vmul.f32 v13, v5;
	v12 =	vld [tilespmem:s14+$0xD0]  }
0x188: {  	[tilespmem:s14+$0x70] =	vst v6;
	v6 =	vmul.f32 v9, v5;
	v9 =	vld [tilespmem:s14+$0xE0]  }
0x189: {  	[tilespmem:s14+$0x80] =	vst v8;
	v8 =	vmul.f32 v10, v5;
	v10 =	vld [tilespmem:s14+$0xF0]  }
0x18a: {  	[tilespmem:s14+$0x90] =	vst v6;
	v6 =	vmul.f32 v11, v5;
	v11 =	vld [tilespmem:s14+$0x100]  }
0x18b: {  	[tilespmem:s14+$0xA0] =	vst v8;
	v7 =	vmul.f32 v7, v5;
	v13 =	vld [tilespmem:s14+$0x110]  }
0x18c: {  	[tilespmem:s14+$0xB0] =	vst v6;
	v6 =	vmul.f32 v12, v5;
	v12 =	vld [tilespmem:s14+$0x120]  }
.Ltmp7:
0x18d: {  	[tilespmem:s14+$0xC0] =	vst v7;
	v7 =	vmul.f32 v9, v5;
	v9 =	vld [tilespmem:s14+$0x130];
	(pc) =	sbr.rel @p1 .LBB2_16-.Ltmp7, $4  }
0x18e: {  	[tilespmem:s14+$0xD0] =	vst v6;
	v5 =	vmul.f32 v10, v5;
	v8 =	vld [tilespmem:s14+$0x140]  }
0x18f: {  	[tilespmem:s14+$0xE0] =	vst v7;
	v6 =	vmul.f32 v11, v3;
	v7 =	vld [tilespmem:s14+$0x150]  }
0x190: {  	[tilespmem:s14+$0xF0] =	vst v5;
	v11 =	vmul.f32 v13, v3;
	v5 =	vld [tilespmem:s14+$0x160]  }
0x191: {  	v4 =	vadd.s32 $0x8, v4;
	[tilespmem:s14+$0x100] =	vst v6;
	v10 =	vmul.f32 v12, v3;
	v6 =	vld [tilespmem:s14+$0x170]  }
0x192: {  	[tilespmem:s14+$0x110] =	vst v11;
	v2 =	vmul.f32 v9, v3;
	v4 =	vld [tilespmem:s14+$0x180]  }
0x193: {  	v57 =	vld [tilespmem:s14+$0x190];
	[tilespmem:s14+$0x120] =	vst v10;
	v8 =	vmul.f32 v8, v3  }
0x194: {  	v58 =	vld [tilespmem:s14+$0x1A0];
	[tilespmem:s14+$0x130] =	vst v2;
	v2 =	vmul.f32 v7, v3  }
0x195: {  	v59 =	vld [tilespmem:s14+$0x1B0];
	[tilespmem:s14+$0x140] =	vst v8;
	v5 =	vmul.f32 v5, v3  }
0x196: {  	v60 =	vld [tilespmem:s14+$0x1D0];
	[tilespmem:s14+$0x150] =	vst v2;
	v3 =	vmul.f32 v6, v3  }
0x197: {  	v2 =	vld [tilespmem:s14+$0x1C0];
	v4 =	vmul.f32 v4, v1;
	[tilespmem:s14+$0x160] =	vst v5  }
0x198: {  	v62 =	vld [tilespmem:s14+$0x1E0];
	v61 =	vmul.f32 v57, v1;
	[tilespmem:s15+$0x170] =	vst v3  }
0x199: {  	v3 =	vmul.f32 v58, v1;
	[tilespmem:s15+$0x180] =	vst v4  }
0x19a: {  	p1 =	seq.s32 s10, $0xF;
	v63 =	vmul.f32 v59, v1;
	[tilespmem:s15+$0x190] =	vst v61  }
.Ltmp8:
0x19b: {  	[tilespmem:s15+$0x1A0] =	vst v3;
	v3 =	vmul.f32 v60, v1;
	(pc) =	sbr.rel @p1 .LBB2_19-.Ltmp8, $4  }
0x19c: {  	[tilespmem:s15+$0x1B0] =	vst v63;
	v2 =	vmul.f32 v2, v1  }
0x19d: {  	v1 =	vmul.f32 v62, v1;
	[tilespmem:s15+$0x1D0] =	vst v3  }
0x19e: {  	[tilespmem:s15+$0x1C0] =	vst v2  }
0x19f: {  	[tilespmem:s15+$0x1E0] =	vst v1  }
0x1a0: {  	_ =	swait.ge [sflag:s31], $0x2800  }
0x1a1: {  	[sflag:s31] =	ssyncset.done $0x0  }
0x1a2: {  	s14 =	sadd.s32 $0x100, s13;
	s12 =	sand.u32 $0x3FFFFF80, s12;
	[sflag:s31] =	ssyncadd.s32 $0xFFFFD800  }
0x1a3: {  	[tilespmem:s20], [sflag:$0x1] =	stream.indirect.gather [hbm4b:s5+s24], $0x80, s14, s24, $0xb8;
	[tilespmem:$0x1C000] =	vst v63  }
0x1a4: {  	s12 =	sadd.s32 $0x1000, s12  }
0x1a5: {  	[spmem:s1] =	stream.indirect.scatter.add.f32 [tilespmem:s26], [sflag:$0x4], $0x80, s12, s24, $0xb8;
	[tilespmem:$0x1C000] =	vst v63  }
.Ltmp9:
0x1a6: {  	_ = 	snop;
	(pc) =	sbr.rel .LBB2_13-.Ltmp9, $4  }
0x1a7: {  	_ =	swait.ge [sflag:s0], $0x2800  }
0x1a8: {  	[sflag:s0] =	ssyncset.done $0x0  }
0x1a9: {  	s16 =	sadd.s32 $0x180, s13;
	s10 =	sadd.s32 $0x1, s10;
	[sflag:s0] =	ssyncadd.s32 $0xFFFFD800  }
0x1aa: {  	[tilespmem:s26], [sflag:$0x2] =	stream.indirect.gather [hbm4b:s5+s24], $0x80, s16, s24, $0xb8;
	[tilespmem:$0x1C000] =	vst v63  }
.LBB2_11:
0x1ab: {  	[spmem:s1] =	stream.indirect.scatter.add.f32 [tilespmem:s26], [sflag:$0x4], $0x80, s30, s24, $0xb8;
	[tilespmem:$0x1C000] =	vst v63  }
0x1ac: {  	s10 =	sadd.s32 $0x1, s10  }
0x1ad: {  	_ =	swait.ge [sflag:s31], $0x2800;
	p1 =	seq.s32 s10, $0x8  }
.Ltmp10:
0x1ae: {  	[sflag:s31] =	ssyncset.done $0x0;
	(pc) =	sbr.rel @p1 .LBB2_20-.Ltmp10, $4  }
0x1af: {  	[sflag:s31] =	ssyncadd.s32 $0xFFFFD800  }
0x1b0: {  	_ =	swait.ge [sflag:s0], $0x2800  }
0x1b1: {  	[sflag:s0] =	ssyncset.done $0x0  }
0x1b2: {  	[sflag:s0] =	ssyncadd.s32 $0xFFFFD800  }
.LBB2_4:
0x1b3: {  	s11 =	sshll.u32 s10, $0x9  }
0x1b4: {  	s11 =	sadd.s32 s17, s11  }
0x1b5: {  	s12 =	sadd.s32 s6, s11  }
0x1b6: {  	[tilespmem:s2], [sflag:$0x5] =	stream.linear.gather [hbm4b:s12+s2], $0x1000, $0x38;
	[tilespmem:$0x1C000] =	vst v63  }
0x1b7: {  	_ =	swait.ge [sflag:s21], $0x1000  }
0x1b8: {  	[sflag:s21] =	ssyncset.done $0x0  }
0x1b9: {  	s16 =	sadd.s32 s7, s11;
	[sflag:s21] =	ssyncadd.s32 $0xFFFFF000  }
0x1ba: {  	[tilespmem:s22], [sflag:$0x5] =	stream.linear.gather [hbm4b:s16+s2], $0x1000, $0x38;
	[tilespmem:$0x1C000] =	vst v63  }
0x1bb: {  	_ =	swait.ge [sflag:s21], $0x1000  }
0x1bc: {  	[sflag:s21] =	ssyncset.done $0x0  }
0x1bd: {  	s11 =	sadd.s32 s8, s11;
	[sflag:s21] =	ssyncadd.s32 $0xFFFFF000  }
0x1be: {  	[tilespmem:s23], [sflag:$0x5] =	stream.linear.gather [hbm4b:s11+s2], $0x1000, $0x38;
	[tilespmem:$0x1C000] =	vst v63  }
0x1bf: {  	_ =	swait.ge [sflag:s21], $0x1000  }
0x1c0: {  	[sflag:s21] =	ssyncset.done $0x0  }
0x1c1: {  	[sflag:s21] =	ssyncadd.s32 $0xFFFFF000  }
0x1c2: {  	[tilespmem:s20], [sflag:$0x1] =	stream.indirect.gather [hbm4b:s4+s24], $0x80, s2, s24, $0xb8;
	[tilespmem:$0x1C000] =	vst v63  }
0x1c3: {  	s11 =	simm.s32 $0x0  }
0x1c4: {  	[tilespmem:s26], [sflag:$0x2] =	stream.indirect.gather [hbm4b:s4+s24], $0x80, s25, s24, $0xb8;
	[tilespmem:$0x1C000] =	vst v63  }
.LBB2_5:
0x1c5: {  	_ =	swait.ge [sflag:s28], $0x2800  }
0x1c6: {  	s12 =	sshll.u32 s11, $0x8;
	[sflag:s28] =	ssyncset.done $0x0  }
0x1c7: {  	v2 =	vmov s12;
	s12 =	simm.s32 $0x3200;
	[sflag:s28] =	ssyncadd.s32 $0xFFFFD800  }
0x1c8: {  	v6 =	vld [tilespmem:s12+$0x1F0]  }
0x1c9: {  	v4 =	vimm.s32 $0x0;
	v7 =	vld [tilespmem:s12+$0xFFFFFE00]  }
0x1ca: {  	v1 =	vand.u32 $0xFFFFFF80, v4;
	v8 =	vld [tilespmem:s12+$0xFFFFFE10]  }
0x1cb: {  	v3 =	vand.u32 $0x78, v4;
	v1 =	vadd.s32 v2, v1;
	v10 =	vld [tilespmem:s12+$0xFFFFFE20]  }
0x1cc: {  	v3 =	vor.u32 v3, v1;
	v11 =	vld [tilespmem:s12+$0xFFFFFE30]  }
0x1cd: {  	v12 =	vld [tilespmem:s12+$0xFFFFFE40]  }
0x1ce: {  	v13 =	vld [tilespmem:s12+$0xFFFFFE50]  }
0x1cf: {  	v14 =	vld [tilespmem:s12+$0xFFFFFE60]  }
0x1d0: {  	v15 =	vld [tilespmem:s12+$0xFFFFFE80];
	v1 =	vor.u32 $0x7, v3  }
0x1d1: {  	v9 =	vor.u32 $0x1, v3;
	v5 =	vld.idx.msk [tilespmem:v3+s23+$0x0], $0xffff  }
0x1d2: {  	v16 =	vld [tilespmem:s12+$0xFFFFFE90]  }
0x1d3: {  	v18 =	vld [tilespmem:s12+$0xFFFFFEA0]  }
0x1d4: {  	v19 =	vld [tilespmem:s12+$0xFFFFFEB0]  }
0x1d5: {  	v1 =	vld.idx.msk [tilespmem:v1+s23+$0x0], $0xffff  }
0x1d6: {  	v9 =	vld.idx.msk [tilespmem:v9+s23+$0x0], $0xffff;
	v7 =	vmul.f32 v7, v5  }
0x1d7: {  	v20 =	vld [tilespmem:s12+$0xFFFFFEC0];
	v8 =	vmul.f32 v8, v5  }
0x1d8: {  	v39 =	vld [tilespmem:s12+$0xFFFFFED0];
	v10 =	vmul.f32 v10, v5;
	[tilespmem:s12+$0xFFFFFE00] =	vst v7  }
0x1d9: {  	v40 =	vld [tilespmem:s12+$0xFFFFFEF0];
	v11 =	vmul.f32 v11, v5;
	[tilespmem:s12+$0xFFFFFE10] =	vst v8  }
0x1da: {  	v41 =	vld [tilespmem:s12+$0xFFFFFF00];
	v6 =	vmul.f32 v6, v1;
	[tilespmem:s12+$0xFFFFFE20] =	vst v10  }
0x1db: {  	v42 =	vld [tilespmem:s12+$0xFFFFFF10];
	v17 =	vor.u32 $0x2, v3;
	v46 =	vmul.f32 v19, v9;
	[tilespmem:s12+$0xFFFFFE30] =	vst v11  }
0x1dc: {  	v43 =	vld [tilespmem:s12+$0xFFFFFF30];
	v10 =	vmul.f32 v12, v5;
	[tilespmem:s12+$0x1F0] =	vst v6  }
0x1dd: {  	v7 =	vld [tilespmem:s12+$0xFFFFFE70];
	v11 =	vmul.f32 v13, v5;
	[tilespmem:s12+$0xFFFFFEB0] =	vst v46  }
0x1de: {  	v8 =	vld [tilespmem:s12+$0xFFFFFEE0];
	v6 =	vmul.f32 v15, v9;
	[tilespmem:s12+$0xFFFFFE40] =	vst v10  }
0x1df: {  	v44 =	vld [tilespmem:s12+$0xFFFFFF40];
	v10 =	vmul.f32 v14, v5;
	[tilespmem:s12+$0xFFFFFE50] =	vst v11  }
0x1e0: {  	v15 =	vmul.f32 v39, v9;
	[tilespmem:s12+$0xFFFFFE80] =	vst v6;
	v6 =	vld.idx.msk [tilespmem:v17+s23+$0x0], $0xffff  }
0x1e1: {  	v45 =	vld [tilespmem:s12+$0xFFFFFF50];
	[tilespmem:s12+$0xFFFFFE60] =	vst v10;
	v10 =	vmul.f32 v16, v9  }
0x1e2: {  	v47 =	vld [tilespmem:s12+$0xFFFFFF70];
	[tilespmem:s12+$0xFFFFFED0] =	vst v15;
	v5 =	vmul.f32 v7, v5  }
0x1e3: {  	v48 =	vld [tilespmem:s12+$0xFFFFFF90];
	v11 =	vor.u32 $0x3, v3;
	v8 =	vmul.f32 v8, v9;
	[tilespmem:s12+$0xFFFFFE90] =	vst v10  }
0x1e4: {  	v50 =	vld [tilespmem:s12+$0xFFFFFFA0];
	[tilespmem:s12+$0xFFFFFE70] =	vst v5;
	v5 =	vmul.f32 v18, v9  }
0x1e5: {  	v51 =	vld [tilespmem:s12+$0xFFFFFFC0];
	[tilespmem:s12+$0xFFFFFEE0] =	vst v8;
	v10 =	vmul.f32 v41, v6  }
0x1e6: {  	v7 =	vld [tilespmem:s12+$0xFFFFFF20];
	v8 =	vmul.f32 v42, v6;
	[tilespmem:s12+$0xFFFFFEA0] =	vst v5  }
0x1e7: {  	v17 =	vmul.f32 v44, v6;
	v5 =	vld [tilespmem:s12+$0xFFFFFF60];
	[tilespmem:s12+$0xFFFFFF00] =	vst v10  }
0x1e8: {  	v10 =	vld.idx.msk [tilespmem:v11+s23+$0x0], $0xffff;
	v11 =	vmul.f32 v20, v9;
	[tilespmem:s12+$0xFFFFFF10] =	vst v8  }
0x1e9: {  	v52 =	vld [tilespmem:s12+$0xFFFFFFF0];
	v13 =	vmul.f32 v45, v6;
	[tilespmem:s12+$0xFFFFFF40] =	vst v17  }
0x1ea: {  	v9 =	vmul.f32 v40, v9;
	[tilespmem:s12+$0xFFFFFEC0] =	vst v11;
	v11 =	vld [tilespmem:s12+$0xFFFFFF80]  }
0x1eb: {  	v53 =	vld [tilespmem:s12+$0x0];
	v7 =	vmul.f32 v7, v6;
	v8 =	vmul.f32 v43, v6;
	[tilespmem:s12+$0xFFFFFF50] =	vst v13  }
0x1ec: {  	v54 =	vld [tilespmem:s12+$0x10];
	v49 =	vor.u32 $0x4, v3;
	[tilespmem:s12+$0xFFFFFEF0] =	vst v9;
	v5 =	vmul.f32 v5, v6;
	v6 =	vmul.f32 v47, v6  }
0x1ed: {  	v56 =	vld [tilespmem:s12+$0x20];
	[tilespmem:s12+$0xFFFFFF30] =	vst v8  }
0x1ee: {  	v8 =	vld [tilespmem:s12+$0xFFFFFFE0];
	[tilespmem:s12+$0xFFFFFF70] =	vst v6;
	v6 =	vmul.f32 v50, v10  }
0x1ef: {  	v9 =	vld [tilespmem:s12+$0xFFFFFFB0];
	[tilespmem:s12+$0xFFFFFF20] =	vst v7;
	v7 =	vmul.f32 v11, v10  }
0x1f0: {  	v11 =	vld [tilespmem:s12+$0xFFFFFFD0];
	[tilespmem:s12+$0xFFFFFFA0] =	vst v6  }
0x1f1: {  	v6 =	vmul.f32 v51, v10;
	[tilespmem:s12+$0xFFFFFF80] =	vst v7;
	v7 =	vld.idx.msk [tilespmem:v49+s23+$0x0], $0xffff  }
0x1f2: {  	v57 =	vld [tilespmem:s12+$0x40];
	[tilespmem:s12+$0xFFFFFF60] =	vst v5;
	v5 =	vmul.f32 v48, v10  }
0x1f3: {  	v55 =	vor.u32 $0x5, v3;
	v8 =	vmul.f32 v8, v10;
	[tilespmem:s12+$0xFFFFFFC0] =	vst v6;
	v6 =	vld [tilespmem:s12+$0x60]  }
0x1f4: {  	v58 =	vld [tilespmem:s12+$0x50];
	[tilespmem:s12+$0xFFFFFF90] =	vst v5;
	v5 =	vmul.f32 v9, v10  }
0x1f5: {  	v9 =	vld [tilespmem:s12+$0x30];
	[tilespmem:s12+$0xFFFFFFE0] =	vst v8;
	v11 =	vmul.f32 v11, v10  }
0x1f6: {  	v59 =	vld [tilespmem:s12+$0x90];
	[tilespmem:s12+$0xFFFFFFB0] =	vst v5;
	v5 =	vmul.f32 v53, v7  }
0x1f7: {  	v60 =	vld [tilespmem:s12+$0xB0];
	[tilespmem:s12+$0xFFFFFFD0] =	vst v11;
	v8 =	vmul.f32 v54, v7  }
0x1f8: {  	v17 =	vld.idx.msk [tilespmem:v55+s23+$0x0], $0xffff;
	v6 =	vmul.f32 v6, v7;
	[tilespmem:s12+$0x0] =	vst v5  }
0x1f9: {  	v3 =	vor.u32 $0x6, v3;
	v5 =	vmul.f32 v52, v10;
	v10 =	vld [tilespmem:s12+$0x70];
	[tilespmem:s12+$0x10] =	vst v8  }
0x1fa: {  	v11 =	vld [tilespmem:s12+$0x80];
	v8 =	vmul.f32 v9, v7;
	[tilespmem:s12+$0x60] =	vst v6  }
0x1fb: {  	v6 =	vld [tilespmem:s12+$0xF0];
	[tilespmem:s12+$0xFFFFFFF0] =	vst v5;
	v5 =	vmul.f32 v56, v7  }
0x1fc: {  	v9 =	vld [tilespmem:s12+$0xA0];
	[tilespmem:s12+$0x30] =	vst v8;
	v8 =	vmul.f32 v58, v7  }
0x1fd: {  	v61 =	vld [tilespmem:s12+$0xC0];
	[tilespmem:s12+$0x20] =	vst v5;
	v5 =	vmul.f32 v57, v7  }
0x1fe: {  	v3 =	vld.idx.msk [tilespmem:v3+s23+$0x0], $0xffff;
	[tilespmem:s12+$0x50] =	vst v8;
	v7 =	vmul.f32 v10, v7  }
0x1ff: {  	v8 =	vld [tilespmem:s12+$0xE0];
	[tilespmem:s12+$0x40] =	vst v5;
	v5 =	vmul.f32 v11, v17  }
0x200: {  	v10 =	vld [tilespmem:s12+$0x100];
	v6 =	vmul.f32 v6, v17;
	[tilespmem:s12+$0x70] =	vst v7  }
0x201: {  	v11 =	vld [tilespmem:s12+$0xD0];
	v7 =	vmul.f32 v9, v17;
	[tilespmem:s12+$0x80] =	vst v5  }
0x202: {  	v5 =	vmul.f32 v59, v17;
	[tilespmem:s12+$0xF0] =	vst v6  }
0x203: {  	v62 =	vld [tilespmem:s12+$0x110];
	[tilespmem:s12+$0xA0] =	vst v7;
	v7 =	vmul.f32 v61, v17  }
0x204: {  	v63 =	vld [tilespmem:s12+$0x120];
	[tilespmem:s12+$0x90] =	vst v5;
	v5 =	vmul.f32 v60, v17  }
0x205: {  	v9 =	vld [tilespmem:s12+$0x130];
	v10 =	vmul.f32 v10, v3;
	[tilespmem:s12+$0xC0] =	vst v7  }
0x206: {  	[tilespmem:s12+$0xB0] =	vst v5;
	v5 =	vmul.f32 v11, v17;
	v11 =	vmul.f32 v8, v17;
	v8 =	vld [tilespmem:s12+$0x140]  }
0x207: {  	v7 =	vld [tilespmem:s12+$0x150];
	[tilespmem:s12+$0x100] =	vst v10  }
0x208: {  	v6 =	vld [tilespmem:s12+$0x170];
	[tilespmem:s12+$0xE0] =	vst v11;
	v11 =	vmul.f32 v62, v3  }
0x209: {  	s13 =	sshll.u32 s11, $0x1;
	s15 =	simm.s32 $0x0;
	s14 =	simm.s32 $0x3200;
	v4 =	vadd.s32 $0x8, v4;
	v10 =	vmul.f32 v63, v3;
	[tilespmem:s12+$0xD0] =	vst v5;
	v5 =	vld [tilespmem:s12+$0x160]  }
.LBB2_6:
0x20a: {  	v12 =	vand.u32 $0xFFFFFF80, v4;
	s15 =	sadd.s32 $0x8, s15;
	[tilespmem:s12+$0x110] =	vst v11;
	v9 =	vmul.f32 v9, v3;
	v11 =	vld [tilespmem:s12+$0x180]  }
0x20b: {  	v13 =	vand.u32 $0x78, v4;
	v12 =	vadd.s32 v2, v12;
	p1 =	slt.u32 s15, $0x48;
	[tilespmem:s12+$0x120] =	vst v10;
	v8 =	vmul.f32 v8, v3;
	v10 =	vld [tilespmem:s12+$0x190]  }
0x20c: {  	v12 =	vor.u32 v13, v12;
	[tilespmem:s12+$0x130] =	vst v9;
	v7 =	vmul.f32 v7, v3;
	v9 =	vld [tilespmem:s12+$0x1A0]  }
0x20d: {  	v13 =	vor.u32 $0x1, v12;
	v14 =	vor.u32 $0x2, v12;
	v15 =	vor.u32 $0x7, v12;
	[tilespmem:s12+$0x140] =	vst v8;
	v8 =	vld [tilespmem:s12+$0x1B0]  }
0x20e: {  	v16 =	vor.u32 $0x3, v12;
	v17 =	vor.u32 $0x4, v12;
	v18 =	vor.u32 $0x5, v12;
	[tilespmem:s12+$0x150] =	vst v7;
	v7 =	vld [tilespmem:s12+$0x1C0]  }
0x20f: {  	v19 =	vor.u32 $0x6, v12;
	v5 =	vmul.f32 v5, v3;
	v3 =	vmul.f32 v6, v3;
	v6 =	vld [tilespmem:s12+$0x1D0]  }
0x210: {  	v11 =	vmul.f32 v11, v1;
	v10 =	vmul.f32 v10, v1;
	v20 =	vld [tilespmem:s12+$0x1E0]  }
0x211: {  	v12 =	vld.idx.msk [tilespmem:v12+s23+$0x0], $0xffff;
	[tilespmem:s12+$0x160] =	vst v5;
	v5 =	vmul.f32 v9, v1  }
0x212: {  	s12 =	sadd.s32 $0x400, s12;
	v9 =	vld.idx.msk [tilespmem:v15+s23+$0x0], $0xffff;
	[tilespmem:s14+$0x170] =	vst v3;
	v3 =	vmul.f32 v8, v1  }
0x213: {  	v8 =	vld [tilespmem:s12+$0x1F0];
	[tilespmem:s14+$0x180] =	vst v11;
	v11 =	vmul.f32 v7, v1  }
0x214: {  	v13 =	vld.idx.msk [tilespmem:v13+s23+$0x0], $0xffff;
	[tilespmem:s14+$0x190] =	vst v10;
	v10 =	vmul.f32 v6, v1  }
0x215: {  	v14 =	vld.idx.msk [tilespmem:v14+s23+$0x0], $0xffff;
	[tilespmem:s14+$0x1A0] =	vst v5;
	v15 =	vmul.f32 v20, v1  }
0x216: {  	v7 =	vld.idx.msk [tilespmem:v16+s23+$0x0], $0xffff;
	[tilespmem:s14+$0x1B0] =	vst v3  }
0x217: {  	v6 =	vld.idx.msk [tilespmem:v17+s23+$0x0], $0xffff;
	[tilespmem:s14+$0x1C0] =	vst v11  }
0x218: {  	v1 =	vmov v9;
	v5 =	vld.idx.msk [tilespmem:v18+s23+$0x0], $0xffff;
	v8 =	vmul.f32 v8, v9;
	[tilespmem:s14+$0x1D0] =	vst v10  }
0x219: {  	v3 =	vld.idx.msk [tilespmem:v19+s23+$0x0], $0xffff;
	[tilespmem:s14+$0x1E0] =	vst v15;
	s14 =	smov.u32 s12  }
0x21a: {  	v9 =	vld [tilespmem:s12+$0xFFFFFE00];
	[tilespmem:s12+$0x1F0] =	vst v8  }
0x21b: {  	v8 =	vld [tilespmem:s12+$0xFFFFFE10]  }
0x21c: {  	v10 =	vld [tilespmem:s12+$0xFFFFFE20]  }
0x21d: {  	v11 =	vld [tilespmem:s12+$0xFFFFFE30]  }
0x21e: {  	v15 =	vld [tilespmem:s12+$0xFFFFFE40]  }
0x21f: {  	v9 =	vmul.f32 v9, v12;
	v16 =	vld [tilespmem:s12+$0xFFFFFE50]  }
0x220: {  	v8 =	vmul.f32 v8, v12;
	v17 =	vld [tilespmem:s12+$0xFFFFFE60]  }
0x221: {  	[tilespmem:s12+$0xFFFFFE00] =	vst v9;
	v9 =	vmul.f32 v10, v12;
	v10 =	vld [tilespmem:s12+$0xFFFFFE70]  }
0x222: {  	[tilespmem:s12+$0xFFFFFE10] =	vst v8;
	v8 =	vmul.f32 v11, v12;
	v11 =	vld [tilespmem:s12+$0xFFFFFE80]  }
0x223: {  	[tilespmem:s12+$0xFFFFFE20] =	vst v9;
	v9 =	vmul.f32 v15, v12;
	v15 =	vld [tilespmem:s12+$0xFFFFFE90]  }
0x224: {  	[tilespmem:s12+$0xFFFFFE30] =	vst v8;
	v8 =	vmul.f32 v16, v12;
	v16 =	vld [tilespmem:s12+$0xFFFFFEA0]  }
0x225: {  	[tilespmem:s12+$0xFFFFFE40] =	vst v9;
	v9 =	vmul.f32 v17, v12;
	v17 =	vld [tilespmem:s12+$0xFFFFFEB0]  }
0x226: {  	[tilespmem:s12+$0xFFFFFE50] =	vst v8;
	v8 =	vmul.f32 v10, v12;
	v10 =	vld [tilespmem:s12+$0xFFFFFEC0]  }
0x227: {  	[tilespmem:s12+$0xFFFFFE60] =	vst v9;
	v9 =	vmul.f32 v11, v13;
	v11 =	vld [tilespmem:s12+$0xFFFFFED0]  }
0x228: {  	[tilespmem:s12+$0xFFFFFE70] =	vst v8;
	v8 =	vmul.f32 v15, v13;
	v12 =	vld [tilespmem:s12+$0xFFFFFEE0]  }
0x229: {  	[tilespmem:s12+$0xFFFFFE80] =	vst v9;
	v9 =	vmul.f32 v16, v13;
	v15 =	vld [tilespmem:s12+$0xFFFFFEF0]  }
0x22a: {  	[tilespmem:s12+$0xFFFFFE90] =	vst v8;
	v8 =	vmul.f32 v17, v13;
	v16 =	vld [tilespmem:s12+$0xFFFFFF00]  }
0x22b: {  	[tilespmem:s12+$0xFFFFFEA0] =	vst v9;
	v9 =	vmul.f32 v10, v13;
	v10 =	vld [tilespmem:s12+$0xFFFFFF10]  }
0x22c: {  	[tilespmem:s12+$0xFFFFFEB0] =	vst v8;
	v8 =	vmul.f32 v11, v13;
	v11 =	vld [tilespmem:s12+$0xFFFFFF20]  }
0x22d: {  	[tilespmem:s12+$0xFFFFFEC0] =	vst v9;
	v9 =	vmul.f32 v12, v13;
	v12 =	vld [tilespmem:s12+$0xFFFFFF30]  }
0x22e: {  	[tilespmem:s12+$0xFFFFFED0] =	vst v8;
	v8 =	vmul.f32 v15, v13;
	v13 =	vld [tilespmem:s12+$0xFFFFFF40]  }
0x22f: {  	[tilespmem:s12+$0xFFFFFEE0] =	vst v9;
	v9 =	vmul.f32 v16, v14;
	v15 =	vld [tilespmem:s12+$0xFFFFFF50]  }
0x230: {  	[tilespmem:s12+$0xFFFFFEF0] =	vst v8;
	v8 =	vmul.f32 v10, v14;
	v10 =	vld [tilespmem:s12+$0xFFFFFF60]  }
0x231: {  	[tilespmem:s12+$0xFFFFFF00] =	vst v9;
	v9 =	vmul.f32 v11, v14;
	v11 =	vld [tilespmem:s12+$0xFFFFFF70]  }
0x232: {  	[tilespmem:s12+$0xFFFFFF10] =	vst v8;
	v8 =	vmul.f32 v12, v14;
	v12 =	vld [tilespmem:s12+$0xFFFFFF80]  }
0x233: {  	[tilespmem:s12+$0xFFFFFF20] =	vst v9;
	v9 =	vmul.f32 v13, v14;
	v13 =	vld [tilespmem:s12+$0xFFFFFF90]  }
0x234: {  	[tilespmem:s12+$0xFFFFFF30] =	vst v8;
	v8 =	vmul.f32 v15, v14;
	v15 =	vld [tilespmem:s12+$0xFFFFFFA0]  }
0x235: {  	[tilespmem:s12+$0xFFFFFF40] =	vst v9;
	v9 =	vmul.f32 v10, v14;
	v10 =	vld [tilespmem:s12+$0xFFFFFFB0]  }
0x236: {  	[tilespmem:s12+$0xFFFFFF50] =	vst v8;
	v8 =	vmul.f32 v11, v14;
	v11 =	vld [tilespmem:s12+$0xFFFFFFC0]  }
0x237: {  	[tilespmem:s12+$0xFFFFFF60] =	vst v9;
	v9 =	vmul.f32 v12, v7;
	v12 =	vld [tilespmem:s12+$0xFFFFFFD0]  }
0x238: {  	[tilespmem:s12+$0xFFFFFF70] =	vst v8;
	v8 =	vmul.f32 v13, v7;
	v13 =	vld [tilespmem:s12+$0xFFFFFFE0]  }
0x239: {  	[tilespmem:s12+$0xFFFFFF80] =	vst v9;
	v9 =	vmul.f32 v15, v7;
	v14 =	vld [tilespmem:s12+$0xFFFFFFF0]  }
0x23a: {  	[tilespmem:s12+$0xFFFFFF90] =	vst v8;
	v8 =	vmul.f32 v10, v7;
	v10 =	vld [tilespmem:s12+$0x0]  }
0x23b: {  	[tilespmem:s12+$0xFFFFFFA0] =	vst v9;
	v9 =	vmul.f32 v11, v7;
	v11 =	vld [tilespmem:s12+$0x10]  }
0x23c: {  	[tilespmem:s12+$0xFFFFFFB0] =	vst v8;
	v8 =	vmul.f32 v12, v7;
	v12 =	vld [tilespmem:s12+$0x20]  }
0x23d: {  	[tilespmem:s12+$0xFFFFFFC0] =	vst v9;
	v9 =	vmul.f32 v13, v7;
	v13 =	vld [tilespmem:s12+$0x30]  }
0x23e: {  	[tilespmem:s12+$0xFFFFFFD0] =	vst v8;
	v7 =	vmul.f32 v14, v7;
	v8 =	vld [tilespmem:s12+$0x40]  }
0x23f: {  	[tilespmem:s12+$0xFFFFFFE0] =	vst v9;
	v9 =	vmul.f32 v10, v6;
	v10 =	vld [tilespmem:s12+$0x50]  }
0x240: {  	[tilespmem:s12+$0xFFFFFFF0] =	vst v7;
	v7 =	vmul.f32 v11, v6;
	v11 =	vld [tilespmem:s12+$0x60]  }
0x241: {  	[tilespmem:s12+$0x0] =	vst v9;
	v9 =	vmul.f32 v12, v6;
	v12 =	vld [tilespmem:s12+$0x70]  }
0x242: {  	[tilespmem:s12+$0x10] =	vst v7;
	v7 =	vmul.f32 v13, v6;
	v13 =	vld [tilespmem:s12+$0x80]  }
0x243: {  	[tilespmem:s12+$0x20] =	vst v9;
	v8 =	vmul.f32 v8, v6;
	v9 =	vld [tilespmem:s12+$0x90]  }
0x244: {  	[tilespmem:s12+$0x30] =	vst v7;
	v7 =	vmul.f32 v10, v6;
	v10 =	vld [tilespmem:s12+$0xA0]  }
0x245: {  	[tilespmem:s12+$0x40] =	vst v8;
	v8 =	vmul.f32 v11, v6;
	v11 =	vld [tilespmem:s12+$0xB0]  }
0x246: {  	[tilespmem:s12+$0x50] =	vst v7;
	v6 =	vmul.f32 v12, v6;
	v7 =	vld [tilespmem:s12+$0xC0]  }
0x247: {  	[tilespmem:s12+$0x60] =	vst v8;
	v8 =	vmul.f32 v13, v5;
	v12 =	vld [tilespmem:s12+$0xD0]  }
0x248: {  	[tilespmem:s12+$0x70] =	vst v6;
	v6 =	vmul.f32 v9, v5;
	v9 =	vld [tilespmem:s12+$0xE0]  }
0x249: {  	[tilespmem:s12+$0x80] =	vst v8;
	v8 =	vmul.f32 v10, v5;
	v10 =	vld [tilespmem:s12+$0xF0]  }
0x24a: {  	[tilespmem:s12+$0x90] =	vst v6;
	v6 =	vmul.f32 v11, v5;
	v11 =	vld [tilespmem:s12+$0x100]  }
0x24b: {  	[tilespmem:s12+$0xA0] =	vst v8;
	v7 =	vmul.f32 v7, v5;
	v13 =	vld [tilespmem:s12+$0x110]  }
0x24c: {  	[tilespmem:s12+$0xB0] =	vst v6;
	v6 =	vmul.f32 v12, v5;
	v12 =	vld [tilespmem:s12+$0x120]  }
.Ltmp11:
0x24d: {  	[tilespmem:s12+$0xC0] =	vst v7;
	v7 =	vmul.f32 v9, v5;
	v9 =	vld [tilespmem:s12+$0x130];
	(pc) =	sbr.rel @p1 .LBB2_6-.Ltmp11, $4  }
0x24e: {  	[tilespmem:s12+$0xD0] =	vst v6;
	v5 =	vmul.f32 v10, v5;
	v8 =	vld [tilespmem:s12+$0x140]  }
0x24f: {  	[tilespmem:s12+$0xE0] =	vst v7;
	v6 =	vmul.f32 v11, v3;
	v7 =	vld [tilespmem:s12+$0x150]  }
0x250: {  	[tilespmem:s12+$0xF0] =	vst v5;
	v11 =	vmul.f32 v13, v3;
	v5 =	vld [tilespmem:s12+$0x160]  }
0x251: {  	v4 =	vadd.s32 $0x8, v4;
	[tilespmem:s12+$0x100] =	vst v6;
	v10 =	vmul.f32 v12, v3;
	v6 =	vld [tilespmem:s12+$0x170]  }
0x252: {  	[tilespmem:s12+$0x110] =	vst v11;
	v2 =	vmul.f32 v9, v3;
	v4 =	vld [tilespmem:s12+$0x180]  }
0x253: {  	v9 =	vld [tilespmem:s12+$0x190];
	[tilespmem:s12+$0x120] =	vst v10;
	v8 =	vmul.f32 v8, v3  }
0x254: {  	[tilespmem:s12+$0x130] =	vst v2;
	v2 =	vmul.f32 v7, v3;
	v7 =	vld [tilespmem:s12+$0x1A0]  }
0x255: {  	[tilespmem:s12+$0x140] =	vst v8;
	v8 =	vld [tilespmem:s12+$0x1B0];
	v5 =	vmul.f32 v5, v3  }
0x256: {  	[tilespmem:s12+$0x150] =	vst v2;
	v2 =	vld [tilespmem:s12+$0x1C0];
	v3 =	vmul.f32 v6, v3  }
0x257: {  	v6 =	vld [tilespmem:s12+$0x1D0];
	v4 =	vmul.f32 v4, v1;
	[tilespmem:s12+$0x160] =	vst v5  }
0x258: {  	v5 =	vmul.f32 v9, v1;
	v9 =	vld [tilespmem:s12+$0x1E0];
	[tilespmem:s14+$0x170] =	vst v3  }
0x259: {  	v3 =	vmul.f32 v7, v1;
	[tilespmem:s14+$0x180] =	vst v4  }
0x25a: {  	[tilespmem:s14+$0x190] =	vst v5;
	v4 =	vmul.f32 v8, v1  }
0x25b: {  	v2 =	vmul.f32 v2, v1;
	[tilespmem:s14+$0x1A0] =	vst v3  }
0x25c: {  	v3 =	vmul.f32 v6, v1;
	[tilespmem:s14+$0x1B0] =	vst v4  }
0x25d: {  	s13 =	sor.u32 $0x1, s13;
	s15 =	sshll.u32 s11, $0xA;
	v1 =	vmul.f32 v9, v1;
	[tilespmem:s14+$0x1C0] =	vst v2  }
0x25e: {  	s12 =	sshll.u32 s13, $0x7;
	s13 =	sshrl.u32 s15, $0x2;
	[tilespmem:s14+$0x1D0] =	vst v3  }
0x25f: {  	s16 =	sadd.s32 $0x1000, s13;
	[tilespmem:s14+$0x1E0] =	vst v1  }
0x260: {  	[spmem:s1] =	stream.indirect.scatter.add.f32 [tilespmem:s20], [sflag:$0x3], $0x80, s16, s24, $0xb8;
	[tilespmem:$0x1C000] =	vst v63  }
0x261: {  	_ =	swait.ge [sflag:s29], $0x2800  }
0x262: {  	[sflag:s29] =	ssyncset.done $0x0  }
0x263: {  	s14 =	simm.s32 $0x5A00;
	[sflag:s29] =	ssyncadd.s32 $0xFFFFD800  }
0x264: {  	v6 =	vld [tilespmem:s14+$0x1F0]  }
0x265: {  	v4 =	vimm.s32 $0x0;
	v7 =	vld [tilespmem:s14+$0xFFFFFE00]  }
0x266: {  	v2 =	vmov s12;
	v5 =	vand.u32 $0xFFFFFF80, v4;
	v8 =	vld [tilespmem:s14+$0xFFFFFE10]  }
0x267: {  	v3 =	vand.u32 $0x78, v4;
	v5 =	vadd.s32 v2, v5;
	v10 =	vld [tilespmem:s14+$0xFFFFFE20]  }
0x268: {  	v3 =	vor.u32 v3, v5;
	v11 =	vld [tilespmem:s14+$0xFFFFFE30]  }
0x269: {  	v12 =	vld [tilespmem:s14+$0xFFFFFE40]  }
0x26a: {  	v13 =	vld [tilespmem:s14+$0xFFFFFE50]  }
0x26b: {  	v14 =	vld [tilespmem:s14+$0xFFFFFE60]  }
0x26c: {  	v1 =	vor.u32 $0x7, v3;
	v15 =	vld [tilespmem:s14+$0xFFFFFE80]  }
0x26d: {  	v9 =	vor.u32 $0x1, v3;
	v5 =	vld.idx.msk [tilespmem:v3+s23+$0x0], $0xffff  }
0x26e: {  	v16 =	vld [tilespmem:s14+$0xFFFFFE90]  }
0x26f: {  	v18 =	vld [tilespmem:s14+$0xFFFFFEA0]  }
0x270: {  	v19 =	vld [tilespmem:s14+$0xFFFFFEB0]  }
0x271: {  	v1 =	vld.idx.msk [tilespmem:v1+s23+$0x0], $0xffff  }
0x272: {  	v9 =	vld.idx.msk [tilespmem:v9+s23+$0x0], $0xffff;
	v7 =	vmul.f32 v7, v5  }
0x273: {  	v20 =	vld [tilespmem:s14+$0xFFFFFEC0];
	v8 =	vmul.f32 v8, v5  }
0x274: {  	v39 =	vld [tilespmem:s14+$0xFFFFFED0];
	v10 =	vmul.f32 v10, v5;
	[tilespmem:s14+$0xFFFFFE00] =	vst v7  }
0x275: {  	v40 =	vld [tilespmem:s14+$0xFFFFFEF0];
	v11 =	vmul.f32 v11, v5;
	[tilespmem:s14+$0xFFFFFE10] =	vst v8  }
0x276: {  	v41 =	vld [tilespmem:s14+$0xFFFFFF00];
	v6 =	vmul.f32 v6, v1;
	[tilespmem:s14+$0xFFFFFE20] =	vst v10  }
0x277: {  	v17 =	vor.u32 $0x2, v3;
	v42 =	vld [tilespmem:s14+$0xFFFFFF10];
	v46 =	vmul.f32 v19, v9;
	[tilespmem:s14+$0xFFFFFE30] =	vst v11  }
0x278: {  	v43 =	vld [tilespmem:s14+$0xFFFFFF30];
	v10 =	vmul.f32 v12, v5;
	[tilespmem:s14+$0x1F0] =	vst v6  }
0x279: {  	v7 =	vld [tilespmem:s14+$0xFFFFFE70];
	v11 =	vmul.f32 v13, v5;
	[tilespmem:s14+$0xFFFFFEB0] =	vst v46  }
0x27a: {  	v8 =	vld [tilespmem:s14+$0xFFFFFEE0];
	v6 =	vmul.f32 v15, v9;
	[tilespmem:s14+$0xFFFFFE40] =	vst v10  }
0x27b: {  	v44 =	vld [tilespmem:s14+$0xFFFFFF40];
	v10 =	vmul.f32 v14, v5;
	[tilespmem:s14+$0xFFFFFE50] =	vst v11  }
0x27c: {  	v15 =	vmul.f32 v39, v9;
	[tilespmem:s14+$0xFFFFFE80] =	vst v6;
	v6 =	vld.idx.msk [tilespmem:v17+s23+$0x0], $0xffff  }
0x27d: {  	v45 =	vld [tilespmem:s14+$0xFFFFFF50];
	[tilespmem:s14+$0xFFFFFE60] =	vst v10;
	v10 =	vmul.f32 v16, v9  }
0x27e: {  	v47 =	vld [tilespmem:s14+$0xFFFFFF70];
	[tilespmem:s14+$0xFFFFFED0] =	vst v15;
	v5 =	vmul.f32 v7, v5  }
0x27f: {  	v48 =	vld [tilespmem:s14+$0xFFFFFF90];
	v11 =	vor.u32 $0x3, v3;
	v8 =	vmul.f32 v8, v9;
	[tilespmem:s14+$0xFFFFFE90] =	vst v10  }
0x280: {  	v50 =	vld [tilespmem:s14+$0xFFFFFFA0];
	[tilespmem:s14+$0xFFFFFE70] =	vst v5;
	v5 =	vmul.f32 v18, v9  }
0x281: {  	v51 =	vld [tilespmem:s14+$0xFFFFFFC0];
	[tilespmem:s14+$0xFFFFFEE0] =	vst v8;
	v10 =	vmul.f32 v41, v6  }
0x282: {  	v7 =	vld [tilespmem:s14+$0xFFFFFF20];
	v8 =	vmul.f32 v42, v6;
	[tilespmem:s14+$0xFFFFFEA0] =	vst v5  }
0x283: {  	v17 =	vmul.f32 v44, v6;
	v5 =	vld [tilespmem:s14+$0xFFFFFF60];
	[tilespmem:s14+$0xFFFFFF00] =	vst v10  }
0x284: {  	v10 =	vld.idx.msk [tilespmem:v11+s23+$0x0], $0xffff;
	v11 =	vmul.f32 v20, v9;
	[tilespmem:s14+$0xFFFFFF10] =	vst v8  }
0x285: {  	v52 =	vld [tilespmem:s14+$0xFFFFFFF0];
	v13 =	vmul.f32 v45, v6;
	[tilespmem:s14+$0xFFFFFF40] =	vst v17  }
0x286: {  	v9 =	vmul.f32 v40, v9;
	[tilespmem:s14+$0xFFFFFEC0] =	vst v11;
	v11 =	vld [tilespmem:s14+$0xFFFFFF80]  }
0x287: {  	v53 =	vld [tilespmem:s14+$0x0];
	v7 =	vmul.f32 v7, v6;
	v8 =	vmul.f32 v43, v6;
	[tilespmem:s14+$0xFFFFFF50] =	vst v13  }
0x288: {  	v49 =	vor.u32 $0x4, v3;
	v54 =	vld [tilespmem:s14+$0x10];
	[tilespmem:s14+$0xFFFFFEF0] =	vst v9;
	v5 =	vmul.f32 v5, v6;
	v6 =	vmul.f32 v47, v6  }
0x289: {  	v56 =	vld [tilespmem:s14+$0x20];
	[tilespmem:s14+$0xFFFFFF30] =	vst v8  }
0x28a: {  	v8 =	vld [tilespmem:s14+$0xFFFFFFE0];
	[tilespmem:s14+$0xFFFFFF70] =	vst v6;
	v6 =	vmul.f32 v50, v10  }
0x28b: {  	v9 =	vld [tilespmem:s14+$0xFFFFFFB0];
	[tilespmem:s14+$0xFFFFFF20] =	vst v7;
	v7 =	vmul.f32 v11, v10  }
0x28c: {  	v11 =	vld [tilespmem:s14+$0xFFFFFFD0];
	[tilespmem:s14+$0xFFFFFFA0] =	vst v6  }
0x28d: {  	v6 =	vmul.f32 v51, v10;
	[tilespmem:s14+$0xFFFFFF80] =	vst v7;
	v7 =	vld.idx.msk [tilespmem:v49+s23+$0x0], $0xffff  }
0x28e: {  	v57 =	vld [tilespmem:s14+$0x40];
	[tilespmem:s14+$0xFFFFFF60] =	vst v5;
	v5 =	vmul.f32 v48, v10  }
0x28f: {  	v55 =	vor.u32 $0x5, v3;
	v8 =	vmul.f32 v8, v10;
	[tilespmem:s14+$0xFFFFFFC0] =	vst v6;
	v6 =	vld [tilespmem:s14+$0x60]  }
0x290: {  	v58 =	vld [tilespmem:s14+$0x50];
	[tilespmem:s14+$0xFFFFFF90] =	vst v5;
	v5 =	vmul.f32 v9, v10  }
0x291: {  	v9 =	vld [tilespmem:s14+$0x30];
	[tilespmem:s14+$0xFFFFFFE0] =	vst v8;
	v11 =	vmul.f32 v11, v10  }
0x292: {  	v59 =	vld [tilespmem:s14+$0x90];
	[tilespmem:s14+$0xFFFFFFB0] =	vst v5;
	v5 =	vmul.f32 v53, v7  }
0x293: {  	v60 =	vld [tilespmem:s14+$0xB0];
	[tilespmem:s14+$0xFFFFFFD0] =	vst v11;
	v8 =	vmul.f32 v54, v7  }
0x294: {  	v17 =	vld.idx.msk [tilespmem:v55+s23+$0x0], $0xffff;
	v6 =	vmul.f32 v6, v7;
	[tilespmem:s14+$0x0] =	vst v5  }
0x295: {  	v3 =	vor.u32 $0x6, v3;
	v5 =	vmul.f32 v52, v10;
	v10 =	vld [tilespmem:s14+$0x70];
	[tilespmem:s14+$0x10] =	vst v8  }
0x296: {  	v11 =	vld [tilespmem:s14+$0x80];
	v8 =	vmul.f32 v9, v7;
	[tilespmem:s14+$0x60] =	vst v6  }
0x297: {  	v6 =	vld [tilespmem:s14+$0xF0];
	[tilespmem:s14+$0xFFFFFFF0] =	vst v5;
	v5 =	vmul.f32 v56, v7  }
0x298: {  	v9 =	vld [tilespmem:s14+$0xA0];
	[tilespmem:s14+$0x30] =	vst v8;
	v8 =	vmul.f32 v58, v7  }
0x299: {  	v61 =	vld [tilespmem:s14+$0xC0];
	[tilespmem:s14+$0x20] =	vst v5;
	v5 =	vmul.f32 v57, v7  }
0x29a: {  	v3 =	vld.idx.msk [tilespmem:v3+s23+$0x0], $0xffff;
	[tilespmem:s14+$0x50] =	vst v8;
	v7 =	vmul.f32 v10, v7  }
0x29b: {  	v8 =	vld [tilespmem:s14+$0xE0];
	[tilespmem:s14+$0x40] =	vst v5;
	v5 =	vmul.f32 v11, v17  }
0x29c: {  	v10 =	vld [tilespmem:s14+$0x100];
	v6 =	vmul.f32 v6, v17;
	[tilespmem:s14+$0x70] =	vst v7  }
0x29d: {  	v11 =	vld [tilespmem:s14+$0xD0];
	v7 =	vmul.f32 v9, v17;
	[tilespmem:s14+$0x80] =	vst v5  }
0x29e: {  	v5 =	vmul.f32 v59, v17;
	[tilespmem:s14+$0xF0] =	vst v6  }
0x29f: {  	v62 =	vld [tilespmem:s14+$0x110];
	[tilespmem:s14+$0xA0] =	vst v7;
	v7 =	vmul.f32 v61, v17  }
0x2a0: {  	v63 =	vld [tilespmem:s14+$0x120];
	[tilespmem:s14+$0x90] =	vst v5;
	v5 =	vmul.f32 v60, v17  }
0x2a1: {  	v9 =	vld [tilespmem:s14+$0x130];
	v10 =	vmul.f32 v10, v3;
	[tilespmem:s14+$0xC0] =	vst v7  }
0x2a2: {  	[tilespmem:s14+$0xB0] =	vst v5;
	v5 =	vmul.f32 v11, v17;
	v11 =	vmul.f32 v8, v17;
	v8 =	vld [tilespmem:s14+$0x140]  }
0x2a3: {  	v7 =	vld [tilespmem:s14+$0x150];
	[tilespmem:s14+$0x100] =	vst v10  }
0x2a4: {  	v6 =	vld [tilespmem:s14+$0x170];
	[tilespmem:s14+$0xE0] =	vst v11;
	v11 =	vmul.f32 v62, v3  }
0x2a5: {  	s15 =	simm.s32 $0x5A00;
	v4 =	vadd.s32 $0x8, v4;
	s16 =	simm.s32 $0x0;
	v10 =	vmul.f32 v63, v3;
	[tilespmem:s14+$0xD0] =	vst v5;
	v5 =	vld [tilespmem:s14+$0x160]  }
.LBB2_8:
0x2a6: {  	v12 =	vand.u32 $0xFFFFFF80, v4;
	s16 =	sadd.s32 $0x8, s16;
	[tilespmem:s14+$0x110] =	vst v11;
	v9 =	vmul.f32 v9, v3;
	v11 =	vld [tilespmem:s14+$0x180]  }
0x2a7: {  	v13 =	vand.u32 $0x78, v4;
	v12 =	vadd.s32 v2, v12;
	p1 =	slt.u32 s16, $0x48;
	[tilespmem:s14+$0x120] =	vst v10;
	v8 =	vmul.f32 v8, v3;
	v10 =	vld [tilespmem:s14+$0x190]  }
0x2a8: {  	v12 =	vor.u32 v13, v12;
	[tilespmem:s14+$0x130] =	vst v9;
	v7 =	vmul.f32 v7, v3;
	v9 =	vld [tilespmem:s14+$0x1A0]  }
0x2a9: {  	v13 =	vor.u32 $0x1, v12;
	v14 =	vor.u32 $0x2, v12;
	v15 =	vor.u32 $0x7, v12;
	[tilespmem:s14+$0x140] =	vst v8;
	v8 =	vld [tilespmem:s14+$0x1B0]  }
0x2aa: {  	v16 =	vor.u32 $0x3, v12;
	v17 =	vor.u32 $0x4, v12;
	v18 =	vor.u32 $0x5, v12;
	[tilespmem:s14+$0x150] =	vst v7;
	v7 =	vld [tilespmem:s14+$0x1C0]  }
0x2ab: {  	v19 =	vor.u32 $0x6, v12;
	v5 =	vmul.f32 v5, v3;
	v3 =	vmul.f32 v6, v3;
	v6 =	vld [tilespmem:s14+$0x1D0]  }
0x2ac: {  	v11 =	vmul.f32 v11, v1;
	v10 =	vmul.f32 v10, v1;
	v20 =	vld [tilespmem:s14+$0x1E0]  }
0x2ad: {  	v12 =	vld.idx.msk [tilespmem:v12+s23+$0x0], $0xffff;
	[tilespmem:s14+$0x160] =	vst v5;
	v5 =	vmul.f32 v9, v1  }
0x2ae: {  	s14 =	sadd.s32 $0x400, s14;
	v9 =	vld.idx.msk [tilespmem:v15+s23+$0x0], $0xffff;
	[tilespmem:s15+$0x170] =	vst v3;
	v3 =	vmul.f32 v8, v1  }
0x2af: {  	v8 =	vld [tilespmem:s14+$0x1F0];
	[tilespmem:s15+$0x180] =	vst v11;
	v11 =	vmul.f32 v7, v1  }
0x2b0: {  	v13 =	vld.idx.msk [tilespmem:v13+s23+$0x0], $0xffff;
	[tilespmem:s15+$0x190] =	vst v10;
	v10 =	vmul.f32 v6, v1  }
0x2b1: {  	v14 =	vld.idx.msk [tilespmem:v14+s23+$0x0], $0xffff;
	[tilespmem:s15+$0x1A0] =	vst v5;
	v15 =	vmul.f32 v20, v1  }
0x2b2: {  	v7 =	vld.idx.msk [tilespmem:v16+s23+$0x0], $0xffff;
	[tilespmem:s15+$0x1B0] =	vst v3  }
0x2b3: {  	v6 =	vld.idx.msk [tilespmem:v17+s23+$0x0], $0xffff;
	[tilespmem:s15+$0x1C0] =	vst v11  }
0x2b4: {  	v1 =	vmov v9;
	v5 =	vld.idx.msk [tilespmem:v18+s23+$0x0], $0xffff;
	v8 =	vmul.f32 v8, v9;
	[tilespmem:s15+$0x1D0] =	vst v10  }
0x2b5: {  	v3 =	vld.idx.msk [tilespmem:v19+s23+$0x0], $0xffff;
	[tilespmem:s15+$0x1E0] =	vst v15;
	s15 =	smov.u32 s14  }
0x2b6: {  	v9 =	vld [tilespmem:s14+$0xFFFFFE00];
	[tilespmem:s14+$0x1F0] =	vst v8  }
0x2b7: {  	v8 =	vld [tilespmem:s14+$0xFFFFFE10]  }
0x2b8: {  	v10 =	vld [tilespmem:s14+$0xFFFFFE20]  }
0x2b9: {  	v11 =	vld [tilespmem:s14+$0xFFFFFE30]  }
0x2ba: {  	v15 =	vld [tilespmem:s14+$0xFFFFFE40]  }
0x2bb: {  	v9 =	vmul.f32 v9, v12;
	v16 =	vld [tilespmem:s14+$0xFFFFFE50]  }
0x2bc: {  	v8 =	vmul.f32 v8, v12;
	v17 =	vld [tilespmem:s14+$0xFFFFFE60]  }
0x2bd: {  	[tilespmem:s14+$0xFFFFFE00] =	vst v9;
	v9 =	vmul.f32 v10, v12;
	v10 =	vld [tilespmem:s14+$0xFFFFFE70]  }
0x2be: {  	[tilespmem:s14+$0xFFFFFE10] =	vst v8;
	v8 =	vmul.f32 v11, v12;
	v11 =	vld [tilespmem:s14+$0xFFFFFE80]  }
0x2bf: {  	[tilespmem:s14+$0xFFFFFE20] =	vst v9;
	v9 =	vmul.f32 v15, v12;
	v15 =	vld [tilespmem:s14+$0xFFFFFE90]  }
0x2c0: {  	[tilespmem:s14+$0xFFFFFE30] =	vst v8;
	v8 =	vmul.f32 v16, v12;
	v16 =	vld [tilespmem:s14+$0xFFFFFEA0]  }
0x2c1: {  	[tilespmem:s14+$0xFFFFFE40] =	vst v9;
	v9 =	vmul.f32 v17, v12;
	v17 =	vld [tilespmem:s14+$0xFFFFFEB0]  }
0x2c2: {  	[tilespmem:s14+$0xFFFFFE50] =	vst v8;
	v8 =	vmul.f32 v10, v12;
	v10 =	vld [tilespmem:s14+$0xFFFFFEC0]  }
0x2c3: {  	[tilespmem:s14+$0xFFFFFE60] =	vst v9;
	v9 =	vmul.f32 v11, v13;
	v11 =	vld [tilespmem:s14+$0xFFFFFED0]  }
0x2c4: {  	[tilespmem:s14+$0xFFFFFE70] =	vst v8;
	v8 =	vmul.f32 v15, v13;
	v12 =	vld [tilespmem:s14+$0xFFFFFEE0]  }
0x2c5: {  	[tilespmem:s14+$0xFFFFFE80] =	vst v9;
	v9 =	vmul.f32 v16, v13;
	v15 =	vld [tilespmem:s14+$0xFFFFFEF0]  }
0x2c6: {  	[tilespmem:s14+$0xFFFFFE90] =	vst v8;
	v8 =	vmul.f32 v17, v13;
	v16 =	vld [tilespmem:s14+$0xFFFFFF00]  }
0x2c7: {  	[tilespmem:s14+$0xFFFFFEA0] =	vst v9;
	v9 =	vmul.f32 v10, v13;
	v10 =	vld [tilespmem:s14+$0xFFFFFF10]  }
0x2c8: {  	[tilespmem:s14+$0xFFFFFEB0] =	vst v8;
	v8 =	vmul.f32 v11, v13;
	v11 =	vld [tilespmem:s14+$0xFFFFFF20]  }
0x2c9: {  	[tilespmem:s14+$0xFFFFFEC0] =	vst v9;
	v9 =	vmul.f32 v12, v13;
	v12 =	vld [tilespmem:s14+$0xFFFFFF30]  }
0x2ca: {  	[tilespmem:s14+$0xFFFFFED0] =	vst v8;
	v8 =	vmul.f32 v15, v13;
	v13 =	vld [tilespmem:s14+$0xFFFFFF40]  }
0x2cb: {  	[tilespmem:s14+$0xFFFFFEE0] =	vst v9;
	v9 =	vmul.f32 v16, v14;
	v15 =	vld [tilespmem:s14+$0xFFFFFF50]  }
0x2cc: {  	[tilespmem:s14+$0xFFFFFEF0] =	vst v8;
	v8 =	vmul.f32 v10, v14;
	v10 =	vld [tilespmem:s14+$0xFFFFFF60]  }
0x2cd: {  	[tilespmem:s14+$0xFFFFFF00] =	vst v9;
	v9 =	vmul.f32 v11, v14;
	v11 =	vld [tilespmem:s14+$0xFFFFFF70]  }
0x2ce: {  	[tilespmem:s14+$0xFFFFFF10] =	vst v8;
	v8 =	vmul.f32 v12, v14;
	v12 =	vld [tilespmem:s14+$0xFFFFFF80]  }
0x2cf: {  	[tilespmem:s14+$0xFFFFFF20] =	vst v9;
	v9 =	vmul.f32 v13, v14;
	v13 =	vld [tilespmem:s14+$0xFFFFFF90]  }
0x2d0: {  	[tilespmem:s14+$0xFFFFFF30] =	vst v8;
	v8 =	vmul.f32 v15, v14;
	v15 =	vld [tilespmem:s14+$0xFFFFFFA0]  }
0x2d1: {  	[tilespmem:s14+$0xFFFFFF40] =	vst v9;
	v9 =	vmul.f32 v10, v14;
	v10 =	vld [tilespmem:s14+$0xFFFFFFB0]  }
0x2d2: {  	[tilespmem:s14+$0xFFFFFF50] =	vst v8;
	v8 =	vmul.f32 v11, v14;
	v11 =	vld [tilespmem:s14+$0xFFFFFFC0]  }
0x2d3: {  	[tilespmem:s14+$0xFFFFFF60] =	vst v9;
	v9 =	vmul.f32 v12, v7;
	v12 =	vld [tilespmem:s14+$0xFFFFFFD0]  }
0x2d4: {  	[tilespmem:s14+$0xFFFFFF70] =	vst v8;
	v8 =	vmul.f32 v13, v7;
	v13 =	vld [tilespmem:s14+$0xFFFFFFE0]  }
0x2d5: {  	[tilespmem:s14+$0xFFFFFF80] =	vst v9;
	v9 =	vmul.f32 v15, v7;
	v14 =	vld [tilespmem:s14+$0xFFFFFFF0]  }
0x2d6: {  	[tilespmem:s14+$0xFFFFFF90] =	vst v8;
	v8 =	vmul.f32 v10, v7;
	v10 =	vld [tilespmem:s14+$0x0]  }
0x2d7: {  	[tilespmem:s14+$0xFFFFFFA0] =	vst v9;
	v9 =	vmul.f32 v11, v7;
	v11 =	vld [tilespmem:s14+$0x10]  }
0x2d8: {  	[tilespmem:s14+$0xFFFFFFB0] =	vst v8;
	v8 =	vmul.f32 v12, v7;
	v12 =	vld [tilespmem:s14+$0x20]  }
0x2d9: {  	[tilespmem:s14+$0xFFFFFFC0] =	vst v9;
	v9 =	vmul.f32 v13, v7;
	v13 =	vld [tilespmem:s14+$0x30]  }
0x2da: {  	[tilespmem:s14+$0xFFFFFFD0] =	vst v8;
	v7 =	vmul.f32 v14, v7;
	v8 =	vld [tilespmem:s14+$0x40]  }
0x2db: {  	[tilespmem:s14+$0xFFFFFFE0] =	vst v9;
	v9 =	vmul.f32 v10, v6;
	v10 =	vld [tilespmem:s14+$0x50]  }
0x2dc: {  	[tilespmem:s14+$0xFFFFFFF0] =	vst v7;
	v7 =	vmul.f32 v11, v6;
	v11 =	vld [tilespmem:s14+$0x60]  }
0x2dd: {  	[tilespmem:s14+$0x0] =	vst v9;
	v9 =	vmul.f32 v12, v6;
	v12 =	vld [tilespmem:s14+$0x70]  }
0x2de: {  	[tilespmem:s14+$0x10] =	vst v7;
	v7 =	vmul.f32 v13, v6;
	v13 =	vld [tilespmem:s14+$0x80]  }
0x2df: {  	[tilespmem:s14+$0x20] =	vst v9;
	v8 =	vmul.f32 v8, v6;
	v9 =	vld [tilespmem:s14+$0x90]  }
0x2e0: {  	[tilespmem:s14+$0x30] =	vst v7;
	v7 =	vmul.f32 v10, v6;
	v10 =	vld [tilespmem:s14+$0xA0]  }
0x2e1: {  	[tilespmem:s14+$0x40] =	vst v8;
	v8 =	vmul.f32 v11, v6;
	v11 =	vld [tilespmem:s14+$0xB0]  }
0x2e2: {  	[tilespmem:s14+$0x50] =	vst v7;
	v6 =	vmul.f32 v12, v6;
	v7 =	vld [tilespmem:s14+$0xC0]  }
0x2e3: {  	[tilespmem:s14+$0x60] =	vst v8;
	v8 =	vmul.f32 v13, v5;
	v12 =	vld [tilespmem:s14+$0xD0]  }
0x2e4: {  	[tilespmem:s14+$0x70] =	vst v6;
	v6 =	vmul.f32 v9, v5;
	v9 =	vld [tilespmem:s14+$0xE0]  }
0x2e5: {  	[tilespmem:s14+$0x80] =	vst v8;
	v8 =	vmul.f32 v10, v5;
	v10 =	vld [tilespmem:s14+$0xF0]  }
0x2e6: {  	[tilespmem:s14+$0x90] =	vst v6;
	v6 =	vmul.f32 v11, v5;
	v11 =	vld [tilespmem:s14+$0x100]  }
0x2e7: {  	[tilespmem:s14+$0xA0] =	vst v8;
	v7 =	vmul.f32 v7, v5;
	v13 =	vld [tilespmem:s14+$0x110]  }
0x2e8: {  	[tilespmem:s14+$0xB0] =	vst v6;
	v6 =	vmul.f32 v12, v5;
	v12 =	vld [tilespmem:s14+$0x120]  }
.Ltmp12:
0x2e9: {  	[tilespmem:s14+$0xC0] =	vst v7;
	v7 =	vmul.f32 v9, v5;
	v9 =	vld [tilespmem:s14+$0x130];
	(pc) =	sbr.rel @p1 .LBB2_8-.Ltmp12, $4  }
0x2ea: {  	[tilespmem:s14+$0xD0] =	vst v6;
	v5 =	vmul.f32 v10, v5;
	v8 =	vld [tilespmem:s14+$0x140]  }
0x2eb: {  	[tilespmem:s14+$0xE0] =	vst v7;
	v6 =	vmul.f32 v11, v3;
	v7 =	vld [tilespmem:s14+$0x150]  }
0x2ec: {  	[tilespmem:s14+$0xF0] =	vst v5;
	v11 =	vmul.f32 v13, v3;
	v5 =	vld [tilespmem:s14+$0x160]  }
0x2ed: {  	v4 =	vadd.s32 $0x8, v4;
	[tilespmem:s14+$0x100] =	vst v6;
	v10 =	vmul.f32 v12, v3;
	v6 =	vld [tilespmem:s14+$0x170]  }
0x2ee: {  	[tilespmem:s14+$0x110] =	vst v11;
	v2 =	vmul.f32 v9, v3;
	v4 =	vld [tilespmem:s14+$0x180]  }
0x2ef: {  	v57 =	vld [tilespmem:s14+$0x190];
	[tilespmem:s14+$0x120] =	vst v10;
	v8 =	vmul.f32 v8, v3  }
0x2f0: {  	v58 =	vld [tilespmem:s14+$0x1A0];
	[tilespmem:s14+$0x130] =	vst v2;
	v2 =	vmul.f32 v7, v3  }
0x2f1: {  	v59 =	vld [tilespmem:s14+$0x1B0];
	[tilespmem:s14+$0x140] =	vst v8;
	v5 =	vmul.f32 v5, v3  }
0x2f2: {  	v60 =	vld [tilespmem:s14+$0x1D0];
	[tilespmem:s14+$0x150] =	vst v2;
	v3 =	vmul.f32 v6, v3  }
0x2f3: {  	v2 =	vld [tilespmem:s14+$0x1C0];
	v4 =	vmul.f32 v4, v1;
	[tilespmem:s14+$0x160] =	vst v5  }
0x2f4: {  	v62 =	vld [tilespmem:s14+$0x1E0];
	v61 =	vmul.f32 v57, v1;
	[tilespmem:s15+$0x170] =	vst v3  }
0x2f5: {  	v3 =	vmul.f32 v58, v1;
	[tilespmem:s15+$0x180] =	vst v4  }
0x2f6: {  	p1 =	seq.s32 s11, $0xF;
	v63 =	vmul.f32 v59, v1;
	[tilespmem:s15+$0x190] =	vst v61  }
.Ltmp13:
0x2f7: {  	[tilespmem:s15+$0x1A0] =	vst v3;
	v3 =	vmul.f32 v60, v1;
	(pc) =	sbr.rel @p1 .LBB2_11-.Ltmp13, $4  }
0x2f8: {  	[tilespmem:s15+$0x1B0] =	vst v63;
	v2 =	vmul.f32 v2, v1  }
0x2f9: {  	v1 =	vmul.f32 v62, v1;
	[tilespmem:s15+$0x1D0] =	vst v3  }
0x2fa: {  	[tilespmem:s15+$0x1C0] =	vst v2  }
0x2fb: {  	[tilespmem:s15+$0x1E0] =	vst v1  }
0x2fc: {  	_ =	swait.ge [sflag:s31], $0x2800  }
0x2fd: {  	[sflag:s31] =	ssyncset.done $0x0  }
0x2fe: {  	s14 =	sadd.s32 $0x100, s13;
	s12 =	sand.u32 $0x3FFFFF80, s12;
	[sflag:s31] =	ssyncadd.s32 $0xFFFFD800  }
0x2ff: {  	[tilespmem:s20], [sflag:$0x1] =	stream.indirect.gather [hbm4b:s4+s24], $0x80, s14, s24, $0xb8;
	[tilespmem:$0x1C000] =	vst v63  }
0x300: {  	s12 =	sadd.s32 $0x1000, s12  }
0x301: {  	[spmem:s1] =	stream.indirect.scatter.add.f32 [tilespmem:s26], [sflag:$0x4], $0x80, s12, s24, $0xb8;
	[tilespmem:$0x1C000] =	vst v63  }
.Ltmp14:
0x302: {  	_ = 	snop;
	(pc) =	sbr.rel .LBB2_5-.Ltmp14, $4  }
0x303: {  	_ =	swait.ge [sflag:s0], $0x2800  }
0x304: {  	[sflag:s0] =	ssyncset.done $0x0  }
0x305: {  	s16 =	sadd.s32 $0x180, s13;
	s11 =	sadd.s32 $0x1, s11;
	[sflag:s0] =	ssyncadd.s32 $0xFFFFD800  }
0x306: {  	[tilespmem:s26], [sflag:$0x2] =	stream.indirect.gather [hbm4b:s4+s24], $0x80, s16, s24, $0xb8;
	[tilespmem:$0x1C000] =	vst v63  }
.LBB2_21:
0x307: {  	_ =	sfence.sel $0x180000  }
0x308: {  	[bflag:$0x0] =	sbarrier.arrive $0xFFFF  }
0x309: {  	_ =	strace $0x9000004D  }
0x30a: {  	s0 =	stileid.u32;
	[bflag:$0x2] =	sbarrier.arrive $0xFFFF  }
0x30b: {  	p0 =	sne.s32 s0, $0x0;
	s0 =	rddreg [dreg:$0x2]  }
0x30c: {  	s0 =	sadd.s32 @!p0 $0x100000, s0  }
0x30d: {  	[sflag:s0] =	ssyncadd.tile.s32 @!p0 $0x1;
	_ =	shalt  }
.Lfunc_end2:
_tile_overlayer_lowered:
.L_overlay_start_2:
0x30e: {  	(tag) =	ssettag $0x2  }
0x30f: {  	s0 =	rddreg [dreg:$0x0];
	s2 =	stileid.u32  }
0x310: {  	s1 =	rddreg [dreg:$0x1];
	p0 =	sne.s32 s2, $0x0  }
0x311: {  	s3 =	rddreg [dreg:$0x2];
	[bflag:$0x3] =	sbarrier.arrive $0xFFFF;
	s2 =	simm.s32 @!p0 $0x1C05  }
0x312: {  	[timem:s3], [sflag:s2] =	dma.local @!p0 [hbm:s0], s1  }
0x313: {  	s0 =	simm.s32 @!p0 $0x5  }
0x314: {  	_ =	swait.ge @!p0 [sflag:s0], s1  }
0x315: {  	s1 =	ssub.s32 @!p0 $0x0, s1;
	[sflag:s0] =	ssyncset.done @!p0 $0x0  }
0x316: {  	[sflag:s0] =	ssyncadd.s32 @!p0 s1  }
0x317: {  	[bflag:$0x3] =	sbarrier.arrive $0xFFFF  }
0x318: {  	_ =	shalt  }

// kernel: kernel.8.cloned.1.call-start
scs
__scs_entry_jumppad:
0x0: {  	(pc) =	sbr.rel $0x88, $3  }
0x1: {  	(tag) =	ssettag $0x0;
	lr =	simm.s32 $0x1  }
0x2: {  	[smem:$0x3F96] =	sst lr;
	_ =	strace $0xD0000000  }
0x3: {  	_ = 	snop  }
0x4: {  	_ = 	snop  }
0x5: {  	_ = 	snop  }
0x6: {  	_ = 	snop  }
0x7: {  	_ = 	snop  }
__scs_overlays_trampoline_lowered:
0x8: {  	[smem:$0x3FA5] =	sst s0  }
0x9: {  	[smem:$0x3FA6] =	sst s1  }
0xa: {  	[smem:$0x3FA7] =	sst s2  }
0xb: {  	[smem:$0x3FA8] =	sst s3  }
0xc: {  	[smem:$0x3FA9] =	sst s4  }
0xd: {  	[smem:$0x3FAA] =	sst s5  }
0xe: {  	[smem:$0x3FAB] =	sst s6  }
0xf: {  	[smem:$0x3FAC] =	sst s7  }
0x10: {  	[smem:$0x3FAD] =	sst s8  }
0x11: {  	[smem:$0x3FAE] =	sst s9;
	s0 =	simm.s32 @!p0 $0x0  }
0x12: {  	s1 =	sld [smem:$0x3F94];
	s0 =	simm.s32 @p0 $0x1  }
0x13: {  	[smem:$0x3FAF] =	sst s0;
	s0 =	simm.s32 @!p1 $0x0  }
0x14: {  	s2 =	sld [smem:$0x3F93];
	s0 =	simm.s32 @p1 $0x1  }
0x15: {  	[smem:$0x3FB0] =	sst s0;
	s0 =	simm.s32 @!p2 $0x0  }
0x16: {  	s3 =	sld [smem:$0x3FDB];
	s0 =	simm.s32 @p2 $0x1  }
0x17: {  	s4 =	simm.s32 $0x1BF5;
	[smem:$0x3FB2] =	sst s0  }
0x18: {  	s0 =	sld [smem:$0x3F95];
	_ =	swait.ge [sflag:s4], $0x0  }
0x19: {  	s7 =	sld [smem:$0x3F96]  }
0x1a: {  	s8 =	sadd.s32 $0xFFFFE003, lr  }
0x1b: {  	s9 =	sadd.s32 $0xFFFFFEF7, lr;
	s5 =	simm.s32 $0xFFFFFFFF;
	p2 =	slt.u32 s8, $0xFFFFF086  }
0x1c: {  	p1 =	slt.u32 s9, $0xF7A;
	s5 =	simm.s32 @!p2 $0x0  }
0x1d: {  	s5 =	simm.s32 @p1 $0x1;
	p0 =	seq.s32 s7, s2  }
0x1e: {  	s7 =	smul.u32 @!p0 $0xF7A, s2;
	p2 =	seq.s32 @!p0 s5, $0x0  }
0x1f: {  	s9 =	smul.u32 $0xF7A, s1;
	s8 =	simm.s32 @!p0 $0x1BF5;
	p2 =	por !p2, p0  }
0x20: {  	[sflag:s8] =	ssyncset.s32 @!p0 $0xFFFFF086;
	s6 =	sadd.s32 @!p0 s3, s7;
	s7 =	simm.s32 @!p0 $0x108  }
0x21: {  	s3 =	sadd.s32 s3, s9;
	s6 =	sadd.s32 @!p0 $0x88, s6;
	s7 =	simm.s32 @p2 $0x1082  }
0x22: {  	[simem:s7], [sflag:s8] =	dma.local @!p0 [hbm:s6], $0xF7A  }
0x23: {  	s9 =	sor.u32 $0xD0000000, s2;
	s6 =	simm.s32 $0x108;
	_ =	swait.ge @!p0 [sflag:s8], $0x0  }
0x24: {  	s3 =	sadd.s32 $0x88, s3;
	s6 =	simm.s32 @!p1 $0x1082;
	[sflag:s4] =	ssyncset.s32 $0xFFFFF086  }
0x25: {  	[simem:s6], [sflag:s4] =	dma.local [hbm:s3], $0xF7A  }
0x26: {  	[smem:$0x3F96] =	sst s1;
	(tag) =	ssettag s2;
	_ =	strace s9  }
0x27: {  	s1 =	sld [smem:$0x3FA6]  }
0x28: {  	s2 =	sld [smem:$0x3FA7]  }
0x29: {  	s4 =	sld [smem:$0x3FA9]  }
0x2a: {  	p0 =	seq.s32 s5, $0x0;
	s5 =	sld [smem:$0x3FAA]  }
0x2b: {  	s6 =	sld [smem:$0x3FAB]  }
0x2c: {  	s7 =	sld [smem:$0x3FAC]  }
0x2d: {  	s3 =	simm.s32 $0x108;
	s8 =	sld [smem:$0x3FAD]  }
0x2e: {  	s3 =	simm.s32 @!p0 $0x1082;
	s9 =	sld [smem:$0x3FAE]  }
0x2f: {  	lr =	sadd.s32 s0, s3;
	s0 =	sld [smem:$0x3FA5]  }
0x30: {  	s3 =	sld [smem:$0x3FA8]  }
0x31: {  	[smem:$0x3FB1] =	sst s10  }
0x32: {  	s10 =	sld [smem:$0x3FAF];
	_ =	sdelay $0x3  }
0x33: {  	p0 =	seq.s32 s10, $0x1;
	s10 =	sld [smem:$0x3FB1];
	_ =	sdelay $0x3  }
0x34: {  	[smem:$0x3FB1] =	sst s10  }
0x35: {  	s10 =	sld [smem:$0x3FB0];
	_ =	sdelay $0x3  }
0x36: {  	p1 =	seq.s32 s10, $0x1;
	s10 =	sld [smem:$0x3FB1];
	_ =	sdelay $0x3  }
0x37: {  	[smem:$0x3FB1] =	sst s10  }
0x38: {  	s10 =	sld [smem:$0x3FB2]  }
0x39: {  	_ = 	snop;
	(pc) =	sbr.ind lr, $3  }
0x3a: {  	_ = 	snop  }
0x3b: {  	_ = 	snop  }
0x3c: {  	p2 =	seq.s32 s10, $0x1;
	s10 =	sld [smem:$0x3FB1]  }
0x3d: {  	_ =	shalt  }
0x3e: {  	_ =	shalt  }
0x3f: {  	_ =	shalt  }
0x40: {  	_ =	shalt  }
0x41: {  	_ =	shalt  }
0x42: {  	_ =	shalt  }
0x43: {  	_ =	shalt  }
0x44: {  	_ =	shalt  }
0x45: {  	_ =	shalt  }
0x46: {  	_ =	shalt  }
0x47: {  	_ =	shalt  }
0x48: {  	_ =	shalt  }
0x49: {  	_ =	shalt  }
0x4a: {  	_ =	shalt  }
0x4b: {  	_ =	shalt  }
0x4c: {  	_ =	shalt  }
0x4d: {  	_ =	shalt  }
0x4e: {  	_ =	shalt  }
0x4f: {  	_ =	shalt  }
0x50: {  	_ =	shalt  }
0x51: {  	_ =	shalt  }
0x52: {  	_ =	shalt  }
0x53: {  	_ =	shalt  }
0x54: {  	_ =	shalt  }
0x55: {  	_ =	shalt  }
0x56: {  	_ =	shalt  }
0x57: {  	_ =	shalt  }
0x58: {  	_ =	shalt  }
0x59: {  	_ =	shalt  }
0x5a: {  	_ =	shalt  }
0x5b: {  	_ =	shalt  }
0x5c: {  	_ =	shalt  }
0x5d: {  	_ =	shalt  }
0x5e: {  	_ =	shalt  }
0x5f: {  	_ =	shalt  }
0x60: {  	_ =	shalt  }
0x61: {  	_ =	shalt  }
0x62: {  	_ =	shalt  }
0x63: {  	_ =	shalt  }
0x64: {  	_ =	shalt  }
0x65: {  	_ =	shalt  }
0x66: {  	_ =	shalt  }
0x67: {  	_ =	shalt  }
0x68: {  	_ =	shalt  }
0x69: {  	_ =	shalt  }
0x6a: {  	_ =	shalt  }
0x6b: {  	_ =	shalt  }
0x6c: {  	_ =	shalt  }
0x6d: {  	_ =	shalt  }
0x6e: {  	_ =	shalt  }
0x6f: {  	_ =	shalt  }
0x70: {  	_ =	shalt  }
0x71: {  	_ =	shalt  }
0x72: {  	_ =	shalt  }
0x73: {  	_ =	shalt  }
0x74: {  	_ =	shalt  }
0x75: {  	_ =	shalt  }
0x76: {  	_ =	shalt  }
0x77: {  	_ =	shalt  }
0x78: {  	_ =	shalt  }
0x79: {  	_ =	shalt  }
0x7a: {  	_ =	shalt  }
0x7b: {  	_ =	shalt  }
0x7c: {  	_ =	shalt  }
0x7d: {  	_ =	shalt  }
0x7e: {  	_ =	shalt  }
0x7f: {  	_ =	shalt  }
0x80: {  	_ =	shalt  }
0x81: {  	_ =	shalt  }
0x82: {  	_ =	shalt  }
0x83: {  	_ =	shalt  }
0x84: {  	_ =	shalt  }
0x85: {  	_ =	shalt  }
0x86: {  	_ =	shalt  }
0x87: {  	_ =	shalt  }
.Lfunc_end0:
.L_simem_size_0:
called_computation_lowered:
.L_overlay_start_0:
0x88: {  	s2 =	sld [smem:$0x3FD9]  }
0x89: {  	s3 =	sld [smem:$0x3FFE];
	_ =	sdelay $0x1  }
0x8a: {  	s1 =	srdreg.scid  }
0x8b: {  	s0 =	sand.u32 $0x1, s1  }
0x8c: {  	s17 =	sshll.u32 s0, $0xA;
	s2 =	sadd.s32 s3, s2  }
0x8d: {  	s2 =	sadd.s32 s2, s17  }
0x8e: {  	[smem:$0x3FBD] =	sst s2  }
0x8f: {  	_ = 	snop  }
0x90: {  	s2 =	sld [smem:$0x3FD0];
	(tm) =	ssettm $0x1  }
0x91: {  	s18 =	sld [smem:$0x3FFB];
	_ =	sdelay $0x3  }
0x92: {  	_ =	strace s18  }
0x93: {  	s3 =	sld [smem:$0x3FFC];
	_ =	sdelay $0x3  }
0x94: {  	_ =	strace s3  }
0x95: {  	s3 =	sld [smem:$0x3FFD];
	_ =	sdelay $0x3  }
0x96: {  	_ =	strace s3  }
0x97: {  	_ =	strace $0x8FFFFFFF  }
0x98: {  	s19 =	sld [smem:$0x3FDB];
	_ =	sdelay $0x1  }
0x99: {  	s4 =	simm.s32 $_scs_section_size  }
0x9a: {  	s5 =	simm.s32 $_size__tile_overlayer_lowered;
	s6 =	simm.s32 $_tile_overlayer_lowered  }
0x9b: {  	s22 =	simm.s32 $0x1BFF;
	s21 =	sshll.u32 s6, $0x1;
	s3 =	sadd.s32 s4, s19  }
0x9c: {  	s7 =	simm.s32 $0x0;
	s20 =	sshll.u32 s5, $0x1;
	s5 =	sadd.s32 s21, s3  }
0x9d: {  	[timem:s7], [sflag:s22] =	dma.local [hbm:s5], s20  }
0x9e: {  	_ =	swait.ge [sflag:s22], s20  }
0x9f: {  	s4 =	ssub.s32 $0x0, s20;
	[sflag:s22] =	ssyncset.done $0x0  }
0xa0: {  	[sflag:s22] =	ssyncadd.s32 s4;
	_ =	sdelay $0x1  }
0xa1: {  	s23 =	simm.s32 $0x1B8B  }
0xa2: {  	_ =	swait.ge [sflag:s23], $0x1  }
0xa3: {  	[sflag:s23] =	ssyncset.done $0x0  }
0xa4: {  	s25 =	simm.s32 $0x1B8E;
	s24 =	sld [smem:$0x3FFE];
	[sflag:s23] =	ssyncadd.s32 $0xFFFFFFFF  }
0xa5: {  	s26 =	simm.s32 $execute0_lowered;
	[smem:$0x3FD2] =	sst s25  }
0xa6: {  	s5 =	sshll.u32 s26, $0x1;
	_ =	strace $0x80000046;
	[dreg:$0x1] =	wrdreg $0xFFFFFFFF  }
0xa7: {  	s28 =	simm.s32 $_size_execute0_lowered;
	s3 =	sadd.s32 s3, s5;
	[dreg:$0x0] =	wrdreg $0x0  }
0xa8: {  	s5 =	sshll.u32 s28, $0x1;
	[dreg:$0x2] =	wrdreg s3  }
0xa9: {  	[dreg:$0x3] =	wrdreg s5  }
0xaa: {  	[dreg:$0x4] =	wrdreg $0xC0  }
0xab: {  	_ =	task [dreg:s7], $0x5FFFF  }
0xac: {  	[dreg:$0x1] =	wrdreg $0xFFFFFFFF  }
0xad: {  	[dreg:$0x0] =	wrdreg $0x60  }
0xae: {  	[dreg:$0x2] =	wrdreg s24  }
0xaf: {  	[dreg:$0x3] =	wrdreg s2  }
0xb0: {  	[dreg:$0x4] =	wrdreg $0x82800  }
0xb1: {  	[dreg:$0x5] =	wrdreg $0x9  }
0xb2: {  	_ =	task.clear_ibuf [dreg:s7], $0x6FFFF;
	_ =	strace $0x90000046  }
0xb3: {  	s29 =	simm.s32 $0x9;
	_ =	strace $0x80000048  }
0xb4: {  	_ =	swait.ge [sflag:s29], $0x1  }
0xb5: {  	[sflag:s29] =	ssyncadd.s32 $0xFFFFFFFF  }
0xb6: {  	_ =	strace $0x90000048  }
0xb7: {  	_ =	sfence  }
0xb8: {  	s30 =	sld [smem:$0x0];
	_ =	sdelay $0x2  }
0xb9: {  	s31 =	sshll.u32 s1, $0xD;
	s1 =	sshrl.u32 s1, $0x2  }
0xba: {  	s3 =	sand.u32 $0x4000, s31;
	s1 =	sadd.s32 s1, s30  }
0xbb: {  	s0 =	sor.u32 s3, s0;
	s1 =	sshll.u32 s1, $0x11  }
0xbc: {  	s0 =	sor.u32 s1, s0  }
0xbd: {  	s0 =	sadd.s32 $0x8F2B, s0  }
0xbe: {  	[sflag:s0] =	ssyncadd.remote.s32 $0x1  }
0xbf: {  	_ =	sfence.sel $0xFFFF  }
0xc0: {  	[dreg:$0x0] =	wrdreg $0xFFFFFFFF;
	(pc) =	sbr.abs _section_cstart, $3  }
0xc1: {  	[dreg:$0x1] =	wrdreg $0xFFFFFFFF  }
0xc2: {  	_ =	task.clear_ibuf [dreg:s7], $0x2FFFF;
	_ =	strace $0x9FFFFFFF  }
0xc3: {  	(tm) =	ssettm $0x7FFFFFFF  }
tec
execute0_lowered:
.L_overlay_start_1:
0x0: {  	(tag) =	ssettag $0x1  }
0x1: {  	s4 =	rddreg [dreg:$0x0]  }
0x2: {  	s7 =	rddreg [dreg:$0x1]  }
0x3: {  	s2 =	rddreg [dreg:$0x2]  }
0x4: {  	s0 =	rddreg [dreg:$0x3];
	s5 =	srdreg.scid  }
0x5: {  	s3 =	simm.s32 $0x0;
	s1 =	stileid.u32;
	s11 =	simm.s32 $0x4000  }
0x6: {  	s12 =	simm.s32 $0x50;
	s15 =	simm.s32 $0x20;
	s16 =	simm.s32 $0x10  }
0x7: {  	s17 =	simm.s32 $0x0;
	s5 =	sand.u32 $0x1, s5;
	s29 =	smul.u32 $0xA00, s1  }
0x8: {  	[smem:$0x7FF] =	sst s3;
	s8 =	sshll.u32 s1, $0xB;
	s9 =	smul.u32 $0x500, s1  }
0x9: {  	s13 =	sshll.u32 s1, $0x6;
	s6 =	sshll.u32 s5, $0xF;
	_ =	strace $0x80000047  }
0xa: {  	s30 =	ssub.s32 $0x2, s5;
	s5 =	sshll.u32 s5, $0x7;
	s13 =	sor.u32 $0x1C01, s13  }
0xb: {  	s6 =	sor.u32 s8, s6;
	s10 =	sshrl.u32 s30, $0x1;
	s8 =	sshrl.u32 s29, $0x2  }
0xc: {  	s31 =	sor.u32 s5, s9;
	s9 =	simm.s32 $0x8000;
	s6 =	sadd.s32 s6, s4  }
0xd: {  	s10 =	ssub.s32 s30, s10;
	s4 =	sadd.s32 s8, s2;
	s8 =	sshrl.u32 s31, $0x3  }
0xe: {  	s5 =	sadd.s32 $0x12600, s6;
	s6 =	sadd.s32 $0x2600, s6;
	s7 =	sadd.s32 s7, s8  }
0xf: {  	v0 =	vimm.f32 $0.0e+00;
	s8 =	smax.u32 s10, $0x1;
	s10 =	simm.s32 $0x1;
	s14 =	sshrl.u32 s4, $0x3  }
.LBB2_1:
0x10: {  	[tilespmem:$0x8000] =	vst v0  }
0x11: {  	[tilespmem:$0x8010] =	vst v0  }
0x12: {  	[tilespmem:$0x8020] =	vst v0  }
0x13: {  	[tilespmem:$0x8030] =	vst v0  }
0x14: {  	[tilespmem:$0x8040] =	vst v0  }
0x15: {  	[tilespmem:$0x8050] =	vst v0  }
0x16: {  	[tilespmem:$0x8060] =	vst v0  }
0x17: {  	[tilespmem:$0x8070] =	vst v0  }
0x18: {  	[tilespmem:$0x8080] =	vst v0  }
0x19: {  	[tilespmem:$0x8090] =	vst v0  }
0x1a: {  	[tilespmem:$0x80A0] =	vst v0  }
0x1b: {  	[tilespmem:$0x80B0] =	vst v0  }
0x1c: {  	[tilespmem:$0x80C0] =	vst v0  }
0x1d: {  	[tilespmem:$0x80D0] =	vst v0  }
0x1e: {  	[tilespmem:$0x80E0] =	vst v0  }
0x1f: {  	[tilespmem:$0x80F0] =	vst v0  }
0x20: {  	[tilespmem:$0x8100] =	vst v0  }
0x21: {  	[tilespmem:$0x8110] =	vst v0  }
0x22: {  	[tilespmem:$0x8120] =	vst v0  }
0x23: {  	[tilespmem:$0x8130] =	vst v0  }
0x24: {  	[tilespmem:$0x8140] =	vst v0  }
0x25: {  	[tilespmem:$0x8150] =	vst v0  }
0x26: {  	[tilespmem:$0x8160] =	vst v0  }
0x27: {  	[tilespmem:$0x8170] =	vst v0  }
0x28: {  	[tilespmem:$0x8180] =	vst v0  }
0x29: {  	[tilespmem:$0x8190] =	vst v0  }
0x2a: {  	[tilespmem:$0x81A0] =	vst v0  }
0x2b: {  	[tilespmem:$0x81B0] =	vst v0  }
0x2c: {  	[tilespmem:$0x81C0] =	vst v0  }
0x2d: {  	[tilespmem:$0x81D0] =	vst v0  }
0x2e: {  	[tilespmem:$0x81E0] =	vst v0  }
0x2f: {  	[tilespmem:$0x81F0] =	vst v0  }
0x30: {  	[tilespmem:$0x8200] =	vst v0  }
0x31: {  	[tilespmem:$0x8210] =	vst v0  }
0x32: {  	[tilespmem:$0x8220] =	vst v0  }
0x33: {  	[tilespmem:$0x8230] =	vst v0  }
0x34: {  	[tilespmem:$0x8240] =	vst v0  }
0x35: {  	[tilespmem:$0x8250] =	vst v0  }
0x36: {  	[tilespmem:$0x8260] =	vst v0  }
0x37: {  	[tilespmem:$0x8270] =	vst v0  }
0x38: {  	[spmem:s4] =	stream.linear.scatter [tilespmem:s9], [sflag:$0x1], $0x280, $0x38;
	[tilespmem:$0x8500] =	vst v63  }
0x39: {  	_ =	swait.ge [sflag:s10], $0x280  }
0x3a: {  	[sflag:s10] =	ssyncset.done $0x0  }
0x3b: {  	[sflag:s10] =	ssyncadd.s32 $0xFFFFFD80  }
0x3c: {  	[bflag:$0x0] =	sbarrier.arrive $0xFFFF  }
0x3d: {  	[tilespmem:s3], [sflag:$0x1] =	stream.linear.gather [hbm4b:s5+s3], $0x4000, $0x38;
	[tilespmem:$0x8500] =	vst v63  }
0x3e: {  	_ =	swait.ge [sflag:s10], $0x4000  }
0x3f: {  	[sflag:s10] =	ssyncset.done $0x0  }
0x40: {  	[sflag:s10] =	ssyncadd.s32 $0xFFFFC000  }
0x41: {  	[tilespmem:s11], [sflag:$0x1] =	stream.linear.gather [hbm4b:s6+s3], $0x4000, $0x38;
	[tilespmem:$0x8500] =	vst v63  }
0x42: {  	_ =	swait.ge [sflag:s10], $0x4000  }
0x43: {  	[sflag:s10] =	ssyncset.done $0x0  }
0x44: {  	s18 =	simm.s32 $0x0;
	s19 =	simm.s32 $0x4000;
	[sflag:s10] =	ssyncadd.s32 $0xFFFFC000  }
0x45: {  	[spmem:s2] =	stream.indirect.scatter.add.f32 [tilespmem:s19], [sflag:$0x1], $0x1, s18, s12, $0xb8;
	[tilespmem:$0x8500] =	vst v63  }
0x46: {  	s18 =	simm.s32 $0x200;
	_ =	swait.ge [sflag:s10], $0x50  }
.LBB2_2:
0x47: {  	s19 =	sshra.s32 s18, $0x2;
	[sflag:s10] =	ssyncset.done $0x0;
	p0 =	sne.s32 s18, $0xFE00  }
.Ltmp0:
0x48: {  	s20 =	sadd.s32 $0x4000, s19;
	[sflag:s10] =	ssyncadd.s32 $0xFFFFFFB0;
	(pc) =	sbr.rel @p0 .LBB2_2-.Ltmp0, $3  }
0x49: {  	[spmem:s2] =	stream.indirect.scatter.add.f32 [tilespmem:s20], [sflag:$0x1], $0x1, s19, s12, $0xb8;
	[tilespmem:$0x8500] =	vst v63  }
0x4a: {  	s18 =	sadd.s32 $0x200, s18;
	_ =	sdelay $0x1  }
0x4b: {  	_ =	swait.ge [sflag:s10], $0x50  }
0x4c: {  	[sflag:s10] =	ssyncset.done $0x0;
	s17 =	sadd.s32 $0x1, s17  }
0x4d: {  	[sflag:s10] =	ssyncadd.s32 $0xFFFFFFB0;
	p0 =	sne.s32 s17, s8  }
.Ltmp1:
0x4e: {  	[bflag:$0x0] =	sbarrier.arrive $0xFFFF;
	(pc) =	sbr.rel @p0 .LBB2_1-.Ltmp1, $4  }
0x4f: {  	[hbm:s7@s15], [sflag:s13] =	dma.strided [spmem:s14@s16], $0x50, s10, $0x10   }
0x50: {  	_ =	swait.ge [sflag:s10], $0x50  }
0x51: {  	[sflag:s10] =	ssyncset.done $0x0  }
0x52: {  	[sflag:s10] =	ssyncadd.s32 $0xFFFFFFB0  }
0x53: {  	_ =	sfence.sel $0x180000  }
0x54: {  	[bflag:$0x0] =	sbarrier.arrive $0xFFFF  }
0x55: {  	p0 =	sne.s32 s1, $0x0;
	_ =	strace $0x90000047  }
0x56: {  	s0 =	sadd.s32 @!p0 $0x100000, s0;
	[bflag:$0x2] =	sbarrier.arrive $0xFFFF  }
0x57: {  	[sflag:s0] =	ssyncadd.tile.s32 @!p0 $0x1;
	_ =	shalt  }
.Lfunc_end2:
_tile_overlayer_lowered:
.L_overlay_start_2:
0x58: {  	(tag) =	ssettag $0x2  }
0x59: {  	s0 =	rddreg [dreg:$0x0];
	s2 =	stileid.u32  }
0x5a: {  	s1 =	rddreg [dreg:$0x1];
	p0 =	sne.s32 s2, $0x0  }
0x5b: {  	s3 =	rddreg [dreg:$0x2];
	[bflag:$0x3] =	sbarrier.arrive $0xFFFF;
	s2 =	simm.s32 @!p0 $0x1C01  }
0x5c: {  	[timem:s3], [sflag:s2] =	dma.local @!p0 [hbm:s0], s1  }
0x5d: {  	s0 =	simm.s32 @!p0 $0x1  }
0x5e: {  	_ =	swait.ge @!p0 [sflag:s0], s1  }
0x5f: {  	s1 =	ssub.s32 @!p0 $0x0, s1;
	[sflag:s0] =	ssyncset.done @!p0 $0x0  }
0x60: {  	[sflag:s0] =	ssyncadd.s32 @!p0 s1  }
0x61: {  	[bflag:$0x3] =	sbarrier.arrive $0xFFFF  }
0x62: {  	_ =	shalt  }

</sc_bundles>
